<compile_context>
chip_gen: v7x
topology: tpu7x:2x2x1
jax: 0.10.2.dev20260603
libtpu: 0.0.44.dev20260713+nightly
codegen_flags: <defaults>
</compile_context>

<pallas_src>
import functools

import jax
import jax.numpy as jnp
from jax import lax
from jax.experimental import pallas as pl
from jax.experimental.pallas import tpu as pltpu
from jax.experimental.pallas import tpu_sc as plsc

V, H, L = 1000000, 32, 2
B, S = 4096, 200

NC, NS = 2, 16
NW = NC * NS
SPW = B // NW
G = S // 2
HALF = H // 2

PH = H // 2
CW = 512
NFULL = 999936 // CW
TAIL_C = NFULL * CW
TAIL_N = V - TAIL_C


def _sc_detile(tableT):
    mesh = plsc.VectorSubcoreMesh(core_axis_name="c", subcore_axis_name="s")

    @functools.partial(
        pl.kernel,
        mesh=mesh,
        out_type=jax.ShapeDtypeStruct((V * PH,), jnp.int32),
        compiler_params=pltpu.CompilerParams(needs_layout_passes=False),
        scratch_types=[
            pltpu.VMEM((H, CW + 1), jnp.float32),
            pltpu.VMEM((H, CW + 1), jnp.float32),
            pltpu.VMEM((PH, CW + 1), jnp.int32),
            pltpu.VMEM((CW * PH,), jnp.int32),
            pltpu.VMEM((CW * PH,), jnp.int32),
            pltpu.VMEM((H, TAIL_N), jnp.float32),
            pltpu.SemaphoreType.DMA,
            pltpu.SemaphoreType.DMA,
        ],
    )
    def body(t_hbm, out_hbm, in0, in1, pb, ob0, ob1, tail_in, sem_in, sem_out):
        wid = lax.axis_index("s") * NC + lax.axis_index("c")

        iota = lax.iota(jnp.int32, 16)
        row_all = iota
        half = jnp.int32(0x8000)
        himask = jnp.int32(-65536)

        def fire_in(c, buf):
            pltpu.async_copy(t_hbm.at[:, pl.ds(c * CW, CW)],
                             buf.at[:, pl.ds(0, CW)], sem_in)

        def wait_in(c, buf):
            pltpu.make_async_copy(t_hbm.at[:, pl.ds(c * CW, CW)],
                                  buf.at[:, pl.ds(0, CW)], sem_in).wait()

        def pack_pass(ib, nm):
            def hbody(h, _):
                for m0 in range(0, nm, 4):
                    ms = list(range(m0, min(m0 + 4, nm)))
                    vlo = [ib[h, pl.ds(16 * m, 16)] for m in ms]
                    vhi = [ib[h + PH, pl.ds(16 * m, 16)] for m in ms]
                    for k, m in enumerate(ms):
                        li = lax.bitcast_convert_type(vlo[k], jnp.int32)
                        hi = lax.bitcast_convert_type(vhi[k], jnp.int32)
                        w = lax.shift_right_logical(li + half, 16) | (
                            (hi + half) & himask)
                        pb[h, pl.ds(16 * m, 16)] = w
                return 0

            lax.fori_loop(0, PH, hbody, 0)

        def col_pass(ob, nj):
            def jbody(t, _):
                j0 = 4 * t
                cols = [jnp.full((16,), j0 + jj, jnp.int32) for jj in range(4)]
                vs = [plsc.load_gather(pb, [row_all, cols[jj]])
                      for jj in range(4)]
                for jj in range(4):
                    ob[pl.ds(j0 * PH + jj * 16, 16)] = vs[jj]
                return 0

            lax.fori_loop(0, nj // 4, jbody, 0)

        def regroup(ib, ob):
            pack_pass(ib, CW // 16)
            col_pass(ob, CW)

        def fire_out(c, ob):
            pltpu.async_copy(ob, out_hbm.at[pl.ds(c * (CW * PH), CW * PH)],
                             sem_out)

        def wait_out(c, ob):
            pltpu.make_async_copy(ob,
                                  out_hbm.at[pl.ds(c * (CW * PH), CW * PH)],
                                  sem_out).wait()

        NT = (NFULL + NW - 1) // NW

        fire_in(wid, in0)

        def step(t, c, ib, ob, other_ib):
            nxt = c + NW

            @pl.when(nxt < NFULL)
            def _():
                fire_in(nxt, other_ib)

            wait_in(c, ib)
            @pl.when(t >= 2)
            def _():
                wait_out(c, ob)

            regroup(ib, ob)
            fire_out(c, ob)

        def loop_body(u, _):
            t0 = 2 * u
            c0 = t0 * NW + wid

            @pl.when(c0 < NFULL)
            def _():
                step(t0, c0, in0, ob0, in1)

            @pl.when(c0 + NW < NFULL)
            def _():
                step(t0 + 1, c0 + NW, in1, ob1, in0)

            return 0

        lax.fori_loop(0, (NT + 1) // 2, loop_body, 0)

        wait_out(wid, ob0)
        wait_out(wid, ob1)

        @pl.when(wid == 4)
        def _():
            pltpu.sync_copy(t_hbm.at[:, pl.ds(TAIL_C, TAIL_N)], tail_in)
            pack_pass(tail_in, TAIL_N // 16)
            col_pass(ob0, TAIL_N)
            pltpu.sync_copy(ob0.at[pl.ds(0, TAIL_N * PH)],
                            out_hbm.at[pl.ds(TAIL_C * PH, TAIL_N * PH)])

    return body(tableT)


def _sc_emb_sum(ids2d, table):
    mesh = plsc.VectorSubcoreMesh(core_axis_name="c", subcore_axis_name="s")

    @functools.partial(
        pl.kernel,
        mesh=mesh,
        out_type=jax.ShapeDtypeStruct((B, H), jnp.float32),
        compiler_params=pltpu.CompilerParams(use_tc_tiling_on_sc=False),
        scratch_types=[
            pltpu.VMEM((2 * SPW, G), jnp.int32),
            pltpu.VMEM((G, PH), jnp.int32),
            pltpu.VMEM((G, PH), jnp.int32),
            pltpu.VMEM((G, PH), jnp.int32),
            pltpu.VMEM((G, PH), jnp.int32),
            pltpu.VMEM((SPW, H), jnp.float32),
            pltpu.SemaphoreType.DMA,
            pltpu.SemaphoreType.DMA,
        ],
    )
    def body(ids_hbm, table_hbm, out_hbm, ids_v, r0a, r0b, r1a, r1b, sums_v,
             sem0, sem1):
        wid = lax.axis_index("s") * NC + lax.axis_index("c")
        base = wid * (2 * SPW)
        pltpu.sync_copy(ids_hbm.at[pl.ds(base, 2 * SPW)], ids_v)

        def fire(s, ra, rb, sem):
            pltpu.async_copy(table_hbm.at[ids_v.at[2 * s]], ra, sem)
            pltpu.async_copy(table_hbm.at[ids_v.at[2 * s + 1]], rb, sem)

        def drain(s, ra, rb, sem):
            pltpu.make_async_copy(table_hbm.at[ids_v.at[2 * s]], ra, sem).wait()
            pltpu.make_async_copy(table_hbm.at[ids_v.at[2 * s + 1]], rb,
                                  sem).wait()

        himask = jnp.int32(-65536)

        def accum(buf, carry):
            def unpack2(w):
                lo = lax.bitcast_convert_type(lax.shift_left(w, 16),
                                              jnp.float32)
                hi = lax.bitcast_convert_type(w & himask, jnp.float32)
                return lo, hi

            def inner(i, c):
                a0, a1, a2, a3 = c
                for j in range(0, 20, 2):
                    r = i * 20 + j
                    lo0, hi0 = unpack2(buf[r, pl.ds(0, PH)])
                    lo1, hi1 = unpack2(buf[r + 1, pl.ds(0, PH)])
                    a0 = a0 + lo0
                    a1 = a1 + hi0
                    a2 = a2 + lo1
                    a3 = a3 + hi1
                return (a0, a1, a2, a3)

            return lax.fori_loop(0, G // 20, inner, carry)

        def do_sample(s, ra, rb, sem):
            drain(s, ra, rb, sem)
            z = jnp.zeros((HALF,), jnp.float32)
            c = accum(ra, (z, z, z, z))
            c = accum(rb, c)
            sums_v[s, pl.ds(0, HALF)] = c[0] + c[2]
            sums_v[s, pl.ds(HALF, HALF)] = c[1] + c[3]

        fire(0, r0a, r0b, sem0)

        def loop_body(t, _):
            s0 = 2 * t
            fire(s0 + 1, r1a, r1b, sem1)
            do_sample(s0, r0a, r0b, sem0)

            @pl.when(s0 + 2 < SPW)
            def _():
                fire(s0 + 2, r0a, r0b, sem0)

            do_sample(s0 + 1, r1a, r1b, sem1)
            return 0

        lax.fori_loop(0, SPW // 2, loop_body, 0)
        pltpu.sync_copy(sums_v, out_hbm.at[pl.ds(wid * SPW, SPW)])

    return body(ids2d, table)


def _tc_head(sums, tt, type_table, Wp, bp):

    def body(sums_ref, tt_ref, type_ref, w_ref, b_ref, out_ref):
        c1 = jnp.sum(tt_ref[...].astype(jnp.float32), axis=1, keepdims=True)
        t0 = type_ref[0:1, :]
        t1 = type_ref[1:2, :]
        inv_s = jnp.float32(1.0 / S)
        pooled = (sums_ref[...] + (jnp.float32(S) - c1) * t0 + c1 * t1) * inv_s
        out_ref[...] = (
            jnp.dot(pooled, w_ref[...], preferred_element_type=jnp.float32)
            + b_ref[...]
        )

    return pl.pallas_call(
        body,
        out_shape=jax.ShapeDtypeStruct((B, 128), jnp.float32),
    )(sums, tt, type_table, Wp, bp)


def kernel(input_ids, attention_mask, token_type_ids, emb_table, type_table,
           W, b):
    del attention_mask
    t4 = _sc_detile(emb_table.T)
    table_lin = t4.reshape(V, PH)
    ids2d = input_ids.astype(jnp.int32).reshape(NW * 2 * SPW, G)
    sums = _sc_emb_sum(ids2d, table_lin)
    Wp = jnp.pad(W.astype(jnp.float32), ((0, 0), (0, 128 - L)))
    bp = jnp.pad(b.astype(jnp.float32), (0, 128 - L)).reshape(1, 128)
    logits = _tc_head(sums, token_type_ids.astype(jnp.int32), type_table, Wp,
                      bp)
    return logits[:, :L]

# --- scband reference (transcript-rebuilt; emitter-appended) ---
"""Pipeline reference for scband-bert-like-stub-59725815218683 (READ-ONLY COPY).

The authoritative reference and input builder live on the scoring server;
editing this copy changes nothing except your own understanding.
"""

import jax, jax.numpy as jnp
import numpy as np

V, H, L = 1000000, 32, 2
B, S = 4096, 200

def setup_inputs(seed: int = 0) -> dict:
    key = jax.random.key(seed)
    k1, k2, k3, k4, k5 = jax.random.split(key, 5)
    input_ids = jax.random.randint(k1, (B, S), 0, V)
    attention_mask = jnp.ones((B, 1, 1, S), dtype=jnp.float32)
    token_type_ids = jax.random.randint(k2, (B, S), 0, 2)
    emb_table = jax.random.normal(k3, (V, H), dtype=jnp.float32) * 0.02
    type_table = jax.random.normal(k4, (2, H), dtype=jnp.float32) * 0.02
    kw, kb = jax.random.split(k5)
    W = jax.random.normal(kw, (H, L), dtype=jnp.float32) * 0.02
    b = jnp.zeros((L,), dtype=jnp.float32)
    return {"input_ids": input_ids, "attention_mask": attention_mask,
            "token_type_ids": token_type_ids, "emb_table": emb_table,
            "type_table": type_table, "W": W, "b": b}

def reference(input_ids, attention_mask, token_type_ids, emb_table, type_table, W, b):
    assert attention_mask.ndim == 4
    x = jnp.take(emb_table, input_ids, axis=0) + jnp.take(type_table, token_type_ids, axis=0)
    pooled = x.mean(axis=1)
    logits = pooled @ W + b
    return logits

if __name__ == "__main__":
    import jax
    _d = setup_inputs()
    print(jax.jit(kernel)(*tuple(_d.values())))

</pallas_src>

<mosaic_0001>
#map = affine_map<(d0, d1) -> (0, 0)>
#map1 = affine_map<(d0, d1) -> (0)>
module attributes {stable_mosaic.version = 14 : i64} {
  func.func @body(%arg0: i32, %arg1: i32, %arg2: memref<32x1000000xf32, #tpu.memory_space<hbm>>, %arg3: memref<16000000xi32, #tpu.memory_space<hbm>>, %arg4: memref<32x513xf32, #tpu.memory_space<vmem>>, %arg5: memref<32x513xf32, #tpu.memory_space<vmem>>, %arg6: memref<16x513xi32, #tpu.memory_space<vmem>>, %arg7: memref<8192xi32, #tpu.memory_space<vmem>>, %arg8: memref<8192xi32, #tpu.memory_space<vmem>>, %arg9: memref<32x64xf32, #tpu.memory_space<vmem>>, %arg10: memref<!tpu.dma_semaphore, #tpu.memory_space<semaphore_mem>>, %arg11: memref<!tpu.dma_semaphore, #tpu.memory_space<semaphore_mem>>) attributes {dimension_semantics = [#tpu.dimension_semantics<core_parallel>, #tpu.dimension_semantics<subcore_parallel>], iteration_bounds = array<i64: 2, 16>, scalar_prefetch = 0 : i64, scratch_operands = 8 : i64, tpu.core_type = #tpu.core_type<sc_vector_subcore>, window_params = [{transform_indices = #map}, {transform_indices = #map1}]} {
    %mul3A = arith.constant 2 : i32
    %mul3A_0 = arith.muli %arg1, %mul3A : i32
    %add3A = arith.addi %mul3A_0, %arg0 : i32
    %iota3A = tpu.iota {dimensions = array<i32: 0>} : vector<16xi32>
    %mul3A_1 = arith.constant 512 : i32
    %mul3A_2 = arith.muli %add3A, %mul3A_1 : i32
    %dma_start3A = arith.constant 0 : i32
    %dma_start3A_3 = arith.constant 0 : i32
    %dma_start3A_4 = tpu.memref_slice %arg4[%dma_start3A, %dma_start3A_3] : memref<32x513xf32, #tpu.memory_space<vmem>> -> memref<32x512xf32, #tpu.memory_space<vmem>>
    %dma_start3A_5 = arith.constant 0 : i32
    %dma_start3A_6 = tpu.memref_slice %arg2[%dma_start3A_5, %mul3A_2] : memref<32x1000000xf32, #tpu.memory_space<hbm>> -> memref<32x512xf32, #tpu.memory_space<hbm>>
    %dma_start3A_7 = arith.constant 0 : i32
    %dma_start3A_8 = arith.constant 0 : i32
    %dma_start3A_9 = tpu.memref_slice %arg4[%dma_start3A_7, %dma_start3A_8] : memref<32x513xf32, #tpu.memory_space<vmem>> -> memref<32x512xf32, #tpu.memory_space<vmem>>
    %dma_start3A_10 = arith.constant 0 : i32
    %dma_start3A_11 = tpu.memref_slice %arg2[%dma_start3A_10, %mul3A_2] : memref<32x1000000xf32, #tpu.memory_space<hbm>> -> memref<32x512xf32, #tpu.memory_space<hbm>>
    tpu.enqueue_dma source(%dma_start3A_11 : memref<32x512xf32, #tpu.memory_space<hbm>>) target(%dma_start3A_9 : memref<32x512xf32, #tpu.memory_space<vmem>>) target_semaphore(%arg10 : memref<!tpu.dma_semaphore, #tpu.memory_space<semaphore_mem>>)
    %scan3A = arith.constant 32768 : i32
    %scan3A_12 = arith.constant -65536 : i32
    %scan3A_13 = arith.constant 0 : i32
    %scan3A_14 = arith.constant 0 : i32
    %scan3A_15 = arith.constant 31 : i32
    %scan3A_16 = arith.addi %scan3A_14, %scan3A_15 : i32
    %scan3A_17 = arith.constant 1 : i32
    %scan3A_18 = scf.for %scan3A_31 = %scan3A_14 to %scan3A_16 step %scan3A_17 iter_args(%scan3A_32 = %scan3A_13) -> (i32)  : i32 {
      %mul3A_33 = arith.constant 2 : i32
      %mul3A_34 = arith.muli %mul3A_33, %scan3A_31 : i32
      %mul3A_35 = arith.constant 32 : i32
      %mul3A_36 = arith.muli %mul3A_34, %mul3A_35 : i32
      %add3A_37 = arith.addi %mul3A_36, %add3A : i32
      %lt3A = arith.constant 1953 : i32
      %lt3A_38 = arith.cmpi slt, %add3A_37, %lt3A : i32
      %convert_element_type3A_39 = arith.extui %lt3A_38 : i1 to i32
      %cond3A_40 = arith.constant 0 : i32
      %cond3A_41 = arith.cmpi ne, %convert_element_type3A_39, %cond3A_40 : i32
      scf.if %cond3A_41 {
        %add3A_50 = arith.constant 32 : i32
        %add3A_51 = arith.addi %add3A_37, %add3A_50 : i32
        %lt3A_52 = arith.constant 1953 : i32
        %lt3A_53 = arith.cmpi slt, %add3A_51, %lt3A_52 : i32
        %convert_element_type3A_54 = arith.extui %lt3A_53 : i1 to i32
        %cond3A_55 = arith.constant 0 : i32
        %cond3A_56 = arith.cmpi ne, %convert_element_type3A_54, %cond3A_55 : i32
        scf.if %cond3A_56 {
          %mul3A_91 = arith.constant 512 : i32
          %mul3A_92 = arith.muli %add3A_51, %mul3A_91 : i32
          %dma_start3A_93 = arith.constant 0 : i32
          %dma_start3A_94 = arith.constant 0 : i32
          %dma_start3A_95 = tpu.memref_slice %arg5[%dma_start3A_93, %dma_start3A_94] : memref<32x513xf32, #tpu.memory_space<vmem>> -> memref<32x512xf32, #tpu.memory_space<vmem>>
          %dma_start3A_96 = arith.constant 0 : i32
          %dma_start3A_97 = tpu.memref_slice %arg2[%dma_start3A_96, %mul3A_92] : memref<32x1000000xf32, #tpu.memory_space<hbm>> -> memref<32x512xf32, #tpu.memory_space<hbm>>
          %dma_start3A_98 = arith.constant 0 : i32
          %dma_start3A_99 = arith.constant 0 : i32
          %dma_start3A_100 = tpu.memref_slice %arg5[%dma_start3A_98, %dma_start3A_99] : memref<32x513xf32, #tpu.memory_space<vmem>> -> memref<32x512xf32, #tpu.memory_space<vmem>>
          %dma_start3A_101 = arith.constant 0 : i32
          %dma_start3A_102 = tpu.memref_slice %arg2[%dma_start3A_101, %mul3A_92] : memref<32x1000000xf32, #tpu.memory_space<hbm>> -> memref<32x512xf32, #tpu.memory_space<hbm>>
          tpu.enqueue_dma source(%dma_start3A_102 : memref<32x512xf32, #tpu.memory_space<hbm>>) target(%dma_start3A_100 : memref<32x512xf32, #tpu.memory_space<vmem>>) target_semaphore(%arg10 : memref<!tpu.dma_semaphore, #tpu.memory_space<semaphore_mem>>)
        } else {
        }
        %mul3A_57 = arith.constant 512 : i32
        %mul3A_58 = arith.muli %add3A_37, %mul3A_57 : i32
        %dma_wait3A_59 = arith.constant 0 : i32
        %dma_wait3A_60 = arith.constant 0 : i32
        %dma_wait3A_61 = tpu.memref_slice %arg4[%dma_wait3A_59, %dma_wait3A_60] : memref<32x513xf32, #tpu.memory_space<vmem>> -> memref<32x512xf32, #tpu.memory_space<vmem>>
        %dma_wait3A_62 = arith.constant 0 : i32
        %dma_wait3A_63 = tpu.memref_slice %arg2[%dma_wait3A_62, %mul3A_58] : memref<32x1000000xf32, #tpu.memory_space<hbm>> -> memref<32x512xf32, #tpu.memory_space<hbm>>
        %dma_wait3A_64 = arith.constant 0 : i32
        %dma_wait3A_65 = arith.constant 0 : i32
        %dma_wait3A_66 = tpu.memref_slice %arg4[%dma_wait3A_64, %dma_wait3A_65] : memref<32x513xf32, #tpu.memory_space<vmem>> -> memref<32x512xf32, #tpu.memory_space<vmem>>
        %dma_wait3A_67 = arith.constant 0 : i32
        %dma_wait3A_68 = tpu.memref_slice %arg2[%dma_wait3A_67, %mul3A_58] : memref<32x1000000xf32, #tpu.memory_space<hbm>> -> memref<32x512xf32, #tpu.memory_space<hbm>>
        tpu.wait_dma2 semaphore(%arg10 : memref<!tpu.dma_semaphore, #tpu.memory_space<semaphore_mem>>) src(%dma_wait3A_68 : memref<32x512xf32, #tpu.memory_space<hbm>>) dst(%dma_wait3A_66 : memref<32x512xf32, #tpu.memory_space<vmem>>)
        %ge3A = arith.constant 2 : i32
        %ge3A_69 = arith.cmpi sge, %mul3A_34, %ge3A : i32
        %convert_element_type3A_70 = arith.extui %ge3A_69 : i1 to i32
        %cond3A_71 = arith.constant 0 : i32
        %cond3A_72 = arith.cmpi ne, %convert_element_type3A_70, %cond3A_71 : i32
        scf.if %cond3A_72 {
          %mul3A_91 = arith.constant 8192 : i32
          %mul3A_92 = arith.muli %add3A_37, %mul3A_91 : i32
          %dma_wait3A_93 = tpu.memref_slice %arg3[%mul3A_92] : memref<16000000xi32, #tpu.memory_space<hbm>> -> memref<8192xi32, #tpu.memory_space<hbm>>
          %dma_wait3A_94 = tpu.memref_slice %arg3[%mul3A_92] : memref<16000000xi32, #tpu.memory_space<hbm>> -> memref<8192xi32, #tpu.memory_space<hbm>>
          tpu.wait_dma2 semaphore(%arg11 : memref<!tpu.dma_semaphore, #tpu.memory_space<semaphore_mem>>) src(%arg7 : memref<8192xi32, #tpu.memory_space<vmem>>) dst(%dma_wait3A_94 : memref<8192xi32, #tpu.memory_space<hbm>>)
        } else {
        }
        %scan3A_73 = arith.constant 0 : i32
        %scan3A_74 = arith.constant 0 : i32
        %scan3A_75 = arith.constant 16 : i32
        %scan3A_76 = arith.addi %scan3A_74, %scan3A_75 : i32
        %scan3A_77 = arith.constant 1 : i32
        %scan3A_78 = scf.for %scan3A_91 = %scan3A_74 to %scan3A_76 step %scan3A_77 iter_args(%scan3A_92 = %scan3A_73) -> (i32)  : i32 {
          %get3A = arith.index_cast %scan3A_91 : i32 to index
          %get3A_93 = arith.constant 0 : index
          %get3A_94 = tpu.vector_load %arg4[%get3A, %get3A_93] {strides = array<i32>} : memref<32x513xf32, #tpu.memory_space<vmem>>, vector<16xf32>,
          %get3A_95 = arith.index_cast %scan3A_91 : i32 to index
          %get3A_96 = arith.constant 16 : index
          %get3A_97 = tpu.vector_load %arg4[%get3A_95, %get3A_96] {strides = array<i32>} : memref<32x513xf32, #tpu.memory_space<vmem>>, vector<16xf32>,
          %get3A_98 = arith.index_cast %scan3A_91 : i32 to index
          %get3A_99 = arith.constant 32 : index
          %get3A_100 = tpu.vector_load %arg4[%get3A_98, %get3A_99] {strides = array<i32>} : memref<32x513xf32, #tpu.memory_space<vmem>>, vector<16xf32>,
          %get3A_101 = arith.index_cast %scan3A_91 : i32 to index
          %get3A_102 = arith.constant 48 : index
          %get3A_103 = tpu.vector_load %arg4[%get3A_101, %get3A_102] {strides = array<i32>} : memref<32x513xf32, #tpu.memory_space<vmem>>, vector<16xf32>,
          %add3A_104 = arith.constant 16 : i32
          %add3A_105 = arith.addi %scan3A_91, %add3A_104 : i32
          %get3A_106 = arith.index_cast %add3A_105 : i32 to index
          %get3A_107 = arith.constant 0 : index
          %get3A_108 = tpu.vector_load %arg4[%get3A_106, %get3A_107] {strides = array<i32>} : memref<32x513xf32, #tpu.memory_space<vmem>>, vector<16xf32>,
          %add3A_109 = arith.constant 16 : i32
          %add3A_110 = arith.addi %scan3A_91, %add3A_109 : i32
          %get3A_111 = arith.index_cast %add3A_110 : i32 to index
          %get3A_112 = arith.constant 16 : index
          %get3A_113 = tpu.vector_load %arg4[%get3A_111, %get3A_112] {strides = array<i32>} : memref<32x513xf32, #tpu.memory_space<vmem>>, vector<16xf32>,
          %add3A_114 = arith.constant 16 : i32
          %add3A_115 = arith.addi %scan3A_91, %add3A_114 : i32
          %get3A_116 = arith.index_cast %add3A_115 : i32 to index
          %get3A_117 = arith.constant 32 : index
          %get3A_118 = tpu.vector_load %arg4[%get3A_116, %get3A_117] {strides = array<i32>} : memref<32x513xf32, #tpu.memory_space<vmem>>, vector<16xf32>,
          %add3A_119 = arith.constant 16 : i32
          %add3A_120 = arith.addi %scan3A_91, %add3A_119 : i32
          %get3A_121 = arith.index_cast %add3A_120 : i32 to index
          %get3A_122 = arith.constant 48 : index
          %get3A_123 = tpu.vector_load %arg4[%get3A_121, %get3A_122] {strides = array<i32>} : memref<32x513xf32, #tpu.memory_space<vmem>>, vector<16xf32>,
          %bitcast_convert_type3A = tpu.bitcast %get3A_94 : vector<16xf32> -> vector<16xi32>
          %bitcast_convert_type3A_124 = tpu.bitcast %get3A_108 : vector<16xf32> -> vector<16xi32>
          %add3A_125 = vector.broadcast %scan3A : i32 to vector<16xi32>
          %add3A_126 = arith.addi %bitcast_convert_type3A, %add3A_125 : vector<16xi32>
          %shift_right_logical3A = arith.constant 16 : i32
          %shift_right_logical3A_127 = vector.broadcast %shift_right_logical3A : i32 to vector<16xi32>
          %shift_right_logical3A_128 = arith.shrui %add3A_126, %shift_right_logical3A_127 : vector<16xi32>
          %add3A_129 = vector.broadcast %scan3A : i32 to vector<16xi32>
          %add3A_130 = arith.addi %bitcast_convert_type3A_124, %add3A_129 : vector<16xi32>
          %and3A = vector.broadcast %scan3A_12 : i32 to vector<16xi32>
          %and3A_131 = arith.andi %add3A_130, %and3A : vector<16xi32>
          %or3A = arith.ori %shift_right_logical3A_128, %and3A_131 : vector<16xi32>
          %swap3A = arith.index_cast %scan3A_91 : i32 to index
          %swap3A_132 = arith.constant 0 : index
          %swap3A_133 = tpu.vector_load %arg6[%swap3A, %swap3A_132] {strides = array<i32>} : memref<16x513xi32, #tpu.memory_space<vmem>>, vector<16xi32>,
          tpu.vector_store %arg6[%swap3A, %swap3A_132], %or3A {strides = array<i32>} : memref<16x513xi32, #tpu.memory_space<vmem>>, vector<16xi32>,
          %bitcast_convert_type3A_134 = tpu.bitcast %get3A_97 : vector<16xf32> -> vector<16xi32>
          %bitcast_convert_type3A_135 = tpu.bitcast %get3A_113 : vector<16xf32> -> vector<16xi32>
          %add3A_136 = vector.broadcast %scan3A : i32 to vector<16xi32>
          %add3A_137 = arith.addi %bitcast_convert_type3A_134, %add3A_136 : vector<16xi32>
          %shift_right_logical3A_138 = arith.constant 16 : i32
          %shift_right_logical3A_139 = vector.broadcast %shift_right_logical3A_138 : i32 to vector<16xi32>
          %shift_right_logical3A_140 = arith.shrui %add3A_137, %shift_right_logical3A_139 : vector<16xi32>
          %add3A_141 = vector.broadcast %scan3A : i32 to vector<16xi32>
          %add3A_142 = arith.addi %bitcast_convert_type3A_135, %add3A_141 : vector<16xi32>
          %and3A_143 = vector.broadcast %scan3A_12 : i32 to vector<16xi32>
          %and3A_144 = arith.andi %add3A_142, %and3A_143 : vector<16xi32>
          %or3A_145 = arith.ori %shift_right_logical3A_140, %and3A_144 : vector<16xi32>
          %swap3A_146 = arith.index_cast %scan3A_91 : i32 to index
          %swap3A_147 = arith.constant 16 : index
          %swap3A_148 = tpu.vector_load %arg6[%swap3A_146, %swap3A_147] {strides = array<i32>} : memref<16x513xi32, #tpu.memory_space<vmem>>, vector<16xi32>,
          tpu.vector_store %arg6[%swap3A_146, %swap3A_147], %or3A_145 {strides = array<i32>} : memref<16x513xi32, #tpu.memory_space<vmem>>, vector<16xi32>,
          %bitcast_convert_type3A_149 = tpu.bitcast %get3A_100 : vector<16xf32> -> vector<16xi32>
          %bitcast_convert_type3A_150 = tpu.bitcast %get3A_118 : vector<16xf32> -> vector<16xi32>
          %add3A_151 = vector.broadcast %scan3A : i32 to vector<16xi32>
          %add3A_152 = arith.addi %bitcast_convert_type3A_149, %add3A_151 : vector<16xi32>
          %shift_right_logical3A_153 = arith.constant 16 : i32
          %shift_right_logical3A_154 = vector.broadcast %shift_right_logical3A_153 : i32 to vector<16xi32>
          %shift_right_logical3A_155 = arith.shrui %add3A_152, %shift_right_logical3A_154 : vector<16xi32>
          %add3A_156 = vector.broadcast %scan3A : i32 to vector<16xi32>
          %add3A_157 = arith.addi %bitcast_convert_type3A_150, %add3A_156 : vector<16xi32>
          %and3A_158 = vector.broadcast %scan3A_12 : i32 to vector<16xi32>
          %and3A_159 = arith.andi %add3A_157, %and3A_158 : vector<16xi32>
          %or3A_160 = arith.ori %shift_right_logical3A_155, %and3A_159 : vector<16xi32>
          %swap3A_161 = arith.index_cast %scan3A_91 : i32 to index
          %swap3A_162 = arith.constant 32 : index
          %swap3A_163 = tpu.vector_load %arg6[%swap3A_161, %swap3A_162] {strides = array<i32>} : memref<16x513xi32, #tpu.memory_space<vmem>>, vector<16xi32>,
          tpu.vector_store %arg6[%swap3A_161, %swap3A_162], %or3A_160 {strides = array<i32>} : memref<16x513xi32, #tpu.memory_space<vmem>>, vector<16xi32>,
          %bitcast_convert_type3A_164 = tpu.bitcast %get3A_103 : vector<16xf32> -> vector<16xi32>
          %bitcast_convert_type3A_165 = tpu.bitcast %get3A_123 : vector<16xf32> -> vector<16xi32>
          %add3A_166 = vector.broadcast %scan3A : i32 to vector<16xi32>
          %add3A_167 = arith.addi %bitcast_convert_type3A_164, %add3A_166 : vector<16xi32>
          %shift_right_logical3A_168 = arith.constant 16 : i32
          %shift_right_logical3A_169 = vector.broadcast %shift_right_logical3A_168 : i32 to vector<16xi32>
          %shift_right_logical3A_170 = arith.shrui %add3A_167, %shift_right_logical3A_169 : vector<16xi32>
          %add3A_171 = vector.broadcast %scan3A : i32 to vector<16xi32>
          %add3A_172 = arith.addi %bitcast_convert_type3A_165, %add3A_171 : vector<16xi32>
          %and3A_173 = vector.broadcast %scan3A_12 : i32 to vector<16xi32>
          %and3A_174 = arith.andi %add3A_172, %and3A_173 : vector<16xi32>
          %or3A_175 = arith.ori %shift_right_logical3A_170, %and3A_174 : vector<16xi32>
          %swap3A_176 = arith.index_cast %scan3A_91 : i32 to index
          %swap3A_177 = arith.constant 48 : index
          %swap3A_178 = tpu.vector_load %arg6[%swap3A_176, %swap3A_177] {strides = array<i32>} : memref<16x513xi32, #tpu.memory_space<vmem>>, vector<16xi32>,
          tpu.vector_store %arg6[%swap3A_176, %swap3A_177], %or3A_175 {strides = array<i32>} : memref<16x513xi32, #tpu.memory_space<vmem>>, vector<16xi32>,
          %get3A_179 = arith.index_cast %scan3A_91 : i32 to index
          %get3A_180 = arith.constant 64 : index
          %get3A_181 = tpu.vector_load %arg4[%get3A_179, %get3A_180] {strides = array<i32>} : memref<32x513xf32, #tpu.memory_space<vmem>>, vector<16xf32>,
          %get3A_182 = arith.index_cast %scan3A_91 : i32 to index
          %get3A_183 = arith.constant 80 : index
          %get3A_184 = tpu.vector_load %arg4[%get3A_182, %get3A_183] {strides = array<i32>} : memref<32x513xf32, #tpu.memory_space<vmem>>, vector<16xf32>,
          %get3A_185 = arith.index_cast %scan3A_91 : i32 to index
          %get3A_186 = arith.constant 96 : index
          %get3A_187 = tpu.vector_load %arg4[%get3A_185, %get3A_186] {strides = array<i32>} : memref<32x513xf32, #tpu.memory_space<vmem>>, vector<16xf32>,
          %get3A_188 = arith.index_cast %scan3A_91 : i32 to index
          %get3A_189 = arith.constant 112 : index
          %get3A_190 = tpu.vector_load %arg4[%get3A_188, %get3A_189] {strides = array<i32>} : memref<32x513xf32, #tpu.memory_space<vmem>>, vector<16xf32>,
          %add3A_191 = arith.constant 16 : i32
          %add3A_192 = arith.addi %scan3A_91, %add3A_191 : i32
          %get3A_193 = arith.index_cast %add3A_192 : i32 to index
          %get3A_194 = arith.constant 64 : index
          %get3A_195 = tpu.vector_load %arg4[%get3A_193, %get3A_194] {strides = array<i32>} : memref<32x513xf32, #tpu.memory_space<vmem>>, vector<16xf32>,
          %add3A_196 = arith.constant 16 : i32
          %add3A_197 = arith.addi %scan3A_91, %add3A_196 : i32
          %get3A_198 = arith.index_cast %add3A_197 : i32 to index
          %get3A_199 = arith.constant 80 : index
          %get3A_200 = tpu.vector_load %arg4[%get3A_198, %get3A_199] {strides = array<i32>} : memref<32x513xf32, #tpu.memory_space<vmem>>, vector<16xf32>,
          %add3A_201 = arith.constant 16 : i32
          %add3A_202 = arith.addi %scan3A_91, %add3A_201 : i32
          %get3A_203 = arith.index_cast %add3A_202 : i32 to index
          %get3A_204 = arith.constant 96 : index
          %get3A_205 = tpu.vector_load %arg4[%get3A_203, %get3A_204] {strides = array<i32>} : memref<32x513xf32, #tpu.memory_space<vmem>>, vector<16xf32>,
          %add3A_206 = arith.constant 16 : i32
          %add3A_207 = arith.addi %scan3A_91, %add3A_206 : i32
          %get3A_208 = arith.index_cast %add3A_207 : i32 to index
          %get3A_209 = arith.constant 112 : index
          %get3A_210 = tpu.vector_load %arg4[%get3A_208, %get3A_209] {strides = array<i32>} : memref<32x513xf32, #tpu.memory_space<vmem>>, vector<16xf32>,
          %bitcast_convert_type3A_211 = tpu.bitcast %get3A_181 : vector<16xf32> -> vector<16xi32>
          %bitcast_convert_type3A_212 = tpu.bitcast %get3A_195 : vector<16xf32> -> vector<16xi32>
          %add3A_213 = vector.broadcast %scan3A : i32 to vector<16xi32>
          %add3A_214 = arith.addi %bitcast_convert_type3A_211, %add3A_213 : vector<16xi32>
          %shift_right_logical3A_215 = arith.constant 16 : i32
          %shift_right_logical3A_216 = vector.broadcast %shift_right_logical3A_215 : i32 to vector<16xi32>
          %shift_right_logical3A_217 = arith.shrui %add3A_214, %shift_right_logical3A_216 : vector<16xi32>
          %add3A_218 = vector.broadcast %scan3A : i32 to vector<16xi32>
          %add3A_219 = arith.addi %bitcast_convert_type3A_212, %add3A_218 : vector<16xi32>
          %and3A_220 = vector.broadcast %scan3A_12 : i32 to vector<16xi32>
          %and3A_221 = arith.andi %add3A_219, %and3A_220 : vector<16xi32>
          %or3A_222 = arith.ori %shift_right_logical3A_217, %and3A_221 : vector<16xi32>
          %swap3A_223 = arith.index_cast %scan3A_91 : i32 to index
          %swap3A_224 = arith.constant 64 : index
          %swap3A_225 = tpu.vector_load %arg6[%swap3A_223, %swap3A_224] {strides = array<i32>} : memref<16x513xi32, #tpu.memory_space<vmem>>, vector<16xi32>,
          tpu.vector_store %arg6[%swap3A_223, %swap3A_224], %or3A_222 {strides = array<i32>} : memref<16x513xi32, #tpu.memory_space<vmem>>, vector<16xi32>,
          %bitcast_convert_type3A_226 = tpu.bitcast %get3A_184 : vector<16xf32> -> vector<16xi32>
          %bitcast_convert_type3A_227 = tpu.bitcast %get3A_200 : vector<16xf32> -> vector<16xi32>
          %add3A_228 = vector.broadcast %scan3A : i32 to vector<16xi32>
          %add3A_229 = arith.addi %bitcast_convert_type3A_226, %add3A_228 : vector<16xi32>
          %shift_right_logical3A_230 = arith.constant 16 : i32
          %shift_right_logical3A_231 = vector.broadcast %shift_right_logical3A_230 : i32 to vector<16xi32>
          %shift_right_logical3A_232 = arith.shrui %add3A_229, %shift_right_logical3A_231 : vector<16xi32>
          %add3A_233 = vector.broadcast %scan3A : i32 to vector<16xi32>
          %add3A_234 = arith.addi %bitcast_convert_type3A_227, %add3A_233 : vector<16xi32>
          %and3A_235 = vector.broadcast %scan3A_12 : i32 to vector<16xi32>
          %and3A_236 = arith.andi %add3A_234, %and3A_235 : vector<16xi32>
          %or3A_237 = arith.ori %shift_right_logical3A_232, %and3A_236 : vector<16xi32>
          %swap3A_238 = arith.index_cast %scan3A_91 : i32 to index
          %swap3A_239 = arith.constant 80 : index
          %swap3A_240 = tpu.vector_load %arg6[%swap3A_238, %swap3A_239] {strides = array<i32>} : memref<16x513xi32, #tpu.memory_space<vmem>>, vector<16xi32>,
          tpu.vector_store %arg6[%swap3A_238, %swap3A_239], %or3A_237 {strides = array<i32>} : memref<16x513xi32, #tpu.memory_space<vmem>>, vector<16xi32>,
          %bitcast_convert_type3A_241 = tpu.bitcast %get3A_187 : vector<16xf32> -> vector<16xi32>
          %bitcast_convert_type3A_242 = tpu.bitcast %get3A_205 : vector<16xf32> -> vector<16xi32>
          %add3A_243 = vector.broadcast %scan3A : i32 to vector<16xi32>
          %add3A_244 = arith.addi %bitcast_convert_type3A_241, %add3A_243 : vector<16xi32>
          %shift_right_logical3A_245 = arith.constant 16 : i32
          %shift_right_logical3A_246 = vector.broadcast %shift_right_logical3A_245 : i32 to vector<16xi32>
          %shift_right_logical3A_247 = arith.shrui %add3A_244, %shift_right_logical3A_246 : vector<16xi32>
          %add3A_248 = vector.broadcast %scan3A : i32 to vector<16xi32>
          %add3A_249 = arith.addi %bitcast_convert_type3A_242, %add3A_248 : vector<16xi32>
          %and3A_250 = vector.broadcast %scan3A_12 : i32 to vector<16xi32>
          %and3A_251 = arith.andi %add3A_249, %and3A_250 : vector<16xi32>
          %or3A_252 = arith.ori %shift_right_logical3A_247, %and3A_251 : vector<16xi32>
          %swap3A_253 = arith.index_cast %scan3A_91 : i32 to index
          %swap3A_254 = arith.constant 96 : index
          %swap3A_255 = tpu.vector_load %arg6[%swap3A_253, %swap3A_254] {strides = array<i32>} : memref<16x513xi32, #tpu.memory_space<vmem>>, vector<16xi32>,
          tpu.vector_store %arg6[%swap3A_253, %swap3A_254], %or3A_252 {strides = array<i32>} : memref<16x513xi32, #tpu.memory_space<vmem>>, vector<16xi32>,
          %bitcast_convert_type3A_256 = tpu.bitcast %get3A_190 : vector<16xf32> -> vector<16xi32>
          %bitcast_convert_type3A_257 = tpu.bitcast %get3A_210 : vector<16xf32> -> vector<16xi32>
          %add3A_258 = vector.broadcast %scan3A : i32 to vector<16xi32>
          %add3A_259 = arith.addi %bitcast_convert_type3A_256, %add3A_258 : vector<16xi32>
          %shift_right_logical3A_260 = arith.constant 16 : i32
          %shift_right_logical3A_261 = vector.broadcast %shift_right_logical3A_260 : i32 to vector<16xi32>
          %shift_right_logical3A_262 = arith.shrui %add3A_259, %shift_right_logical3A_261 : vector<16xi32>
          %add3A_263 = vector.broadcast %scan3A : i32 to vector<16xi32>
          %add3A_264 = arith.addi %bitcast_convert_type3A_257, %add3A_263 : vector<16xi32>
          %and3A_265 = vector.broadcast %scan3A_12 : i32 to vector<16xi32>
          %and3A_266 = arith.andi %add3A_264, %and3A_265 : vector<16xi32>
          %or3A_267 = arith.ori %shift_right_logical3A_262, %and3A_266 : vector<16xi32>
          %swap3A_268 = arith.index_cast %scan3A_91 : i32 to index
          %swap3A_269 = arith.constant 112 : index
          %swap3A_270 = tpu.vector_load %arg6[%swap3A_268, %swap3A_269] {strides = array<i32>} : memref<16x513xi32, #tpu.memory_space<vmem>>, vector<16xi32>,
          tpu.vector_store %arg6[%swap3A_268, %swap3A_269], %or3A_267 {strides = array<i32>} : memref<16x513xi32, #tpu.memory_space<vmem>>, vector<16xi32>,
          %get3A_271 = arith.index_cast %scan3A_91 : i32 to index
          %get3A_272 = arith.constant 128 : index
          %get3A_273 = tpu.vector_load %arg4[%get3A_271, %get3A_272] {strides = array<i32>} : memref<32x513xf32, #tpu.memory_space<vmem>>, vector<16xf32>,
          %get3A_274 = arith.index_cast %scan3A_91 : i32 to index
          %get3A_275 = arith.constant 144 : index
          %get3A_276 = tpu.vector_load %arg4[%get3A_274, %get3A_275] {strides = array<i32>} : memref<32x513xf32, #tpu.memory_space<vmem>>, vector<16xf32>,
          %get3A_277 = arith.index_cast %scan3A_91 : i32 to index
          %get3A_278 = arith.constant 160 : index
          %get3A_279 = tpu.vector_load %arg4[%get3A_277, %get3A_278] {strides = array<i32>} : memref<32x513xf32, #tpu.memory_space<vmem>>, vector<16xf32>,
          %get3A_280 = arith.index_cast %scan3A_91 : i32 to index
          %get3A_281 = arith.constant 176 : index
          %get3A_282 = tpu.vector_load %arg4[%get3A_280, %get3A_281] {strides = array<i32>} : memref<32x513xf32, #tpu.memory_space<vmem>>, vector<16xf32>,
          %add3A_283 = arith.constant 16 : i32
          %add3A_284 = arith.addi %scan3A_91, %add3A_283 : i32
          %get3A_285 = arith.index_cast %add3A_284 : i32 to index
          %get3A_286 = arith.constant 128 : index
          %get3A_287 = tpu.vector_load %arg4[%get3A_285, %get3A_286] {strides = array<i32>} : memref<32x513xf32, #tpu.memory_space<vmem>>, vector<16xf32>,
          %add3A_288 = arith.constant 16 : i32
          %add3A_289 = arith.addi %scan3A_91, %add3A_288 : i32
          %get3A_290 = arith.index_cast %add3A_289 : i32 to index
          %get3A_291 = arith.constant 144 : index
          %get3A_292 = tpu.vector_load %arg4[%get3A_290, %get3A_291] {strides = array<i32>} : memref<32x513xf32, #tpu.memory_space<vmem>>, vector<16xf32>,
          %add3A_293 = arith.constant 16 : i32
          %add3A_294 = arith.addi %scan3A_91, %add3A_293 : i32
          %get3A_295 = arith.index_cast %add3A_294 : i32 to index
          %get3A_296 = arith.constant 160 : index
          %get3A_297 = tpu.vector_load %arg4[%get3A_295, %get3A_296] {strides = array<i32>} : memref<32x513xf32, #tpu.memory_space<vmem>>, vector<16xf32>,
          %add3A_298 = arith.constant 16 : i32
          %add3A_299 = arith.addi %scan3A_91, %add3A_298 : i32
          %get3A_300 = arith.index_cast %add3A_299 : i32 to index
          %get3A_301 = arith.constant 176 : index
          %get3A_302 = tpu.vector_load %arg4[%get3A_300, %get3A_301] {strides = array<i32>} : memref<32x513xf32, #tpu.memory_space<vmem>>, vector<16xf32>,
          %bitcast_convert_type3A_303 = tpu.bitcast %get3A_273 : vector<16xf32> -> vector<16xi32>
          %bitcast_convert_type3A_304 = tpu.bitcast %get3A_287 : vector<16xf32> -> vector<16xi32>
          %add3A_305 = vector.broadcast %scan3A : i32 to vector<16xi32>
          %add3A_306 = arith.addi %bitcast_convert_type3A_303, %add3A_305 : vector<16xi32>
          %shift_right_logical3A_307 = arith.constant 16 : i32
          %shift_right_logical3A_308 = vector.broadcast %shift_right_logical3A_307 : i32 to vector<16xi32>
          %shift_right_logical3A_309 = arith.shrui %add3A_306, %shift_right_logical3A_308 : vector<16xi32>
          %add3A_310 = vector.broadcast %scan3A : i32 to vector<16xi32>
          %add3A_311 = arith.addi %bitcast_convert_type3A_304, %add3A_310 : vector<16xi32>
          %and3A_312 = vector.broadcast %scan3A_12 : i32 to vector<16xi32>
          %and3A_313 = arith.andi %add3A_311, %and3A_312 : vector<16xi32>
          %or3A_314 = arith.ori %shift_right_logical3A_309, %and3A_313 : vector<16xi32>
          %swap3A_315 = arith.index_cast %scan3A_91 : i32 to index
          %swap3A_316 = arith.constant 128 : index
          %swap3A_317 = tpu.vector_load %arg6[%swap3A_315, %swap3A_316] {strides = array<i32>} : memref<16x513xi32, #tpu.memory_space<vmem>>, vector<16xi32>,
          tpu.vector_store %arg6[%swap3A_315, %swap3A_316], %or3A_314 {strides = array<i32>} : memref<16x513xi32, #tpu.memory_space<vmem>>, vector<16xi32>,
          %bitcast_convert_type3A_318 = tpu.bitcast %get3A_276 : vector<16xf32> -> vector<16xi32>
          %bitcast_convert_type3A_319 = tpu.bitcast %get3A_292 : vector<16xf32> -> vector<16xi32>
          %add3A_320 = vector.broadcast %scan3A : i32 to vector<16xi32>
          %add3A_321 = arith.addi %bitcast_convert_type3A_318, %add3A_320 : vector<16xi32>
          %shift_right_logical3A_322 = arith.constant 16 : i32
          %shift_right_logical3A_323 = vector.broadcast %shift_right_logical3A_322 : i32 to vector<16xi32>
          %shift_right_logical3A_324 = arith.shrui %add3A_321, %shift_right_logical3A_323 : vector<16xi32>
          %add3A_325 = vector.broadcast %scan3A : i32 to vector<16xi32>
          %add3A_326 = arith.addi %bitcast_convert_type3A_319, %add3A_325 : vector<16xi32>
          %and3A_327 = vector.broadcast %scan3A_12 : i32 to vector<16xi32>
          %and3A_328 = arith.andi %add3A_326, %and3A_327 : vector<16xi32>
          %or3A_329 = arith.ori %shift_right_logical3A_324, %and3A_328 : vector<16xi32>
          %swap3A_330 = arith.index_cast %scan3A_91 : i32 to index
          %swap3A_331 = arith.constant 144 : index
          %swap3A_332 = tpu.vector_load %arg6[%swap3A_330, %swap3A_331] {strides = array<i32>} : memref<16x513xi32, #tpu.memory_space<vmem>>, vector<16xi32>,
          tpu.vector_store %arg6[%swap3A_330, %swap3A_331], %or3A_329 {strides = array<i32>} : memref<16x513xi32, #tpu.memory_space<vmem>>, vector<16xi32>,
          %bitcast_convert_type3A_333 = tpu.bitcast %get3A_279 : vector<16xf32> -> vector<16xi32>
          %bitcast_convert_type3A_334 = tpu.bitcast %get3A_297 : vector<16xf32> -> vector<16xi32>
          %add3A_335 = vector.broadcast %scan3A : i32 to vector<16xi32>
          %add3A_336 = arith.addi %bitcast_convert_type3A_333, %add3A_335 : vector<16xi32>
          %shift_right_logical3A_337 = arith.constant 16 : i32
          %shift_right_logical3A_338 = vector.broadcast %shift_right_logical3A_337 : i32 to vector<16xi32>
          %shift_right_logical3A_339 = arith.shrui %add3A_336, %shift_right_logical3A_338 : vector<16xi32>
          %add3A_340 = vector.broadcast %scan3A : i32 to vector<16xi32>
          %add3A_341 = arith.addi %bitcast_convert_type3A_334, %add3A_340 : vector<16xi32>
          %and3A_342 = vector.broadcast %scan3A_12 : i32 to vector<16xi32>
          %and3A_343 = arith.andi %add3A_341, %and3A_342 : vector<16xi32>
          %or3A_344 = arith.ori %shift_right_logical3A_339, %and3A_343 : vector<16xi32>
          %swap3A_345 = arith.index_cast %scan3A_91 : i32 to index
          %swap3A_346 = arith.constant 160 : index
          %swap3A_347 = tpu.vector_load %arg6[%swap3A_345, %swap3A_346] {strides = array<i32>} : memref<16x513xi32, #tpu.memory_space<vmem>>, vector<16xi32>,
          tpu.vector_store %arg6[%swap3A_345, %swap3A_346], %or3A_344 {strides = array<i32>} : memref<16x513xi32, #tpu.memory_space<vmem>>, vector<16xi32>,
          %bitcast_convert_type3A_348 = tpu.bitcast %get3A_282 : vector<16xf32> -> vector<16xi32>
          %bitcast_convert_type3A_349 = tpu.bitcast %get3A_302 : vector<16xf32> -> vector<16xi32>
          %add3A_350 = vector.broadcast %scan3A : i32 to vector<16xi32>
          %add3A_351 = arith.addi %bitcast_convert_type3A_348, %add3A_350 : vector<16xi32>
          %shift_right_logical3A_352 = arith.constant 16 : i32
          %shift_right_logical3A_353 = vector.broadcast %shift_right_logical3A_352 : i32 to vector<16xi32>
          %shift_right_logical3A_354 = arith.shrui %add3A_351, %shift_right_logical3A_353 : vector<16xi32>
          %add3A_355 = vector.broadcast %scan3A : i32 to vector<16xi32>
          %add3A_356 = arith.addi %bitcast_convert_type3A_349, %add3A_355 : vector<16xi32>
          %and3A_357 = vector.broadcast %scan3A_12 : i32 to vector<16xi32>
          %and3A_358 = arith.andi %add3A_356, %and3A_357 : vector<16xi32>
          %or3A_359 = arith.ori %shift_right_logical3A_354, %and3A_358 : vector<16xi32>
          %swap3A_360 = arith.index_cast %scan3A_91 : i32 to index
          %swap3A_361 = arith.constant 176 : index
          %swap3A_362 = tpu.vector_load %arg6[%swap3A_360, %swap3A_361] {strides = array<i32>} : memref<16x513xi32, #tpu.memory_space<vmem>>, vector<16xi32>,
          tpu.vector_store %arg6[%swap3A_360, %swap3A_361], %or3A_359 {strides = array<i32>} : memref<16x513xi32, #tpu.memory_space<vmem>>, vector<16xi32>,
          %get3A_363 = arith.index_cast %scan3A_91 : i32 to index
          %get3A_364 = arith.constant 192 : index
          %get3A_365 = tpu.vector_load %arg4[%get3A_363, %get3A_364] {strides = array<i32>} : memref<32x513xf32, #tpu.memory_space<vmem>>, vector<16xf32>,
          %get3A_366 = arith.index_cast %scan3A_91 : i32 to index
          %get3A_367 = arith.constant 208 : index
          %get3A_368 = tpu.vector_load %arg4[%get3A_366, %get3A_367] {strides = array<i32>} : memref<32x513xf32, #tpu.memory_space<vmem>>, vector<16xf32>,
          %get3A_369 = arith.index_cast %scan3A_91 : i32 to index
          %get3A_370 = arith.constant 224 : index
          %get3A_371 = tpu.vector_load %arg4[%get3A_369, %get3A_370] {strides = array<i32>} : memref<32x513xf32, #tpu.memory_space<vmem>>, vector<16xf32>,
          %get3A_372 = arith.index_cast %scan3A_91 : i32 to index
          %get3A_373 = arith.constant 240 : index
          %get3A_374 = tpu.vector_load %arg4[%get3A_372, %get3A_373] {strides = array<i32>} : memref<32x513xf32, #tpu.memory_space<vmem>>, vector<16xf32>,
          %add3A_375 = arith.constant 16 : i32
          %add3A_376 = arith.addi %scan3A_91, %add3A_375 : i32
          %get3A_377 = arith.index_cast %add3A_376 : i32 to index
          %get3A_378 = arith.constant 192 : index
          %get3A_379 = tpu.vector_load %arg4[%get3A_377, %get3A_378] {strides = array<i32>} : memref<32x513xf32, #tpu.memory_space<vmem>>, vector<16xf32>,
          %add3A_380 = arith.constant 16 : i32
          %add3A_381 = arith.addi %scan3A_91, %add3A_380 : i32
          %get3A_382 = arith.index_cast %add3A_381 : i32 to index
          %get3A_383 = arith.constant 208 : index
          %get3A_384 = tpu.vector_load %arg4[%get3A_382, %get3A_383] {strides = array<i32>} : memref<32x513xf32, #tpu.memory_space<vmem>>, vector<16xf32>,
          %add3A_385 = arith.constant 16 : i32
          %add3A_386 = arith.addi %scan3A_91, %add3A_385 : i32
          %get3A_387 = arith.index_cast %add3A_386 : i32 to index
          %get3A_388 = arith.constant 224 : index
          %get3A_389 = tpu.vector_load %arg4[%get3A_387, %get3A_388] {strides = array<i32>} : memref<32x513xf32, #tpu.memory_space<vmem>>, vector<16xf32>,
          %add3A_390 = arith.constant 16 : i32
          %add3A_391 = arith.addi %scan3A_91, %add3A_390 : i32
          %get3A_392 = arith.index_cast %add3A_391 : i32 to index
          %get3A_393 = arith.constant 240 : index
          %get3A_394 = tpu.vector_load %arg4[%get3A_392, %get3A_393] {strides = array<i32>} : memref<32x513xf32, #tpu.memory_space<vmem>>, vector<16xf32>,
          %bitcast_convert_type3A_395 = tpu.bitcast %get3A_365 : vector<16xf32> -> vector<16xi32>
          %bitcast_convert_type3A_396 = tpu.bitcast %get3A_379 : vector<16xf32> -> vector<16xi32>
          %add3A_397 = vector.broadcast %scan3A : i32 to vector<16xi32>
          %add3A_398 = arith.addi %bitcast_convert_type3A_395, %add3A_397 : vector<16xi32>
          %shift_right_logical3A_399 = arith.constant 16 : i32
          %shift_right_logical3A_400 = vector.broadcast %shift_right_logical3A_399 : i32 to vector<16xi32>
          %shift_right_logical3A_401 = arith.shrui %add3A_398, %shift_right_logical3A_400 : vector<16xi32>
          %add3A_402 = vector.broadcast %scan3A : i32 to vector<16xi32>
          %add3A_403 = arith.addi %bitcast_convert_type3A_396, %add3A_402 : vector<16xi32>
          %and3A_404 = vector.broadcast %scan3A_12 : i32 to vector<16xi32>
          %and3A_405 = arith.andi %add3A_403, %and3A_404 : vector<16xi32>
          %or3A_406 = arith.ori %shift_right_logical3A_401, %and3A_405 : vector<16xi32>
          %swap3A_407 = arith.index_cast %scan3A_91 : i32 to index
          %swap3A_408 = arith.constant 192 : index
          %swap3A_409 = tpu.vector_load %arg6[%swap3A_407, %swap3A_408] {strides = array<i32>} : memref<16x513xi32, #tpu.memory_space<vmem>>, vector<16xi32>,
          tpu.vector_store %arg6[%swap3A_407, %swap3A_408], %or3A_406 {strides = array<i32>} : memref<16x513xi32, #tpu.memory_space<vmem>>, vector<16xi32>,
          %bitcast_convert_type3A_410 = tpu.bitcast %get3A_368 : vector<16xf32> -> vector<16xi32>
          %bitcast_convert_type3A_411 = tpu.bitcast %get3A_384 : vector<16xf32> -> vector<16xi32>
          %add3A_412 = vector.broadcast %scan3A : i32 to vector<16xi32>
          %add3A_413 = arith.addi %bitcast_convert_type3A_410, %add3A_412 : vector<16xi32>
          %shift_right_logical3A_414 = arith.constant 16 : i32
          %shift_right_logical3A_415 = vector.broadcast %shift_right_logical3A_414 : i32 to vector<16xi32>
          %shift_right_logical3A_416 = arith.shrui %add3A_413, %shift_right_logical3A_415 : vector<16xi32>
          %add3A_417 = vector.broadcast %scan3A : i32 to vector<16xi32>
          %add3A_418 = arith.addi %bitcast_convert_type3A_411, %add3A_417 : vector<16xi32>
          %and3A_419 = vector.broadcast %scan3A_12 : i32 to vector<16xi32>
          %and3A_420 = arith.andi %add3A_418, %and3A_419 : vector<16xi32>
          %or3A_421 = arith.ori %shift_right_logical3A_416, %and3A_420 : vector<16xi32>
          %swap3A_422 = arith.index_cast %scan3A_91 : i32 to index
          %swap3A_423 = arith.constant 208 : index
          %swap3A_424 = tpu.vector_load %arg6[%swap3A_422, %swap3A_423] {strides = array<i32>} : memref<16x513xi32, #tpu.memory_space<vmem>>, vector<16xi32>,
          tpu.vector_store %arg6[%swap3A_422, %swap3A_423], %or3A_421 {strides = array<i32>} : memref<16x513xi32, #tpu.memory_space<vmem>>, vector<16xi32>,
          %bitcast_convert_type3A_425 = tpu.bitcast %get3A_371 : vector<16xf32> -> vector<16xi32>
          %bitcast_convert_type3A_426 = tpu.bitcast %get3A_389 : vector<16xf32> -> vector<16xi32>
          %add3A_427 = vector.broadcast %scan3A : i32 to vector<16xi32>
          %add3A_428 = arith.addi %bitcast_convert_type3A_425, %add3A_427 : vector<16xi32>
          %shift_right_logical3A_429 = arith.constant 16 : i32
          %shift_right_logical3A_430 = vector.broadcast %shift_right_logical3A_429 : i32 to vector<16xi32>
          %shift_right_logical3A_431 = arith.shrui %add3A_428, %shift_right_logical3A_430 : vector<16xi32>
          %add3A_432 = vector.broadcast %scan3A : i32 to vector<16xi32>
          %add3A_433 = arith.addi %bitcast_convert_type3A_426, %add3A_432 : vector<16xi32>
          %and3A_434 = vector.broadcast %scan3A_12 : i32 to vector<16xi32>
          %and3A_435 = arith.andi %add3A_433, %and3A_434 : vector<16xi32>
          %or3A_436 = arith.ori %shift_right_logical3A_431, %and3A_435 : vector<16xi32>
          %swap3A_437 = arith.index_cast %scan3A_91 : i32 to index
          %swap3A_438 = arith.constant 224 : index
          %swap3A_439 = tpu.vector_load %arg6[%swap3A_437, %swap3A_438] {strides = array<i32>} : memref<16x513xi32, #tpu.memory_space<vmem>>, vector<16xi32>,
          tpu.vector_store %arg6[%swap3A_437, %swap3A_438], %or3A_436 {strides = array<i32>} : memref<16x513xi32, #tpu.memory_space<vmem>>, vector<16xi32>,
          %bitcast_convert_type3A_440 = tpu.bitcast %get3A_374 : vector<16xf32> -> vector<16xi32>
          %bitcast_convert_type3A_441 = tpu.bitcast %get3A_394 : vector<16xf32> -> vector<16xi32>
          %add3A_442 = vector.broadcast %scan3A : i32 to vector<16xi32>
          %add3A_443 = arith.addi %bitcast_convert_type3A_440, %add3A_442 : vector<16xi32>
          %shift_right_logical3A_444 = arith.constant 16 : i32
          %shift_right_logical3A_445 = vector.broadcast %shift_right_logical3A_444 : i32 to vector<16xi32>
          %shift_right_logical3A_446 = arith.shrui %add3A_443, %shift_right_logical3A_445 : vector<16xi32>
          %add3A_447 = vector.broadcast %scan3A : i32 to vector<16xi32>
          %add3A_448 = arith.addi %bitcast_convert_type3A_441, %add3A_447 : vector<16xi32>
          %and3A_449 = vector.broadcast %scan3A_12 : i32 to vector<16xi32>
          %and3A_450 = arith.andi %add3A_448, %and3A_449 : vector<16xi32>
          %or3A_451 = arith.ori %shift_right_logical3A_446, %and3A_450 : vector<16xi32>
          %swap3A_452 = arith.index_cast %scan3A_91 : i32 to index
          %swap3A_453 = arith.constant 240 : index
          %swap3A_454 = tpu.vector_load %arg6[%swap3A_452, %swap3A_453] {strides = array<i32>} : memref<16x513xi32, #tpu.memory_space<vmem>>, vector<16xi32>,
          tpu.vector_store %arg6[%swap3A_452, %swap3A_453], %or3A_451 {strides = array<i32>} : memref<16x513xi32, #tpu.memory_space<vmem>>, vector<16xi32>,
          %get3A_455 = arith.index_cast %scan3A_91 : i32 to index
          %get3A_456 = arith.constant 256 : index
          %get3A_457 = tpu.vector_load %arg4[%get3A_455, %get3A_456] {strides = array<i32>} : memref<32x513xf32, #tpu.memory_space<vmem>>, vector<16xf32>,
          %get3A_458 = arith.index_cast %scan3A_91 : i32 to index
          %get3A_459 = arith.constant 272 : index
          %get3A_460 = tpu.vector_load %arg4[%get3A_458, %get3A_459] {strides = array<i32>} : memref<32x513xf32, #tpu.memory_space<vmem>>, vector<16xf32>,
          %get3A_461 = arith.index_cast %scan3A_91 : i32 to index
          %get3A_462 = arith.constant 288 : index
          %get3A_463 = tpu.vector_load %arg4[%get3A_461, %get3A_462] {strides = array<i32>} : memref<32x513xf32, #tpu.memory_space<vmem>>, vector<16xf32>,
          %get3A_464 = arith.index_cast %scan3A_91 : i32 to index
          %get3A_465 = arith.constant 304 : index
          %get3A_466 = tpu.vector_load %arg4[%get3A_464, %get3A_465] {strides = array<i32>} : memref<32x513xf32, #tpu.memory_space<vmem>>, vector<16xf32>,
          %add3A_467 = arith.constant 16 : i32
          %add3A_468 = arith.addi %scan3A_91, %add3A_467 : i32
          %get3A_469 = arith.index_cast %add3A_468 : i32 to index
          %get3A_470 = arith.constant 256 : index
          %get3A_471 = tpu.vector_load %arg4[%get3A_469, %get3A_470] {strides = array<i32>} : memref<32x513xf32, #tpu.memory_space<vmem>>, vector<16xf32>,
          %add3A_472 = arith.constant 16 : i32
          %add3A_473 = arith.addi %scan3A_91, %add3A_472 : i32
          %get3A_474 = arith.index_cast %add3A_473 : i32 to index
          %get3A_475 = arith.constant 272 : index
          %get3A_476 = tpu.vector_load %arg4[%get3A_474, %get3A_475] {strides = array<i32>} : memref<32x513xf32, #tpu.memory_space<vmem>>, vector<16xf32>,
          %add3A_477 = arith.constant 16 : i32
          %add3A_478 = arith.addi %scan3A_91, %add3A_477 : i32
          %get3A_479 = arith.index_cast %add3A_478 : i32 to index
          %get3A_480 = arith.constant 288 : index
          %get3A_481 = tpu.vector_load %arg4[%get3A_479, %get3A_480] {strides = array<i32>} : memref<32x513xf32, #tpu.memory_space<vmem>>, vector<16xf32>,
          %add3A_482 = arith.constant 16 : i32
          %add3A_483 = arith.addi %scan3A_91, %add3A_482 : i32
          %get3A_484 = arith.index_cast %add3A_483 : i32 to index
          %get3A_485 = arith.constant 304 : index
          %get3A_486 = tpu.vector_load %arg4[%get3A_484, %get3A_485] {strides = array<i32>} : memref<32x513xf32, #tpu.memory_space<vmem>>, vector<16xf32>,
          %bitcast_convert_type3A_487 = tpu.bitcast %get3A_457 : vector<16xf32> -> vector<16xi32>
          %bitcast_convert_type3A_488 = tpu.bitcast %get3A_471 : vector<16xf32> -> vector<16xi32>
          %add3A_489 = vector.broadcast %scan3A : i32 to vector<16xi32>
          %add3A_490 = arith.addi %bitcast_convert_type3A_487, %add3A_489 : vector<16xi32>
          %shift_right_logical3A_491 = arith.constant 16 : i32
          %shift_right_logical3A_492 = vector.broadcast %shift_right_logical3A_491 : i32 to vector<16xi32>
          %shift_right_logical3A_493 = arith.shrui %add3A_490, %shift_right_logical3A_492 : vector<16xi32>
          %add3A_494 = vector.broadcast %scan3A : i32 to vector<16xi32>
          %add3A_495 = arith.addi %bitcast_convert_type3A_488, %add3A_494 : vector<16xi32>
          %and3A_496 = vector.broadcast %scan3A_12 : i32 to vector<16xi32>
          %and3A_497 = arith.andi %add3A_495, %and3A_496 : vector<16xi32>
          %or3A_498 = arith.ori %shift_right_logical3A_493, %and3A_497 : vector<16xi32>
          %swap3A_499 = arith.index_cast %scan3A_91 : i32 to index
          %swap3A_500 = arith.constant 256 : index
          %swap3A_501 = tpu.vector_load %arg6[%swap3A_499, %swap3A_500] {strides = array<i32>} : memref<16x513xi32, #tpu.memory_space<vmem>>, vector<16xi32>,
          tpu.vector_store %arg6[%swap3A_499, %swap3A_500], %or3A_498 {strides = array<i32>} : memref<16x513xi32, #tpu.memory_space<vmem>>, vector<16xi32>,
          %bitcast_convert_type3A_502 = tpu.bitcast %get3A_460 : vector<16xf32> -> vector<16xi32>
          %bitcast_convert_type3A_503 = tpu.bitcast %get3A_476 : vector<16xf32> -> vector<16xi32>
          %add3A_504 = vector.broadcast %scan3A : i32 to vector<16xi32>
          %add3A_505 = arith.addi %bitcast_convert_type3A_502, %add3A_504 : vector<16xi32>
          %shift_right_logical3A_506 = arith.constant 16 : i32
          %shift_right_logical3A_507 = vector.broadcast %shift_right_logical3A_506 : i32 to vector<16xi32>
          %shift_right_logical3A_508 = arith.shrui %add3A_505, %shift_right_logical3A_507 : vector<16xi32>
          %add3A_509 = vector.broadcast %scan3A : i32 to vector<16xi32>
          %add3A_510 = arith.addi %bitcast_convert_type3A_503, %add3A_509 : vector<16xi32>
          %and3A_511 = vector.broadcast %scan3A_12 : i32 to vector<16xi32>
          %and3A_512 = arith.andi %add3A_510, %and3A_511 : vector<16xi32>
          %or3A_513 = arith.ori %shift_right_logical3A_508, %and3A_512 : vector<16xi32>
          %swap3A_514 = arith.index_cast %scan3A_91 : i32 to index
          %swap3A_515 = arith.constant 272 : index
          %swap3A_516 = tpu.vector_load %arg6[%swap3A_514, %swap3A_515] {strides = array<i32>} : memref<16x513xi32, #tpu.memory_space<vmem>>, vector<16xi32>,
          tpu.vector_store %arg6[%swap3A_514, %swap3A_515], %or3A_513 {strides = array<i32>} : memref<16x513xi32, #tpu.memory_space<vmem>>, vector<16xi32>,
          %bitcast_convert_type3A_517 = tpu.bitcast %get3A_463 : vector<16xf32> -> vector<16xi32>
          %bitcast_convert_type3A_518 = tpu.bitcast %get3A_481 : vector<16xf32> -> vector<16xi32>
          %add3A_519 = vector.broadcast %scan3A : i32 to vector<16xi32>
          %add3A_520 = arith.addi %bitcast_convert_type3A_517, %add3A_519 : vector<16xi32>
          %shift_right_logical3A_521 = arith.constant 16 : i32
          %shift_right_logical3A_522 = vector.broadcast %shift_right_logical3A_521 : i32 to vector<16xi32>
          %shift_right_logical3A_523 = arith.shrui %add3A_520, %shift_right_logical3A_522 : vector<16xi32>
          %add3A_524 = vector.broadcast %scan3A : i32 to vector<16xi32>
          %add3A_525 = arith.addi %bitcast_convert_type3A_518, %add3A_524 : vector<16xi32>
          %and3A_526 = vector.broadcast %scan3A_12 : i32 to vector<16xi32>
          %and3A_527 = arith.andi %add3A_525, %and3A_526 : vector<16xi32>
          %or3A_528 = arith.ori %shift_right_logical3A_523, %and3A_527 : vector<16xi32>
          %swap3A_529 = arith.index_cast %scan3A_91 : i32 to index
          %swap3A_530 = arith.constant 288 : index
          %swap3A_531 = tpu.vector_load %arg6[%swap3A_529, %swap3A_530] {strides = array<i32>} : memref<16x513xi32, #tpu.memory_space<vmem>>, vector<16xi32>,
          tpu.vector_store %arg6[%swap3A_529, %swap3A_530], %or3A_528 {strides = array<i32>} : memref<16x513xi32, #tpu.memory_space<vmem>>, vector<16xi32>,
          %bitcast_convert_type3A_532 = tpu.bitcast %get3A_466 : vector<16xf32> -> vector<16xi32>
          %bitcast_convert_type3A_533 = tpu.bitcast %get3A_486 : vector<16xf32> -> vector<16xi32>
          %add3A_534 = vector.broadcast %scan3A : i32 to vector<16xi32>
          %add3A_535 = arith.addi %bitcast_convert_type3A_532, %add3A_534 : vector<16xi32>
          %shift_right_logical3A_536 = arith.constant 16 : i32
          %shift_right_logical3A_537 = vector.broadcast %shift_right_logical3A_536 : i32 to vector<16xi32>
          %shift_right_logical3A_538 = arith.shrui %add3A_535, %shift_right_logical3A_537 : vector<16xi32>
          %add3A_539 = vector.broadcast %scan3A : i32 to vector<16xi32>
          %add3A_540 = arith.addi %bitcast_convert_type3A_533, %add3A_539 : vector<16xi32>
          %and3A_541 = vector.broadcast %scan3A_12 : i32 to vector<16xi32>
          %and3A_542 = arith.andi %add3A_540, %and3A_541 : vector<16xi32>
          %or3A_543 = arith.ori %shift_right_logical3A_538, %and3A_542 : vector<16xi32>
          %swap3A_544 = arith.index_cast %scan3A_91 : i32 to index
          %swap3A_545 = arith.constant 304 : index
          %swap3A_546 = tpu.vector_load %arg6[%swap3A_544, %swap3A_545] {strides = array<i32>} : memref<16x513xi32, #tpu.memory_space<vmem>>, vector<16xi32>,
          tpu.vector_store %arg6[%swap3A_544, %swap3A_545], %or3A_543 {strides = array<i32>} : memref<16x513xi32, #tpu.memory_space<vmem>>, vector<16xi32>,
          %get3A_547 = arith.index_cast %scan3A_91 : i32 to index
          %get3A_548 = arith.constant 320 : index
          %get3A_549 = tpu.vector_load %arg4[%get3A_547, %get3A_548] {strides = array<i32>} : memref<32x513xf32, #tpu.memory_space<vmem>>, vector<16xf32>,
          %get3A_550 = arith.index_cast %scan3A_91 : i32 to index
          %get3A_551 = arith.constant 336 : index
          %get3A_552 = tpu.vector_load %arg4[%get3A_550, %get3A_551] {strides = array<i32>} : memref<32x513xf32, #tpu.memory_space<vmem>>, vector<16xf32>,
          %get3A_553 = arith.index_cast %scan3A_91 : i32 to index
          %get3A_554 = arith.constant 352 : index
          %get3A_555 = tpu.vector_load %arg4[%get3A_553, %get3A_554] {strides = array<i32>} : memref<32x513xf32, #tpu.memory_space<vmem>>, vector<16xf32>,
          %get3A_556 = arith.index_cast %scan3A_91 : i32 to index
          %get3A_557 = arith.constant 368 : index
          %get3A_558 = tpu.vector_load %arg4[%get3A_556, %get3A_557] {strides = array<i32>} : memref<32x513xf32, #tpu.memory_space<vmem>>, vector<16xf32>,
          %add3A_559 = arith.constant 16 : i32
          %add3A_560 = arith.addi %scan3A_91, %add3A_559 : i32
          %get3A_561 = arith.index_cast %add3A_560 : i32 to index
          %get3A_562 = arith.constant 320 : index
          %get3A_563 = tpu.vector_load %arg4[%get3A_561, %get3A_562] {strides = array<i32>} : memref<32x513xf32, #tpu.memory_space<vmem>>, vector<16xf32>,
          %add3A_564 = arith.constant 16 : i32
          %add3A_565 = arith.addi %scan3A_91, %add3A_564 : i32
          %get3A_566 = arith.index_cast %add3A_565 : i32 to index
          %get3A_567 = arith.constant 336 : index
          %get3A_568 = tpu.vector_load %arg4[%get3A_566, %get3A_567] {strides = array<i32>} : memref<32x513xf32, #tpu.memory_space<vmem>>, vector<16xf32>,
          %add3A_569 = arith.constant 16 : i32
          %add3A_570 = arith.addi %scan3A_91, %add3A_569 : i32
          %get3A_571 = arith.index_cast %add3A_570 : i32 to index
          %get3A_572 = arith.constant 352 : index
          %get3A_573 = tpu.vector_load %arg4[%get3A_571, %get3A_572] {strides = array<i32>} : memref<32x513xf32, #tpu.memory_space<vmem>>, vector<16xf32>,
          %add3A_574 = arith.constant 16 : i32
          %add3A_575 = arith.addi %scan3A_91, %add3A_574 : i32
          %get3A_576 = arith.index_cast %add3A_575 : i32 to index
          %get3A_577 = arith.constant 368 : index
          %get3A_578 = tpu.vector_load %arg4[%get3A_576, %get3A_577] {strides = array<i32>} : memref<32x513xf32, #tpu.memory_space<vmem>>, vector<16xf32>,
          %bitcast_convert_type3A_579 = tpu.bitcast %get3A_549 : vector<16xf32> -> vector<16xi32>
          %bitcast_convert_type3A_580 = tpu.bitcast %get3A_563 : vector<16xf32> -> vector<16xi32>
          %add3A_581 = vector.broadcast %scan3A : i32 to vector<16xi32>
          %add3A_582 = arith.addi %bitcast_convert_type3A_579, %add3A_581 : vector<16xi32>
          %shift_right_logical3A_583 = arith.constant 16 : i32
          %shift_right_logical3A_584 = vector.broadcast %shift_right_logical3A_583 : i32 to vector<16xi32>
          %shift_right_logical3A_585 = arith.shrui %add3A_582, %shift_right_logical3A_584 : vector<16xi32>
          %add3A_586 = vector.broadcast %scan3A : i32 to vector<16xi32>
          %add3A_587 = arith.addi %bitcast_convert_type3A_580, %add3A_586 : vector<16xi32>
          %and3A_588 = vector.broadcast %scan3A_12 : i32 to vector<16xi32>
          %and3A_589 = arith.andi %add3A_587, %and3A_588 : vector<16xi32>
          %or3A_590 = arith.ori %shift_right_logical3A_585, %and3A_589 : vector<16xi32>
          %swap3A_591 = arith.index_cast %scan3A_91 : i32 to index
          %swap3A_592 = arith.constant 320 : index
          %swap3A_593 = tpu.vector_load %arg6[%swap3A_591, %swap3A_592] {strides = array<i32>} : memref<16x513xi32, #tpu.memory_space<vmem>>, vector<16xi32>,
          tpu.vector_store %arg6[%swap3A_591, %swap3A_592], %or3A_590 {strides = array<i32>} : memref<16x513xi32, #tpu.memory_space<vmem>>, vector<16xi32>,
          %bitcast_convert_type3A_594 = tpu.bitcast %get3A_552 : vector<16xf32> -> vector<16xi32>
          %bitcast_convert_type3A_595 = tpu.bitcast %get3A_568 : vector<16xf32> -> vector<16xi32>
          %add3A_596 = vector.broadcast %scan3A : i32 to vector<16xi32>
          %add3A_597 = arith.addi %bitcast_convert_type3A_594, %add3A_596 : vector<16xi32>
          %shift_right_logical3A_598 = arith.constant 16 : i32
          %shift_right_logical3A_599 = vector.broadcast %shift_right_logical3A_598 : i32 to vector<16xi32>
          %shift_right_logical3A_600 = arith.shrui %add3A_597, %shift_right_logical3A_599 : vector<16xi32>
          %add3A_601 = vector.broadcast %scan3A : i32 to vector<16xi32>
          %add3A_602 = arith.addi %bitcast_convert_type3A_595, %add3A_601 : vector<16xi32>
          %and3A_603 = vector.broadcast %scan3A_12 : i32 to vector<16xi32>
          %and3A_604 = arith.andi %add3A_602, %and3A_603 : vector<16xi32>
          %or3A_605 = arith.ori %shift_right_logical3A_600, %and3A_604 : vector<16xi32>
          %swap3A_606 = arith.index_cast %scan3A_91 : i32 to index
          %swap3A_607 = arith.constant 336 : index
          %swap3A_608 = tpu.vector_load %arg6[%swap3A_606, %swap3A_607] {strides = array<i32>} : memref<16x513xi32, #tpu.memory_space<vmem>>, vector<16xi32>,
          tpu.vector_store %arg6[%swap3A_606, %swap3A_607], %or3A_605 {strides = array<i32>} : memref<16x513xi32, #tpu.memory_space<vmem>>, vector<16xi32>,
          %bitcast_convert_type3A_609 = tpu.bitcast %get3A_555 : vector<16xf32> -> vector<16xi32>
          %bitcast_convert_type3A_610 = tpu.bitcast %get3A_573 : vector<16xf32> -> vector<16xi32>
          %add3A_611 = vector.broadcast %scan3A : i32 to vector<16xi32>
          %add3A_612 = arith.addi %bitcast_convert_type3A_609, %add3A_611 : vector<16xi32>
          %shift_right_logical3A_613 = arith.constant 16 : i32
          %shift_right_logical3A_614 = vector.broadcast %shift_right_logical3A_613 : i32 to vector<16xi32>
          %shift_right_logical3A_615 = arith.shrui %add3A_612, %shift_right_logical3A_614 : vector<16xi32>
          %add3A_616 = vector.broadcast %scan3A : i32 to vector<16xi32>
          %add3A_617 = arith.addi %bitcast_convert_type3A_610, %add3A_616 : vector<16xi32>
          %and3A_618 = vector.broadcast %scan3A_12 : i32 to vector<16xi32>
          %and3A_619 = arith.andi %add3A_617, %and3A_618 : vector<16xi32>
          %or3A_620 = arith.ori %shift_right_logical3A_615, %and3A_619 : vector<16xi32>
          %swap3A_621 = arith.index_cast %scan3A_91 : i32 to index
          %swap3A_622 = arith.constant 352 : index
          %swap3A_623 = tpu.vector_load %arg6[%swap3A_621, %swap3A_622] {strides = array<i32>} : memref<16x513xi32, #tpu.memory_space<vmem>>, vector<16xi32>,
          tpu.vector_store %arg6[%swap3A_621, %swap3A_622], %or3A_620 {strides = array<i32>} : memref<16x513xi32, #tpu.memory_space<vmem>>, vector<16xi32>,
          %bitcast_convert_type3A_624 = tpu.bitcast %get3A_558 : vector<16xf32> -> vector<16xi32>
          %bitcast_convert_type3A_625 = tpu.bitcast %get3A_578 : vector<16xf32> -> vector<16xi32>
          %add3A_626 = vector.broadcast %scan3A : i32 to vector<16xi32>
          %add3A_627 = arith.addi %bitcast_convert_type3A_624, %add3A_626 : vector<16xi32>
          %shift_right_logical3A_628 = arith.constant 16 : i32
          %shift_right_logical3A_629 = vector.broadcast %shift_right_logical3A_628 : i32 to vector<16xi32>
          %shift_right_logical3A_630 = arith.shrui %add3A_627, %shift_right_logical3A_629 : vector<16xi32>
          %add3A_631 = vector.broadcast %scan3A : i32 to vector<16xi32>
          %add3A_632 = arith.addi %bitcast_convert_type3A_625, %add3A_631 : vector<16xi32>
          %and3A_633 = vector.broadcast %scan3A_12 : i32 to vector<16xi32>
          %and3A_634 = arith.andi %add3A_632, %and3A_633 : vector<16xi32>
          %or3A_635 = arith.ori %shift_right_logical3A_630, %and3A_634 : vector<16xi32>
          %swap3A_636 = arith.index_cast %scan3A_91 : i32 to index
          %swap3A_637 = arith.constant 368 : index
          %swap3A_638 = tpu.vector_load %arg6[%swap3A_636, %swap3A_637] {strides = array<i32>} : memref<16x513xi32, #tpu.memory_space<vmem>>, vector<16xi32>,
          tpu.vector_store %arg6[%swap3A_636, %swap3A_637], %or3A_635 {strides = array<i32>} : memref<16x513xi32, #tpu.memory_space<vmem>>, vector<16xi32>,
          %get3A_639 = arith.index_cast %scan3A_91 : i32 to index
          %get3A_640 = arith.constant 384 : index
          %get3A_641 = tpu.vector_load %arg4[%get3A_639, %get3A_640] {strides = array<i32>} : memref<32x513xf32, #tpu.memory_space<vmem>>, vector<16xf32>,
          %get3A_642 = arith.index_cast %scan3A_91 : i32 to index
          %get3A_643 = arith.constant 400 : index
          %get3A_644 = tpu.vector_load %arg4[%get3A_642, %get3A_643] {strides = array<i32>} : memref<32x513xf32, #tpu.memory_space<vmem>>, vector<16xf32>,
          %get3A_645 = arith.index_cast %scan3A_91 : i32 to index
          %get3A_646 = arith.constant 416 : index
          %get3A_647 = tpu.vector_load %arg4[%get3A_645, %get3A_646] {strides = array<i32>} : memref<32x513xf32, #tpu.memory_space<vmem>>, vector<16xf32>,
          %get3A_648 = arith.index_cast %scan3A_91 : i32 to index
          %get3A_649 = arith.constant 432 : index
          %get3A_650 = tpu.vector_load %arg4[%get3A_648, %get3A_649] {strides = array<i32>} : memref<32x513xf32, #tpu.memory_space<vmem>>, vector<16xf32>,
          %add3A_651 = arith.constant 16 : i32
          %add3A_652 = arith.addi %scan3A_91, %add3A_651 : i32
          %get3A_653 = arith.index_cast %add3A_652 : i32 to index
          %get3A_654 = arith.constant 384 : index
          %get3A_655 = tpu.vector_load %arg4[%get3A_653, %get3A_654] {strides = array<i32>} : memref<32x513xf32, #tpu.memory_space<vmem>>, vector<16xf32>,
          %add3A_656 = arith.constant 16 : i32
          %add3A_657 = arith.addi %scan3A_91, %add3A_656 : i32
          %get3A_658 = arith.index_cast %add3A_657 : i32 to index
          %get3A_659 = arith.constant 400 : index
          %get3A_660 = tpu.vector_load %arg4[%get3A_658, %get3A_659] {strides = array<i32>} : memref<32x513xf32, #tpu.memory_space<vmem>>, vector<16xf32>,
          %add3A_661 = arith.constant 16 : i32
          %add3A_662 = arith.addi %scan3A_91, %add3A_661 : i32
          %get3A_663 = arith.index_cast %add3A_662 : i32 to index
          %get3A_664 = arith.constant 416 : index
          %get3A_665 = tpu.vector_load %arg4[%get3A_663, %get3A_664] {strides = array<i32>} : memref<32x513xf32, #tpu.memory_space<vmem>>, vector<16xf32>,
          %add3A_666 = arith.constant 16 : i32
          %add3A_667 = arith.addi %scan3A_91, %add3A_666 : i32
          %get3A_668 = arith.index_cast %add3A_667 : i32 to index
          %get3A_669 = arith.constant 432 : index
          %get3A_670 = tpu.vector_load %arg4[%get3A_668, %get3A_669] {strides = array<i32>} : memref<32x513xf32, #tpu.memory_space<vmem>>, vector<16xf32>,
          %bitcast_convert_type3A_671 = tpu.bitcast %get3A_641 : vector<16xf32> -> vector<16xi32>
          %bitcast_convert_type3A_672 = tpu.bitcast %get3A_655 : vector<16xf32> -> vector<16xi32>
          %add3A_673 = vector.broadcast %scan3A : i32 to vector<16xi32>
          %add3A_674 = arith.addi %bitcast_convert_type3A_671, %add3A_673 : vector<16xi32>
          %shift_right_logical3A_675 = arith.constant 16 : i32
          %shift_right_logical3A_676 = vector.broadcast %shift_right_logical3A_675 : i32 to vector<16xi32>
          %shift_right_logical3A_677 = arith.shrui %add3A_674, %shift_right_logical3A_676 : vector<16xi32>
          %add3A_678 = vector.broadcast %scan3A : i32 to vector<16xi32>
          %add3A_679 = arith.addi %bitcast_convert_type3A_672, %add3A_678 : vector<16xi32>
          %and3A_680 = vector.broadcast %scan3A_12 : i32 to vector<16xi32>
          %and3A_681 = arith.andi %add3A_679, %and3A_680 : vector<16xi32>
          %or3A_682 = arith.ori %shift_right_logical3A_677, %and3A_681 : vector<16xi32>
          %swap3A_683 = arith.index_cast %scan3A_91 : i32 to index
          %swap3A_684 = arith.constant 384 : index
          %swap3A_685 = tpu.vector_load %arg6[%swap3A_683, %swap3A_684] {strides = array<i32>} : memref<16x513xi32, #tpu.memory_space<vmem>>, vector<16xi32>,
          tpu.vector_store %arg6[%swap3A_683, %swap3A_684], %or3A_682 {strides = array<i32>} : memref<16x513xi32, #tpu.memory_space<vmem>>, vector<16xi32>,
          %bitcast_convert_type3A_686 = tpu.bitcast %get3A_644 : vector<16xf32> -> vector<16xi32>
          %bitcast_convert_type3A_687 = tpu.bitcast %get3A_660 : vector<16xf32> -> vector<16xi32>
          %add3A_688 = vector.broadcast %scan3A : i32 to vector<16xi32>
          %add3A_689 = arith.addi %bitcast_convert_type3A_686, %add3A_688 : vector<16xi32>
          %shift_right_logical3A_690 = arith.constant 16 : i32
          %shift_right_logical3A_691 = vector.broadcast %shift_right_logical3A_690 : i32 to vector<16xi32>
          %shift_right_logical3A_692 = arith.shrui %add3A_689, %shift_right_logical3A_691 : vector<16xi32>
          %add3A_693 = vector.broadcast %scan3A : i32 to vector<16xi32>
          %add3A_694 = arith.addi %bitcast_convert_type3A_687, %add3A_693 : vector<16xi32>
          %and3A_695 = vector.broadcast %scan3A_12 : i32 to vector<16xi32>
          %and3A_696 = arith.andi %add3A_694, %and3A_695 : vector<16xi32>
          %or3A_697 = arith.ori %shift_right_logical3A_692, %and3A_696 : vector<16xi32>
          %swap3A_698 = arith.index_cast %scan3A_91 : i32 to index
          %swap3A_699 = arith.constant 400 : index
          %swap3A_700 = tpu.vector_load %arg6[%swap3A_698, %swap3A_699] {strides = array<i32>} : memref<16x513xi32, #tpu.memory_space<vmem>>, vector<16xi32>,
          tpu.vector_store %arg6[%swap3A_698, %swap3A_699], %or3A_697 {strides = array<i32>} : memref<16x513xi32, #tpu.memory_space<vmem>>, vector<16xi32>,
          %bitcast_convert_type3A_701 = tpu.bitcast %get3A_647 : vector<16xf32> -> vector<16xi32>
          %bitcast_convert_type3A_702 = tpu.bitcast %get3A_665 : vector<16xf32> -> vector<16xi32>
          %add3A_703 = vector.broadcast %scan3A : i32 to vector<16xi32>
          %add3A_704 = arith.addi %bitcast_convert_type3A_701, %add3A_703 : vector<16xi32>
          %shift_right_logical3A_705 = arith.constant 16 : i32
          %shift_right_logical3A_706 = vector.broadcast %shift_right_logical3A_705 : i32 to vector<16xi32>
          %shift_right_logical3A_707 = arith.shrui %add3A_704, %shift_right_logical3A_706 : vector<16xi32>
          %add3A_708 = vector.broadcast %scan3A : i32 to vector<16xi32>
          %add3A_709 = arith.addi %bitcast_convert_type3A_702, %add3A_708 : vector<16xi32>
          %and3A_710 = vector.broadcast %scan3A_12 : i32 to vector<16xi32>
          %and3A_711 = arith.andi %add3A_709, %and3A_710 : vector<16xi32>
          %or3A_712 = arith.ori %shift_right_logical3A_707, %and3A_711 : vector<16xi32>
          %swap3A_713 = arith.index_cast %scan3A_91 : i32 to index
          %swap3A_714 = arith.constant 416 : index
          %swap3A_715 = tpu.vector_load %arg6[%swap3A_713, %swap3A_714] {strides = array<i32>} : memref<16x513xi32, #tpu.memory_space<vmem>>, vector<16xi32>,
          tpu.vector_store %arg6[%swap3A_713, %swap3A_714], %or3A_712 {strides = array<i32>} : memref<16x513xi32, #tpu.memory_space<vmem>>, vector<16xi32>,
          %bitcast_convert_type3A_716 = tpu.bitcast %get3A_650 : vector<16xf32> -> vector<16xi32>
          %bitcast_convert_type3A_717 = tpu.bitcast %get3A_670 : vector<16xf32> -> vector<16xi32>
          %add3A_718 = vector.broadcast %scan3A : i32 to vector<16xi32>
          %add3A_719 = arith.addi %bitcast_convert_type3A_716, %add3A_718 : vector<16xi32>
          %shift_right_logical3A_720 = arith.constant 16 : i32
          %shift_right_logical3A_721 = vector.broadcast %shift_right_logical3A_720 : i32 to vector<16xi32>
          %shift_right_logical3A_722 = arith.shrui %add3A_719, %shift_right_logical3A_721 : vector<16xi32>
          %add3A_723 = vector.broadcast %scan3A : i32 to vector<16xi32>
          %add3A_724 = arith.addi %bitcast_convert_type3A_717, %add3A_723 : vector<16xi32>
          %and3A_725 = vector.broadcast %scan3A_12 : i32 to vector<16xi32>
          %and3A_726 = arith.andi %add3A_724, %and3A_725 : vector<16xi32>
          %or3A_727 = arith.ori %shift_right_logical3A_722, %and3A_726 : vector<16xi32>
          %swap3A_728 = arith.index_cast %scan3A_91 : i32 to index
          %swap3A_729 = arith.constant 432 : index
          %swap3A_730 = tpu.vector_load %arg6[%swap3A_728, %swap3A_729] {strides = array<i32>} : memref<16x513xi32, #tpu.memory_space<vmem>>, vector<16xi32>,
          tpu.vector_store %arg6[%swap3A_728, %swap3A_729], %or3A_727 {strides = array<i32>} : memref<16x513xi32, #tpu.memory_space<vmem>>, vector<16xi32>,
          %get3A_731 = arith.index_cast %scan3A_91 : i32 to index
          %get3A_732 = arith.constant 448 : index
          %get3A_733 = tpu.vector_load %arg4[%get3A_731, %get3A_732] {strides = array<i32>} : memref<32x513xf32, #tpu.memory_space<vmem>>, vector<16xf32>,
          %get3A_734 = arith.index_cast %scan3A_91 : i32 to index
          %get3A_735 = arith.constant 464 : index
          %get3A_736 = tpu.vector_load %arg4[%get3A_734, %get3A_735] {strides = array<i32>} : memref<32x513xf32, #tpu.memory_space<vmem>>, vector<16xf32>,
          %get3A_737 = arith.index_cast %scan3A_91 : i32 to index
          %get3A_738 = arith.constant 480 : index
          %get3A_739 = tpu.vector_load %arg4[%get3A_737, %get3A_738] {strides = array<i32>} : memref<32x513xf32, #tpu.memory_space<vmem>>, vector<16xf32>,
          %get3A_740 = arith.index_cast %scan3A_91 : i32 to index
          %get3A_741 = arith.constant 496 : index
          %get3A_742 = tpu.vector_load %arg4[%get3A_740, %get3A_741] {strides = array<i32>} : memref<32x513xf32, #tpu.memory_space<vmem>>, vector<16xf32>,
          %add3A_743 = arith.constant 16 : i32
          %add3A_744 = arith.addi %scan3A_91, %add3A_743 : i32
          %get3A_745 = arith.index_cast %add3A_744 : i32 to index
          %get3A_746 = arith.constant 448 : index
          %get3A_747 = tpu.vector_load %arg4[%get3A_745, %get3A_746] {strides = array<i32>} : memref<32x513xf32, #tpu.memory_space<vmem>>, vector<16xf32>,
          %add3A_748 = arith.constant 16 : i32
          %add3A_749 = arith.addi %scan3A_91, %add3A_748 : i32
          %get3A_750 = arith.index_cast %add3A_749 : i32 to index
          %get3A_751 = arith.constant 464 : index
          %get3A_752 = tpu.vector_load %arg4[%get3A_750, %get3A_751] {strides = array<i32>} : memref<32x513xf32, #tpu.memory_space<vmem>>, vector<16xf32>,
          %add3A_753 = arith.constant 16 : i32
          %add3A_754 = arith.addi %scan3A_91, %add3A_753 : i32
          %get3A_755 = arith.index_cast %add3A_754 : i32 to index
          %get3A_756 = arith.constant 480 : index
          %get3A_757 = tpu.vector_load %arg4[%get3A_755, %get3A_756] {strides = array<i32>} : memref<32x513xf32, #tpu.memory_space<vmem>>, vector<16xf32>,
          %add3A_758 = arith.constant 16 : i32
          %add3A_759 = arith.addi %scan3A_91, %add3A_758 : i32
          %get3A_760 = arith.index_cast %add3A_759 : i32 to index
          %get3A_761 = arith.constant 496 : index
          %get3A_762 = tpu.vector_load %arg4[%get3A_760, %get3A_761] {strides = array<i32>} : memref<32x513xf32, #tpu.memory_space<vmem>>, vector<16xf32>,
          %bitcast_convert_type3A_763 = tpu.bitcast %get3A_733 : vector<16xf32> -> vector<16xi32>
          %bitcast_convert_type3A_764 = tpu.bitcast %get3A_747 : vector<16xf32> -> vector<16xi32>
          %add3A_765 = vector.broadcast %scan3A : i32 to vector<16xi32>
          %add3A_766 = arith.addi %bitcast_convert_type3A_763, %add3A_765 : vector<16xi32>
          %shift_right_logical3A_767 = arith.constant 16 : i32
          %shift_right_logical3A_768 = vector.broadcast %shift_right_logical3A_767 : i32 to vector<16xi32>
          %shift_right_logical3A_769 = arith.shrui %add3A_766, %shift_right_logical3A_768 : vector<16xi32>
          %add3A_770 = vector.broadcast %scan3A : i32 to vector<16xi32>
          %add3A_771 = arith.addi %bitcast_convert_type3A_764, %add3A_770 : vector<16xi32>
          %and3A_772 = vector.broadcast %scan3A_12 : i32 to vector<16xi32>
          %and3A_773 = arith.andi %add3A_771, %and3A_772 : vector<16xi32>
          %or3A_774 = arith.ori %shift_right_logical3A_769, %and3A_773 : vector<16xi32>
          %swap3A_775 = arith.index_cast %scan3A_91 : i32 to index
          %swap3A_776 = arith.constant 448 : index
          %swap3A_777 = tpu.vector_load %arg6[%swap3A_775, %swap3A_776] {strides = array<i32>} : memref<16x513xi32, #tpu.memory_space<vmem>>, vector<16xi32>,
          tpu.vector_store %arg6[%swap3A_775, %swap3A_776], %or3A_774 {strides = array<i32>} : memref<16x513xi32, #tpu.memory_space<vmem>>, vector<16xi32>,
          %bitcast_convert_type3A_778 = tpu.bitcast %get3A_736 : vector<16xf32> -> vector<16xi32>
          %bitcast_convert_type3A_779 = tpu.bitcast %get3A_752 : vector<16xf32> -> vector<16xi32>
          %add3A_780 = vector.broadcast %scan3A : i32 to vector<16xi32>
          %add3A_781 = arith.addi %bitcast_convert_type3A_778, %add3A_780 : vector<16xi32>
          %shift_right_logical3A_782 = arith.constant 16 : i32
          %shift_right_logical3A_783 = vector.broadcast %shift_right_logical3A_782 : i32 to vector<16xi32>
          %shift_right_logical3A_784 = arith.shrui %add3A_781, %shift_right_logical3A_783 : vector<16xi32>
          %add3A_785 = vector.broadcast %scan3A : i32 to vector<16xi32>
          %add3A_786 = arith.addi %bitcast_convert_type3A_779, %add3A_785 : vector<16xi32>
          %and3A_787 = vector.broadcast %scan3A_12 : i32 to vector<16xi32>
          %and3A_788 = arith.andi %add3A_786, %and3A_787 : vector<16xi32>
          %or3A_789 = arith.ori %shift_right_logical3A_784, %and3A_788 : vector<16xi32>
          %swap3A_790 = arith.index_cast %scan3A_91 : i32 to index
          %swap3A_791 = arith.constant 464 : index
          %swap3A_792 = tpu.vector_load %arg6[%swap3A_790, %swap3A_791] {strides = array<i32>} : memref<16x513xi32, #tpu.memory_space<vmem>>, vector<16xi32>,
          tpu.vector_store %arg6[%swap3A_790, %swap3A_791], %or3A_789 {strides = array<i32>} : memref<16x513xi32, #tpu.memory_space<vmem>>, vector<16xi32>,
          %bitcast_convert_type3A_793 = tpu.bitcast %get3A_739 : vector<16xf32> -> vector<16xi32>
          %bitcast_convert_type3A_794 = tpu.bitcast %get3A_757 : vector<16xf32> -> vector<16xi32>
          %add3A_795 = vector.broadcast %scan3A : i32 to vector<16xi32>
          %add3A_796 = arith.addi %bitcast_convert_type3A_793, %add3A_795 : vector<16xi32>
          %shift_right_logical3A_797 = arith.constant 16 : i32
          %shift_right_logical3A_798 = vector.broadcast %shift_right_logical3A_797 : i32 to vector<16xi32>
          %shift_right_logical3A_799 = arith.shrui %add3A_796, %shift_right_logical3A_798 : vector<16xi32>
          %add3A_800 = vector.broadcast %scan3A : i32 to vector<16xi32>
          %add3A_801 = arith.addi %bitcast_convert_type3A_794, %add3A_800 : vector<16xi32>
          %and3A_802 = vector.broadcast %scan3A_12 : i32 to vector<16xi32>
          %and3A_803 = arith.andi %add3A_801, %and3A_802 : vector<16xi32>
          %or3A_804 = arith.ori %shift_right_logical3A_799, %and3A_803 : vector<16xi32>
          %swap3A_805 = arith.index_cast %scan3A_91 : i32 to index
          %swap3A_806 = arith.constant 480 : index
          %swap3A_807 = tpu.vector_load %arg6[%swap3A_805, %swap3A_806] {strides = array<i32>} : memref<16x513xi32, #tpu.memory_space<vmem>>, vector<16xi32>,
          tpu.vector_store %arg6[%swap3A_805, %swap3A_806], %or3A_804 {strides = array<i32>} : memref<16x513xi32, #tpu.memory_space<vmem>>, vector<16xi32>,
          %bitcast_convert_type3A_808 = tpu.bitcast %get3A_742 : vector<16xf32> -> vector<16xi32>
          %bitcast_convert_type3A_809 = tpu.bitcast %get3A_762 : vector<16xf32> -> vector<16xi32>
          %add3A_810 = vector.broadcast %scan3A : i32 to vector<16xi32>
          %add3A_811 = arith.addi %bitcast_convert_type3A_808, %add3A_810 : vector<16xi32>
          %shift_right_logical3A_812 = arith.constant 16 : i32
          %shift_right_logical3A_813 = vector.broadcast %shift_right_logical3A_812 : i32 to vector<16xi32>
          %shift_right_logical3A_814 = arith.shrui %add3A_811, %shift_right_logical3A_813 : vector<16xi32>
          %add3A_815 = vector.broadcast %scan3A : i32 to vector<16xi32>
          %add3A_816 = arith.addi %bitcast_convert_type3A_809, %add3A_815 : vector<16xi32>
          %and3A_817 = vector.broadcast %scan3A_12 : i32 to vector<16xi32>
          %and3A_818 = arith.andi %add3A_816, %and3A_817 : vector<16xi32>
          %or3A_819 = arith.ori %shift_right_logical3A_814, %and3A_818 : vector<16xi32>
          %swap3A_820 = arith.index_cast %scan3A_91 : i32 to index
          %swap3A_821 = arith.constant 496 : index
          %swap3A_822 = tpu.vector_load %arg6[%swap3A_820, %swap3A_821] {strides = array<i32>} : memref<16x513xi32, #tpu.memory_space<vmem>>, vector<16xi32>,
          tpu.vector_store %arg6[%swap3A_820, %swap3A_821], %or3A_819 {strides = array<i32>} : memref<16x513xi32, #tpu.memory_space<vmem>>, vector<16xi32>,
          %scan3A_823 = arith.constant 0 : i32
          scf.yield %scan3A_823 : i32
        }
        %scan3A_79 = arith.constant 16 : i32
        %scan3A_80 = arith.constant 0 : i32
        %scan3A_81 = arith.constant 0 : i32
        %scan3A_82 = arith.constant 128 : i32
        %scan3A_83 = arith.addi %scan3A_81, %scan3A_82 : i32
        %scan3A_84 = arith.constant 1 : i32
        %scan3A_85 = scf.for %scan3A_91 = %scan3A_81 to %scan3A_83 step %scan3A_84 iter_args(%scan3A_92 = %scan3A_80) -> (i32)  : i32 {
          %mul3A_93 = arith.constant 4 : i32
          %mul3A_94 = arith.muli %mul3A_93, %scan3A_91 : i32
          %add3A_95 = arith.constant 0 : i32
          %add3A_96 = arith.addi %mul3A_94, %add3A_95 : i32
          %broadcast_in_dim3A = vector.broadcast %add3A_96 : i32 to vector<16xi32>
          %add3A_97 = arith.constant 1 : i32
          %add3A_98 = arith.addi %mul3A_94, %add3A_97 : i32
          %broadcast_in_dim3A_99 = vector.broadcast %add3A_98 : i32 to vector<16xi32>
          %add3A_100 = arith.constant 2 : i32
          %add3A_101 = arith.addi %mul3A_94, %add3A_100 : i32
          %broadcast_in_dim3A_102 = vector.broadcast %add3A_101 : i32 to vector<16xi32>
          %add3A_103 = arith.constant 3 : i32
          %add3A_104 = arith.addi %mul3A_94, %add3A_103 : i32
          %broadcast_in_dim3A_105 = vector.broadcast %add3A_104 : i32 to vector<16xi32>
          %gather3A = tpu.vector_load_idx %arg6[%iota3A, %broadcast_in_dim3A] : memref<16x513xi32, #tpu.memory_space<vmem>>[vector<16xi32>, vector<16xi32>], vector<16xi32>,
          %gather3A_106 = tpu.vector_load_idx %arg6[%iota3A, %broadcast_in_dim3A_99] : memref<16x513xi32, #tpu.memory_space<vmem>>[vector<16xi32>, vector<16xi32>], vector<16xi32>,
          %gather3A_107 = tpu.vector_load_idx %arg6[%iota3A, %broadcast_in_dim3A_102] : memref<16x513xi32, #tpu.memory_space<vmem>>[vector<16xi32>, vector<16xi32>], vector<16xi32>,
          %gather3A_108 = tpu.vector_load_idx %arg6[%iota3A, %broadcast_in_dim3A_105] : memref<16x513xi32, #tpu.memory_space<vmem>>[vector<16xi32>, vector<16xi32>], vector<16xi32>,
          %mul3A_109 = arith.constant 16 : i32
          %mul3A_110 = arith.muli %mul3A_94, %mul3A_109 : i32
          %add3A_111 = arith.constant 0 : i32
          %add3A_112 = arith.addi %mul3A_110, %add3A_111 : i32
          %swap3A = arith.index_cast %add3A_112 : i32 to index
          %swap3A_113 = tpu.vector_load %arg7[%swap3A] {strides = array<i32>} : memref<8192xi32, #tpu.memory_space<vmem>>, vector<16xi32>,
          tpu.vector_store %arg7[%swap3A], %gather3A {strides = array<i32>} : memref<8192xi32, #tpu.memory_space<vmem>>, vector<16xi32>,
          %mul3A_114 = arith.constant 16 : i32
          %mul3A_115 = arith.muli %mul3A_94, %mul3A_114 : i32
          %add3A_116 = arith.constant 16 : i32
          %add3A_117 = arith.addi %mul3A_115, %add3A_116 : i32
          %swap3A_118 = arith.index_cast %add3A_117 : i32 to index
          %swap3A_119 = tpu.vector_load %arg7[%swap3A_118] {strides = array<i32>} : memref<8192xi32, #tpu.memory_space<vmem>>, vector<16xi32>,
          tpu.vector_store %arg7[%swap3A_118], %gather3A_106 {strides = array<i32>} : memref<8192xi32, #tpu.memory_space<vmem>>, vector<16xi32>,
          %mul3A_120 = arith.constant 16 : i32
          %mul3A_121 = arith.muli %mul3A_94, %mul3A_120 : i32
          %add3A_122 = arith.constant 32 : i32
          %add3A_123 = arith.addi %mul3A_121, %add3A_122 : i32
          %swap3A_124 = arith.index_cast %add3A_123 : i32 to index
          %swap3A_125 = tpu.vector_load %arg7[%swap3A_124] {strides = array<i32>} : memref<8192xi32, #tpu.memory_space<vmem>>, vector<16xi32>,
          tpu.vector_store %arg7[%swap3A_124], %gather3A_107 {strides = array<i32>} : memref<8192xi32, #tpu.memory_space<vmem>>, vector<16xi32>,
          %mul3A_126 = arith.constant 16 : i32
          %mul3A_127 = arith.muli %mul3A_94, %mul3A_126 : i32
          %add3A_128 = arith.constant 48 : i32
          %add3A_129 = arith.addi %mul3A_127, %add3A_128 : i32
          %swap3A_130 = arith.index_cast %add3A_129 : i32 to index
          %swap3A_131 = tpu.vector_load %arg7[%swap3A_130] {strides = array<i32>} : memref<8192xi32, #tpu.memory_space<vmem>>, vector<16xi32>,
          tpu.vector_store %arg7[%swap3A_130], %gather3A_108 {strides = array<i32>} : memref<8192xi32, #tpu.memory_space<vmem>>, vector<16xi32>,
          %scan3A_132 = arith.constant 0 : i32
          scf.yield %scan3A_132 : i32
        }
        %scan3A_86 = arith.constant 128 : i32
        %mul3A_87 = arith.constant 8192 : i32
        %mul3A_88 = arith.muli %add3A_37, %mul3A_87 : i32
        %dma_start3A_89 = tpu.memref_slice %arg3[%mul3A_88] : memref<16000000xi32, #tpu.memory_space<hbm>> -> memref<8192xi32, #tpu.memory_space<hbm>>
        %dma_start3A_90 = tpu.memref_slice %arg3[%mul3A_88] : memref<16000000xi32, #tpu.memory_space<hbm>> -> memref<8192xi32, #tpu.memory_space<hbm>>
        tpu.enqueue_dma source(%arg7 : memref<8192xi32, #tpu.memory_space<vmem>>) target(%dma_start3A_90 : memref<8192xi32, #tpu.memory_space<hbm>>) target_semaphore(%arg11 : memref<!tpu.dma_semaphore, #tpu.memory_space<semaphore_mem>>)
      } else {
      }
      %add3A_42 = arith.constant 32 : i32
      %add3A_43 = arith.addi %add3A_37, %add3A_42 : i32
      %lt3A_44 = arith.constant 1953 : i32
      %lt3A_45 = arith.cmpi slt, %add3A_43, %lt3A_44 : i32
      %convert_element_type3A_46 = arith.extui %lt3A_45 : i1 to i32
      %cond3A_47 = arith.constant 0 : i32
      %cond3A_48 = arith.cmpi ne, %convert_element_type3A_46, %cond3A_47 : i32
      scf.if %cond3A_48 {
        %add3A_50 = arith.constant 1 : i32
        %add3A_51 = arith.addi %mul3A_34, %add3A_50 : i32
        %add3A_52 = arith.constant 32 : i32
        %add3A_53 = arith.addi %add3A_37, %add3A_52 : i32
        %add3A_54 = arith.constant 32 : i32
        %add3A_55 = arith.addi %add3A_53, %add3A_54 : i32
        %lt3A_56 = arith.constant 1953 : i32
        %lt3A_57 = arith.cmpi slt, %add3A_55, %lt3A_56 : i32
        %convert_element_type3A_58 = arith.extui %lt3A_57 : i1 to i32
        %cond3A_59 = arith.constant 0 : i32
        %cond3A_60 = arith.cmpi ne, %convert_element_type3A_58, %cond3A_59 : i32
        scf.if %cond3A_60 {
          %mul3A_95 = arith.constant 512 : i32
          %mul3A_96 = arith.muli %add3A_55, %mul3A_95 : i32
          %dma_start3A_97 = arith.constant 0 : i32
          %dma_start3A_98 = arith.constant 0 : i32
          %dma_start3A_99 = tpu.memref_slice %arg4[%dma_start3A_97, %dma_start3A_98] : memref<32x513xf32, #tpu.memory_space<vmem>> -> memref<32x512xf32, #tpu.memory_space<vmem>>
          %dma_start3A_100 = arith.constant 0 : i32
          %dma_start3A_101 = tpu.memref_slice %arg2[%dma_start3A_100, %mul3A_96] : memref<32x1000000xf32, #tpu.memory_space<hbm>> -> memref<32x512xf32, #tpu.memory_space<hbm>>
          %dma_start3A_102 = arith.constant 0 : i32
          %dma_start3A_103 = arith.constant 0 : i32
          %dma_start3A_104 = tpu.memref_slice %arg4[%dma_start3A_102, %dma_start3A_103] : memref<32x513xf32, #tpu.memory_space<vmem>> -> memref<32x512xf32, #tpu.memory_space<vmem>>
          %dma_start3A_105 = arith.constant 0 : i32
          %dma_start3A_106 = tpu.memref_slice %arg2[%dma_start3A_105, %mul3A_96] : memref<32x1000000xf32, #tpu.memory_space<hbm>> -> memref<32x512xf32, #tpu.memory_space<hbm>>
          tpu.enqueue_dma source(%dma_start3A_106 : memref<32x512xf32, #tpu.memory_space<hbm>>) target(%dma_start3A_104 : memref<32x512xf32, #tpu.memory_space<vmem>>) target_semaphore(%arg10 : memref<!tpu.dma_semaphore, #tpu.memory_space<semaphore_mem>>)
        } else {
        }
        %mul3A_61 = arith.constant 512 : i32
        %mul3A_62 = arith.muli %add3A_53, %mul3A_61 : i32
        %dma_wait3A_63 = arith.constant 0 : i32
        %dma_wait3A_64 = arith.constant 0 : i32
        %dma_wait3A_65 = tpu.memref_slice %arg5[%dma_wait3A_63, %dma_wait3A_64] : memref<32x513xf32, #tpu.memory_space<vmem>> -> memref<32x512xf32, #tpu.memory_space<vmem>>
        %dma_wait3A_66 = arith.constant 0 : i32
        %dma_wait3A_67 = tpu.memref_slice %arg2[%dma_wait3A_66, %mul3A_62] : memref<32x1000000xf32, #tpu.memory_space<hbm>> -> memref<32x512xf32, #tpu.memory_space<hbm>>
        %dma_wait3A_68 = arith.constant 0 : i32
        %dma_wait3A_69 = arith.constant 0 : i32
        %dma_wait3A_70 = tpu.memref_slice %arg5[%dma_wait3A_68, %dma_wait3A_69] : memref<32x513xf32, #tpu.memory_space<vmem>> -> memref<32x512xf32, #tpu.memory_space<vmem>>
        %dma_wait3A_71 = arith.constant 0 : i32
        %dma_wait3A_72 = tpu.memref_slice %arg2[%dma_wait3A_71, %mul3A_62] : memref<32x1000000xf32, #tpu.memory_space<hbm>> -> memref<32x512xf32, #tpu.memory_space<hbm>>
        tpu.wait_dma2 semaphore(%arg10 : memref<!tpu.dma_semaphore, #tpu.memory_space<semaphore_mem>>) src(%dma_wait3A_72 : memref<32x512xf32, #tpu.memory_space<hbm>>) dst(%dma_wait3A_70 : memref<32x512xf32, #tpu.memory_space<vmem>>)
        %ge3A = arith.constant 2 : i32
        %ge3A_73 = arith.cmpi sge, %add3A_51, %ge3A : i32
        %convert_element_type3A_74 = arith.extui %ge3A_73 : i1 to i32
        %cond3A_75 = arith.constant 0 : i32
        %cond3A_76 = arith.cmpi ne, %convert_element_type3A_74, %cond3A_75 : i32
        scf.if %cond3A_76 {
          %mul3A_95 = arith.constant 8192 : i32
          %mul3A_96 = arith.muli %add3A_53, %mul3A_95 : i32
          %dma_wait3A_97 = tpu.memref_slice %arg3[%mul3A_96] : memref<16000000xi32, #tpu.memory_space<hbm>> -> memref<8192xi32, #tpu.memory_space<hbm>>
          %dma_wait3A_98 = tpu.memref_slice %arg3[%mul3A_96] : memref<16000000xi32, #tpu.memory_space<hbm>> -> memref<8192xi32, #tpu.memory_space<hbm>>
          tpu.wait_dma2 semaphore(%arg11 : memref<!tpu.dma_semaphore, #tpu.memory_space<semaphore_mem>>) src(%arg8 : memref<8192xi32, #tpu.memory_space<vmem>>) dst(%dma_wait3A_98 : memref<8192xi32, #tpu.memory_space<hbm>>)
        } else {
        }
        %scan3A_77 = arith.constant 0 : i32
        %scan3A_78 = arith.constant 0 : i32
        %scan3A_79 = arith.constant 16 : i32
        %scan3A_80 = arith.addi %scan3A_78, %scan3A_79 : i32
        %scan3A_81 = arith.constant 1 : i32
        %scan3A_82 = scf.for %scan3A_95 = %scan3A_78 to %scan3A_80 step %scan3A_81 iter_args(%scan3A_96 = %scan3A_77) -> (i32)  : i32 {
          %get3A = arith.index_cast %scan3A_95 : i32 to index
          %get3A_97 = arith.constant 0 : index
          %get3A_98 = tpu.vector_load %arg5[%get3A, %get3A_97] {strides = array<i32>} : memref<32x513xf32, #tpu.memory_space<vmem>>, vector<16xf32>,
          %get3A_99 = arith.index_cast %scan3A_95 : i32 to index
          %get3A_100 = arith.constant 16 : index
          %get3A_101 = tpu.vector_load %arg5[%get3A_99, %get3A_100] {strides = array<i32>} : memref<32x513xf32, #tpu.memory_space<vmem>>, vector<16xf32>,
          %get3A_102 = arith.index_cast %scan3A_95 : i32 to index
          %get3A_103 = arith.constant 32 : index
          %get3A_104 = tpu.vector_load %arg5[%get3A_102, %get3A_103] {strides = array<i32>} : memref<32x513xf32, #tpu.memory_space<vmem>>, vector<16xf32>,
          %get3A_105 = arith.index_cast %scan3A_95 : i32 to index
          %get3A_106 = arith.constant 48 : index
          %get3A_107 = tpu.vector_load %arg5[%get3A_105, %get3A_106] {strides = array<i32>} : memref<32x513xf32, #tpu.memory_space<vmem>>, vector<16xf32>,
          %add3A_108 = arith.constant 16 : i32
          %add3A_109 = arith.addi %scan3A_95, %add3A_108 : i32
          %get3A_110 = arith.index_cast %add3A_109 : i32 to index
          %get3A_111 = arith.constant 0 : index
          %get3A_112 = tpu.vector_load %arg5[%get3A_110, %get3A_111] {strides = array<i32>} : memref<32x513xf32, #tpu.memory_space<vmem>>, vector<16xf32>,
          %add3A_113 = arith.constant 16 : i32
          %add3A_114 = arith.addi %scan3A_95, %add3A_113 : i32
          %get3A_115 = arith.index_cast %add3A_114 : i32 to index
          %get3A_116 = arith.constant 16 : index
          %get3A_117 = tpu.vector_load %arg5[%get3A_115, %get3A_116] {strides = array<i32>} : memref<32x513xf32, #tpu.memory_space<vmem>>, vector<16xf32>,
          %add3A_118 = arith.constant 16 : i32
          %add3A_119 = arith.addi %scan3A_95, %add3A_118 : i32
          %get3A_120 = arith.index_cast %add3A_119 : i32 to index
          %get3A_121 = arith.constant 32 : index
          %get3A_122 = tpu.vector_load %arg5[%get3A_120, %get3A_121] {strides = array<i32>} : memref<32x513xf32, #tpu.memory_space<vmem>>, vector<16xf32>,
          %add3A_123 = arith.constant 16 : i32
          %add3A_124 = arith.addi %scan3A_95, %add3A_123 : i32
          %get3A_125 = arith.index_cast %add3A_124 : i32 to index
          %get3A_126 = arith.constant 48 : index
          %get3A_127 = tpu.vector_load %arg5[%get3A_125, %get3A_126] {strides = array<i32>} : memref<32x513xf32, #tpu.memory_space<vmem>>, vector<16xf32>,
          %bitcast_convert_type3A = tpu.bitcast %get3A_98 : vector<16xf32> -> vector<16xi32>
          %bitcast_convert_type3A_128 = tpu.bitcast %get3A_112 : vector<16xf32> -> vector<16xi32>
          %add3A_129 = vector.broadcast %scan3A : i32 to vector<16xi32>
          %add3A_130 = arith.addi %bitcast_convert_type3A, %add3A_129 : vector<16xi32>
          %shift_right_logical3A = arith.constant 16 : i32
          %shift_right_logical3A_131 = vector.broadcast %shift_right_logical3A : i32 to vector<16xi32>
          %shift_right_logical3A_132 = arith.shrui %add3A_130, %shift_right_logical3A_131 : vector<16xi32>
          %add3A_133 = vector.broadcast %scan3A : i32 to vector<16xi32>
          %add3A_134 = arith.addi %bitcast_convert_type3A_128, %add3A_133 : vector<16xi32>
          %and3A = vector.broadcast %scan3A_12 : i32 to vector<16xi32>
          %and3A_135 = arith.andi %add3A_134, %and3A : vector<16xi32>
          %or3A = arith.ori %shift_right_logical3A_132, %and3A_135 : vector<16xi32>
          %swap3A = arith.index_cast %scan3A_95 : i32 to index
          %swap3A_136 = arith.constant 0 : index
          %swap3A_137 = tpu.vector_load %arg6[%swap3A, %swap3A_136] {strides = array<i32>} : memref<16x513xi32, #tpu.memory_space<vmem>>, vector<16xi32>,
          tpu.vector_store %arg6[%swap3A, %swap3A_136], %or3A {strides = array<i32>} : memref<16x513xi32, #tpu.memory_space<vmem>>, vector<16xi32>,
          %bitcast_convert_type3A_138 = tpu.bitcast %get3A_101 : vector<16xf32> -> vector<16xi32>
          %bitcast_convert_type3A_139 = tpu.bitcast %get3A_117 : vector<16xf32> -> vector<16xi32>
          %add3A_140 = vector.broadcast %scan3A : i32 to vector<16xi32>
          %add3A_141 = arith.addi %bitcast_convert_type3A_138, %add3A_140 : vector<16xi32>
          %shift_right_logical3A_142 = arith.constant 16 : i32
          %shift_right_logical3A_143 = vector.broadcast %shift_right_logical3A_142 : i32 to vector<16xi32>
          %shift_right_logical3A_144 = arith.shrui %add3A_141, %shift_right_logical3A_143 : vector<16xi32>
          %add3A_145 = vector.broadcast %scan3A : i32 to vector<16xi32>
          %add3A_146 = arith.addi %bitcast_convert_type3A_139, %add3A_145 : vector<16xi32>
          %and3A_147 = vector.broadcast %scan3A_12 : i32 to vector<16xi32>
          %and3A_148 = arith.andi %add3A_146, %and3A_147 : vector<16xi32>
          %or3A_149 = arith.ori %shift_right_logical3A_144, %and3A_148 : vector<16xi32>
          %swap3A_150 = arith.index_cast %scan3A_95 : i32 to index
          %swap3A_151 = arith.constant 16 : index
          %swap3A_152 = tpu.vector_load %arg6[%swap3A_150, %swap3A_151] {strides = array<i32>} : memref<16x513xi32, #tpu.memory_space<vmem>>, vector<16xi32>,
          tpu.vector_store %arg6[%swap3A_150, %swap3A_151], %or3A_149 {strides = array<i32>} : memref<16x513xi32, #tpu.memory_space<vmem>>, vector<16xi32>,
          %bitcast_convert_type3A_153 = tpu.bitcast %get3A_104 : vector<16xf32> -> vector<16xi32>
          %bitcast_convert_type3A_154 = tpu.bitcast %get3A_122 : vector<16xf32> -> vector<16xi32>
          %add3A_155 = vector.broadcast %scan3A : i32 to vector<16xi32>
          %add3A_156 = arith.addi %bitcast_convert_type3A_153, %add3A_155 : vector<16xi32>
          %shift_right_logical3A_157 = arith.constant 16 : i32
          %shift_right_logical3A_158 = vector.broadcast %shift_right_logical3A_157 : i32 to vector<16xi32>
          %shift_right_logical3A_159 = arith.shrui %add3A_156, %shift_right_logical3A_158 : vector<16xi32>
          %add3A_160 = vector.broadcast %scan3A : i32 to vector<16xi32>
          %add3A_161 = arith.addi %bitcast_convert_type3A_154, %add3A_160 : vector<16xi32>
          %and3A_162 = vector.broadcast %scan3A_12 : i32 to vector<16xi32>
          %and3A_163 = arith.andi %add3A_161, %and3A_162 : vector<16xi32>
          %or3A_164 = arith.ori %shift_right_logical3A_159, %and3A_163 : vector<16xi32>
          %swap3A_165 = arith.index_cast %scan3A_95 : i32 to index
          %swap3A_166 = arith.constant 32 : index
          %swap3A_167 = tpu.vector_load %arg6[%swap3A_165, %swap3A_166] {strides = array<i32>} : memref<16x513xi32, #tpu.memory_space<vmem>>, vector<16xi32>,
          tpu.vector_store %arg6[%swap3A_165, %swap3A_166], %or3A_164 {strides = array<i32>} : memref<16x513xi32, #tpu.memory_space<vmem>>, vector<16xi32>,
          %bitcast_convert_type3A_168 = tpu.bitcast %get3A_107 : vector<16xf32> -> vector<16xi32>
          %bitcast_convert_type3A_169 = tpu.bitcast %get3A_127 : vector<16xf32> -> vector<16xi32>
          %add3A_170 = vector.broadcast %scan3A : i32 to vector<16xi32>
          %add3A_171 = arith.addi %bitcast_convert_type3A_168, %add3A_170 : vector<16xi32>
          %shift_right_logical3A_172 = arith.constant 16 : i32
          %shift_right_logical3A_173 = vector.broadcast %shift_right_logical3A_172 : i32 to vector<16xi32>
          %shift_right_logical3A_174 = arith.shrui %add3A_171, %shift_right_logical3A_173 : vector<16xi32>
          %add3A_175 = vector.broadcast %scan3A : i32 to vector<16xi32>
          %add3A_176 = arith.addi %bitcast_convert_type3A_169, %add3A_175 : vector<16xi32>
          %and3A_177 = vector.broadcast %scan3A_12 : i32 to vector<16xi32>
          %and3A_178 = arith.andi %add3A_176, %and3A_177 : vector<16xi32>
          %or3A_179 = arith.ori %shift_right_logical3A_174, %and3A_178 : vector<16xi32>
          %swap3A_180 = arith.index_cast %scan3A_95 : i32 to index
          %swap3A_181 = arith.constant 48 : index
          %swap3A_182 = tpu.vector_load %arg6[%swap3A_180, %swap3A_181] {strides = array<i32>} : memref<16x513xi32, #tpu.memory_space<vmem>>, vector<16xi32>,
          tpu.vector_store %arg6[%swap3A_180, %swap3A_181], %or3A_179 {strides = array<i32>} : memref<16x513xi32, #tpu.memory_space<vmem>>, vector<16xi32>,
          %get3A_183 = arith.index_cast %scan3A_95 : i32 to index
          %get3A_184 = arith.constant 64 : index
          %get3A_185 = tpu.vector_load %arg5[%get3A_183, %get3A_184] {strides = array<i32>} : memref<32x513xf32, #tpu.memory_space<vmem>>, vector<16xf32>,
          %get3A_186 = arith.index_cast %scan3A_95 : i32 to index
          %get3A_187 = arith.constant 80 : index
          %get3A_188 = tpu.vector_load %arg5[%get3A_186, %get3A_187] {strides = array<i32>} : memref<32x513xf32, #tpu.memory_space<vmem>>, vector<16xf32>,
          %get3A_189 = arith.index_cast %scan3A_95 : i32 to index
          %get3A_190 = arith.constant 96 : index
          %get3A_191 = tpu.vector_load %arg5[%get3A_189, %get3A_190] {strides = array<i32>} : memref<32x513xf32, #tpu.memory_space<vmem>>, vector<16xf32>,
          %get3A_192 = arith.index_cast %scan3A_95 : i32 to index
          %get3A_193 = arith.constant 112 : index
          %get3A_194 = tpu.vector_load %arg5[%get3A_192, %get3A_193] {strides = array<i32>} : memref<32x513xf32, #tpu.memory_space<vmem>>, vector<16xf32>,
          %add3A_195 = arith.constant 16 : i32
          %add3A_196 = arith.addi %scan3A_95, %add3A_195 : i32
          %get3A_197 = arith.index_cast %add3A_196 : i32 to index
          %get3A_198 = arith.constant 64 : index
          %get3A_199 = tpu.vector_load %arg5[%get3A_197, %get3A_198] {strides = array<i32>} : memref<32x513xf32, #tpu.memory_space<vmem>>, vector<16xf32>,
          %add3A_200 = arith.constant 16 : i32
          %add3A_201 = arith.addi %scan3A_95, %add3A_200 : i32
          %get3A_202 = arith.index_cast %add3A_201 : i32 to index
          %get3A_203 = arith.constant 80 : index
          %get3A_204 = tpu.vector_load %arg5[%get3A_202, %get3A_203] {strides = array<i32>} : memref<32x513xf32, #tpu.memory_space<vmem>>, vector<16xf32>,
          %add3A_205 = arith.constant 16 : i32
          %add3A_206 = arith.addi %scan3A_95, %add3A_205 : i32
          %get3A_207 = arith.index_cast %add3A_206 : i32 to index
          %get3A_208 = arith.constant 96 : index
          %get3A_209 = tpu.vector_load %arg5[%get3A_207, %get3A_208] {strides = array<i32>} : memref<32x513xf32, #tpu.memory_space<vmem>>, vector<16xf32>,
          %add3A_210 = arith.constant 16 : i32
          %add3A_211 = arith.addi %scan3A_95, %add3A_210 : i32
          %get3A_212 = arith.index_cast %add3A_211 : i32 to index
          %get3A_213 = arith.constant 112 : index
          %get3A_214 = tpu.vector_load %arg5[%get3A_212, %get3A_213] {strides = array<i32>} : memref<32x513xf32, #tpu.memory_space<vmem>>, vector<16xf32>,
          %bitcast_convert_type3A_215 = tpu.bitcast %get3A_185 : vector<16xf32> -> vector<16xi32>
          %bitcast_convert_type3A_216 = tpu.bitcast %get3A_199 : vector<16xf32> -> vector<16xi32>
          %add3A_217 = vector.broadcast %scan3A : i32 to vector<16xi32>
          %add3A_218 = arith.addi %bitcast_convert_type3A_215, %add3A_217 : vector<16xi32>
          %shift_right_logical3A_219 = arith.constant 16 : i32
          %shift_right_logical3A_220 = vector.broadcast %shift_right_logical3A_219 : i32 to vector<16xi32>
          %shift_right_logical3A_221 = arith.shrui %add3A_218, %shift_right_logical3A_220 : vector<16xi32>
          %add3A_222 = vector.broadcast %scan3A : i32 to vector<16xi32>
          %add3A_223 = arith.addi %bitcast_convert_type3A_216, %add3A_222 : vector<16xi32>
          %and3A_224 = vector.broadcast %scan3A_12 : i32 to vector<16xi32>
          %and3A_225 = arith.andi %add3A_223, %and3A_224 : vector<16xi32>
          %or3A_226 = arith.ori %shift_right_logical3A_221, %and3A_225 : vector<16xi32>
          %swap3A_227 = arith.index_cast %scan3A_95 : i32 to index
          %swap3A_228 = arith.constant 64 : index
          %swap3A_229 = tpu.vector_load %arg6[%swap3A_227, %swap3A_228] {strides = array<i32>} : memref<16x513xi32, #tpu.memory_space<vmem>>, vector<16xi32>,
          tpu.vector_store %arg6[%swap3A_227, %swap3A_228], %or3A_226 {strides = array<i32>} : memref<16x513xi32, #tpu.memory_space<vmem>>, vector<16xi32>,
          %bitcast_convert_type3A_230 = tpu.bitcast %get3A_188 : vector<16xf32> -> vector<16xi32>
          %bitcast_convert_type3A_231 = tpu.bitcast %get3A_204 : vector<16xf32> -> vector<16xi32>
          %add3A_232 = vector.broadcast %scan3A : i32 to vector<16xi32>
          %add3A_233 = arith.addi %bitcast_convert_type3A_230, %add3A_232 : vector<16xi32>
          %shift_right_logical3A_234 = arith.constant 16 : i32
          %shift_right_logical3A_235 = vector.broadcast %shift_right_logical3A_234 : i32 to vector<16xi32>
          %shift_right_logical3A_236 = arith.shrui %add3A_233, %shift_right_logical3A_235 : vector<16xi32>
          %add3A_237 = vector.broadcast %scan3A : i32 to vector<16xi32>
          %add3A_238 = arith.addi %bitcast_convert_type3A_231, %add3A_237 : vector<16xi32>
          %and3A_239 = vector.broadcast %scan3A_12 : i32 to vector<16xi32>
          %and3A_240 = arith.andi %add3A_238, %and3A_239 : vector<16xi32>
          %or3A_241 = arith.ori %shift_right_logical3A_236, %and3A_240 : vector<16xi32>
          %swap3A_242 = arith.index_cast %scan3A_95 : i32 to index
          %swap3A_243 = arith.constant 80 : index
          %swap3A_244 = tpu.vector_load %arg6[%swap3A_242, %swap3A_243] {strides = array<i32>} : memref<16x513xi32, #tpu.memory_space<vmem>>, vector<16xi32>,
          tpu.vector_store %arg6[%swap3A_242, %swap3A_243], %or3A_241 {strides = array<i32>} : memref<16x513xi32, #tpu.memory_space<vmem>>, vector<16xi32>,
          %bitcast_convert_type3A_245 = tpu.bitcast %get3A_191 : vector<16xf32> -> vector<16xi32>
          %bitcast_convert_type3A_246 = tpu.bitcast %get3A_209 : vector<16xf32> -> vector<16xi32>
          %add3A_247 = vector.broadcast %scan3A : i32 to vector<16xi32>
          %add3A_248 = arith.addi %bitcast_convert_type3A_245, %add3A_247 : vector<16xi32>
          %shift_right_logical3A_249 = arith.constant 16 : i32
          %shift_right_logical3A_250 = vector.broadcast %shift_right_logical3A_249 : i32 to vector<16xi32>
          %shift_right_logical3A_251 = arith.shrui %add3A_248, %shift_right_logical3A_250 : vector<16xi32>
          %add3A_252 = vector.broadcast %scan3A : i32 to vector<16xi32>
          %add3A_253 = arith.addi %bitcast_convert_type3A_246, %add3A_252 : vector<16xi32>
          %and3A_254 = vector.broadcast %scan3A_12 : i32 to vector<16xi32>
          %and3A_255 = arith.andi %add3A_253, %and3A_254 : vector<16xi32>
          %or3A_256 = arith.ori %shift_right_logical3A_251, %and3A_255 : vector<16xi32>
          %swap3A_257 = arith.index_cast %scan3A_95 : i32 to index
          %swap3A_258 = arith.constant 96 : index
          %swap3A_259 = tpu.vector_load %arg6[%swap3A_257, %swap3A_258] {strides = array<i32>} : memref<16x513xi32, #tpu.memory_space<vmem>>, vector<16xi32>,
          tpu.vector_store %arg6[%swap3A_257, %swap3A_258], %or3A_256 {strides = array<i32>} : memref<16x513xi32, #tpu.memory_space<vmem>>, vector<16xi32>,
          %bitcast_convert_type3A_260 = tpu.bitcast %get3A_194 : vector<16xf32> -> vector<16xi32>
          %bitcast_convert_type3A_261 = tpu.bitcast %get3A_214 : vector<16xf32> -> vector<16xi32>
          %add3A_262 = vector.broadcast %scan3A : i32 to vector<16xi32>
          %add3A_263 = arith.addi %bitcast_convert_type3A_260, %add3A_262 : vector<16xi32>
          %shift_right_logical3A_264 = arith.constant 16 : i32
          %shift_right_logical3A_265 = vector.broadcast %shift_right_logical3A_264 : i32 to vector<16xi32>
          %shift_right_logical3A_266 = arith.shrui %add3A_263, %shift_right_logical3A_265 : vector<16xi32>
          %add3A_267 = vector.broadcast %scan3A : i32 to vector<16xi32>
          %add3A_268 = arith.addi %bitcast_convert_type3A_261, %add3A_267 : vector<16xi32>
          %and3A_269 = vector.broadcast %scan3A_12 : i32 to vector<16xi32>
          %and3A_270 = arith.andi %add3A_268, %and3A_269 : vector<16xi32>
          %or3A_271 = arith.ori %shift_right_logical3A_266, %and3A_270 : vector<16xi32>
          %swap3A_272 = arith.index_cast %scan3A_95 : i32 to index
          %swap3A_273 = arith.constant 112 : index
          %swap3A_274 = tpu.vector_load %arg6[%swap3A_272, %swap3A_273] {strides = array<i32>} : memref<16x513xi32, #tpu.memory_space<vmem>>, vector<16xi32>,
          tpu.vector_store %arg6[%swap3A_272, %swap3A_273], %or3A_271 {strides = array<i32>} : memref<16x513xi32, #tpu.memory_space<vmem>>, vector<16xi32>,
          %get3A_275 = arith.index_cast %scan3A_95 : i32 to index
          %get3A_276 = arith.constant 128 : index
          %get3A_277 = tpu.vector_load %arg5[%get3A_275, %get3A_276] {strides = array<i32>} : memref<32x513xf32, #tpu.memory_space<vmem>>, vector<16xf32>,
          %get3A_278 = arith.index_cast %scan3A_95 : i32 to index
          %get3A_279 = arith.constant 144 : index
          %get3A_280 = tpu.vector_load %arg5[%get3A_278, %get3A_279] {strides = array<i32>} : memref<32x513xf32, #tpu.memory_space<vmem>>, vector<16xf32>,
          %get3A_281 = arith.index_cast %scan3A_95 : i32 to index
          %get3A_282 = arith.constant 160 : index
          %get3A_283 = tpu.vector_load %arg5[%get3A_281, %get3A_282] {strides = array<i32>} : memref<32x513xf32, #tpu.memory_space<vmem>>, vector<16xf32>,
          %get3A_284 = arith.index_cast %scan3A_95 : i32 to index
          %get3A_285 = arith.constant 176 : index
          %get3A_286 = tpu.vector_load %arg5[%get3A_284, %get3A_285] {strides = array<i32>} : memref<32x513xf32, #tpu.memory_space<vmem>>, vector<16xf32>,
          %add3A_287 = arith.constant 16 : i32
          %add3A_288 = arith.addi %scan3A_95, %add3A_287 : i32
          %get3A_289 = arith.index_cast %add3A_288 : i32 to index
          %get3A_290 = arith.constant 128 : index
          %get3A_291 = tpu.vector_load %arg5[%get3A_289, %get3A_290] {strides = array<i32>} : memref<32x513xf32, #tpu.memory_space<vmem>>, vector<16xf32>,
          %add3A_292 = arith.constant 16 : i32
          %add3A_293 = arith.addi %scan3A_95, %add3A_292 : i32
          %get3A_294 = arith.index_cast %add3A_293 : i32 to index
          %get3A_295 = arith.constant 144 : index
          %get3A_296 = tpu.vector_load %arg5[%get3A_294, %get3A_295] {strides = array<i32>} : memref<32x513xf32, #tpu.memory_space<vmem>>, vector<16xf32>,
          %add3A_297 = arith.constant 16 : i32
          %add3A_298 = arith.addi %scan3A_95, %add3A_297 : i32
          %get3A_299 = arith.index_cast %add3A_298 : i32 to index
          %get3A_300 = arith.constant 160 : index
          %get3A_301 = tpu.vector_load %arg5[%get3A_299, %get3A_300] {strides = array<i32>} : memref<32x513xf32, #tpu.memory_space<vmem>>, vector<16xf32>,
          %add3A_302 = arith.constant 16 : i32
          %add3A_303 = arith.addi %scan3A_95, %add3A_302 : i32
          %get3A_304 = arith.index_cast %add3A_303 : i32 to index
          %get3A_305 = arith.constant 176 : index
          %get3A_306 = tpu.vector_load %arg5[%get3A_304, %get3A_305] {strides = array<i32>} : memref<32x513xf32, #tpu.memory_space<vmem>>, vector<16xf32>,
          %bitcast_convert_type3A_307 = tpu.bitcast %get3A_277 : vector<16xf32> -> vector<16xi32>
          %bitcast_convert_type3A_308 = tpu.bitcast %get3A_291 : vector<16xf32> -> vector<16xi32>
          %add3A_309 = vector.broadcast %scan3A : i32 to vector<16xi32>
          %add3A_310 = arith.addi %bitcast_convert_type3A_307, %add3A_309 : vector<16xi32>
          %shift_right_logical3A_311 = arith.constant 16 : i32
          %shift_right_logical3A_312 = vector.broadcast %shift_right_logical3A_311 : i32 to vector<16xi32>
          %shift_right_logical3A_313 = arith.shrui %add3A_310, %shift_right_logical3A_312 : vector<16xi32>
          %add3A_314 = vector.broadcast %scan3A : i32 to vector<16xi32>
          %add3A_315 = arith.addi %bitcast_convert_type3A_308, %add3A_314 : vector<16xi32>
          %and3A_316 = vector.broadcast %scan3A_12 : i32 to vector<16xi32>
          %and3A_317 = arith.andi %add3A_315, %and3A_316 : vector<16xi32>
          %or3A_318 = arith.ori %shift_right_logical3A_313, %and3A_317 : vector<16xi32>
          %swap3A_319 = arith.index_cast %scan3A_95 : i32 to index
          %swap3A_320 = arith.constant 128 : index
          %swap3A_321 = tpu.vector_load %arg6[%swap3A_319, %swap3A_320] {strides = array<i32>} : memref<16x513xi32, #tpu.memory_space<vmem>>, vector<16xi32>,
          tpu.vector_store %arg6[%swap3A_319, %swap3A_320], %or3A_318 {strides = array<i32>} : memref<16x513xi32, #tpu.memory_space<vmem>>, vector<16xi32>,
          %bitcast_convert_type3A_322 = tpu.bitcast %get3A_280 : vector<16xf32> -> vector<16xi32>
          %bitcast_convert_type3A_323 = tpu.bitcast %get3A_296 : vector<16xf32> -> vector<16xi32>
          %add3A_324 = vector.broadcast %scan3A : i32 to vector<16xi32>
          %add3A_325 = arith.addi %bitcast_convert_type3A_322, %add3A_324 : vector<16xi32>
          %shift_right_logical3A_326 = arith.constant 16 : i32
          %shift_right_logical3A_327 = vector.broadcast %shift_right_logical3A_326 : i32 to vector<16xi32>
          %shift_right_logical3A_328 = arith.shrui %add3A_325, %shift_right_logical3A_327 : vector<16xi32>
          %add3A_329 = vector.broadcast %scan3A : i32 to vector<16xi32>
          %add3A_330 = arith.addi %bitcast_convert_type3A_323, %add3A_329 : vector<16xi32>
          %and3A_331 = vector.broadcast %scan3A_12 : i32 to vector<16xi32>
          %and3A_332 = arith.andi %add3A_330, %and3A_331 : vector<16xi32>
          %or3A_333 = arith.ori %shift_right_logical3A_328, %and3A_332 : vector<16xi32>
          %swap3A_334 = arith.index_cast %scan3A_95 : i32 to index
          %swap3A_335 = arith.constant 144 : index
          %swap3A_336 = tpu.vector_load %arg6[%swap3A_334, %swap3A_335] {strides = array<i32>} : memref<16x513xi32, #tpu.memory_space<vmem>>, vector<16xi32>,
          tpu.vector_store %arg6[%swap3A_334, %swap3A_335], %or3A_333 {strides = array<i32>} : memref<16x513xi32, #tpu.memory_space<vmem>>, vector<16xi32>,
          %bitcast_convert_type3A_337 = tpu.bitcast %get3A_283 : vector<16xf32> -> vector<16xi32>
          %bitcast_convert_type3A_338 = tpu.bitcast %get3A_301 : vector<16xf32> -> vector<16xi32>
          %add3A_339 = vector.broadcast %scan3A : i32 to vector<16xi32>
          %add3A_340 = arith.addi %bitcast_convert_type3A_337, %add3A_339 : vector<16xi32>
          %shift_right_logical3A_341 = arith.constant 16 : i32
          %shift_right_logical3A_342 = vector.broadcast %shift_right_logical3A_341 : i32 to vector<16xi32>
          %shift_right_logical3A_343 = arith.shrui %add3A_340, %shift_right_logical3A_342 : vector<16xi32>
          %add3A_344 = vector.broadcast %scan3A : i32 to vector<16xi32>
          %add3A_345 = arith.addi %bitcast_convert_type3A_338, %add3A_344 : vector<16xi32>
          %and3A_346 = vector.broadcast %scan3A_12 : i32 to vector<16xi32>
          %and3A_347 = arith.andi %add3A_345, %and3A_346 : vector<16xi32>
          %or3A_348 = arith.ori %shift_right_logical3A_343, %and3A_347 : vector<16xi32>
          %swap3A_349 = arith.index_cast %scan3A_95 : i32 to index
          %swap3A_350 = arith.constant 160 : index
          %swap3A_351 = tpu.vector_load %arg6[%swap3A_349, %swap3A_350] {strides = array<i32>} : memref<16x513xi32, #tpu.memory_space<vmem>>, vector<16xi32>,
          tpu.vector_store %arg6[%swap3A_349, %swap3A_350], %or3A_348 {strides = array<i32>} : memref<16x513xi32, #tpu.memory_space<vmem>>, vector<16xi32>,
          %bitcast_convert_type3A_352 = tpu.bitcast %get3A_286 : vector<16xf32> -> vector<16xi32>
          %bitcast_convert_type3A_353 = tpu.bitcast %get3A_306 : vector<16xf32> -> vector<16xi32>
          %add3A_354 = vector.broadcast %scan3A : i32 to vector<16xi32>
          %add3A_355 = arith.addi %bitcast_convert_type3A_352, %add3A_354 : vector<16xi32>
          %shift_right_logical3A_356 = arith.constant 16 : i32
          %shift_right_logical3A_357 = vector.broadcast %shift_right_logical3A_356 : i32 to vector<16xi32>
          %shift_right_logical3A_358 = arith.shrui %add3A_355, %shift_right_logical3A_357 : vector<16xi32>
          %add3A_359 = vector.broadcast %scan3A : i32 to vector<16xi32>
          %add3A_360 = arith.addi %bitcast_convert_type3A_353, %add3A_359 : vector<16xi32>
          %and3A_361 = vector.broadcast %scan3A_12 : i32 to vector<16xi32>
          %and3A_362 = arith.andi %add3A_360, %and3A_361 : vector<16xi32>
          %or3A_363 = arith.ori %shift_right_logical3A_358, %and3A_362 : vector<16xi32>
          %swap3A_364 = arith.index_cast %scan3A_95 : i32 to index
          %swap3A_365 = arith.constant 176 : index
          %swap3A_366 = tpu.vector_load %arg6[%swap3A_364, %swap3A_365] {strides = array<i32>} : memref<16x513xi32, #tpu.memory_space<vmem>>, vector<16xi32>,
          tpu.vector_store %arg6[%swap3A_364, %swap3A_365], %or3A_363 {strides = array<i32>} : memref<16x513xi32, #tpu.memory_space<vmem>>, vector<16xi32>,
          %get3A_367 = arith.index_cast %scan3A_95 : i32 to index
          %get3A_368 = arith.constant 192 : index
          %get3A_369 = tpu.vector_load %arg5[%get3A_367, %get3A_368] {strides = array<i32>} : memref<32x513xf32, #tpu.memory_space<vmem>>, vector<16xf32>,
          %get3A_370 = arith.index_cast %scan3A_95 : i32 to index
          %get3A_371 = arith.constant 208 : index
          %get3A_372 = tpu.vector_load %arg5[%get3A_370, %get3A_371] {strides = array<i32>} : memref<32x513xf32, #tpu.memory_space<vmem>>, vector<16xf32>,
          %get3A_373 = arith.index_cast %scan3A_95 : i32 to index
          %get3A_374 = arith.constant 224 : index
          %get3A_375 = tpu.vector_load %arg5[%get3A_373, %get3A_374] {strides = array<i32>} : memref<32x513xf32, #tpu.memory_space<vmem>>, vector<16xf32>,
          %get3A_376 = arith.index_cast %scan3A_95 : i32 to index
          %get3A_377 = arith.constant 240 : index
          %get3A_378 = tpu.vector_load %arg5[%get3A_376, %get3A_377] {strides = array<i32>} : memref<32x513xf32, #tpu.memory_space<vmem>>, vector<16xf32>,
          %add3A_379 = arith.constant 16 : i32
          %add3A_380 = arith.addi %scan3A_95, %add3A_379 : i32
          %get3A_381 = arith.index_cast %add3A_380 : i32 to index
          %get3A_382 = arith.constant 192 : index
          %get3A_383 = tpu.vector_load %arg5[%get3A_381, %get3A_382] {strides = array<i32>} : memref<32x513xf32, #tpu.memory_space<vmem>>, vector<16xf32>,
          %add3A_384 = arith.constant 16 : i32
          %add3A_385 = arith.addi %scan3A_95, %add3A_384 : i32
          %get3A_386 = arith.index_cast %add3A_385 : i32 to index
          %get3A_387 = arith.constant 208 : index
          %get3A_388 = tpu.vector_load %arg5[%get3A_386, %get3A_387] {strides = array<i32>} : memref<32x513xf32, #tpu.memory_space<vmem>>, vector<16xf32>,
          %add3A_389 = arith.constant 16 : i32
          %add3A_390 = arith.addi %scan3A_95, %add3A_389 : i32
          %get3A_391 = arith.index_cast %add3A_390 : i32 to index
          %get3A_392 = arith.constant 224 : index
          %get3A_393 = tpu.vector_load %arg5[%get3A_391, %get3A_392] {strides = array<i32>} : memref<32x513xf32, #tpu.memory_space<vmem>>, vector<16xf32>,
          %add3A_394 = arith.constant 16 : i32
          %add3A_395 = arith.addi %scan3A_95, %add3A_394 : i32
          %get3A_396 = arith.index_cast %add3A_395 : i32 to index
          %get3A_397 = arith.constant 240 : index
          %get3A_398 = tpu.vector_load %arg5[%get3A_396, %get3A_397] {strides = array<i32>} : memref<32x513xf32, #tpu.memory_space<vmem>>, vector<16xf32>,
          %bitcast_convert_type3A_399 = tpu.bitcast %get3A_369 : vector<16xf32> -> vector<16xi32>
          %bitcast_convert_type3A_400 = tpu.bitcast %get3A_383 : vector<16xf32> -> vector<16xi32>
          %add3A_401 = vector.broadcast %scan3A : i32 to vector<16xi32>
          %add3A_402 = arith.addi %bitcast_convert_type3A_399, %add3A_401 : vector<16xi32>
          %shift_right_logical3A_403 = arith.constant 16 : i32
          %shift_right_logical3A_404 = vector.broadcast %shift_right_logical3A_403 : i32 to vector<16xi32>
          %shift_right_logical3A_405 = arith.shrui %add3A_402, %shift_right_logical3A_404 : vector<16xi32>
          %add3A_406 = vector.broadcast %scan3A : i32 to vector<16xi32>
          %add3A_407 = arith.addi %bitcast_convert_type3A_400, %add3A_406 : vector<16xi32>
          %and3A_408 = vector.broadcast %scan3A_12 : i32 to vector<16xi32>
          %and3A_409 = arith.andi %add3A_407, %and3A_408 : vector<16xi32>
          %or3A_410 = arith.ori %shift_right_logical3A_405, %and3A_409 : vector<16xi32>
          %swap3A_411 = arith.index_cast %scan3A_95 : i32 to index
          %swap3A_412 = arith.constant 192 : index
          %swap3A_413 = tpu.vector_load %arg6[%swap3A_411, %swap3A_412] {strides = array<i32>} : memref<16x513xi32, #tpu.memory_space<vmem>>, vector<16xi32>,
          tpu.vector_store %arg6[%swap3A_411, %swap3A_412], %or3A_410 {strides = array<i32>} : memref<16x513xi32, #tpu.memory_space<vmem>>, vector<16xi32>,
          %bitcast_convert_type3A_414 = tpu.bitcast %get3A_372 : vector<16xf32> -> vector<16xi32>
          %bitcast_convert_type3A_415 = tpu.bitcast %get3A_388 : vector<16xf32> -> vector<16xi32>
          %add3A_416 = vector.broadcast %scan3A : i32 to vector<16xi32>
          %add3A_417 = arith.addi %bitcast_convert_type3A_414, %add3A_416 : vector<16xi32>
          %shift_right_logical3A_418 = arith.constant 16 : i32
          %shift_right_logical3A_419 = vector.broadcast %shift_right_logical3A_418 : i32 to vector<16xi32>
          %shift_right_logical3A_420 = arith.shrui %add3A_417, %shift_right_logical3A_419 : vector<16xi32>
          %add3A_421 = vector.broadcast %scan3A : i32 to vector<16xi32>
          %add3A_422 = arith.addi %bitcast_convert_type3A_415, %add3A_421 : vector<16xi32>
          %and3A_423 = vector.broadcast %scan3A_12 : i32 to vector<16xi32>
          %and3A_424 = arith.andi %add3A_422, %and3A_423 : vector<16xi32>
          %or3A_425 = arith.ori %shift_right_logical3A_420, %and3A_424 : vector<16xi32>
          %swap3A_426 = arith.index_cast %scan3A_95 : i32 to index
          %swap3A_427 = arith.constant 208 : index
          %swap3A_428 = tpu.vector_load %arg6[%swap3A_426, %swap3A_427] {strides = array<i32>} : memref<16x513xi32, #tpu.memory_space<vmem>>, vector<16xi32>,
          tpu.vector_store %arg6[%swap3A_426, %swap3A_427], %or3A_425 {strides = array<i32>} : memref<16x513xi32, #tpu.memory_space<vmem>>, vector<16xi32>,
          %bitcast_convert_type3A_429 = tpu.bitcast %get3A_375 : vector<16xf32> -> vector<16xi32>
          %bitcast_convert_type3A_430 = tpu.bitcast %get3A_393 : vector<16xf32> -> vector<16xi32>
          %add3A_431 = vector.broadcast %scan3A : i32 to vector<16xi32>
          %add3A_432 = arith.addi %bitcast_convert_type3A_429, %add3A_431 : vector<16xi32>
          %shift_right_logical3A_433 = arith.constant 16 : i32
          %shift_right_logical3A_434 = vector.broadcast %shift_right_logical3A_433 : i32 to vector<16xi32>
          %shift_right_logical3A_435 = arith.shrui %add3A_432, %shift_right_logical3A_434 : vector<16xi32>
          %add3A_436 = vector.broadcast %scan3A : i32 to vector<16xi32>
          %add3A_437 = arith.addi %bitcast_convert_type3A_430, %add3A_436 : vector<16xi32>
          %and3A_438 = vector.broadcast %scan3A_12 : i32 to vector<16xi32>
          %and3A_439 = arith.andi %add3A_437, %and3A_438 : vector<16xi32>
          %or3A_440 = arith.ori %shift_right_logical3A_435, %and3A_439 : vector<16xi32>
          %swap3A_441 = arith.index_cast %scan3A_95 : i32 to index
          %swap3A_442 = arith.constant 224 : index
          %swap3A_443 = tpu.vector_load %arg6[%swap3A_441, %swap3A_442] {strides = array<i32>} : memref<16x513xi32, #tpu.memory_space<vmem>>, vector<16xi32>,
          tpu.vector_store %arg6[%swap3A_441, %swap3A_442], %or3A_440 {strides = array<i32>} : memref<16x513xi32, #tpu.memory_space<vmem>>, vector<16xi32>,
          %bitcast_convert_type3A_444 = tpu.bitcast %get3A_378 : vector<16xf32> -> vector<16xi32>
          %bitcast_convert_type3A_445 = tpu.bitcast %get3A_398 : vector<16xf32> -> vector<16xi32>
          %add3A_446 = vector.broadcast %scan3A : i32 to vector<16xi32>
          %add3A_447 = arith.addi %bitcast_convert_type3A_444, %add3A_446 : vector<16xi32>
          %shift_right_logical3A_448 = arith.constant 16 : i32
          %shift_right_logical3A_449 = vector.broadcast %shift_right_logical3A_448 : i32 to vector<16xi32>
          %shift_right_logical3A_450 = arith.shrui %add3A_447, %shift_right_logical3A_449 : vector<16xi32>
          %add3A_451 = vector.broadcast %scan3A : i32 to vector<16xi32>
          %add3A_452 = arith.addi %bitcast_convert_type3A_445, %add3A_451 : vector<16xi32>
          %and3A_453 = vector.broadcast %scan3A_12 : i32 to vector<16xi32>
          %and3A_454 = arith.andi %add3A_452, %and3A_453 : vector<16xi32>
          %or3A_455 = arith.ori %shift_right_logical3A_450, %and3A_454 : vector<16xi32>
          %swap3A_456 = arith.index_cast %scan3A_95 : i32 to index
          %swap3A_457 = arith.constant 240 : index
          %swap3A_458 = tpu.vector_load %arg6[%swap3A_456, %swap3A_457] {strides = array<i32>} : memref<16x513xi32, #tpu.memory_space<vmem>>, vector<16xi32>,
          tpu.vector_store %arg6[%swap3A_456, %swap3A_457], %or3A_455 {strides = array<i32>} : memref<16x513xi32, #tpu.memory_space<vmem>>, vector<16xi32>,
          %get3A_459 = arith.index_cast %scan3A_95 : i32 to index
          %get3A_460 = arith.constant 256 : index
          %get3A_461 = tpu.vector_load %arg5[%get3A_459, %get3A_460] {strides = array<i32>} : memref<32x513xf32, #tpu.memory_space<vmem>>, vector<16xf32>,
          %get3A_462 = arith.index_cast %scan3A_95 : i32 to index
          %get3A_463 = arith.constant 272 : index
          %get3A_464 = tpu.vector_load %arg5[%get3A_462, %get3A_463] {strides = array<i32>} : memref<32x513xf32, #tpu.memory_space<vmem>>, vector<16xf32>,
          %get3A_465 = arith.index_cast %scan3A_95 : i32 to index
          %get3A_466 = arith.constant 288 : index
          %get3A_467 = tpu.vector_load %arg5[%get3A_465, %get3A_466] {strides = array<i32>} : memref<32x513xf32, #tpu.memory_space<vmem>>, vector<16xf32>,
          %get3A_468 = arith.index_cast %scan3A_95 : i32 to index
          %get3A_469 = arith.constant 304 : index
          %get3A_470 = tpu.vector_load %arg5[%get3A_468, %get3A_469] {strides = array<i32>} : memref<32x513xf32, #tpu.memory_space<vmem>>, vector<16xf32>,
          %add3A_471 = arith.constant 16 : i32
          %add3A_472 = arith.addi %scan3A_95, %add3A_471 : i32
          %get3A_473 = arith.index_cast %add3A_472 : i32 to index
          %get3A_474 = arith.constant 256 : index
          %get3A_475 = tpu.vector_load %arg5[%get3A_473, %get3A_474] {strides = array<i32>} : memref<32x513xf32, #tpu.memory_space<vmem>>, vector<16xf32>,
          %add3A_476 = arith.constant 16 : i32
          %add3A_477 = arith.addi %scan3A_95, %add3A_476 : i32
          %get3A_478 = arith.index_cast %add3A_477 : i32 to index
          %get3A_479 = arith.constant 272 : index
          %get3A_480 = tpu.vector_load %arg5[%get3A_478, %get3A_479] {strides = array<i32>} : memref<32x513xf32, #tpu.memory_space<vmem>>, vector<16xf32>,
          %add3A_481 = arith.constant 16 : i32
          %add3A_482 = arith.addi %scan3A_95, %add3A_481 : i32
          %get3A_483 = arith.index_cast %add3A_482 : i32 to index
          %get3A_484 = arith.constant 288 : index
          %get3A_485 = tpu.vector_load %arg5[%get3A_483, %get3A_484] {strides = array<i32>} : memref<32x513xf32, #tpu.memory_space<vmem>>, vector<16xf32>,
          %add3A_486 = arith.constant 16 : i32
          %add3A_487 = arith.addi %scan3A_95, %add3A_486 : i32
          %get3A_488 = arith.index_cast %add3A_487 : i32 to index
          %get3A_489 = arith.constant 304 : index
          %get3A_490 = tpu.vector_load %arg5[%get3A_488, %get3A_489] {strides = array<i32>} : memref<32x513xf32, #tpu.memory_space<vmem>>, vector<16xf32>,
          %bitcast_convert_type3A_491 = tpu.bitcast %get3A_461 : vector<16xf32> -> vector<16xi32>
          %bitcast_convert_type3A_492 = tpu.bitcast %get3A_475 : vector<16xf32> -> vector<16xi32>
          %add3A_493 = vector.broadcast %scan3A : i32 to vector<16xi32>
          %add3A_494 = arith.addi %bitcast_convert_type3A_491, %add3A_493 : vector<16xi32>
          %shift_right_logical3A_495 = arith.constant 16 : i32
          %shift_right_logical3A_496 = vector.broadcast %shift_right_logical3A_495 : i32 to vector<16xi32>
          %shift_right_logical3A_497 = arith.shrui %add3A_494, %shift_right_logical3A_496 : vector<16xi32>
          %add3A_498 = vector.broadcast %scan3A : i32 to vector<16xi32>
          %add3A_499 = arith.addi %bitcast_convert_type3A_492, %add3A_498 : vector<16xi32>
          %and3A_500 = vector.broadcast %scan3A_12 : i32 to vector<16xi32>
          %and3A_501 = arith.andi %add3A_499, %and3A_500 : vector<16xi32>
          %or3A_502 = arith.ori %shift_right_logical3A_497, %and3A_501 : vector<16xi32>
          %swap3A_503 = arith.index_cast %scan3A_95 : i32 to index
          %swap3A_504 = arith.constant 256 : index
          %swap3A_505 = tpu.vector_load %arg6[%swap3A_503, %swap3A_504] {strides = array<i32>} : memref<16x513xi32, #tpu.memory_space<vmem>>, vector<16xi32>,
          tpu.vector_store %arg6[%swap3A_503, %swap3A_504], %or3A_502 {strides = array<i32>} : memref<16x513xi32, #tpu.memory_space<vmem>>, vector<16xi32>,
          %bitcast_convert_type3A_506 = tpu.bitcast %get3A_464 : vector<16xf32> -> vector<16xi32>
          %bitcast_convert_type3A_507 = tpu.bitcast %get3A_480 : vector<16xf32> -> vector<16xi32>
          %add3A_508 = vector.broadcast %scan3A : i32 to vector<16xi32>
          %add3A_509 = arith.addi %bitcast_convert_type3A_506, %add3A_508 : vector<16xi32>
          %shift_right_logical3A_510 = arith.constant 16 : i32
          %shift_right_logical3A_511 = vector.broadcast %shift_right_logical3A_510 : i32 to vector<16xi32>
          %shift_right_logical3A_512 = arith.shrui %add3A_509, %shift_right_logical3A_511 : vector<16xi32>
          %add3A_513 = vector.broadcast %scan3A : i32 to vector<16xi32>
          %add3A_514 = arith.addi %bitcast_convert_type3A_507, %add3A_513 : vector<16xi32>
          %and3A_515 = vector.broadcast %scan3A_12 : i32 to vector<16xi32>
          %and3A_516 = arith.andi %add3A_514, %and3A_515 : vector<16xi32>
          %or3A_517 = arith.ori %shift_right_logical3A_512, %and3A_516 : vector<16xi32>
          %swap3A_518 = arith.index_cast %scan3A_95 : i32 to index
          %swap3A_519 = arith.constant 272 : index
          %swap3A_520 = tpu.vector_load %arg6[%swap3A_518, %swap3A_519] {strides = array<i32>} : memref<16x513xi32, #tpu.memory_space<vmem>>, vector<16xi32>,
          tpu.vector_store %arg6[%swap3A_518, %swap3A_519], %or3A_517 {strides = array<i32>} : memref<16x513xi32, #tpu.memory_space<vmem>>, vector<16xi32>,
          %bitcast_convert_type3A_521 = tpu.bitcast %get3A_467 : vector<16xf32> -> vector<16xi32>
          %bitcast_convert_type3A_522 = tpu.bitcast %get3A_485 : vector<16xf32> -> vector<16xi32>
          %add3A_523 = vector.broadcast %scan3A : i32 to vector<16xi32>
          %add3A_524 = arith.addi %bitcast_convert_type3A_521, %add3A_523 : vector<16xi32>
          %shift_right_logical3A_525 = arith.constant 16 : i32
          %shift_right_logical3A_526 = vector.broadcast %shift_right_logical3A_525 : i32 to vector<16xi32>
          %shift_right_logical3A_527 = arith.shrui %add3A_524, %shift_right_logical3A_526 : vector<16xi32>
          %add3A_528 = vector.broadcast %scan3A : i32 to vector<16xi32>
          %add3A_529 = arith.addi %bitcast_convert_type3A_522, %add3A_528 : vector<16xi32>
          %and3A_530 = vector.broadcast %scan3A_12 : i32 to vector<16xi32>
          %and3A_531 = arith.andi %add3A_529, %and3A_530 : vector<16xi32>
          %or3A_532 = arith.ori %shift_right_logical3A_527, %and3A_531 : vector<16xi32>
          %swap3A_533 = arith.index_cast %scan3A_95 : i32 to index
          %swap3A_534 = arith.constant 288 : index
          %swap3A_535 = tpu.vector_load %arg6[%swap3A_533, %swap3A_534] {strides = array<i32>} : memref<16x513xi32, #tpu.memory_space<vmem>>, vector<16xi32>,
          tpu.vector_store %arg6[%swap3A_533, %swap3A_534], %or3A_532 {strides = array<i32>} : memref<16x513xi32, #tpu.memory_space<vmem>>, vector<16xi32>,
          %bitcast_convert_type3A_536 = tpu.bitcast %get3A_470 : vector<16xf32> -> vector<16xi32>
          %bitcast_convert_type3A_537 = tpu.bitcast %get3A_490 : vector<16xf32> -> vector<16xi32>
          %add3A_538 = vector.broadcast %scan3A : i32 to vector<16xi32>
          %add3A_539 = arith.addi %bitcast_convert_type3A_536, %add3A_538 : vector<16xi32>
          %shift_right_logical3A_540 = arith.constant 16 : i32
          %shift_right_logical3A_541 = vector.broadcast %shift_right_logical3A_540 : i32 to vector<16xi32>
          %shift_right_logical3A_542 = arith.shrui %add3A_539, %shift_right_logical3A_541 : vector<16xi32>
          %add3A_543 = vector.broadcast %scan3A : i32 to vector<16xi32>
          %add3A_544 = arith.addi %bitcast_convert_type3A_537, %add3A_543 : vector<16xi32>
          %and3A_545 = vector.broadcast %scan3A_12 : i32 to vector<16xi32>
          %and3A_546 = arith.andi %add3A_544, %and3A_545 : vector<16xi32>
          %or3A_547 = arith.ori %shift_right_logical3A_542, %and3A_546 : vector<16xi32>
          %swap3A_548 = arith.index_cast %scan3A_95 : i32 to index
          %swap3A_549 = arith.constant 304 : index
          %swap3A_550 = tpu.vector_load %arg6[%swap3A_548, %swap3A_549] {strides = array<i32>} : memref<16x513xi32, #tpu.memory_space<vmem>>, vector<16xi32>,
          tpu.vector_store %arg6[%swap3A_548, %swap3A_549], %or3A_547 {strides = array<i32>} : memref<16x513xi32, #tpu.memory_space<vmem>>, vector<16xi32>,
          %get3A_551 = arith.index_cast %scan3A_95 : i32 to index
          %get3A_552 = arith.constant 320 : index
          %get3A_553 = tpu.vector_load %arg5[%get3A_551, %get3A_552] {strides = array<i32>} : memref<32x513xf32, #tpu.memory_space<vmem>>, vector<16xf32>,
          %get3A_554 = arith.index_cast %scan3A_95 : i32 to index
          %get3A_555 = arith.constant 336 : index
          %get3A_556 = tpu.vector_load %arg5[%get3A_554, %get3A_555] {strides = array<i32>} : memref<32x513xf32, #tpu.memory_space<vmem>>, vector<16xf32>,
          %get3A_557 = arith.index_cast %scan3A_95 : i32 to index
          %get3A_558 = arith.constant 352 : index
          %get3A_559 = tpu.vector_load %arg5[%get3A_557, %get3A_558] {strides = array<i32>} : memref<32x513xf32, #tpu.memory_space<vmem>>, vector<16xf32>,
          %get3A_560 = arith.index_cast %scan3A_95 : i32 to index
          %get3A_561 = arith.constant 368 : index
          %get3A_562 = tpu.vector_load %arg5[%get3A_560, %get3A_561] {strides = array<i32>} : memref<32x513xf32, #tpu.memory_space<vmem>>, vector<16xf32>,
          %add3A_563 = arith.constant 16 : i32
          %add3A_564 = arith.addi %scan3A_95, %add3A_563 : i32
          %get3A_565 = arith.index_cast %add3A_564 : i32 to index
          %get3A_566 = arith.constant 320 : index
          %get3A_567 = tpu.vector_load %arg5[%get3A_565, %get3A_566] {strides = array<i32>} : memref<32x513xf32, #tpu.memory_space<vmem>>, vector<16xf32>,
          %add3A_568 = arith.constant 16 : i32
          %add3A_569 = arith.addi %scan3A_95, %add3A_568 : i32
          %get3A_570 = arith.index_cast %add3A_569 : i32 to index
          %get3A_571 = arith.constant 336 : index
          %get3A_572 = tpu.vector_load %arg5[%get3A_570, %get3A_571] {strides = array<i32>} : memref<32x513xf32, #tpu.memory_space<vmem>>, vector<16xf32>,
          %add3A_573 = arith.constant 16 : i32
          %add3A_574 = arith.addi %scan3A_95, %add3A_573 : i32
          %get3A_575 = arith.index_cast %add3A_574 : i32 to index
          %get3A_576 = arith.constant 352 : index
          %get3A_577 = tpu.vector_load %arg5[%get3A_575, %get3A_576] {strides = array<i32>} : memref<32x513xf32, #tpu.memory_space<vmem>>, vector<16xf32>,
          %add3A_578 = arith.constant 16 : i32
          %add3A_579 = arith.addi %scan3A_95, %add3A_578 : i32
          %get3A_580 = arith.index_cast %add3A_579 : i32 to index
          %get3A_581 = arith.constant 368 : index
          %get3A_582 = tpu.vector_load %arg5[%get3A_580, %get3A_581] {strides = array<i32>} : memref<32x513xf32, #tpu.memory_space<vmem>>, vector<16xf32>,
          %bitcast_convert_type3A_583 = tpu.bitcast %get3A_553 : vector<16xf32> -> vector<16xi32>
          %bitcast_convert_type3A_584 = tpu.bitcast %get3A_567 : vector<16xf32> -> vector<16xi32>
          %add3A_585 = vector.broadcast %scan3A : i32 to vector<16xi32>
          %add3A_586 = arith.addi %bitcast_convert_type3A_583, %add3A_585 : vector<16xi32>
          %shift_right_logical3A_587 = arith.constant 16 : i32
          %shift_right_logical3A_588 = vector.broadcast %shift_right_logical3A_587 : i32 to vector<16xi32>
          %shift_right_logical3A_589 = arith.shrui %add3A_586, %shift_right_logical3A_588 : vector<16xi32>
          %add3A_590 = vector.broadcast %scan3A : i32 to vector<16xi32>
          %add3A_591 = arith.addi %bitcast_convert_type3A_584, %add3A_590 : vector<16xi32>
          %and3A_592 = vector.broadcast %scan3A_12 : i32 to vector<16xi32>
          %and3A_593 = arith.andi %add3A_591, %and3A_592 : vector<16xi32>
          %or3A_594 = arith.ori %shift_right_logical3A_589, %and3A_593 : vector<16xi32>
          %swap3A_595 = arith.index_cast %scan3A_95 : i32 to index
          %swap3A_596 = arith.constant 320 : index
          %swap3A_597 = tpu.vector_load %arg6[%swap3A_595, %swap3A_596] {strides = array<i32>} : memref<16x513xi32, #tpu.memory_space<vmem>>, vector<16xi32>,
          tpu.vector_store %arg6[%swap3A_595, %swap3A_596], %or3A_594 {strides = array<i32>} : memref<16x513xi32, #tpu.memory_space<vmem>>, vector<16xi32>,
          %bitcast_convert_type3A_598 = tpu.bitcast %get3A_556 : vector<16xf32> -> vector<16xi32>
          %bitcast_convert_type3A_599 = tpu.bitcast %get3A_572 : vector<16xf32> -> vector<16xi32>
          %add3A_600 = vector.broadcast %scan3A : i32 to vector<16xi32>
          %add3A_601 = arith.addi %bitcast_convert_type3A_598, %add3A_600 : vector<16xi32>
          %shift_right_logical3A_602 = arith.constant 16 : i32
          %shift_right_logical3A_603 = vector.broadcast %shift_right_logical3A_602 : i32 to vector<16xi32>
          %shift_right_logical3A_604 = arith.shrui %add3A_601, %shift_right_logical3A_603 : vector<16xi32>
          %add3A_605 = vector.broadcast %scan3A : i32 to vector<16xi32>
          %add3A_606 = arith.addi %bitcast_convert_type3A_599, %add3A_605 : vector<16xi32>
          %and3A_607 = vector.broadcast %scan3A_12 : i32 to vector<16xi32>
          %and3A_608 = arith.andi %add3A_606, %and3A_607 : vector<16xi32>
          %or3A_609 = arith.ori %shift_right_logical3A_604, %and3A_608 : vector<16xi32>
          %swap3A_610 = arith.index_cast %scan3A_95 : i32 to index
          %swap3A_611 = arith.constant 336 : index
          %swap3A_612 = tpu.vector_load %arg6[%swap3A_610, %swap3A_611] {strides = array<i32>} : memref<16x513xi32, #tpu.memory_space<vmem>>, vector<16xi32>,
          tpu.vector_store %arg6[%swap3A_610, %swap3A_611], %or3A_609 {strides = array<i32>} : memref<16x513xi32, #tpu.memory_space<vmem>>, vector<16xi32>,
          %bitcast_convert_type3A_613 = tpu.bitcast %get3A_559 : vector<16xf32> -> vector<16xi32>
          %bitcast_convert_type3A_614 = tpu.bitcast %get3A_577 : vector<16xf32> -> vector<16xi32>
          %add3A_615 = vector.broadcast %scan3A : i32 to vector<16xi32>
          %add3A_616 = arith.addi %bitcast_convert_type3A_613, %add3A_615 : vector<16xi32>
          %shift_right_logical3A_617 = arith.constant 16 : i32
          %shift_right_logical3A_618 = vector.broadcast %shift_right_logical3A_617 : i32 to vector<16xi32>
          %shift_right_logical3A_619 = arith.shrui %add3A_616, %shift_right_logical3A_618 : vector<16xi32>
          %add3A_620 = vector.broadcast %scan3A : i32 to vector<16xi32>
          %add3A_621 = arith.addi %bitcast_convert_type3A_614, %add3A_620 : vector<16xi32>
          %and3A_622 = vector.broadcast %scan3A_12 : i32 to vector<16xi32>
          %and3A_623 = arith.andi %add3A_621, %and3A_622 : vector<16xi32>
          %or3A_624 = arith.ori %shift_right_logical3A_619, %and3A_623 : vector<16xi32>
          %swap3A_625 = arith.index_cast %scan3A_95 : i32 to index
          %swap3A_626 = arith.constant 352 : index
          %swap3A_627 = tpu.vector_load %arg6[%swap3A_625, %swap3A_626] {strides = array<i32>} : memref<16x513xi32, #tpu.memory_space<vmem>>, vector<16xi32>,
          tpu.vector_store %arg6[%swap3A_625, %swap3A_626], %or3A_624 {strides = array<i32>} : memref<16x513xi32, #tpu.memory_space<vmem>>, vector<16xi32>,
          %bitcast_convert_type3A_628 = tpu.bitcast %get3A_562 : vector<16xf32> -> vector<16xi32>
          %bitcast_convert_type3A_629 = tpu.bitcast %get3A_582 : vector<16xf32> -> vector<16xi32>
          %add3A_630 = vector.broadcast %scan3A : i32 to vector<16xi32>
          %add3A_631 = arith.addi %bitcast_convert_type3A_628, %add3A_630 : vector<16xi32>
          %shift_right_logical3A_632 = arith.constant 16 : i32
          %shift_right_logical3A_633 = vector.broadcast %shift_right_logical3A_632 : i32 to vector<16xi32>
          %shift_right_logical3A_634 = arith.shrui %add3A_631, %shift_right_logical3A_633 : vector<16xi32>
          %add3A_635 = vector.broadcast %scan3A : i32 to vector<16xi32>
          %add3A_636 = arith.addi %bitcast_convert_type3A_629, %add3A_635 : vector<16xi32>
          %and3A_637 = vector.broadcast %scan3A_12 : i32 to vector<16xi32>
          %and3A_638 = arith.andi %add3A_636, %and3A_637 : vector<16xi32>
          %or3A_639 = arith.ori %shift_right_logical3A_634, %and3A_638 : vector<16xi32>
          %swap3A_640 = arith.index_cast %scan3A_95 : i32 to index
          %swap3A_641 = arith.constant 368 : index
          %swap3A_642 = tpu.vector_load %arg6[%swap3A_640, %swap3A_641] {strides = array<i32>} : memref<16x513xi32, #tpu.memory_space<vmem>>, vector<16xi32>,
          tpu.vector_store %arg6[%swap3A_640, %swap3A_641], %or3A_639 {strides = array<i32>} : memref<16x513xi32, #tpu.memory_space<vmem>>, vector<16xi32>,
          %get3A_643 = arith.index_cast %scan3A_95 : i32 to index
          %get3A_644 = arith.constant 384 : index
          %get3A_645 = tpu.vector_load %arg5[%get3A_643, %get3A_644] {strides = array<i32>} : memref<32x513xf32, #tpu.memory_space<vmem>>, vector<16xf32>,
          %get3A_646 = arith.index_cast %scan3A_95 : i32 to index
          %get3A_647 = arith.constant 400 : index
          %get3A_648 = tpu.vector_load %arg5[%get3A_646, %get3A_647] {strides = array<i32>} : memref<32x513xf32, #tpu.memory_space<vmem>>, vector<16xf32>,
          %get3A_649 = arith.index_cast %scan3A_95 : i32 to index
          %get3A_650 = arith.constant 416 : index
          %get3A_651 = tpu.vector_load %arg5[%get3A_649, %get3A_650] {strides = array<i32>} : memref<32x513xf32, #tpu.memory_space<vmem>>, vector<16xf32>,
          %get3A_652 = arith.index_cast %scan3A_95 : i32 to index
          %get3A_653 = arith.constant 432 : index
          %get3A_654 = tpu.vector_load %arg5[%get3A_652, %get3A_653] {strides = array<i32>} : memref<32x513xf32, #tpu.memory_space<vmem>>, vector<16xf32>,
          %add3A_655 = arith.constant 16 : i32
          %add3A_656 = arith.addi %scan3A_95, %add3A_655 : i32
          %get3A_657 = arith.index_cast %add3A_656 : i32 to index
          %get3A_658 = arith.constant 384 : index
          %get3A_659 = tpu.vector_load %arg5[%get3A_657, %get3A_658] {strides = array<i32>} : memref<32x513xf32, #tpu.memory_space<vmem>>, vector<16xf32>,
          %add3A_660 = arith.constant 16 : i32
          %add3A_661 = arith.addi %scan3A_95, %add3A_660 : i32
          %get3A_662 = arith.index_cast %add3A_661 : i32 to index
          %get3A_663 = arith.constant 400 : index
          %get3A_664 = tpu.vector_load %arg5[%get3A_662, %get3A_663] {strides = array<i32>} : memref<32x513xf32, #tpu.memory_space<vmem>>, vector<16xf32>,
          %add3A_665 = arith.constant 16 : i32
          %add3A_666 = arith.addi %scan3A_95, %add3A_665 : i32
          %get3A_667 = arith.index_cast %add3A_666 : i32 to index
          %get3A_668 = arith.constant 416 : index
          %get3A_669 = tpu.vector_load %arg5[%get3A_667, %get3A_668] {strides = array<i32>} : memref<32x513xf32, #tpu.memory_space<vmem>>, vector<16xf32>,
          %add3A_670 = arith.constant 16 : i32
          %add3A_671 = arith.addi %scan3A_95, %add3A_670 : i32
          %get3A_672 = arith.index_cast %add3A_671 : i32 to index
          %get3A_673 = arith.constant 432 : index
          %get3A_674 = tpu.vector_load %arg5[%get3A_672, %get3A_673] {strides = array<i32>} : memref<32x513xf32, #tpu.memory_space<vmem>>, vector<16xf32>,
          %bitcast_convert_type3A_675 = tpu.bitcast %get3A_645 : vector<16xf32> -> vector<16xi32>
          %bitcast_convert_type3A_676 = tpu.bitcast %get3A_659 : vector<16xf32> -> vector<16xi32>
          %add3A_677 = vector.broadcast %scan3A : i32 to vector<16xi32>
          %add3A_678 = arith.addi %bitcast_convert_type3A_675, %add3A_677 : vector<16xi32>
          %shift_right_logical3A_679 = arith.constant 16 : i32
          %shift_right_logical3A_680 = vector.broadcast %shift_right_logical3A_679 : i32 to vector<16xi32>
          %shift_right_logical3A_681 = arith.shrui %add3A_678, %shift_right_logical3A_680 : vector<16xi32>
          %add3A_682 = vector.broadcast %scan3A : i32 to vector<16xi32>
          %add3A_683 = arith.addi %bitcast_convert_type3A_676, %add3A_682 : vector<16xi32>
          %and3A_684 = vector.broadcast %scan3A_12 : i32 to vector<16xi32>
          %and3A_685 = arith.andi %add3A_683, %and3A_684 : vector<16xi32>
          %or3A_686 = arith.ori %shift_right_logical3A_681, %and3A_685 : vector<16xi32>
          %swap3A_687 = arith.index_cast %scan3A_95 : i32 to index
          %swap3A_688 = arith.constant 384 : index
          %swap3A_689 = tpu.vector_load %arg6[%swap3A_687, %swap3A_688] {strides = array<i32>} : memref<16x513xi32, #tpu.memory_space<vmem>>, vector<16xi32>,
          tpu.vector_store %arg6[%swap3A_687, %swap3A_688], %or3A_686 {strides = array<i32>} : memref<16x513xi32, #tpu.memory_space<vmem>>, vector<16xi32>,
          %bitcast_convert_type3A_690 = tpu.bitcast %get3A_648 : vector<16xf32> -> vector<16xi32>
          %bitcast_convert_type3A_691 = tpu.bitcast %get3A_664 : vector<16xf32> -> vector<16xi32>
          %add3A_692 = vector.broadcast %scan3A : i32 to vector<16xi32>
          %add3A_693 = arith.addi %bitcast_convert_type3A_690, %add3A_692 : vector<16xi32>
          %shift_right_logical3A_694 = arith.constant 16 : i32
          %shift_right_logical3A_695 = vector.broadcast %shift_right_logical3A_694 : i32 to vector<16xi32>
          %shift_right_logical3A_696 = arith.shrui %add3A_693, %shift_right_logical3A_695 : vector<16xi32>
          %add3A_697 = vector.broadcast %scan3A : i32 to vector<16xi32>
          %add3A_698 = arith.addi %bitcast_convert_type3A_691, %add3A_697 : vector<16xi32>
          %and3A_699 = vector.broadcast %scan3A_12 : i32 to vector<16xi32>
          %and3A_700 = arith.andi %add3A_698, %and3A_699 : vector<16xi32>
          %or3A_701 = arith.ori %shift_right_logical3A_696, %and3A_700 : vector<16xi32>
          %swap3A_702 = arith.index_cast %scan3A_95 : i32 to index
          %swap3A_703 = arith.constant 400 : index
          %swap3A_704 = tpu.vector_load %arg6[%swap3A_702, %swap3A_703] {strides = array<i32>} : memref<16x513xi32, #tpu.memory_space<vmem>>, vector<16xi32>,
          tpu.vector_store %arg6[%swap3A_702, %swap3A_703], %or3A_701 {strides = array<i32>} : memref<16x513xi32, #tpu.memory_space<vmem>>, vector<16xi32>,
          %bitcast_convert_type3A_705 = tpu.bitcast %get3A_651 : vector<16xf32> -> vector<16xi32>
          %bitcast_convert_type3A_706 = tpu.bitcast %get3A_669 : vector<16xf32> -> vector<16xi32>
          %add3A_707 = vector.broadcast %scan3A : i32 to vector<16xi32>
          %add3A_708 = arith.addi %bitcast_convert_type3A_705, %add3A_707 : vector<16xi32>
          %shift_right_logical3A_709 = arith.constant 16 : i32
          %shift_right_logical3A_710 = vector.broadcast %shift_right_logical3A_709 : i32 to vector<16xi32>
          %shift_right_logical3A_711 = arith.shrui %add3A_708, %shift_right_logical3A_710 : vector<16xi32>
          %add3A_712 = vector.broadcast %scan3A : i32 to vector<16xi32>
          %add3A_713 = arith.addi %bitcast_convert_type3A_706, %add3A_712 : vector<16xi32>
          %and3A_714 = vector.broadcast %scan3A_12 : i32 to vector<16xi32>
          %and3A_715 = arith.andi %add3A_713, %and3A_714 : vector<16xi32>
          %or3A_716 = arith.ori %shift_right_logical3A_711, %and3A_715 : vector<16xi32>
          %swap3A_717 = arith.index_cast %scan3A_95 : i32 to index
          %swap3A_718 = arith.constant 416 : index
          %swap3A_719 = tpu.vector_load %arg6[%swap3A_717, %swap3A_718] {strides = array<i32>} : memref<16x513xi32, #tpu.memory_space<vmem>>, vector<16xi32>,
          tpu.vector_store %arg6[%swap3A_717, %swap3A_718], %or3A_716 {strides = array<i32>} : memref<16x513xi32, #tpu.memory_space<vmem>>, vector<16xi32>,
          %bitcast_convert_type3A_720 = tpu.bitcast %get3A_654 : vector<16xf32> -> vector<16xi32>
          %bitcast_convert_type3A_721 = tpu.bitcast %get3A_674 : vector<16xf32> -> vector<16xi32>
          %add3A_722 = vector.broadcast %scan3A : i32 to vector<16xi32>
          %add3A_723 = arith.addi %bitcast_convert_type3A_720, %add3A_722 : vector<16xi32>
          %shift_right_logical3A_724 = arith.constant 16 : i32
          %shift_right_logical3A_725 = vector.broadcast %shift_right_logical3A_724 : i32 to vector<16xi32>
          %shift_right_logical3A_726 = arith.shrui %add3A_723, %shift_right_logical3A_725 : vector<16xi32>
          %add3A_727 = vector.broadcast %scan3A : i32 to vector<16xi32>
          %add3A_728 = arith.addi %bitcast_convert_type3A_721, %add3A_727 : vector<16xi32>
          %and3A_729 = vector.broadcast %scan3A_12 : i32 to vector<16xi32>
          %and3A_730 = arith.andi %add3A_728, %and3A_729 : vector<16xi32>
          %or3A_731 = arith.ori %shift_right_logical3A_726, %and3A_730 : vector<16xi32>
          %swap3A_732 = arith.index_cast %scan3A_95 : i32 to index
          %swap3A_733 = arith.constant 432 : index
          %swap3A_734 = tpu.vector_load %arg6[%swap3A_732, %swap3A_733] {strides = array<i32>} : memref<16x513xi32, #tpu.memory_space<vmem>>, vector<16xi32>,
          tpu.vector_store %arg6[%swap3A_732, %swap3A_733], %or3A_731 {strides = array<i32>} : memref<16x513xi32, #tpu.memory_space<vmem>>, vector<16xi32>,
          %get3A_735 = arith.index_cast %scan3A_95 : i32 to index
          %get3A_736 = arith.constant 448 : index
          %get3A_737 = tpu.vector_load %arg5[%get3A_735, %get3A_736] {strides = array<i32>} : memref<32x513xf32, #tpu.memory_space<vmem>>, vector<16xf32>,
          %get3A_738 = arith.index_cast %scan3A_95 : i32 to index
          %get3A_739 = arith.constant 464 : index
          %get3A_740 = tpu.vector_load %arg5[%get3A_738, %get3A_739] {strides = array<i32>} : memref<32x513xf32, #tpu.memory_space<vmem>>, vector<16xf32>,
          %get3A_741 = arith.index_cast %scan3A_95 : i32 to index
          %get3A_742 = arith.constant 480 : index
          %get3A_743 = tpu.vector_load %arg5[%get3A_741, %get3A_742] {strides = array<i32>} : memref<32x513xf32, #tpu.memory_space<vmem>>, vector<16xf32>,
          %get3A_744 = arith.index_cast %scan3A_95 : i32 to index
          %get3A_745 = arith.constant 496 : index
          %get3A_746 = tpu.vector_load %arg5[%get3A_744, %get3A_745] {strides = array<i32>} : memref<32x513xf32, #tpu.memory_space<vmem>>, vector<16xf32>,
          %add3A_747 = arith.constant 16 : i32
          %add3A_748 = arith.addi %scan3A_95, %add3A_747 : i32
          %get3A_749 = arith.index_cast %add3A_748 : i32 to index
          %get3A_750 = arith.constant 448 : index
          %get3A_751 = tpu.vector_load %arg5[%get3A_749, %get3A_750] {strides = array<i32>} : memref<32x513xf32, #tpu.memory_space<vmem>>, vector<16xf32>,
          %add3A_752 = arith.constant 16 : i32
          %add3A_753 = arith.addi %scan3A_95, %add3A_752 : i32
          %get3A_754 = arith.index_cast %add3A_753 : i32 to index
          %get3A_755 = arith.constant 464 : index
          %get3A_756 = tpu.vector_load %arg5[%get3A_754, %get3A_755] {strides = array<i32>} : memref<32x513xf32, #tpu.memory_space<vmem>>, vector<16xf32>,
          %add3A_757 = arith.constant 16 : i32
          %add3A_758 = arith.addi %scan3A_95, %add3A_757 : i32
          %get3A_759 = arith.index_cast %add3A_758 : i32 to index
          %get3A_760 = arith.constant 480 : index
          %get3A_761 = tpu.vector_load %arg5[%get3A_759, %get3A_760] {strides = array<i32>} : memref<32x513xf32, #tpu.memory_space<vmem>>, vector<16xf32>,
          %add3A_762 = arith.constant 16 : i32
          %add3A_763 = arith.addi %scan3A_95, %add3A_762 : i32
          %get3A_764 = arith.index_cast %add3A_763 : i32 to index
          %get3A_765 = arith.constant 496 : index
          %get3A_766 = tpu.vector_load %arg5[%get3A_764, %get3A_765] {strides = array<i32>} : memref<32x513xf32, #tpu.memory_space<vmem>>, vector<16xf32>,
          %bitcast_convert_type3A_767 = tpu.bitcast %get3A_737 : vector<16xf32> -> vector<16xi32>
          %bitcast_convert_type3A_768 = tpu.bitcast %get3A_751 : vector<16xf32> -> vector<16xi32>
          %add3A_769 = vector.broadcast %scan3A : i32 to vector<16xi32>
          %add3A_770 = arith.addi %bitcast_convert_type3A_767, %add3A_769 : vector<16xi32>
          %shift_right_logical3A_771 = arith.constant 16 : i32
          %shift_right_logical3A_772 = vector.broadcast %shift_right_logical3A_771 : i32 to vector<16xi32>
          %shift_right_logical3A_773 = arith.shrui %add3A_770, %shift_right_logical3A_772 : vector<16xi32>
          %add3A_774 = vector.broadcast %scan3A : i32 to vector<16xi32>
          %add3A_775 = arith.addi %bitcast_convert_type3A_768, %add3A_774 : vector<16xi32>
          %and3A_776 = vector.broadcast %scan3A_12 : i32 to vector<16xi32>
          %and3A_777 = arith.andi %add3A_775, %and3A_776 : vector<16xi32>
          %or3A_778 = arith.ori %shift_right_logical3A_773, %and3A_777 : vector<16xi32>
          %swap3A_779 = arith.index_cast %scan3A_95 : i32 to index
          %swap3A_780 = arith.constant 448 : index
          %swap3A_781 = tpu.vector_load %arg6[%swap3A_779, %swap3A_780] {strides = array<i32>} : memref<16x513xi32, #tpu.memory_space<vmem>>, vector<16xi32>,
          tpu.vector_store %arg6[%swap3A_779, %swap3A_780], %or3A_778 {strides = array<i32>} : memref<16x513xi32, #tpu.memory_space<vmem>>, vector<16xi32>,
          %bitcast_convert_type3A_782 = tpu.bitcast %get3A_740 : vector<16xf32> -> vector<16xi32>
          %bitcast_convert_type3A_783 = tpu.bitcast %get3A_756 : vector<16xf32> -> vector<16xi32>
          %add3A_784 = vector.broadcast %scan3A : i32 to vector<16xi32>
          %add3A_785 = arith.addi %bitcast_convert_type3A_782, %add3A_784 : vector<16xi32>
          %shift_right_logical3A_786 = arith.constant 16 : i32
          %shift_right_logical3A_787 = vector.broadcast %shift_right_logical3A_786 : i32 to vector<16xi32>
          %shift_right_logical3A_788 = arith.shrui %add3A_785, %shift_right_logical3A_787 : vector<16xi32>
          %add3A_789 = vector.broadcast %scan3A : i32 to vector<16xi32>
          %add3A_790 = arith.addi %bitcast_convert_type3A_783, %add3A_789 : vector<16xi32>
          %and3A_791 = vector.broadcast %scan3A_12 : i32 to vector<16xi32>
          %and3A_792 = arith.andi %add3A_790, %and3A_791 : vector<16xi32>
          %or3A_793 = arith.ori %shift_right_logical3A_788, %and3A_792 : vector<16xi32>
          %swap3A_794 = arith.index_cast %scan3A_95 : i32 to index
          %swap3A_795 = arith.constant 464 : index
          %swap3A_796 = tpu.vector_load %arg6[%swap3A_794, %swap3A_795] {strides = array<i32>} : memref<16x513xi32, #tpu.memory_space<vmem>>, vector<16xi32>,
          tpu.vector_store %arg6[%swap3A_794, %swap3A_795], %or3A_793 {strides = array<i32>} : memref<16x513xi32, #tpu.memory_space<vmem>>, vector<16xi32>,
          %bitcast_convert_type3A_797 = tpu.bitcast %get3A_743 : vector<16xf32> -> vector<16xi32>
          %bitcast_convert_type3A_798 = tpu.bitcast %get3A_761 : vector<16xf32> -> vector<16xi32>
          %add3A_799 = vector.broadcast %scan3A : i32 to vector<16xi32>
          %add3A_800 = arith.addi %bitcast_convert_type3A_797, %add3A_799 : vector<16xi32>
          %shift_right_logical3A_801 = arith.constant 16 : i32
          %shift_right_logical3A_802 = vector.broadcast %shift_right_logical3A_801 : i32 to vector<16xi32>
          %shift_right_logical3A_803 = arith.shrui %add3A_800, %shift_right_logical3A_802 : vector<16xi32>
          %add3A_804 = vector.broadcast %scan3A : i32 to vector<16xi32>
          %add3A_805 = arith.addi %bitcast_convert_type3A_798, %add3A_804 : vector<16xi32>
          %and3A_806 = vector.broadcast %scan3A_12 : i32 to vector<16xi32>
          %and3A_807 = arith.andi %add3A_805, %and3A_806 : vector<16xi32>
          %or3A_808 = arith.ori %shift_right_logical3A_803, %and3A_807 : vector<16xi32>
          %swap3A_809 = arith.index_cast %scan3A_95 : i32 to index
          %swap3A_810 = arith.constant 480 : index
          %swap3A_811 = tpu.vector_load %arg6[%swap3A_809, %swap3A_810] {strides = array<i32>} : memref<16x513xi32, #tpu.memory_space<vmem>>, vector<16xi32>,
          tpu.vector_store %arg6[%swap3A_809, %swap3A_810], %or3A_808 {strides = array<i32>} : memref<16x513xi32, #tpu.memory_space<vmem>>, vector<16xi32>,
          %bitcast_convert_type3A_812 = tpu.bitcast %get3A_746 : vector<16xf32> -> vector<16xi32>
          %bitcast_convert_type3A_813 = tpu.bitcast %get3A_766 : vector<16xf32> -> vector<16xi32>
          %add3A_814 = vector.broadcast %scan3A : i32 to vector<16xi32>
          %add3A_815 = arith.addi %bitcast_convert_type3A_812, %add3A_814 : vector<16xi32>
          %shift_right_logical3A_816 = arith.constant 16 : i32
          %shift_right_logical3A_817 = vector.broadcast %shift_right_logical3A_816 : i32 to vector<16xi32>
          %shift_right_logical3A_818 = arith.shrui %add3A_815, %shift_right_logical3A_817 : vector<16xi32>
          %add3A_819 = vector.broadcast %scan3A : i32 to vector<16xi32>
          %add3A_820 = arith.addi %bitcast_convert_type3A_813, %add3A_819 : vector<16xi32>
          %and3A_821 = vector.broadcast %scan3A_12 : i32 to vector<16xi32>
          %and3A_822 = arith.andi %add3A_820, %and3A_821 : vector<16xi32>
          %or3A_823 = arith.ori %shift_right_logical3A_818, %and3A_822 : vector<16xi32>
          %swap3A_824 = arith.index_cast %scan3A_95 : i32 to index
          %swap3A_825 = arith.constant 496 : index
          %swap3A_826 = tpu.vector_load %arg6[%swap3A_824, %swap3A_825] {strides = array<i32>} : memref<16x513xi32, #tpu.memory_space<vmem>>, vector<16xi32>,
          tpu.vector_store %arg6[%swap3A_824, %swap3A_825], %or3A_823 {strides = array<i32>} : memref<16x513xi32, #tpu.memory_space<vmem>>, vector<16xi32>,
          %scan3A_827 = arith.constant 0 : i32
          scf.yield %scan3A_827 : i32
        }
        %scan3A_83 = arith.constant 16 : i32
        %scan3A_84 = arith.constant 0 : i32
        %scan3A_85 = arith.constant 0 : i32
        %scan3A_86 = arith.constant 128 : i32
        %scan3A_87 = arith.addi %scan3A_85, %scan3A_86 : i32
        %scan3A_88 = arith.constant 1 : i32
        %scan3A_89 = scf.for %scan3A_95 = %scan3A_85 to %scan3A_87 step %scan3A_88 iter_args(%scan3A_96 = %scan3A_84) -> (i32)  : i32 {
          %mul3A_97 = arith.constant 4 : i32
          %mul3A_98 = arith.muli %mul3A_97, %scan3A_95 : i32
          %add3A_99 = arith.constant 0 : i32
          %add3A_100 = arith.addi %mul3A_98, %add3A_99 : i32
          %broadcast_in_dim3A = vector.broadcast %add3A_100 : i32 to vector<16xi32>
          %add3A_101 = arith.constant 1 : i32
          %add3A_102 = arith.addi %mul3A_98, %add3A_101 : i32
          %broadcast_in_dim3A_103 = vector.broadcast %add3A_102 : i32 to vector<16xi32>
          %add3A_104 = arith.constant 2 : i32
          %add3A_105 = arith.addi %mul3A_98, %add3A_104 : i32
          %broadcast_in_dim3A_106 = vector.broadcast %add3A_105 : i32 to vector<16xi32>
          %add3A_107 = arith.constant 3 : i32
          %add3A_108 = arith.addi %mul3A_98, %add3A_107 : i32
          %broadcast_in_dim3A_109 = vector.broadcast %add3A_108 : i32 to vector<16xi32>
          %gather3A = tpu.vector_load_idx %arg6[%iota3A, %broadcast_in_dim3A] : memref<16x513xi32, #tpu.memory_space<vmem>>[vector<16xi32>, vector<16xi32>], vector<16xi32>,
          %gather3A_110 = tpu.vector_load_idx %arg6[%iota3A, %broadcast_in_dim3A_103] : memref<16x513xi32, #tpu.memory_space<vmem>>[vector<16xi32>, vector<16xi32>], vector<16xi32>,
          %gather3A_111 = tpu.vector_load_idx %arg6[%iota3A, %broadcast_in_dim3A_106] : memref<16x513xi32, #tpu.memory_space<vmem>>[vector<16xi32>, vector<16xi32>], vector<16xi32>,
          %gather3A_112 = tpu.vector_load_idx %arg6[%iota3A, %broadcast_in_dim3A_109] : memref<16x513xi32, #tpu.memory_space<vmem>>[vector<16xi32>, vector<16xi32>], vector<16xi32>,
          %mul3A_113 = arith.constant 16 : i32
          %mul3A_114 = arith.muli %mul3A_98, %mul3A_113 : i32
          %add3A_115 = arith.constant 0 : i32
          %add3A_116 = arith.addi %mul3A_114, %add3A_115 : i32
          %swap3A = arith.index_cast %add3A_116 : i32 to index
          %swap3A_117 = tpu.vector_load %arg8[%swap3A] {strides = array<i32>} : memref<8192xi32, #tpu.memory_space<vmem>>, vector<16xi32>,
          tpu.vector_store %arg8[%swap3A], %gather3A {strides = array<i32>} : memref<8192xi32, #tpu.memory_space<vmem>>, vector<16xi32>,
          %mul3A_118 = arith.constant 16 : i32
          %mul3A_119 = arith.muli %mul3A_98, %mul3A_118 : i32
          %add3A_120 = arith.constant 16 : i32
          %add3A_121 = arith.addi %mul3A_119, %add3A_120 : i32
          %swap3A_122 = arith.index_cast %add3A_121 : i32 to index
          %swap3A_123 = tpu.vector_load %arg8[%swap3A_122] {strides = array<i32>} : memref<8192xi32, #tpu.memory_space<vmem>>, vector<16xi32>,
          tpu.vector_store %arg8[%swap3A_122], %gather3A_110 {strides = array<i32>} : memref<8192xi32, #tpu.memory_space<vmem>>, vector<16xi32>,
          %mul3A_124 = arith.constant 16 : i32
          %mul3A_125 = arith.muli %mul3A_98, %mul3A_124 : i32
          %add3A_126 = arith.constant 32 : i32
          %add3A_127 = arith.addi %mul3A_125, %add3A_126 : i32
          %swap3A_128 = arith.index_cast %add3A_127 : i32 to index
          %swap3A_129 = tpu.vector_load %arg8[%swap3A_128] {strides = array<i32>} : memref<8192xi32, #tpu.memory_space<vmem>>, vector<16xi32>,
          tpu.vector_store %arg8[%swap3A_128], %gather3A_111 {strides = array<i32>} : memref<8192xi32, #tpu.memory_space<vmem>>, vector<16xi32>,
          %mul3A_130 = arith.constant 16 : i32
          %mul3A_131 = arith.muli %mul3A_98, %mul3A_130 : i32
          %add3A_132 = arith.constant 48 : i32
          %add3A_133 = arith.addi %mul3A_131, %add3A_132 : i32
          %swap3A_134 = arith.index_cast %add3A_133 : i32 to index
          %swap3A_135 = tpu.vector_load %arg8[%swap3A_134] {strides = array<i32>} : memref<8192xi32, #tpu.memory_space<vmem>>, vector<16xi32>,
          tpu.vector_store %arg8[%swap3A_134], %gather3A_112 {strides = array<i32>} : memref<8192xi32, #tpu.memory_space<vmem>>, vector<16xi32>,
          %scan3A_136 = arith.constant 0 : i32
          scf.yield %scan3A_136 : i32
        }
        %scan3A_90 = arith.constant 128 : i32
        %mul3A_91 = arith.constant 8192 : i32
        %mul3A_92 = arith.muli %add3A_53, %mul3A_91 : i32
        %dma_start3A_93 = tpu.memref_slice %arg3[%mul3A_92] : memref<16000000xi32, #tpu.memory_space<hbm>> -> memref<8192xi32, #tpu.memory_space<hbm>>
        %dma_start3A_94 = tpu.memref_slice %arg3[%mul3A_92] : memref<16000000xi32, #tpu.memory_space<hbm>> -> memref<8192xi32, #tpu.memory_space<hbm>>
        tpu.enqueue_dma source(%arg8 : memref<8192xi32, #tpu.memory_space<vmem>>) target(%dma_start3A_94 : memref<8192xi32, #tpu.memory_space<hbm>>) target_semaphore(%arg11 : memref<!tpu.dma_semaphore, #tpu.memory_space<semaphore_mem>>)
      } else {
      }
      %scan3A_49 = arith.constant 0 : i32
      scf.yield %scan3A_49 : i32
    }
    %scan3A_19 = arith.constant 31 : i32
    %mul3A_20 = arith.constant 8192 : i32
    %mul3A_21 = arith.muli %add3A, %mul3A_20 : i32
    %dma_wait3A = tpu.memref_slice %arg3[%mul3A_21] : memref<16000000xi32, #tpu.memory_space<hbm>> -> memref<8192xi32, #tpu.memory_space<hbm>>
    %dma_wait3A_22 = tpu.memref_slice %arg3[%mul3A_21] : memref<16000000xi32, #tpu.memory_space<hbm>> -> memref<8192xi32, #tpu.memory_space<hbm>>
    tpu.wait_dma2 semaphore(%arg11 : memref<!tpu.dma_semaphore, #tpu.memory_space<semaphore_mem>>) src(%arg7 : memref<8192xi32, #tpu.memory_space<vmem>>) dst(%dma_wait3A_22 : memref<8192xi32, #tpu.memory_space<hbm>>)
    %mul3A_23 = arith.constant 8192 : i32
    %mul3A_24 = arith.muli %add3A, %mul3A_23 : i32
    %dma_wait3A_25 = tpu.memref_slice %arg3[%mul3A_24] : memref<16000000xi32, #tpu.memory_space<hbm>> -> memref<8192xi32, #tpu.memory_space<hbm>>
    %dma_wait3A_26 = tpu.memref_slice %arg3[%mul3A_24] : memref<16000000xi32, #tpu.memory_space<hbm>> -> memref<8192xi32, #tpu.memory_space<hbm>>
    tpu.wait_dma2 semaphore(%arg11 : memref<!tpu.dma_semaphore, #tpu.memory_space<semaphore_mem>>) src(%arg8 : memref<8192xi32, #tpu.memory_space<vmem>>) dst(%dma_wait3A_26 : memref<8192xi32, #tpu.memory_space<hbm>>)
    %eq3A = arith.constant 4 : i32
    %eq3A_27 = arith.cmpi eq, %add3A, %eq3A : i32
    %convert_element_type3A = arith.extui %eq3A_27 : i1 to i32
    %cond3A = arith.constant 32768 : i32
    %cond3A_28 = arith.constant -65536 : i32
    %cond3A_29 = arith.constant 0 : i32
    %cond3A_30 = arith.cmpi ne, %convert_element_type3A, %cond3A_29 : i32
    scf.if %cond3A_30 {
      "tpu.region"() ({
        %run_scoped3A = tpu.sem_alloc : memref<!tpu.dma_semaphore, #tpu.memory_space<semaphore_mem>>
        %dma_start3A_45 = arith.constant 0 : i32
        %dma_start3A_46 = arith.constant 999936 : i32
        %dma_start3A_47 = tpu.memref_slice %arg2[%dma_start3A_45, %dma_start3A_46] : memref<32x1000000xf32, #tpu.memory_space<hbm>> -> memref<32x64xf32, #tpu.memory_space<hbm>>
        %dma_start3A_48 = arith.constant 0 : i32
        %dma_start3A_49 = arith.constant 999936 : i32
        %dma_start3A_50 = tpu.memref_slice %arg2[%dma_start3A_48, %dma_start3A_49] : memref<32x1000000xf32, #tpu.memory_space<hbm>> -> memref<32x64xf32, #tpu.memory_space<hbm>>
        tpu.enqueue_dma source(%dma_start3A_50 : memref<32x64xf32, #tpu.memory_space<hbm>>) target(%arg9 : memref<32x64xf32, #tpu.memory_space<vmem>>) target_semaphore(%run_scoped3A : memref<!tpu.dma_semaphore, #tpu.memory_space<semaphore_mem>>)
        %dma_wait3A_51 = arith.constant 0 : i32
        %dma_wait3A_52 = arith.constant 999936 : i32
        %dma_wait3A_53 = tpu.memref_slice %arg2[%dma_wait3A_51, %dma_wait3A_52] : memref<32x1000000xf32, #tpu.memory_space<hbm>> -> memref<32x64xf32, #tpu.memory_space<hbm>>
        %dma_wait3A_54 = arith.constant 0 : i32
        %dma_wait3A_55 = arith.constant 999936 : i32
        %dma_wait3A_56 = tpu.memref_slice %arg2[%dma_wait3A_54, %dma_wait3A_55] : memref<32x1000000xf32, #tpu.memory_space<hbm>> -> memref<32x64xf32, #tpu.memory_space<hbm>>
        tpu.wait_dma2 semaphore(%run_scoped3A : memref<!tpu.dma_semaphore, #tpu.memory_space<semaphore_mem>>) src(%dma_wait3A_56 : memref<32x64xf32, #tpu.memory_space<hbm>>) dst(%arg9 : memref<32x64xf32, #tpu.memory_space<vmem>>)
        tpu.yield
      }) : () -> ()
      %scan3A_31 = arith.constant 0 : i32
      %scan3A_32 = arith.constant 0 : i32
      %scan3A_33 = arith.constant 16 : i32
      %scan3A_34 = arith.addi %scan3A_32, %scan3A_33 : i32
      %scan3A_35 = arith.constant 1 : i32
      %scan3A_36 = scf.for %scan3A_45 = %scan3A_32 to %scan3A_34 step %scan3A_35 iter_args(%scan3A_46 = %scan3A_31) -> (i32)  : i32 {
        %get3A = arith.index_cast %scan3A_45 : i32 to index
        %get3A_47 = arith.constant 0 : index
        %get3A_48 = tpu.vector_load %arg9[%get3A, %get3A_47] {strides = array<i32>} : memref<32x64xf32, #tpu.memory_space<vmem>>, vector<16xf32>,
        %get3A_49 = arith.index_cast %scan3A_45 : i32 to index
        %get3A_50 = arith.constant 16 : index
        %get3A_51 = tpu.vector_load %arg9[%get3A_49, %get3A_50] {strides = array<i32>} : memref<32x64xf32, #tpu.memory_space<vmem>>, vector<16xf32>,
        %get3A_52 = arith.index_cast %scan3A_45 : i32 to index
        %get3A_53 = arith.constant 32 : index
        %get3A_54 = tpu.vector_load %arg9[%get3A_52, %get3A_53] {strides = array<i32>} : memref<32x64xf32, #tpu.memory_space<vmem>>, vector<16xf32>,
        %get3A_55 = arith.index_cast %scan3A_45 : i32 to index
        %get3A_56 = arith.constant 48 : index
        %get3A_57 = tpu.vector_load %arg9[%get3A_55, %get3A_56] {strides = array<i32>} : memref<32x64xf32, #tpu.memory_space<vmem>>, vector<16xf32>,
        %add3A_58 = arith.constant 16 : i32
        %add3A_59 = arith.addi %scan3A_45, %add3A_58 : i32
        %get3A_60 = arith.index_cast %add3A_59 : i32 to index
        %get3A_61 = arith.constant 0 : index
        %get3A_62 = tpu.vector_load %arg9[%get3A_60, %get3A_61] {strides = array<i32>} : memref<32x64xf32, #tpu.memory_space<vmem>>, vector<16xf32>,
        %add3A_63 = arith.constant 16 : i32
        %add3A_64 = arith.addi %scan3A_45, %add3A_63 : i32
        %get3A_65 = arith.index_cast %add3A_64 : i32 to index
        %get3A_66 = arith.constant 16 : index
        %get3A_67 = tpu.vector_load %arg9[%get3A_65, %get3A_66] {strides = array<i32>} : memref<32x64xf32, #tpu.memory_space<vmem>>, vector<16xf32>,
        %add3A_68 = arith.constant 16 : i32
        %add3A_69 = arith.addi %scan3A_45, %add3A_68 : i32
        %get3A_70 = arith.index_cast %add3A_69 : i32 to index
        %get3A_71 = arith.constant 32 : index
        %get3A_72 = tpu.vector_load %arg9[%get3A_70, %get3A_71] {strides = array<i32>} : memref<32x64xf32, #tpu.memory_space<vmem>>, vector<16xf32>,
        %add3A_73 = arith.constant 16 : i32
        %add3A_74 = arith.addi %scan3A_45, %add3A_73 : i32
        %get3A_75 = arith.index_cast %add3A_74 : i32 to index
        %get3A_76 = arith.constant 48 : index
        %get3A_77 = tpu.vector_load %arg9[%get3A_75, %get3A_76] {strides = array<i32>} : memref<32x64xf32, #tpu.memory_space<vmem>>, vector<16xf32>,
        %bitcast_convert_type3A = tpu.bitcast %get3A_48 : vector<16xf32> -> vector<16xi32>
        %bitcast_convert_type3A_78 = tpu.bitcast %get3A_62 : vector<16xf32> -> vector<16xi32>
        %add3A_79 = vector.broadcast %cond3A : i32 to vector<16xi32>
        %add3A_80 = arith.addi %bitcast_convert_type3A, %add3A_79 : vector<16xi32>
        %shift_right_logical3A = arith.constant 16 : i32
        %shift_right_logical3A_81 = vector.broadcast %shift_right_logical3A : i32 to vector<16xi32>
        %shift_right_logical3A_82 = arith.shrui %add3A_80, %shift_right_logical3A_81 : vector<16xi32>
        %add3A_83 = vector.broadcast %cond3A : i32 to vector<16xi32>
        %add3A_84 = arith.addi %bitcast_convert_type3A_78, %add3A_83 : vector<16xi32>
        %and3A = vector.broadcast %cond3A_28 : i32 to vector<16xi32>
        %and3A_85 = arith.andi %add3A_84, %and3A : vector<16xi32>
        %or3A = arith.ori %shift_right_logical3A_82, %and3A_85 : vector<16xi32>
        %swap3A = arith.index_cast %scan3A_45 : i32 to index
        %swap3A_86 = arith.constant 0 : index
        %swap3A_87 = tpu.vector_load %arg6[%swap3A, %swap3A_86] {strides = array<i32>} : memref<16x513xi32, #tpu.memory_space<vmem>>, vector<16xi32>,
        tpu.vector_store %arg6[%swap3A, %swap3A_86], %or3A {strides = array<i32>} : memref<16x513xi32, #tpu.memory_space<vmem>>, vector<16xi32>,
        %bitcast_convert_type3A_88 = tpu.bitcast %get3A_51 : vector<16xf32> -> vector<16xi32>
        %bitcast_convert_type3A_89 = tpu.bitcast %get3A_67 : vector<16xf32> -> vector<16xi32>
        %add3A_90 = vector.broadcast %cond3A : i32 to vector<16xi32>
        %add3A_91 = arith.addi %bitcast_convert_type3A_88, %add3A_90 : vector<16xi32>
        %shift_right_logical3A_92 = arith.constant 16 : i32
        %shift_right_logical3A_93 = vector.broadcast %shift_right_logical3A_92 : i32 to vector<16xi32>
        %shift_right_logical3A_94 = arith.shrui %add3A_91, %shift_right_logical3A_93 : vector<16xi32>
        %add3A_95 = vector.broadcast %cond3A : i32 to vector<16xi32>
        %add3A_96 = arith.addi %bitcast_convert_type3A_89, %add3A_95 : vector<16xi32>
        %and3A_97 = vector.broadcast %cond3A_28 : i32 to vector<16xi32>
        %and3A_98 = arith.andi %add3A_96, %and3A_97 : vector<16xi32>
        %or3A_99 = arith.ori %shift_right_logical3A_94, %and3A_98 : vector<16xi32>
        %swap3A_100 = arith.index_cast %scan3A_45 : i32 to index
        %swap3A_101 = arith.constant 16 : index
        %swap3A_102 = tpu.vector_load %arg6[%swap3A_100, %swap3A_101] {strides = array<i32>} : memref<16x513xi32, #tpu.memory_space<vmem>>, vector<16xi32>,
        tpu.vector_store %arg6[%swap3A_100, %swap3A_101], %or3A_99 {strides = array<i32>} : memref<16x513xi32, #tpu.memory_space<vmem>>, vector<16xi32>,
        %bitcast_convert_type3A_103 = tpu.bitcast %get3A_54 : vector<16xf32> -> vector<16xi32>
        %bitcast_convert_type3A_104 = tpu.bitcast %get3A_72 : vector<16xf32> -> vector<16xi32>
        %add3A_105 = vector.broadcast %cond3A : i32 to vector<16xi32>
        %add3A_106 = arith.addi %bitcast_convert_type3A_103, %add3A_105 : vector<16xi32>
        %shift_right_logical3A_107 = arith.constant 16 : i32
        %shift_right_logical3A_108 = vector.broadcast %shift_right_logical3A_107 : i32 to vector<16xi32>
        %shift_right_logical3A_109 = arith.shrui %add3A_106, %shift_right_logical3A_108 : vector<16xi32>
        %add3A_110 = vector.broadcast %cond3A : i32 to vector<16xi32>
        %add3A_111 = arith.addi %bitcast_convert_type3A_104, %add3A_110 : vector<16xi32>
        %and3A_112 = vector.broadcast %cond3A_28 : i32 to vector<16xi32>
        %and3A_113 = arith.andi %add3A_111, %and3A_112 : vector<16xi32>
        %or3A_114 = arith.ori %shift_right_logical3A_109, %and3A_113 : vector<16xi32>
        %swap3A_115 = arith.index_cast %scan3A_45 : i32 to index
        %swap3A_116 = arith.constant 32 : index
        %swap3A_117 = tpu.vector_load %arg6[%swap3A_115, %swap3A_116] {strides = array<i32>} : memref<16x513xi32, #tpu.memory_space<vmem>>, vector<16xi32>,
        tpu.vector_store %arg6[%swap3A_115, %swap3A_116], %or3A_114 {strides = array<i32>} : memref<16x513xi32, #tpu.memory_space<vmem>>, vector<16xi32>,
        %bitcast_convert_type3A_118 = tpu.bitcast %get3A_57 : vector<16xf32> -> vector<16xi32>
        %bitcast_convert_type3A_119 = tpu.bitcast %get3A_77 : vector<16xf32> -> vector<16xi32>
        %add3A_120 = vector.broadcast %cond3A : i32 to vector<16xi32>
        %add3A_121 = arith.addi %bitcast_convert_type3A_118, %add3A_120 : vector<16xi32>
        %shift_right_logical3A_122 = arith.constant 16 : i32
        %shift_right_logical3A_123 = vector.broadcast %shift_right_logical3A_122 : i32 to vector<16xi32>
        %shift_right_logical3A_124 = arith.shrui %add3A_121, %shift_right_logical3A_123 : vector<16xi32>
        %add3A_125 = vector.broadcast %cond3A : i32 to vector<16xi32>
        %add3A_126 = arith.addi %bitcast_convert_type3A_119, %add3A_125 : vector<16xi32>
        %and3A_127 = vector.broadcast %cond3A_28 : i32 to vector<16xi32>
        %and3A_128 = arith.andi %add3A_126, %and3A_127 : vector<16xi32>
        %or3A_129 = arith.ori %shift_right_logical3A_124, %and3A_128 : vector<16xi32>
        %swap3A_130 = arith.index_cast %scan3A_45 : i32 to index
        %swap3A_131 = arith.constant 48 : index
        %swap3A_132 = tpu.vector_load %arg6[%swap3A_130, %swap3A_131] {strides = array<i32>} : memref<16x513xi32, #tpu.memory_space<vmem>>, vector<16xi32>,
        tpu.vector_store %arg6[%swap3A_130, %swap3A_131], %or3A_129 {strides = array<i32>} : memref<16x513xi32, #tpu.memory_space<vmem>>, vector<16xi32>,
        %scan3A_133 = arith.constant 0 : i32
        scf.yield %scan3A_133 : i32
      }
      %scan3A_37 = arith.constant 16 : i32
      %scan3A_38 = arith.constant 0 : i32
      %scan3A_39 = arith.constant 0 : i32
      %scan3A_40 = arith.constant 16 : i32
      %scan3A_41 = arith.addi %scan3A_39, %scan3A_40 : i32
      %scan3A_42 = arith.constant 1 : i32
      %scan3A_43 = scf.for %scan3A_45 = %scan3A_39 to %scan3A_41 step %scan3A_42 iter_args(%scan3A_46 = %scan3A_38) -> (i32)  : i32 {
        %mul3A_47 = arith.constant 4 : i32
        %mul3A_48 = arith.muli %mul3A_47, %scan3A_45 : i32
        %add3A_49 = arith.constant 0 : i32
        %add3A_50 = arith.addi %mul3A_48, %add3A_49 : i32
        %broadcast_in_dim3A = vector.broadcast %add3A_50 : i32 to vector<16xi32>
        %add3A_51 = arith.constant 1 : i32
        %add3A_52 = arith.addi %mul3A_48, %add3A_51 : i32
        %broadcast_in_dim3A_53 = vector.broadcast %add3A_52 : i32 to vector<16xi32>
        %add3A_54 = arith.constant 2 : i32
        %add3A_55 = arith.addi %mul3A_48, %add3A_54 : i32
        %broadcast_in_dim3A_56 = vector.broadcast %add3A_55 : i32 to vector<16xi32>
        %add3A_57 = arith.constant 3 : i32
        %add3A_58 = arith.addi %mul3A_48, %add3A_57 : i32
        %broadcast_in_dim3A_59 = vector.broadcast %add3A_58 : i32 to vector<16xi32>
        %gather3A = tpu.vector_load_idx %arg6[%iota3A, %broadcast_in_dim3A] : memref<16x513xi32, #tpu.memory_space<vmem>>[vector<16xi32>, vector<16xi32>], vector<16xi32>,
        %gather3A_60 = tpu.vector_load_idx %arg6[%iota3A, %broadcast_in_dim3A_53] : memref<16x513xi32, #tpu.memory_space<vmem>>[vector<16xi32>, vector<16xi32>], vector<16xi32>,
        %gather3A_61 = tpu.vector_load_idx %arg6[%iota3A, %broadcast_in_dim3A_56] : memref<16x513xi32, #tpu.memory_space<vmem>>[vector<16xi32>, vector<16xi32>], vector<16xi32>,
        %gather3A_62 = tpu.vector_load_idx %arg6[%iota3A, %broadcast_in_dim3A_59] : memref<16x513xi32, #tpu.memory_space<vmem>>[vector<16xi32>, vector<16xi32>], vector<16xi32>,
        %mul3A_63 = arith.constant 16 : i32
        %mul3A_64 = arith.muli %mul3A_48, %mul3A_63 : i32
        %add3A_65 = arith.constant 0 : i32
        %add3A_66 = arith.addi %mul3A_64, %add3A_65 : i32
        %swap3A = arith.index_cast %add3A_66 : i32 to index
        %swap3A_67 = tpu.vector_load %arg7[%swap3A] {strides = array<i32>} : memref<8192xi32, #tpu.memory_space<vmem>>, vector<16xi32>,
        tpu.vector_store %arg7[%swap3A], %gather3A {strides = array<i32>} : memref<8192xi32, #tpu.memory_space<vmem>>, vector<16xi32>,
        %mul3A_68 = arith.constant 16 : i32
        %mul3A_69 = arith.muli %mul3A_48, %mul3A_68 : i32
        %add3A_70 = arith.constant 16 : i32
        %add3A_71 = arith.addi %mul3A_69, %add3A_70 : i32
        %swap3A_72 = arith.index_cast %add3A_71 : i32 to index
        %swap3A_73 = tpu.vector_load %arg7[%swap3A_72] {strides = array<i32>} : memref<8192xi32, #tpu.memory_space<vmem>>, vector<16xi32>,
        tpu.vector_store %arg7[%swap3A_72], %gather3A_60 {strides = array<i32>} : memref<8192xi32, #tpu.memory_space<vmem>>, vector<16xi32>,
        %mul3A_74 = arith.constant 16 : i32
        %mul3A_75 = arith.muli %mul3A_48, %mul3A_74 : i32
        %add3A_76 = arith.constant 32 : i32
        %add3A_77 = arith.addi %mul3A_75, %add3A_76 : i32
        %swap3A_78 = arith.index_cast %add3A_77 : i32 to index
        %swap3A_79 = tpu.vector_load %arg7[%swap3A_78] {strides = array<i32>} : memref<8192xi32, #tpu.memory_space<vmem>>, vector<16xi32>,
        tpu.vector_store %arg7[%swap3A_78], %gather3A_61 {strides = array<i32>} : memref<8192xi32, #tpu.memory_space<vmem>>, vector<16xi32>,
        %mul3A_80 = arith.constant 16 : i32
        %mul3A_81 = arith.muli %mul3A_48, %mul3A_80 : i32
        %add3A_82 = arith.constant 48 : i32
        %add3A_83 = arith.addi %mul3A_81, %add3A_82 : i32
        %swap3A_84 = arith.index_cast %add3A_83 : i32 to index
        %swap3A_85 = tpu.vector_load %arg7[%swap3A_84] {strides = array<i32>} : memref<8192xi32, #tpu.memory_space<vmem>>, vector<16xi32>,
        tpu.vector_store %arg7[%swap3A_84], %gather3A_62 {strides = array<i32>} : memref<8192xi32, #tpu.memory_space<vmem>>, vector<16xi32>,
        %scan3A_86 = arith.constant 0 : i32
        scf.yield %scan3A_86 : i32
      }
      %scan3A_44 = arith.constant 16 : i32
      "tpu.region"() ({
        %run_scoped3A = tpu.sem_alloc : memref<!tpu.dma_semaphore, #tpu.memory_space<semaphore_mem>>
        %dma_start3A_45 = arith.constant 0 : i32
        %dma_start3A_46 = tpu.memref_slice %arg7[%dma_start3A_45] : memref<8192xi32, #tpu.memory_space<vmem>> -> memref<1024xi32, #tpu.memory_space<vmem>>
        %dma_start3A_47 = arith.constant 15998976 : i32
        %dma_start3A_48 = tpu.memref_slice %arg3[%dma_start3A_47] : memref<16000000xi32, #tpu.memory_space<hbm>> -> memref<1024xi32, #tpu.memory_space<hbm>>
        %dma_start3A_49 = arith.constant 15998976 : i32
        %dma_start3A_50 = tpu.memref_slice %arg3[%dma_start3A_49] : memref<16000000xi32, #tpu.memory_space<hbm>> -> memref<1024xi32, #tpu.memory_space<hbm>>
        %dma_start3A_51 = arith.constant 0 : i32
        %dma_start3A_52 = tpu.memref_slice %arg7[%dma_start3A_51] : memref<8192xi32, #tpu.memory_space<vmem>> -> memref<1024xi32, #tpu.memory_space<vmem>>
        tpu.enqueue_dma source(%dma_start3A_52 : memref<1024xi32, #tpu.memory_space<vmem>>) target(%dma_start3A_50 : memref<1024xi32, #tpu.memory_space<hbm>>) target_semaphore(%run_scoped3A : memref<!tpu.dma_semaphore, #tpu.memory_space<semaphore_mem>>)
        %dma_wait3A_53 = arith.constant 0 : i32
        %dma_wait3A_54 = tpu.memref_slice %arg7[%dma_wait3A_53] : memref<8192xi32, #tpu.memory_space<vmem>> -> memref<1024xi32, #tpu.memory_space<vmem>>
        %dma_wait3A_55 = arith.constant 15998976 : i32
        %dma_wait3A_56 = tpu.memref_slice %arg3[%dma_wait3A_55] : memref<16000000xi32, #tpu.memory_space<hbm>> -> memref<1024xi32, #tpu.memory_space<hbm>>
        %dma_wait3A_57 = arith.constant 15998976 : i32
        %dma_wait3A_58 = tpu.memref_slice %arg3[%dma_wait3A_57] : memref<16000000xi32, #tpu.memory_space<hbm>> -> memref<1024xi32, #tpu.memory_space<hbm>>
        %dma_wait3A_59 = arith.constant 0 : i32
        %dma_wait3A_60 = tpu.memref_slice %arg7[%dma_wait3A_59] : memref<8192xi32, #tpu.memory_space<vmem>> -> memref<1024xi32, #tpu.memory_space<vmem>>
        tpu.wait_dma2 semaphore(%run_scoped3A : memref<!tpu.dma_semaphore, #tpu.memory_space<semaphore_mem>>) src(%dma_wait3A_60 : memref<1024xi32, #tpu.memory_space<vmem>>) dst(%dma_wait3A_58 : memref<1024xi32, #tpu.memory_space<hbm>>)
        tpu.yield
      }) : () -> ()
    } else {
    }
    return
  }
}

#map = affine_map<(d0, d1) -> (0, 0)>
module attributes {stable_mosaic.version = 14 : i64} {
  func.func @body(%arg0: i32, %arg1: i32, %arg2: memref<8192x100xi32, #tpu.memory_space<hbm>>, %arg3: memref<1000000x16xi32, #tpu.memory_space<hbm>>, %arg4: memref<4096x32xf32, #tpu.memory_space<hbm>>, %arg5: memref<256x100xi32, #tpu.memory_space<vmem>>, %arg6: memref<100x16xi32, #tpu.memory_space<vmem>>, %arg7: memref<100x16xi32, #tpu.memory_space<vmem>>, %arg8: memref<100x16xi32, #tpu.memory_space<vmem>>, %arg9: memref<100x16xi32, #tpu.memory_space<vmem>>, %arg10: memref<128x32xf32, #tpu.memory_space<vmem>>, %arg11: memref<!tpu.dma_semaphore, #tpu.memory_space<semaphore_mem>>, %arg12: memref<!tpu.dma_semaphore, #tpu.memory_space<semaphore_mem>>) attributes {dimension_semantics = [#tpu.dimension_semantics<core_parallel>, #tpu.dimension_semantics<subcore_parallel>], iteration_bounds = array<i64: 2, 16>, scalar_prefetch = 0 : i64, scratch_operands = 8 : i64, tpu.core_type = #tpu.core_type<sc_vector_subcore>, window_params = [{transform_indices = #map}, {transform_indices = #map}, {transform_indices = #map}]} {
    %mul3A = arith.constant 2 : i32
    %mul3A_0 = arith.muli %arg1, %mul3A : i32
    %add3A = arith.addi %mul3A_0, %arg0 : i32
    %mul3A_1 = arith.constant 256 : i32
    %mul3A_2 = arith.muli %add3A, %mul3A_1 : i32
    "tpu.region"() ({
      %run_scoped3A = tpu.sem_alloc : memref<!tpu.dma_semaphore, #tpu.memory_space<semaphore_mem>>
      %dma_start3A_25 = arith.constant 0 : i32
      %dma_start3A_26 = tpu.memref_slice %arg2[%mul3A_2, %dma_start3A_25] : memref<8192x100xi32, #tpu.memory_space<hbm>> -> memref<256x100xi32, #tpu.memory_space<hbm>>
      %dma_start3A_27 = arith.constant 0 : i32
      %dma_start3A_28 = tpu.memref_slice %arg2[%mul3A_2, %dma_start3A_27] : memref<8192x100xi32, #tpu.memory_space<hbm>> -> memref<256x100xi32, #tpu.memory_space<hbm>>
      tpu.enqueue_dma source(%dma_start3A_28 : memref<256x100xi32, #tpu.memory_space<hbm>>) target(%arg5 : memref<256x100xi32, #tpu.memory_space<vmem>>) target_semaphore(%run_scoped3A : memref<!tpu.dma_semaphore, #tpu.memory_space<semaphore_mem>>)
      %dma_wait3A = arith.constant 0 : i32
      %dma_wait3A_29 = tpu.memref_slice %arg2[%mul3A_2, %dma_wait3A] : memref<8192x100xi32, #tpu.memory_space<hbm>> -> memref<256x100xi32, #tpu.memory_space<hbm>>
      %dma_wait3A_30 = arith.constant 0 : i32
      %dma_wait3A_31 = tpu.memref_slice %arg2[%mul3A_2, %dma_wait3A_30] : memref<8192x100xi32, #tpu.memory_space<hbm>> -> memref<256x100xi32, #tpu.memory_space<hbm>>
      tpu.wait_dma2 semaphore(%run_scoped3A : memref<!tpu.dma_semaphore, #tpu.memory_space<semaphore_mem>>) src(%dma_wait3A_31 : memref<256x100xi32, #tpu.memory_space<hbm>>) dst(%arg5 : memref<256x100xi32, #tpu.memory_space<vmem>>)
      tpu.yield
    }) : () -> ()
    %dma_start3A = arith.constant 0 : i32
    %dma_start3A_3 = arith.constant 0 : i32
    %dma_start3A_4 = tpu.memref_slice %arg5[%dma_start3A, %dma_start3A_3] : memref<256x100xi32, #tpu.memory_space<vmem>> -> memref<1x100xi32, #tpu.memory_space<vmem>>
    %dma_start3A_5 = tpu.memref_squeeze %dma_start3A_4 : memref<1x100xi32, #tpu.memory_space<vmem>> -> memref<100xi32, #tpu.memory_space<vmem>>
    %dma_start3A_6 = arith.constant 0 : i32
    %dma_start3A_7 = arith.constant 0 : i32
    %dma_start3A_8 = tpu.memref_slice %arg3[%dma_start3A_6, %dma_start3A_7] : memref<1000000x16xi32, #tpu.memory_space<hbm>> -> memref<1000000x16xi32, #tpu.memory_space<hbm>>
    tpu.enqueue_indirect_dma source(%dma_start3A_8 : memref<1000000x16xi32, #tpu.memory_space<hbm>>) target(%arg6 : memref<100x16xi32, #tpu.memory_space<vmem>>) offsets(%dma_start3A_5 : memref<100xi32, #tpu.memory_space<vmem>>) semaphore(%arg11 : memref<!tpu.dma_semaphore, #tpu.memory_space<semaphore_mem>>)
    %dma_start3A_9 = arith.constant 1 : i32
    %dma_start3A_10 = arith.constant 0 : i32
    %dma_start3A_11 = tpu.memref_slice %arg5[%dma_start3A_9, %dma_start3A_10] : memref<256x100xi32, #tpu.memory_space<vmem>> -> memref<1x100xi32, #tpu.memory_space<vmem>>
    %dma_start3A_12 = tpu.memref_squeeze %dma_start3A_11 : memref<1x100xi32, #tpu.memory_space<vmem>> -> memref<100xi32, #tpu.memory_space<vmem>>
    %dma_start3A_13 = arith.constant 0 : i32
    %dma_start3A_14 = arith.constant 0 : i32
    %dma_start3A_15 = tpu.memref_slice %arg3[%dma_start3A_13, %dma_start3A_14] : memref<1000000x16xi32, #tpu.memory_space<hbm>> -> memref<1000000x16xi32, #tpu.memory_space<hbm>>
    tpu.enqueue_indirect_dma source(%dma_start3A_15 : memref<1000000x16xi32, #tpu.memory_space<hbm>>) target(%arg7 : memref<100x16xi32, #tpu.memory_space<vmem>>) offsets(%dma_start3A_12 : memref<100xi32, #tpu.memory_space<vmem>>) semaphore(%arg11 : memref<!tpu.dma_semaphore, #tpu.memory_space<semaphore_mem>>)
    %scan3A = arith.constant -65536 : i32
    %scan3A_16 = arith.constant 0 : i32
    %scan3A_17 = arith.constant 0 : i32
    %scan3A_18 = arith.constant 64 : i32
    %scan3A_19 = arith.addi %scan3A_17, %scan3A_18 : i32
    %scan3A_20 = arith.constant 1 : i32
    %scan3A_21 = scf.for %scan3A_25 = %scan3A_17 to %scan3A_19 step %scan3A_20 iter_args(%scan3A_26 = %scan3A_16) -> (i32)  : i32 {
      %mul3A_27 = arith.constant 2 : i32
      %mul3A_28 = arith.muli %mul3A_27, %scan3A_25 : i32
      %add3A_29 = arith.constant 1 : i32
      %add3A_30 = arith.addi %mul3A_28, %add3A_29 : i32
      %mul3A_31 = arith.constant 2 : i32
      %mul3A_32 = arith.muli %mul3A_31, %add3A_30 : i32
      %dma_start3A_33 = arith.constant 0 : i32
      %dma_start3A_34 = tpu.memref_slice %arg5[%mul3A_32, %dma_start3A_33] : memref<256x100xi32, #tpu.memory_space<vmem>> -> memref<1x100xi32, #tpu.memory_space<vmem>>
      %dma_start3A_35 = tpu.memref_squeeze %dma_start3A_34 : memref<1x100xi32, #tpu.memory_space<vmem>> -> memref<100xi32, #tpu.memory_space<vmem>>
      %dma_start3A_36 = arith.constant 0 : i32
      %dma_start3A_37 = arith.constant 0 : i32
      %dma_start3A_38 = tpu.memref_slice %arg3[%dma_start3A_36, %dma_start3A_37] : memref<1000000x16xi32, #tpu.memory_space<hbm>> -> memref<1000000x16xi32, #tpu.memory_space<hbm>>
      tpu.enqueue_indirect_dma source(%dma_start3A_38 : memref<1000000x16xi32, #tpu.memory_space<hbm>>) target(%arg8 : memref<100x16xi32, #tpu.memory_space<vmem>>) offsets(%dma_start3A_35 : memref<100xi32, #tpu.memory_space<vmem>>) semaphore(%arg12 : memref<!tpu.dma_semaphore, #tpu.memory_space<semaphore_mem>>)
      %mul3A_39 = arith.constant 2 : i32
      %mul3A_40 = arith.muli %mul3A_39, %add3A_30 : i32
      %add3A_41 = arith.constant 1 : i32
      %add3A_42 = arith.addi %mul3A_40, %add3A_41 : i32
      %dma_start3A_43 = arith.constant 0 : i32
      %dma_start3A_44 = tpu.memref_slice %arg5[%add3A_42, %dma_start3A_43] : memref<256x100xi32, #tpu.memory_space<vmem>> -> memref<1x100xi32, #tpu.memory_space<vmem>>
      %dma_start3A_45 = tpu.memref_squeeze %dma_start3A_44 : memref<1x100xi32, #tpu.memory_space<vmem>> -> memref<100xi32, #tpu.memory_space<vmem>>
      %dma_start3A_46 = arith.constant 0 : i32
      %dma_start3A_47 = arith.constant 0 : i32
      %dma_start3A_48 = tpu.memref_slice %arg3[%dma_start3A_46, %dma_start3A_47] : memref<1000000x16xi32, #tpu.memory_space<hbm>> -> memref<1000000x16xi32, #tpu.memory_space<hbm>>
      tpu.enqueue_indirect_dma source(%dma_start3A_48 : memref<1000000x16xi32, #tpu.memory_space<hbm>>) target(%arg9 : memref<100x16xi32, #tpu.memory_space<vmem>>) offsets(%dma_start3A_45 : memref<100xi32, #tpu.memory_space<vmem>>) semaphore(%arg12 : memref<!tpu.dma_semaphore, #tpu.memory_space<semaphore_mem>>)
      %mul3A_49 = arith.constant 2 : i32
      %mul3A_50 = arith.muli %mul3A_49, %mul3A_28 : i32
      %dma_wait3A = arith.constant 0 : i32
      %dma_wait3A_51 = tpu.memref_slice %arg5[%mul3A_50, %dma_wait3A] : memref<256x100xi32, #tpu.memory_space<vmem>> -> memref<1x100xi32, #tpu.memory_space<vmem>>
      %dma_wait3A_52 = tpu.memref_squeeze %dma_wait3A_51 : memref<1x100xi32, #tpu.memory_space<vmem>> -> memref<100xi32, #tpu.memory_space<vmem>>
      %dma_wait3A_53 = arith.constant 0 : i32
      %dma_wait3A_54 = arith.constant 0 : i32
      %dma_wait3A_55 = tpu.memref_slice %arg3[%dma_wait3A_53, %dma_wait3A_54] : memref<1000000x16xi32, #tpu.memory_space<hbm>> -> memref<1000000x16xi32, #tpu.memory_space<hbm>>
      tpu.wait_indirect_dma semaphore(%arg11 : memref<!tpu.dma_semaphore, #tpu.memory_space<semaphore_mem>>) src(%dma_wait3A_55 : memref<1000000x16xi32, #tpu.memory_space<hbm>>) dst(%arg6 : memref<100x16xi32, #tpu.memory_space<vmem>>)
      %mul3A_56 = arith.constant 2 : i32
      %mul3A_57 = arith.muli %mul3A_56, %mul3A_28 : i32
      %add3A_58 = arith.constant 1 : i32
      %add3A_59 = arith.addi %mul3A_57, %add3A_58 : i32
      %dma_wait3A_60 = arith.constant 0 : i32
      %dma_wait3A_61 = tpu.memref_slice %arg5[%add3A_59, %dma_wait3A_60] : memref<256x100xi32, #tpu.memory_space<vmem>> -> memref<1x100xi32, #tpu.memory_space<vmem>>
      %dma_wait3A_62 = tpu.memref_squeeze %dma_wait3A_61 : memref<1x100xi32, #tpu.memory_space<vmem>> -> memref<100xi32, #tpu.memory_space<vmem>>
      %dma_wait3A_63 = arith.constant 0 : i32
      %dma_wait3A_64 = arith.constant 0 : i32
      %dma_wait3A_65 = tpu.memref_slice %arg3[%dma_wait3A_63, %dma_wait3A_64] : memref<1000000x16xi32, #tpu.memory_space<hbm>> -> memref<1000000x16xi32, #tpu.memory_space<hbm>>
      tpu.wait_indirect_dma semaphore(%arg11 : memref<!tpu.dma_semaphore, #tpu.memory_space<semaphore_mem>>) src(%dma_wait3A_65 : memref<1000000x16xi32, #tpu.memory_space<hbm>>) dst(%arg7 : memref<100x16xi32, #tpu.memory_space<vmem>>)
      %broadcast_in_dim3A = arith.constant 0.000000e+00 : f32
      %broadcast_in_dim3A_66 = vector.broadcast %broadcast_in_dim3A : f32 to vector<16xf32>
      %scan3A_67 = arith.constant 0 : i32
      %scan3A_68 = arith.constant 5 : i32
      %scan3A_69 = arith.addi %scan3A_67, %scan3A_68 : i32
      %scan3A_70 = arith.constant 1 : i32
      %scan3A_71:4 = scf.for %scan3A_141 = %scan3A_67 to %scan3A_69 step %scan3A_70 iter_args(%scan3A_142 = %broadcast_in_dim3A_66, %scan3A_143 = %broadcast_in_dim3A_66, %scan3A_144 = %broadcast_in_dim3A_66, %scan3A_145 = %broadcast_in_dim3A_66) -> (vector<16xf32>, vector<16xf32>, vector<16xf32>, vector<16xf32>)  : i32 {
        %mul3A_146 = arith.constant 20 : i32
        %mul3A_147 = arith.muli %scan3A_141, %mul3A_146 : i32
        %add3A_148 = arith.constant 0 : i32
        %add3A_149 = arith.addi %mul3A_147, %add3A_148 : i32
        %get3A = arith.index_cast %add3A_149 : i32 to index
        %get3A_150 = arith.constant 0 : index
        %get3A_151 = tpu.vector_load %arg6[%get3A, %get3A_150] {strides = array<i32>} : memref<100x16xi32, #tpu.memory_space<vmem>>, vector<1x16xi32>,
        %get3A_152 = vector.shape_cast %get3A_151 : vector<1x16xi32> to vector<16xi32>
        %shift_left3A = arith.constant 16 : i32
        %shift_left3A_153 = vector.broadcast %shift_left3A : i32 to vector<16xi32>
        %shift_left3A_154 = arith.shli %get3A_152, %shift_left3A_153 : vector<16xi32>
        %bitcast_convert_type3A = tpu.bitcast %shift_left3A_154 : vector<16xi32> -> vector<16xf32>
        %and3A = vector.broadcast %scan3A : i32 to vector<16xi32>
        %and3A_155 = arith.andi %get3A_152, %and3A : vector<16xi32>
        %bitcast_convert_type3A_156 = tpu.bitcast %and3A_155 : vector<16xi32> -> vector<16xf32>
        %add3A_157 = arith.constant 1 : i32
        %add3A_158 = arith.addi %add3A_149, %add3A_157 : i32
        %get3A_159 = arith.index_cast %add3A_158 : i32 to index
        %get3A_160 = arith.constant 0 : index
        %get3A_161 = tpu.vector_load %arg6[%get3A_159, %get3A_160] {strides = array<i32>} : memref<100x16xi32, #tpu.memory_space<vmem>>, vector<1x16xi32>,
        %get3A_162 = vector.shape_cast %get3A_161 : vector<1x16xi32> to vector<16xi32>
        %shift_left3A_163 = arith.constant 16 : i32
        %shift_left3A_164 = vector.broadcast %shift_left3A_163 : i32 to vector<16xi32>
        %shift_left3A_165 = arith.shli %get3A_162, %shift_left3A_164 : vector<16xi32>
        %bitcast_convert_type3A_166 = tpu.bitcast %shift_left3A_165 : vector<16xi32> -> vector<16xf32>
        %and3A_167 = vector.broadcast %scan3A : i32 to vector<16xi32>
        %and3A_168 = arith.andi %get3A_162, %and3A_167 : vector<16xi32>
        %bitcast_convert_type3A_169 = tpu.bitcast %and3A_168 : vector<16xi32> -> vector<16xf32>
        %add3A_170 = arith.addf %scan3A_142, %bitcast_convert_type3A : vector<16xf32>
        %add3A_171 = arith.addf %scan3A_143, %bitcast_convert_type3A_156 : vector<16xf32>
        %add3A_172 = arith.addf %scan3A_144, %bitcast_convert_type3A_166 : vector<16xf32>
        %add3A_173 = arith.addf %scan3A_145, %bitcast_convert_type3A_169 : vector<16xf32>
        %mul3A_174 = arith.constant 20 : i32
        %mul3A_175 = arith.muli %scan3A_141, %mul3A_174 : i32
        %add3A_176 = arith.constant 2 : i32
        %add3A_177 = arith.addi %mul3A_175, %add3A_176 : i32
        %get3A_178 = arith.index_cast %add3A_177 : i32 to index
        %get3A_179 = arith.constant 0 : index
        %get3A_180 = tpu.vector_load %arg6[%get3A_178, %get3A_179] {strides = array<i32>} : memref<100x16xi32, #tpu.memory_space<vmem>>, vector<1x16xi32>,
        %get3A_181 = vector.shape_cast %get3A_180 : vector<1x16xi32> to vector<16xi32>
        %shift_left3A_182 = arith.constant 16 : i32
        %shift_left3A_183 = vector.broadcast %shift_left3A_182 : i32 to vector<16xi32>
        %shift_left3A_184 = arith.shli %get3A_181, %shift_left3A_183 : vector<16xi32>
        %bitcast_convert_type3A_185 = tpu.bitcast %shift_left3A_184 : vector<16xi32> -> vector<16xf32>
        %and3A_186 = vector.broadcast %scan3A : i32 to vector<16xi32>
        %and3A_187 = arith.andi %get3A_181, %and3A_186 : vector<16xi32>
        %bitcast_convert_type3A_188 = tpu.bitcast %and3A_187 : vector<16xi32> -> vector<16xf32>
        %add3A_189 = arith.constant 1 : i32
        %add3A_190 = arith.addi %add3A_177, %add3A_189 : i32
        %get3A_191 = arith.index_cast %add3A_190 : i32 to index
        %get3A_192 = arith.constant 0 : index
        %get3A_193 = tpu.vector_load %arg6[%get3A_191, %get3A_192] {strides = array<i32>} : memref<100x16xi32, #tpu.memory_space<vmem>>, vector<1x16xi32>,
        %get3A_194 = vector.shape_cast %get3A_193 : vector<1x16xi32> to vector<16xi32>
        %shift_left3A_195 = arith.constant 16 : i32
        %shift_left3A_196 = vector.broadcast %shift_left3A_195 : i32 to vector<16xi32>
        %shift_left3A_197 = arith.shli %get3A_194, %shift_left3A_196 : vector<16xi32>
        %bitcast_convert_type3A_198 = tpu.bitcast %shift_left3A_197 : vector<16xi32> -> vector<16xf32>
        %and3A_199 = vector.broadcast %scan3A : i32 to vector<16xi32>
        %and3A_200 = arith.andi %get3A_194, %and3A_199 : vector<16xi32>
        %bitcast_convert_type3A_201 = tpu.bitcast %and3A_200 : vector<16xi32> -> vector<16xf32>
        %add3A_202 = arith.addf %add3A_170, %bitcast_convert_type3A_185 : vector<16xf32>
        %add3A_203 = arith.addf %add3A_171, %bitcast_convert_type3A_188 : vector<16xf32>
        %add3A_204 = arith.addf %add3A_172, %bitcast_convert_type3A_198 : vector<16xf32>
        %add3A_205 = arith.addf %add3A_173, %bitcast_convert_type3A_201 : vector<16xf32>
        %mul3A_206 = arith.constant 20 : i32
        %mul3A_207 = arith.muli %scan3A_141, %mul3A_206 : i32
        %add3A_208 = arith.constant 4 : i32
        %add3A_209 = arith.addi %mul3A_207, %add3A_208 : i32
        %get3A_210 = arith.index_cast %add3A_209 : i32 to index
        %get3A_211 = arith.constant 0 : index
        %get3A_212 = tpu.vector_load %arg6[%get3A_210, %get3A_211] {strides = array<i32>} : memref<100x16xi32, #tpu.memory_space<vmem>>, vector<1x16xi32>,
        %get3A_213 = vector.shape_cast %get3A_212 : vector<1x16xi32> to vector<16xi32>
        %shift_left3A_214 = arith.constant 16 : i32
        %shift_left3A_215 = vector.broadcast %shift_left3A_214 : i32 to vector<16xi32>
        %shift_left3A_216 = arith.shli %get3A_213, %shift_left3A_215 : vector<16xi32>
        %bitcast_convert_type3A_217 = tpu.bitcast %shift_left3A_216 : vector<16xi32> -> vector<16xf32>
        %and3A_218 = vector.broadcast %scan3A : i32 to vector<16xi32>
        %and3A_219 = arith.andi %get3A_213, %and3A_218 : vector<16xi32>
        %bitcast_convert_type3A_220 = tpu.bitcast %and3A_219 : vector<16xi32> -> vector<16xf32>
        %add3A_221 = arith.constant 1 : i32
        %add3A_222 = arith.addi %add3A_209, %add3A_221 : i32
        %get3A_223 = arith.index_cast %add3A_222 : i32 to index
        %get3A_224 = arith.constant 0 : index
        %get3A_225 = tpu.vector_load %arg6[%get3A_223, %get3A_224] {strides = array<i32>} : memref<100x16xi32, #tpu.memory_space<vmem>>, vector<1x16xi32>,
        %get3A_226 = vector.shape_cast %get3A_225 : vector<1x16xi32> to vector<16xi32>
        %shift_left3A_227 = arith.constant 16 : i32
        %shift_left3A_228 = vector.broadcast %shift_left3A_227 : i32 to vector<16xi32>
        %shift_left3A_229 = arith.shli %get3A_226, %shift_left3A_228 : vector<16xi32>
        %bitcast_convert_type3A_230 = tpu.bitcast %shift_left3A_229 : vector<16xi32> -> vector<16xf32>
        %and3A_231 = vector.broadcast %scan3A : i32 to vector<16xi32>
        %and3A_232 = arith.andi %get3A_226, %and3A_231 : vector<16xi32>
        %bitcast_convert_type3A_233 = tpu.bitcast %and3A_232 : vector<16xi32> -> vector<16xf32>
        %add3A_234 = arith.addf %add3A_202, %bitcast_convert_type3A_217 : vector<16xf32>
        %add3A_235 = arith.addf %add3A_203, %bitcast_convert_type3A_220 : vector<16xf32>
        %add3A_236 = arith.addf %add3A_204, %bitcast_convert_type3A_230 : vector<16xf32>
        %add3A_237 = arith.addf %add3A_205, %bitcast_convert_type3A_233 : vector<16xf32>
        %mul3A_238 = arith.constant 20 : i32
        %mul3A_239 = arith.muli %scan3A_141, %mul3A_238 : i32
        %add3A_240 = arith.constant 6 : i32
        %add3A_241 = arith.addi %mul3A_239, %add3A_240 : i32
        %get3A_242 = arith.index_cast %add3A_241 : i32 to index
        %get3A_243 = arith.constant 0 : index
        %get3A_244 = tpu.vector_load %arg6[%get3A_242, %get3A_243] {strides = array<i32>} : memref<100x16xi32, #tpu.memory_space<vmem>>, vector<1x16xi32>,
        %get3A_245 = vector.shape_cast %get3A_244 : vector<1x16xi32> to vector<16xi32>
        %shift_left3A_246 = arith.constant 16 : i32
        %shift_left3A_247 = vector.broadcast %shift_left3A_246 : i32 to vector<16xi32>
        %shift_left3A_248 = arith.shli %get3A_245, %shift_left3A_247 : vector<16xi32>
        %bitcast_convert_type3A_249 = tpu.bitcast %shift_left3A_248 : vector<16xi32> -> vector<16xf32>
        %and3A_250 = vector.broadcast %scan3A : i32 to vector<16xi32>
        %and3A_251 = arith.andi %get3A_245, %and3A_250 : vector<16xi32>
        %bitcast_convert_type3A_252 = tpu.bitcast %and3A_251 : vector<16xi32> -> vector<16xf32>
        %add3A_253 = arith.constant 1 : i32
        %add3A_254 = arith.addi %add3A_241, %add3A_253 : i32
        %get3A_255 = arith.index_cast %add3A_254 : i32 to index
        %get3A_256 = arith.constant 0 : index
        %get3A_257 = tpu.vector_load %arg6[%get3A_255, %get3A_256] {strides = array<i32>} : memref<100x16xi32, #tpu.memory_space<vmem>>, vector<1x16xi32>,
        %get3A_258 = vector.shape_cast %get3A_257 : vector<1x16xi32> to vector<16xi32>
        %shift_left3A_259 = arith.constant 16 : i32
        %shift_left3A_260 = vector.broadcast %shift_left3A_259 : i32 to vector<16xi32>
        %shift_left3A_261 = arith.shli %get3A_258, %shift_left3A_260 : vector<16xi32>
        %bitcast_convert_type3A_262 = tpu.bitcast %shift_left3A_261 : vector<16xi32> -> vector<16xf32>
        %and3A_263 = vector.broadcast %scan3A : i32 to vector<16xi32>
        %and3A_264 = arith.andi %get3A_258, %and3A_263 : vector<16xi32>
        %bitcast_convert_type3A_265 = tpu.bitcast %and3A_264 : vector<16xi32> -> vector<16xf32>
        %add3A_266 = arith.addf %add3A_234, %bitcast_convert_type3A_249 : vector<16xf32>
        %add3A_267 = arith.addf %add3A_235, %bitcast_convert_type3A_252 : vector<16xf32>
        %add3A_268 = arith.addf %add3A_236, %bitcast_convert_type3A_262 : vector<16xf32>
        %add3A_269 = arith.addf %add3A_237, %bitcast_convert_type3A_265 : vector<16xf32>
        %mul3A_270 = arith.constant 20 : i32
        %mul3A_271 = arith.muli %scan3A_141, %mul3A_270 : i32
        %add3A_272 = arith.constant 8 : i32
        %add3A_273 = arith.addi %mul3A_271, %add3A_272 : i32
        %get3A_274 = arith.index_cast %add3A_273 : i32 to index
        %get3A_275 = arith.constant 0 : index
        %get3A_276 = tpu.vector_load %arg6[%get3A_274, %get3A_275] {strides = array<i32>} : memref<100x16xi32, #tpu.memory_space<vmem>>, vector<1x16xi32>,
        %get3A_277 = vector.shape_cast %get3A_276 : vector<1x16xi32> to vector<16xi32>
        %shift_left3A_278 = arith.constant 16 : i32
        %shift_left3A_279 = vector.broadcast %shift_left3A_278 : i32 to vector<16xi32>
        %shift_left3A_280 = arith.shli %get3A_277, %shift_left3A_279 : vector<16xi32>
        %bitcast_convert_type3A_281 = tpu.bitcast %shift_left3A_280 : vector<16xi32> -> vector<16xf32>
        %and3A_282 = vector.broadcast %scan3A : i32 to vector<16xi32>
        %and3A_283 = arith.andi %get3A_277, %and3A_282 : vector<16xi32>
        %bitcast_convert_type3A_284 = tpu.bitcast %and3A_283 : vector<16xi32> -> vector<16xf32>
        %add3A_285 = arith.constant 1 : i32
        %add3A_286 = arith.addi %add3A_273, %add3A_285 : i32
        %get3A_287 = arith.index_cast %add3A_286 : i32 to index
        %get3A_288 = arith.constant 0 : index
        %get3A_289 = tpu.vector_load %arg6[%get3A_287, %get3A_288] {strides = array<i32>} : memref<100x16xi32, #tpu.memory_space<vmem>>, vector<1x16xi32>,
        %get3A_290 = vector.shape_cast %get3A_289 : vector<1x16xi32> to vector<16xi32>
        %shift_left3A_291 = arith.constant 16 : i32
        %shift_left3A_292 = vector.broadcast %shift_left3A_291 : i32 to vector<16xi32>
        %shift_left3A_293 = arith.shli %get3A_290, %shift_left3A_292 : vector<16xi32>
        %bitcast_convert_type3A_294 = tpu.bitcast %shift_left3A_293 : vector<16xi32> -> vector<16xf32>
        %and3A_295 = vector.broadcast %scan3A : i32 to vector<16xi32>
        %and3A_296 = arith.andi %get3A_290, %and3A_295 : vector<16xi32>
        %bitcast_convert_type3A_297 = tpu.bitcast %and3A_296 : vector<16xi32> -> vector<16xf32>
        %add3A_298 = arith.addf %add3A_266, %bitcast_convert_type3A_281 : vector<16xf32>
        %add3A_299 = arith.addf %add3A_267, %bitcast_convert_type3A_284 : vector<16xf32>
        %add3A_300 = arith.addf %add3A_268, %bitcast_convert_type3A_294 : vector<16xf32>
        %add3A_301 = arith.addf %add3A_269, %bitcast_convert_type3A_297 : vector<16xf32>
        %mul3A_302 = arith.constant 20 : i32
        %mul3A_303 = arith.muli %scan3A_141, %mul3A_302 : i32
        %add3A_304 = arith.constant 10 : i32
        %add3A_305 = arith.addi %mul3A_303, %add3A_304 : i32
        %get3A_306 = arith.index_cast %add3A_305 : i32 to index
        %get3A_307 = arith.constant 0 : index
        %get3A_308 = tpu.vector_load %arg6[%get3A_306, %get3A_307] {strides = array<i32>} : memref<100x16xi32, #tpu.memory_space<vmem>>, vector<1x16xi32>,
        %get3A_309 = vector.shape_cast %get3A_308 : vector<1x16xi32> to vector<16xi32>
        %shift_left3A_310 = arith.constant 16 : i32
        %shift_left3A_311 = vector.broadcast %shift_left3A_310 : i32 to vector<16xi32>
        %shift_left3A_312 = arith.shli %get3A_309, %shift_left3A_311 : vector<16xi32>
        %bitcast_convert_type3A_313 = tpu.bitcast %shift_left3A_312 : vector<16xi32> -> vector<16xf32>
        %and3A_314 = vector.broadcast %scan3A : i32 to vector<16xi32>
        %and3A_315 = arith.andi %get3A_309, %and3A_314 : vector<16xi32>
        %bitcast_convert_type3A_316 = tpu.bitcast %and3A_315 : vector<16xi32> -> vector<16xf32>
        %add3A_317 = arith.constant 1 : i32
        %add3A_318 = arith.addi %add3A_305, %add3A_317 : i32
        %get3A_319 = arith.index_cast %add3A_318 : i32 to index
        %get3A_320 = arith.constant 0 : index
        %get3A_321 = tpu.vector_load %arg6[%get3A_319, %get3A_320] {strides = array<i32>} : memref<100x16xi32, #tpu.memory_space<vmem>>, vector<1x16xi32>,
        %get3A_322 = vector.shape_cast %get3A_321 : vector<1x16xi32> to vector<16xi32>
        %shift_left3A_323 = arith.constant 16 : i32
        %shift_left3A_324 = vector.broadcast %shift_left3A_323 : i32 to vector<16xi32>
        %shift_left3A_325 = arith.shli %get3A_322, %shift_left3A_324 : vector<16xi32>
        %bitcast_convert_type3A_326 = tpu.bitcast %shift_left3A_325 : vector<16xi32> -> vector<16xf32>
        %and3A_327 = vector.broadcast %scan3A : i32 to vector<16xi32>
        %and3A_328 = arith.andi %get3A_322, %and3A_327 : vector<16xi32>
        %bitcast_convert_type3A_329 = tpu.bitcast %and3A_328 : vector<16xi32> -> vector<16xf32>
        %add3A_330 = arith.addf %add3A_298, %bitcast_convert_type3A_313 : vector<16xf32>
        %add3A_331 = arith.addf %add3A_299, %bitcast_convert_type3A_316 : vector<16xf32>
        %add3A_332 = arith.addf %add3A_300, %bitcast_convert_type3A_326 : vector<16xf32>
        %add3A_333 = arith.addf %add3A_301, %bitcast_convert_type3A_329 : vector<16xf32>
        %mul3A_334 = arith.constant 20 : i32
        %mul3A_335 = arith.muli %scan3A_141, %mul3A_334 : i32
        %add3A_336 = arith.constant 12 : i32
        %add3A_337 = arith.addi %mul3A_335, %add3A_336 : i32
        %get3A_338 = arith.index_cast %add3A_337 : i32 to index
        %get3A_339 = arith.constant 0 : index
        %get3A_340 = tpu.vector_load %arg6[%get3A_338, %get3A_339] {strides = array<i32>} : memref<100x16xi32, #tpu.memory_space<vmem>>, vector<1x16xi32>,
        %get3A_341 = vector.shape_cast %get3A_340 : vector<1x16xi32> to vector<16xi32>
        %shift_left3A_342 = arith.constant 16 : i32
        %shift_left3A_343 = vector.broadcast %shift_left3A_342 : i32 to vector<16xi32>
        %shift_left3A_344 = arith.shli %get3A_341, %shift_left3A_343 : vector<16xi32>
        %bitcast_convert_type3A_345 = tpu.bitcast %shift_left3A_344 : vector<16xi32> -> vector<16xf32>
        %and3A_346 = vector.broadcast %scan3A : i32 to vector<16xi32>
        %and3A_347 = arith.andi %get3A_341, %and3A_346 : vector<16xi32>
        %bitcast_convert_type3A_348 = tpu.bitcast %and3A_347 : vector<16xi32> -> vector<16xf32>
        %add3A_349 = arith.constant 1 : i32
        %add3A_350 = arith.addi %add3A_337, %add3A_349 : i32
        %get3A_351 = arith.index_cast %add3A_350 : i32 to index
        %get3A_352 = arith.constant 0 : index
        %get3A_353 = tpu.vector_load %arg6[%get3A_351, %get3A_352] {strides = array<i32>} : memref<100x16xi32, #tpu.memory_space<vmem>>, vector<1x16xi32>,
        %get3A_354 = vector.shape_cast %get3A_353 : vector<1x16xi32> to vector<16xi32>
        %shift_left3A_355 = arith.constant 16 : i32
        %shift_left3A_356 = vector.broadcast %shift_left3A_355 : i32 to vector<16xi32>
        %shift_left3A_357 = arith.shli %get3A_354, %shift_left3A_356 : vector<16xi32>
        %bitcast_convert_type3A_358 = tpu.bitcast %shift_left3A_357 : vector<16xi32> -> vector<16xf32>
        %and3A_359 = vector.broadcast %scan3A : i32 to vector<16xi32>
        %and3A_360 = arith.andi %get3A_354, %and3A_359 : vector<16xi32>
        %bitcast_convert_type3A_361 = tpu.bitcast %and3A_360 : vector<16xi32> -> vector<16xf32>
        %add3A_362 = arith.addf %add3A_330, %bitcast_convert_type3A_345 : vector<16xf32>
        %add3A_363 = arith.addf %add3A_331, %bitcast_convert_type3A_348 : vector<16xf32>
        %add3A_364 = arith.addf %add3A_332, %bitcast_convert_type3A_358 : vector<16xf32>
        %add3A_365 = arith.addf %add3A_333, %bitcast_convert_type3A_361 : vector<16xf32>
        %mul3A_366 = arith.constant 20 : i32
        %mul3A_367 = arith.muli %scan3A_141, %mul3A_366 : i32
        %add3A_368 = arith.constant 14 : i32
        %add3A_369 = arith.addi %mul3A_367, %add3A_368 : i32
        %get3A_370 = arith.index_cast %add3A_369 : i32 to index
        %get3A_371 = arith.constant 0 : index
        %get3A_372 = tpu.vector_load %arg6[%get3A_370, %get3A_371] {strides = array<i32>} : memref<100x16xi32, #tpu.memory_space<vmem>>, vector<1x16xi32>,
        %get3A_373 = vector.shape_cast %get3A_372 : vector<1x16xi32> to vector<16xi32>
        %shift_left3A_374 = arith.constant 16 : i32
        %shift_left3A_375 = vector.broadcast %shift_left3A_374 : i32 to vector<16xi32>
        %shift_left3A_376 = arith.shli %get3A_373, %shift_left3A_375 : vector<16xi32>
        %bitcast_convert_type3A_377 = tpu.bitcast %shift_left3A_376 : vector<16xi32> -> vector<16xf32>
        %and3A_378 = vector.broadcast %scan3A : i32 to vector<16xi32>
        %and3A_379 = arith.andi %get3A_373, %and3A_378 : vector<16xi32>
        %bitcast_convert_type3A_380 = tpu.bitcast %and3A_379 : vector<16xi32> -> vector<16xf32>
        %add3A_381 = arith.constant 1 : i32
        %add3A_382 = arith.addi %add3A_369, %add3A_381 : i32
        %get3A_383 = arith.index_cast %add3A_382 : i32 to index
        %get3A_384 = arith.constant 0 : index
        %get3A_385 = tpu.vector_load %arg6[%get3A_383, %get3A_384] {strides = array<i32>} : memref<100x16xi32, #tpu.memory_space<vmem>>, vector<1x16xi32>,
        %get3A_386 = vector.shape_cast %get3A_385 : vector<1x16xi32> to vector<16xi32>
        %shift_left3A_387 = arith.constant 16 : i32
        %shift_left3A_388 = vector.broadcast %shift_left3A_387 : i32 to vector<16xi32>
        %shift_left3A_389 = arith.shli %get3A_386, %shift_left3A_388 : vector<16xi32>
        %bitcast_convert_type3A_390 = tpu.bitcast %shift_left3A_389 : vector<16xi32> -> vector<16xf32>
        %and3A_391 = vector.broadcast %scan3A : i32 to vector<16xi32>
        %and3A_392 = arith.andi %get3A_386, %and3A_391 : vector<16xi32>
        %bitcast_convert_type3A_393 = tpu.bitcast %and3A_392 : vector<16xi32> -> vector<16xf32>
        %add3A_394 = arith.addf %add3A_362, %bitcast_convert_type3A_377 : vector<16xf32>
        %add3A_395 = arith.addf %add3A_363, %bitcast_convert_type3A_380 : vector<16xf32>
        %add3A_396 = arith.addf %add3A_364, %bitcast_convert_type3A_390 : vector<16xf32>
        %add3A_397 = arith.addf %add3A_365, %bitcast_convert_type3A_393 : vector<16xf32>
        %mul3A_398 = arith.constant 20 : i32
        %mul3A_399 = arith.muli %scan3A_141, %mul3A_398 : i32
        %add3A_400 = arith.constant 16 : i32
        %add3A_401 = arith.addi %mul3A_399, %add3A_400 : i32
        %get3A_402 = arith.index_cast %add3A_401 : i32 to index
        %get3A_403 = arith.constant 0 : index
        %get3A_404 = tpu.vector_load %arg6[%get3A_402, %get3A_403] {strides = array<i32>} : memref<100x16xi32, #tpu.memory_space<vmem>>, vector<1x16xi32>,
        %get3A_405 = vector.shape_cast %get3A_404 : vector<1x16xi32> to vector<16xi32>
        %shift_left3A_406 = arith.constant 16 : i32
        %shift_left3A_407 = vector.broadcast %shift_left3A_406 : i32 to vector<16xi32>
        %shift_left3A_408 = arith.shli %get3A_405, %shift_left3A_407 : vector<16xi32>
        %bitcast_convert_type3A_409 = tpu.bitcast %shift_left3A_408 : vector<16xi32> -> vector<16xf32>
        %and3A_410 = vector.broadcast %scan3A : i32 to vector<16xi32>
        %and3A_411 = arith.andi %get3A_405, %and3A_410 : vector<16xi32>
        %bitcast_convert_type3A_412 = tpu.bitcast %and3A_411 : vector<16xi32> -> vector<16xf32>
        %add3A_413 = arith.constant 1 : i32
        %add3A_414 = arith.addi %add3A_401, %add3A_413 : i32
        %get3A_415 = arith.index_cast %add3A_414 : i32 to index
        %get3A_416 = arith.constant 0 : index
        %get3A_417 = tpu.vector_load %arg6[%get3A_415, %get3A_416] {strides = array<i32>} : memref<100x16xi32, #tpu.memory_space<vmem>>, vector<1x16xi32>,
        %get3A_418 = vector.shape_cast %get3A_417 : vector<1x16xi32> to vector<16xi32>
        %shift_left3A_419 = arith.constant 16 : i32
        %shift_left3A_420 = vector.broadcast %shift_left3A_419 : i32 to vector<16xi32>
        %shift_left3A_421 = arith.shli %get3A_418, %shift_left3A_420 : vector<16xi32>
        %bitcast_convert_type3A_422 = tpu.bitcast %shift_left3A_421 : vector<16xi32> -> vector<16xf32>
        %and3A_423 = vector.broadcast %scan3A : i32 to vector<16xi32>
        %and3A_424 = arith.andi %get3A_418, %and3A_423 : vector<16xi32>
        %bitcast_convert_type3A_425 = tpu.bitcast %and3A_424 : vector<16xi32> -> vector<16xf32>
        %add3A_426 = arith.addf %add3A_394, %bitcast_convert_type3A_409 : vector<16xf32>
        %add3A_427 = arith.addf %add3A_395, %bitcast_convert_type3A_412 : vector<16xf32>
        %add3A_428 = arith.addf %add3A_396, %bitcast_convert_type3A_422 : vector<16xf32>
        %add3A_429 = arith.addf %add3A_397, %bitcast_convert_type3A_425 : vector<16xf32>
        %mul3A_430 = arith.constant 20 : i32
        %mul3A_431 = arith.muli %scan3A_141, %mul3A_430 : i32
        %add3A_432 = arith.constant 18 : i32
        %add3A_433 = arith.addi %mul3A_431, %add3A_432 : i32
        %get3A_434 = arith.index_cast %add3A_433 : i32 to index
        %get3A_435 = arith.constant 0 : index
        %get3A_436 = tpu.vector_load %arg6[%get3A_434, %get3A_435] {strides = array<i32>} : memref<100x16xi32, #tpu.memory_space<vmem>>, vector<1x16xi32>,
        %get3A_437 = vector.shape_cast %get3A_436 : vector<1x16xi32> to vector<16xi32>
        %shift_left3A_438 = arith.constant 16 : i32
        %shift_left3A_439 = vector.broadcast %shift_left3A_438 : i32 to vector<16xi32>
        %shift_left3A_440 = arith.shli %get3A_437, %shift_left3A_439 : vector<16xi32>
        %bitcast_convert_type3A_441 = tpu.bitcast %shift_left3A_440 : vector<16xi32> -> vector<16xf32>
        %and3A_442 = vector.broadcast %scan3A : i32 to vector<16xi32>
        %and3A_443 = arith.andi %get3A_437, %and3A_442 : vector<16xi32>
        %bitcast_convert_type3A_444 = tpu.bitcast %and3A_443 : vector<16xi32> -> vector<16xf32>
        %add3A_445 = arith.constant 1 : i32
        %add3A_446 = arith.addi %add3A_433, %add3A_445 : i32
        %get3A_447 = arith.index_cast %add3A_446 : i32 to index
        %get3A_448 = arith.constant 0 : index
        %get3A_449 = tpu.vector_load %arg6[%get3A_447, %get3A_448] {strides = array<i32>} : memref<100x16xi32, #tpu.memory_space<vmem>>, vector<1x16xi32>,
        %get3A_450 = vector.shape_cast %get3A_449 : vector<1x16xi32> to vector<16xi32>
        %shift_left3A_451 = arith.constant 16 : i32
        %shift_left3A_452 = vector.broadcast %shift_left3A_451 : i32 to vector<16xi32>
        %shift_left3A_453 = arith.shli %get3A_450, %shift_left3A_452 : vector<16xi32>
        %bitcast_convert_type3A_454 = tpu.bitcast %shift_left3A_453 : vector<16xi32> -> vector<16xf32>
        %and3A_455 = vector.broadcast %scan3A : i32 to vector<16xi32>
        %and3A_456 = arith.andi %get3A_450, %and3A_455 : vector<16xi32>
        %bitcast_convert_type3A_457 = tpu.bitcast %and3A_456 : vector<16xi32> -> vector<16xf32>
        %add3A_458 = arith.addf %add3A_426, %bitcast_convert_type3A_441 : vector<16xf32>
        %add3A_459 = arith.addf %add3A_427, %bitcast_convert_type3A_444 : vector<16xf32>
        %add3A_460 = arith.addf %add3A_428, %bitcast_convert_type3A_454 : vector<16xf32>
        %add3A_461 = arith.addf %add3A_429, %bitcast_convert_type3A_457 : vector<16xf32>
        scf.yield %add3A_458, %add3A_459, %add3A_460, %add3A_461 : vector<16xf32>, vector<16xf32>, vector<16xf32>, vector<16xf32>
      }
      %scan3A_72 = arith.constant 5 : i32
      %scan3A_73 = arith.constant 0 : i32
      %scan3A_74 = arith.constant 5 : i32
      %scan3A_75 = arith.addi %scan3A_73, %scan3A_74 : i32
      %scan3A_76 = arith.constant 1 : i32
      %scan3A_77:4 = scf.for %scan3A_141 = %scan3A_73 to %scan3A_75 step %scan3A_76 iter_args(%scan3A_142 = %scan3A_71#0, %scan3A_143 = %scan3A_71#1, %scan3A_144 = %scan3A_71#2, %scan3A_145 = %scan3A_71#3) -> (vector<16xf32>, vector<16xf32>, vector<16xf32>, vector<16xf32>)  : i32 {
        %mul3A_146 = arith.constant 20 : i32
        %mul3A_147 = arith.muli %scan3A_141, %mul3A_146 : i32
        %add3A_148 = arith.constant 0 : i32
        %add3A_149 = arith.addi %mul3A_147, %add3A_148 : i32
        %get3A = arith.index_cast %add3A_149 : i32 to index
        %get3A_150 = arith.constant 0 : index
        %get3A_151 = tpu.vector_load %arg7[%get3A, %get3A_150] {strides = array<i32>} : memref<100x16xi32, #tpu.memory_space<vmem>>, vector<1x16xi32>,
        %get3A_152 = vector.shape_cast %get3A_151 : vector<1x16xi32> to vector<16xi32>
        %shift_left3A = arith.constant 16 : i32
        %shift_left3A_153 = vector.broadcast %shift_left3A : i32 to vector<16xi32>
        %shift_left3A_154 = arith.shli %get3A_152, %shift_left3A_153 : vector<16xi32>
        %bitcast_convert_type3A = tpu.bitcast %shift_left3A_154 : vector<16xi32> -> vector<16xf32>
        %and3A = vector.broadcast %scan3A : i32 to vector<16xi32>
        %and3A_155 = arith.andi %get3A_152, %and3A : vector<16xi32>
        %bitcast_convert_type3A_156 = tpu.bitcast %and3A_155 : vector<16xi32> -> vector<16xf32>
        %add3A_157 = arith.constant 1 : i32
        %add3A_158 = arith.addi %add3A_149, %add3A_157 : i32
        %get3A_159 = arith.index_cast %add3A_158 : i32 to index
        %get3A_160 = arith.constant 0 : index
        %get3A_161 = tpu.vector_load %arg7[%get3A_159, %get3A_160] {strides = array<i32>} : memref<100x16xi32, #tpu.memory_space<vmem>>, vector<1x16xi32>,
        %get3A_162 = vector.shape_cast %get3A_161 : vector<1x16xi32> to vector<16xi32>
        %shift_left3A_163 = arith.constant 16 : i32
        %shift_left3A_164 = vector.broadcast %shift_left3A_163 : i32 to vector<16xi32>
        %shift_left3A_165 = arith.shli %get3A_162, %shift_left3A_164 : vector<16xi32>
        %bitcast_convert_type3A_166 = tpu.bitcast %shift_left3A_165 : vector<16xi32> -> vector<16xf32>
        %and3A_167 = vector.broadcast %scan3A : i32 to vector<16xi32>
        %and3A_168 = arith.andi %get3A_162, %and3A_167 : vector<16xi32>
        %bitcast_convert_type3A_169 = tpu.bitcast %and3A_168 : vector<16xi32> -> vector<16xf32>
        %add3A_170 = arith.addf %scan3A_142, %bitcast_convert_type3A : vector<16xf32>
        %add3A_171 = arith.addf %scan3A_143, %bitcast_convert_type3A_156 : vector<16xf32>
        %add3A_172 = arith.addf %scan3A_144, %bitcast_convert_type3A_166 : vector<16xf32>
        %add3A_173 = arith.addf %scan3A_145, %bitcast_convert_type3A_169 : vector<16xf32>
        %mul3A_174 = arith.constant 20 : i32
        %mul3A_175 = arith.muli %scan3A_141, %mul3A_174 : i32
        %add3A_176 = arith.constant 2 : i32
        %add3A_177 = arith.addi %mul3A_175, %add3A_176 : i32
        %get3A_178 = arith.index_cast %add3A_177 : i32 to index
        %get3A_179 = arith.constant 0 : index
        %get3A_180 = tpu.vector_load %arg7[%get3A_178, %get3A_179] {strides = array<i32>} : memref<100x16xi32, #tpu.memory_space<vmem>>, vector<1x16xi32>,
        %get3A_181 = vector.shape_cast %get3A_180 : vector<1x16xi32> to vector<16xi32>
        %shift_left3A_182 = arith.constant 16 : i32
        %shift_left3A_183 = vector.broadcast %shift_left3A_182 : i32 to vector<16xi32>
        %shift_left3A_184 = arith.shli %get3A_181, %shift_left3A_183 : vector<16xi32>
        %bitcast_convert_type3A_185 = tpu.bitcast %shift_left3A_184 : vector<16xi32> -> vector<16xf32>
        %and3A_186 = vector.broadcast %scan3A : i32 to vector<16xi32>
        %and3A_187 = arith.andi %get3A_181, %and3A_186 : vector<16xi32>
        %bitcast_convert_type3A_188 = tpu.bitcast %and3A_187 : vector<16xi32> -> vector<16xf32>
        %add3A_189 = arith.constant 1 : i32
        %add3A_190 = arith.addi %add3A_177, %add3A_189 : i32
        %get3A_191 = arith.index_cast %add3A_190 : i32 to index
        %get3A_192 = arith.constant 0 : index
        %get3A_193 = tpu.vector_load %arg7[%get3A_191, %get3A_192] {strides = array<i32>} : memref<100x16xi32, #tpu.memory_space<vmem>>, vector<1x16xi32>,
        %get3A_194 = vector.shape_cast %get3A_193 : vector<1x16xi32> to vector<16xi32>
        %shift_left3A_195 = arith.constant 16 : i32
        %shift_left3A_196 = vector.broadcast %shift_left3A_195 : i32 to vector<16xi32>
        %shift_left3A_197 = arith.shli %get3A_194, %shift_left3A_196 : vector<16xi32>
        %bitcast_convert_type3A_198 = tpu.bitcast %shift_left3A_197 : vector<16xi32> -> vector<16xf32>
        %and3A_199 = vector.broadcast %scan3A : i32 to vector<16xi32>
        %and3A_200 = arith.andi %get3A_194, %and3A_199 : vector<16xi32>
        %bitcast_convert_type3A_201 = tpu.bitcast %and3A_200 : vector<16xi32> -> vector<16xf32>
        %add3A_202 = arith.addf %add3A_170, %bitcast_convert_type3A_185 : vector<16xf32>
        %add3A_203 = arith.addf %add3A_171, %bitcast_convert_type3A_188 : vector<16xf32>
        %add3A_204 = arith.addf %add3A_172, %bitcast_convert_type3A_198 : vector<16xf32>
        %add3A_205 = arith.addf %add3A_173, %bitcast_convert_type3A_201 : vector<16xf32>
        %mul3A_206 = arith.constant 20 : i32
        %mul3A_207 = arith.muli %scan3A_141, %mul3A_206 : i32
        %add3A_208 = arith.constant 4 : i32
        %add3A_209 = arith.addi %mul3A_207, %add3A_208 : i32
        %get3A_210 = arith.index_cast %add3A_209 : i32 to index
        %get3A_211 = arith.constant 0 : index
        %get3A_212 = tpu.vector_load %arg7[%get3A_210, %get3A_211] {strides = array<i32>} : memref<100x16xi32, #tpu.memory_space<vmem>>, vector<1x16xi32>,
        %get3A_213 = vector.shape_cast %get3A_212 : vector<1x16xi32> to vector<16xi32>
        %shift_left3A_214 = arith.constant 16 : i32
        %shift_left3A_215 = vector.broadcast %shift_left3A_214 : i32 to vector<16xi32>
        %shift_left3A_216 = arith.shli %get3A_213, %shift_left3A_215 : vector<16xi32>
        %bitcast_convert_type3A_217 = tpu.bitcast %shift_left3A_216 : vector<16xi32> -> vector<16xf32>
        %and3A_218 = vector.broadcast %scan3A : i32 to vector<16xi32>
        %and3A_219 = arith.andi %get3A_213, %and3A_218 : vector<16xi32>
        %bitcast_convert_type3A_220 = tpu.bitcast %and3A_219 : vector<16xi32> -> vector<16xf32>
        %add3A_221 = arith.constant 1 : i32
        %add3A_222 = arith.addi %add3A_209, %add3A_221 : i32
        %get3A_223 = arith.index_cast %add3A_222 : i32 to index
        %get3A_224 = arith.constant 0 : index
        %get3A_225 = tpu.vector_load %arg7[%get3A_223, %get3A_224] {strides = array<i32>} : memref<100x16xi32, #tpu.memory_space<vmem>>, vector<1x16xi32>,
        %get3A_226 = vector.shape_cast %get3A_225 : vector<1x16xi32> to vector<16xi32>
        %shift_left3A_227 = arith.constant 16 : i32
        %shift_left3A_228 = vector.broadcast %shift_left3A_227 : i32 to vector<16xi32>
        %shift_left3A_229 = arith.shli %get3A_226, %shift_left3A_228 : vector<16xi32>
        %bitcast_convert_type3A_230 = tpu.bitcast %shift_left3A_229 : vector<16xi32> -> vector<16xf32>
        %and3A_231 = vector.broadcast %scan3A : i32 to vector<16xi32>
        %and3A_232 = arith.andi %get3A_226, %and3A_231 : vector<16xi32>
        %bitcast_convert_type3A_233 = tpu.bitcast %and3A_232 : vector<16xi32> -> vector<16xf32>
        %add3A_234 = arith.addf %add3A_202, %bitcast_convert_type3A_217 : vector<16xf32>
        %add3A_235 = arith.addf %add3A_203, %bitcast_convert_type3A_220 : vector<16xf32>
        %add3A_236 = arith.addf %add3A_204, %bitcast_convert_type3A_230 : vector<16xf32>
        %add3A_237 = arith.addf %add3A_205, %bitcast_convert_type3A_233 : vector<16xf32>
        %mul3A_238 = arith.constant 20 : i32
        %mul3A_239 = arith.muli %scan3A_141, %mul3A_238 : i32
        %add3A_240 = arith.constant 6 : i32
        %add3A_241 = arith.addi %mul3A_239, %add3A_240 : i32
        %get3A_242 = arith.index_cast %add3A_241 : i32 to index
        %get3A_243 = arith.constant 0 : index
        %get3A_244 = tpu.vector_load %arg7[%get3A_242, %get3A_243] {strides = array<i32>} : memref<100x16xi32, #tpu.memory_space<vmem>>, vector<1x16xi32>,
        %get3A_245 = vector.shape_cast %get3A_244 : vector<1x16xi32> to vector<16xi32>
        %shift_left3A_246 = arith.constant 16 : i32
        %shift_left3A_247 = vector.broadcast %shift_left3A_246 : i32 to vector<16xi32>
        %shift_left3A_248 = arith.shli %get3A_245, %shift_left3A_247 : vector<16xi32>
        %bitcast_convert_type3A_249 = tpu.bitcast %shift_left3A_248 : vector<16xi32> -> vector<16xf32>
        %and3A_250 = vector.broadcast %scan3A : i32 to vector<16xi32>
        %and3A_251 = arith.andi %get3A_245, %and3A_250 : vector<16xi32>
        %bitcast_convert_type3A_252 = tpu.bitcast %and3A_251 : vector<16xi32> -> vector<16xf32>
        %add3A_253 = arith.constant 1 : i32
        %add3A_254 = arith.addi %add3A_241, %add3A_253 : i32
        %get3A_255 = arith.index_cast %add3A_254 : i32 to index
        %get3A_256 = arith.constant 0 : index
        %get3A_257 = tpu.vector_load %arg7[%get3A_255, %get3A_256] {strides = array<i32>} : memref<100x16xi32, #tpu.memory_space<vmem>>, vector<1x16xi32>,
        %get3A_258 = vector.shape_cast %get3A_257 : vector<1x16xi32> to vector<16xi32>
        %shift_left3A_259 = arith.constant 16 : i32
        %shift_left3A_260 = vector.broadcast %shift_left3A_259 : i32 to vector<16xi32>
        %shift_left3A_261 = arith.shli %get3A_258, %shift_left3A_260 : vector<16xi32>
        %bitcast_convert_type3A_262 = tpu.bitcast %shift_left3A_261 : vector<16xi32> -> vector<16xf32>
        %and3A_263 = vector.broadcast %scan3A : i32 to vector<16xi32>
        %and3A_264 = arith.andi %get3A_258, %and3A_263 : vector<16xi32>
        %bitcast_convert_type3A_265 = tpu.bitcast %and3A_264 : vector<16xi32> -> vector<16xf32>
        %add3A_266 = arith.addf %add3A_234, %bitcast_convert_type3A_249 : vector<16xf32>
        %add3A_267 = arith.addf %add3A_235, %bitcast_convert_type3A_252 : vector<16xf32>
        %add3A_268 = arith.addf %add3A_236, %bitcast_convert_type3A_262 : vector<16xf32>
        %add3A_269 = arith.addf %add3A_237, %bitcast_convert_type3A_265 : vector<16xf32>
        %mul3A_270 = arith.constant 20 : i32
        %mul3A_271 = arith.muli %scan3A_141, %mul3A_270 : i32
        %add3A_272 = arith.constant 8 : i32
        %add3A_273 = arith.addi %mul3A_271, %add3A_272 : i32
        %get3A_274 = arith.index_cast %add3A_273 : i32 to index
        %get3A_275 = arith.constant 0 : index
        %get3A_276 = tpu.vector_load %arg7[%get3A_274, %get3A_275] {strides = array<i32>} : memref<100x16xi32, #tpu.memory_space<vmem>>, vector<1x16xi32>,
        %get3A_277 = vector.shape_cast %get3A_276 : vector<1x16xi32> to vector<16xi32>
        %shift_left3A_278 = arith.constant 16 : i32
        %shift_left3A_279 = vector.broadcast %shift_left3A_278 : i32 to vector<16xi32>
        %shift_left3A_280 = arith.shli %get3A_277, %shift_left3A_279 : vector<16xi32>
        %bitcast_convert_type3A_281 = tpu.bitcast %shift_left3A_280 : vector<16xi32> -> vector<16xf32>
        %and3A_282 = vector.broadcast %scan3A : i32 to vector<16xi32>
        %and3A_283 = arith.andi %get3A_277, %and3A_282 : vector<16xi32>
        %bitcast_convert_type3A_284 = tpu.bitcast %and3A_283 : vector<16xi32> -> vector<16xf32>
        %add3A_285 = arith.constant 1 : i32
        %add3A_286 = arith.addi %add3A_273, %add3A_285 : i32
        %get3A_287 = arith.index_cast %add3A_286 : i32 to index
        %get3A_288 = arith.constant 0 : index
        %get3A_289 = tpu.vector_load %arg7[%get3A_287, %get3A_288] {strides = array<i32>} : memref<100x16xi32, #tpu.memory_space<vmem>>, vector<1x16xi32>,
        %get3A_290 = vector.shape_cast %get3A_289 : vector<1x16xi32> to vector<16xi32>
        %shift_left3A_291 = arith.constant 16 : i32
        %shift_left3A_292 = vector.broadcast %shift_left3A_291 : i32 to vector<16xi32>
        %shift_left3A_293 = arith.shli %get3A_290, %shift_left3A_292 : vector<16xi32>
        %bitcast_convert_type3A_294 = tpu.bitcast %shift_left3A_293 : vector<16xi32> -> vector<16xf32>
        %and3A_295 = vector.broadcast %scan3A : i32 to vector<16xi32>
        %and3A_296 = arith.andi %get3A_290, %and3A_295 : vector<16xi32>
        %bitcast_convert_type3A_297 = tpu.bitcast %and3A_296 : vector<16xi32> -> vector<16xf32>
        %add3A_298 = arith.addf %add3A_266, %bitcast_convert_type3A_281 : vector<16xf32>
        %add3A_299 = arith.addf %add3A_267, %bitcast_convert_type3A_284 : vector<16xf32>
        %add3A_300 = arith.addf %add3A_268, %bitcast_convert_type3A_294 : vector<16xf32>
        %add3A_301 = arith.addf %add3A_269, %bitcast_convert_type3A_297 : vector<16xf32>
        %mul3A_302 = arith.constant 20 : i32
        %mul3A_303 = arith.muli %scan3A_141, %mul3A_302 : i32
        %add3A_304 = arith.constant 10 : i32
        %add3A_305 = arith.addi %mul3A_303, %add3A_304 : i32
        %get3A_306 = arith.index_cast %add3A_305 : i32 to index
        %get3A_307 = arith.constant 0 : index
        %get3A_308 = tpu.vector_load %arg7[%get3A_306, %get3A_307] {strides = array<i32>} : memref<100x16xi32, #tpu.memory_space<vmem>>, vector<1x16xi32>,
        %get3A_309 = vector.shape_cast %get3A_308 : vector<1x16xi32> to vector<16xi32>
        %shift_left3A_310 = arith.constant 16 : i32
        %shift_left3A_311 = vector.broadcast %shift_left3A_310 : i32 to vector<16xi32>
        %shift_left3A_312 = arith.shli %get3A_309, %shift_left3A_311 : vector<16xi32>
        %bitcast_convert_type3A_313 = tpu.bitcast %shift_left3A_312 : vector<16xi32> -> vector<16xf32>
        %and3A_314 = vector.broadcast %scan3A : i32 to vector<16xi32>
        %and3A_315 = arith.andi %get3A_309, %and3A_314 : vector<16xi32>
        %bitcast_convert_type3A_316 = tpu.bitcast %and3A_315 : vector<16xi32> -> vector<16xf32>
        %add3A_317 = arith.constant 1 : i32
        %add3A_318 = arith.addi %add3A_305, %add3A_317 : i32
        %get3A_319 = arith.index_cast %add3A_318 : i32 to index
        %get3A_320 = arith.constant 0 : index
        %get3A_321 = tpu.vector_load %arg7[%get3A_319, %get3A_320] {strides = array<i32>} : memref<100x16xi32, #tpu.memory_space<vmem>>, vector<1x16xi32>,
        %get3A_322 = vector.shape_cast %get3A_321 : vector<1x16xi32> to vector<16xi32>
        %shift_left3A_323 = arith.constant 16 : i32
        %shift_left3A_324 = vector.broadcast %shift_left3A_323 : i32 to vector<16xi32>
        %shift_left3A_325 = arith.shli %get3A_322, %shift_left3A_324 : vector<16xi32>
        %bitcast_convert_type3A_326 = tpu.bitcast %shift_left3A_325 : vector<16xi32> -> vector<16xf32>
        %and3A_327 = vector.broadcast %scan3A : i32 to vector<16xi32>
        %and3A_328 = arith.andi %get3A_322, %and3A_327 : vector<16xi32>
        %bitcast_convert_type3A_329 = tpu.bitcast %and3A_328 : vector<16xi32> -> vector<16xf32>
        %add3A_330 = arith.addf %add3A_298, %bitcast_convert_type3A_313 : vector<16xf32>
        %add3A_331 = arith.addf %add3A_299, %bitcast_convert_type3A_316 : vector<16xf32>
        %add3A_332 = arith.addf %add3A_300, %bitcast_convert_type3A_326 : vector<16xf32>
        %add3A_333 = arith.addf %add3A_301, %bitcast_convert_type3A_329 : vector<16xf32>
        %mul3A_334 = arith.constant 20 : i32
        %mul3A_335 = arith.muli %scan3A_141, %mul3A_334 : i32
        %add3A_336 = arith.constant 12 : i32
        %add3A_337 = arith.addi %mul3A_335, %add3A_336 : i32
        %get3A_338 = arith.index_cast %add3A_337 : i32 to index
        %get3A_339 = arith.constant 0 : index
        %get3A_340 = tpu.vector_load %arg7[%get3A_338, %get3A_339] {strides = array<i32>} : memref<100x16xi32, #tpu.memory_space<vmem>>, vector<1x16xi32>,
        %get3A_341 = vector.shape_cast %get3A_340 : vector<1x16xi32> to vector<16xi32>
        %shift_left3A_342 = arith.constant 16 : i32
        %shift_left3A_343 = vector.broadcast %shift_left3A_342 : i32 to vector<16xi32>
        %shift_left3A_344 = arith.shli %get3A_341, %shift_left3A_343 : vector<16xi32>
        %bitcast_convert_type3A_345 = tpu.bitcast %shift_left3A_344 : vector<16xi32> -> vector<16xf32>
        %and3A_346 = vector.broadcast %scan3A : i32 to vector<16xi32>
        %and3A_347 = arith.andi %get3A_341, %and3A_346 : vector<16xi32>
        %bitcast_convert_type3A_348 = tpu.bitcast %and3A_347 : vector<16xi32> -> vector<16xf32>
        %add3A_349 = arith.constant 1 : i32
        %add3A_350 = arith.addi %add3A_337, %add3A_349 : i32
        %get3A_351 = arith.index_cast %add3A_350 : i32 to index
        %get3A_352 = arith.constant 0 : index
        %get3A_353 = tpu.vector_load %arg7[%get3A_351, %get3A_352] {strides = array<i32>} : memref<100x16xi32, #tpu.memory_space<vmem>>, vector<1x16xi32>,
        %get3A_354 = vector.shape_cast %get3A_353 : vector<1x16xi32> to vector<16xi32>
        %shift_left3A_355 = arith.constant 16 : i32
        %shift_left3A_356 = vector.broadcast %shift_left3A_355 : i32 to vector<16xi32>
        %shift_left3A_357 = arith.shli %get3A_354, %shift_left3A_356 : vector<16xi32>
        %bitcast_convert_type3A_358 = tpu.bitcast %shift_left3A_357 : vector<16xi32> -> vector<16xf32>
        %and3A_359 = vector.broadcast %scan3A : i32 to vector<16xi32>
        %and3A_360 = arith.andi %get3A_354, %and3A_359 : vector<16xi32>
        %bitcast_convert_type3A_361 = tpu.bitcast %and3A_360 : vector<16xi32> -> vector<16xf32>
        %add3A_362 = arith.addf %add3A_330, %bitcast_convert_type3A_345 : vector<16xf32>
        %add3A_363 = arith.addf %add3A_331, %bitcast_convert_type3A_348 : vector<16xf32>
        %add3A_364 = arith.addf %add3A_332, %bitcast_convert_type3A_358 : vector<16xf32>
        %add3A_365 = arith.addf %add3A_333, %bitcast_convert_type3A_361 : vector<16xf32>
        %mul3A_366 = arith.constant 20 : i32
        %mul3A_367 = arith.muli %scan3A_141, %mul3A_366 : i32
        %add3A_368 = arith.constant 14 : i32
        %add3A_369 = arith.addi %mul3A_367, %add3A_368 : i32
        %get3A_370 = arith.index_cast %add3A_369 : i32 to index
        %get3A_371 = arith.constant 0 : index
        %get3A_372 = tpu.vector_load %arg7[%get3A_370, %get3A_371] {strides = array<i32>} : memref<100x16xi32, #tpu.memory_space<vmem>>, vector<1x16xi32>,
        %get3A_373 = vector.shape_cast %get3A_372 : vector<1x16xi32> to vector<16xi32>
        %shift_left3A_374 = arith.constant 16 : i32
        %shift_left3A_375 = vector.broadcast %shift_left3A_374 : i32 to vector<16xi32>
        %shift_left3A_376 = arith.shli %get3A_373, %shift_left3A_375 : vector<16xi32>
        %bitcast_convert_type3A_377 = tpu.bitcast %shift_left3A_376 : vector<16xi32> -> vector<16xf32>
        %and3A_378 = vector.broadcast %scan3A : i32 to vector<16xi32>
        %and3A_379 = arith.andi %get3A_373, %and3A_378 : vector<16xi32>
        %bitcast_convert_type3A_380 = tpu.bitcast %and3A_379 : vector<16xi32> -> vector<16xf32>
        %add3A_381 = arith.constant 1 : i32
        %add3A_382 = arith.addi %add3A_369, %add3A_381 : i32
        %get3A_383 = arith.index_cast %add3A_382 : i32 to index
        %get3A_384 = arith.constant 0 : index
        %get3A_385 = tpu.vector_load %arg7[%get3A_383, %get3A_384] {strides = array<i32>} : memref<100x16xi32, #tpu.memory_space<vmem>>, vector<1x16xi32>,
        %get3A_386 = vector.shape_cast %get3A_385 : vector<1x16xi32> to vector<16xi32>
        %shift_left3A_387 = arith.constant 16 : i32
        %shift_left3A_388 = vector.broadcast %shift_left3A_387 : i32 to vector<16xi32>
        %shift_left3A_389 = arith.shli %get3A_386, %shift_left3A_388 : vector<16xi32>
        %bitcast_convert_type3A_390 = tpu.bitcast %shift_left3A_389 : vector<16xi32> -> vector<16xf32>
        %and3A_391 = vector.broadcast %scan3A : i32 to vector<16xi32>
        %and3A_392 = arith.andi %get3A_386, %and3A_391 : vector<16xi32>
        %bitcast_convert_type3A_393 = tpu.bitcast %and3A_392 : vector<16xi32> -> vector<16xf32>
        %add3A_394 = arith.addf %add3A_362, %bitcast_convert_type3A_377 : vector<16xf32>
        %add3A_395 = arith.addf %add3A_363, %bitcast_convert_type3A_380 : vector<16xf32>
        %add3A_396 = arith.addf %add3A_364, %bitcast_convert_type3A_390 : vector<16xf32>
        %add3A_397 = arith.addf %add3A_365, %bitcast_convert_type3A_393 : vector<16xf32>
        %mul3A_398 = arith.constant 20 : i32
        %mul3A_399 = arith.muli %scan3A_141, %mul3A_398 : i32
        %add3A_400 = arith.constant 16 : i32
        %add3A_401 = arith.addi %mul3A_399, %add3A_400 : i32
        %get3A_402 = arith.index_cast %add3A_401 : i32 to index
        %get3A_403 = arith.constant 0 : index
        %get3A_404 = tpu.vector_load %arg7[%get3A_402, %get3A_403] {strides = array<i32>} : memref<100x16xi32, #tpu.memory_space<vmem>>, vector<1x16xi32>,
        %get3A_405 = vector.shape_cast %get3A_404 : vector<1x16xi32> to vector<16xi32>
        %shift_left3A_406 = arith.constant 16 : i32
        %shift_left3A_407 = vector.broadcast %shift_left3A_406 : i32 to vector<16xi32>
        %shift_left3A_408 = arith.shli %get3A_405, %shift_left3A_407 : vector<16xi32>
        %bitcast_convert_type3A_409 = tpu.bitcast %shift_left3A_408 : vector<16xi32> -> vector<16xf32>
        %and3A_410 = vector.broadcast %scan3A : i32 to vector<16xi32>
        %and3A_411 = arith.andi %get3A_405, %and3A_410 : vector<16xi32>
        %bitcast_convert_type3A_412 = tpu.bitcast %and3A_411 : vector<16xi32> -> vector<16xf32>
        %add3A_413 = arith.constant 1 : i32
        %add3A_414 = arith.addi %add3A_401, %add3A_413 : i32
        %get3A_415 = arith.index_cast %add3A_414 : i32 to index
        %get3A_416 = arith.constant 0 : index
        %get3A_417 = tpu.vector_load %arg7[%get3A_415, %get3A_416] {strides = array<i32>} : memref<100x16xi32, #tpu.memory_space<vmem>>, vector<1x16xi32>,
        %get3A_418 = vector.shape_cast %get3A_417 : vector<1x16xi32> to vector<16xi32>
        %shift_left3A_419 = arith.constant 16 : i32
        %shift_left3A_420 = vector.broadcast %shift_left3A_419 : i32 to vector<16xi32>
        %shift_left3A_421 = arith.shli %get3A_418, %shift_left3A_420 : vector<16xi32>
        %bitcast_convert_type3A_422 = tpu.bitcast %shift_left3A_421 : vector<16xi32> -> vector<16xf32>
        %and3A_423 = vector.broadcast %scan3A : i32 to vector<16xi32>
        %and3A_424 = arith.andi %get3A_418, %and3A_423 : vector<16xi32>
        %bitcast_convert_type3A_425 = tpu.bitcast %and3A_424 : vector<16xi32> -> vector<16xf32>
        %add3A_426 = arith.addf %add3A_394, %bitcast_convert_type3A_409 : vector<16xf32>
        %add3A_427 = arith.addf %add3A_395, %bitcast_convert_type3A_412 : vector<16xf32>
        %add3A_428 = arith.addf %add3A_396, %bitcast_convert_type3A_422 : vector<16xf32>
        %add3A_429 = arith.addf %add3A_397, %bitcast_convert_type3A_425 : vector<16xf32>
        %mul3A_430 = arith.constant 20 : i32
        %mul3A_431 = arith.muli %scan3A_141, %mul3A_430 : i32
        %add3A_432 = arith.constant 18 : i32
        %add3A_433 = arith.addi %mul3A_431, %add3A_432 : i32
        %get3A_434 = arith.index_cast %add3A_433 : i32 to index
        %get3A_435 = arith.constant 0 : index
        %get3A_436 = tpu.vector_load %arg7[%get3A_434, %get3A_435] {strides = array<i32>} : memref<100x16xi32, #tpu.memory_space<vmem>>, vector<1x16xi32>,
        %get3A_437 = vector.shape_cast %get3A_436 : vector<1x16xi32> to vector<16xi32>
        %shift_left3A_438 = arith.constant 16 : i32
        %shift_left3A_439 = vector.broadcast %shift_left3A_438 : i32 to vector<16xi32>
        %shift_left3A_440 = arith.shli %get3A_437, %shift_left3A_439 : vector<16xi32>
        %bitcast_convert_type3A_441 = tpu.bitcast %shift_left3A_440 : vector<16xi32> -> vector<16xf32>
        %and3A_442 = vector.broadcast %scan3A : i32 to vector<16xi32>
        %and3A_443 = arith.andi %get3A_437, %and3A_442 : vector<16xi32>
        %bitcast_convert_type3A_444 = tpu.bitcast %and3A_443 : vector<16xi32> -> vector<16xf32>
        %add3A_445 = arith.constant 1 : i32
        %add3A_446 = arith.addi %add3A_433, %add3A_445 : i32
        %get3A_447 = arith.index_cast %add3A_446 : i32 to index
        %get3A_448 = arith.constant 0 : index
        %get3A_449 = tpu.vector_load %arg7[%get3A_447, %get3A_448] {strides = array<i32>} : memref<100x16xi32, #tpu.memory_space<vmem>>, vector<1x16xi32>,
        %get3A_450 = vector.shape_cast %get3A_449 : vector<1x16xi32> to vector<16xi32>
        %shift_left3A_451 = arith.constant 16 : i32
        %shift_left3A_452 = vector.broadcast %shift_left3A_451 : i32 to vector<16xi32>
        %shift_left3A_453 = arith.shli %get3A_450, %shift_left3A_452 : vector<16xi32>
        %bitcast_convert_type3A_454 = tpu.bitcast %shift_left3A_453 : vector<16xi32> -> vector<16xf32>
        %and3A_455 = vector.broadcast %scan3A : i32 to vector<16xi32>
        %and3A_456 = arith.andi %get3A_450, %and3A_455 : vector<16xi32>
        %bitcast_convert_type3A_457 = tpu.bitcast %and3A_456 : vector<16xi32> -> vector<16xf32>
        %add3A_458 = arith.addf %add3A_426, %bitcast_convert_type3A_441 : vector<16xf32>
        %add3A_459 = arith.addf %add3A_427, %bitcast_convert_type3A_444 : vector<16xf32>
        %add3A_460 = arith.addf %add3A_428, %bitcast_convert_type3A_454 : vector<16xf32>
        %add3A_461 = arith.addf %add3A_429, %bitcast_convert_type3A_457 : vector<16xf32>
        scf.yield %add3A_458, %add3A_459, %add3A_460, %add3A_461 : vector<16xf32>, vector<16xf32>, vector<16xf32>, vector<16xf32>
      }
      %scan3A_78 = arith.constant 5 : i32
      %add3A_79 = arith.addf %scan3A_77#0, %scan3A_77#2 : vector<16xf32>
      %swap3A = arith.index_cast %mul3A_28 : i32 to index
      %swap3A_80 = arith.constant 0 : index
      %swap3A_81 = tpu.vector_load %arg10[%swap3A, %swap3A_80] {strides = array<i32>} : memref<128x32xf32, #tpu.memory_space<vmem>>, vector<1x16xf32>,
      %swap3A_82 = vector.shape_cast %swap3A_81 : vector<1x16xf32> to vector<16xf32>
      %swap3A_83 = vector.shape_cast %add3A_79 : vector<16xf32> to vector<1x16xf32>
      tpu.vector_store %arg10[%swap3A, %swap3A_80], %swap3A_83 {strides = array<i32>} : memref<128x32xf32, #tpu.memory_space<vmem>>, vector<1x16xf32>,
      %add3A_84 = arith.addf %scan3A_77#1, %scan3A_77#3 : vector<16xf32>
      %swap3A_85 = arith.index_cast %mul3A_28 : i32 to index
      %swap3A_86 = arith.constant 16 : index
      %swap3A_87 = tpu.vector_load %arg10[%swap3A_85, %swap3A_86] {strides = array<i32>} : memref<128x32xf32, #tpu.memory_space<vmem>>, vector<1x16xf32>,
      %swap3A_88 = vector.shape_cast %swap3A_87 : vector<1x16xf32> to vector<16xf32>
      %swap3A_89 = vector.shape_cast %add3A_84 : vector<16xf32> to vector<1x16xf32>
      tpu.vector_store %arg10[%swap3A_85, %swap3A_86], %swap3A_89 {strides = array<i32>} : memref<128x32xf32, #tpu.memory_space<vmem>>, vector<1x16xf32>,
      %add3A_90 = arith.constant 2 : i32
      %add3A_91 = arith.addi %mul3A_28, %add3A_90 : i32
      %lt3A = arith.constant 128 : i32
      %lt3A_92 = arith.cmpi slt, %add3A_91, %lt3A : i32
      %convert_element_type3A = arith.extui %lt3A_92 : i1 to i32
      %cond3A = arith.constant 0 : i32
      %cond3A_93 = arith.cmpi ne, %convert_element_type3A, %cond3A : i32
      scf.if %cond3A_93 {
        %add3A_141 = arith.constant 2 : i32
        %add3A_142 = arith.addi %mul3A_28, %add3A_141 : i32
        %mul3A_143 = arith.constant 2 : i32
        %mul3A_144 = arith.muli %mul3A_143, %add3A_142 : i32
        %dma_start3A_145 = arith.constant 0 : i32
        %dma_start3A_146 = tpu.memref_slice %arg5[%mul3A_144, %dma_start3A_145] : memref<256x100xi32, #tpu.memory_space<vmem>> -> memref<1x100xi32, #tpu.memory_space<vmem>>
        %dma_start3A_147 = tpu.memref_squeeze %dma_start3A_146 : memref<1x100xi32, #tpu.memory_space<vmem>> -> memref<100xi32, #tpu.memory_space<vmem>>
        %dma_start3A_148 = arith.constant 0 : i32
        %dma_start3A_149 = arith.constant 0 : i32
        %dma_start3A_150 = tpu.memref_slice %arg3[%dma_start3A_148, %dma_start3A_149] : memref<1000000x16xi32, #tpu.memory_space<hbm>> -> memref<1000000x16xi32, #tpu.memory_space<hbm>>
        tpu.enqueue_indirect_dma source(%dma_start3A_150 : memref<1000000x16xi32, #tpu.memory_space<hbm>>) target(%arg6 : memref<100x16xi32, #tpu.memory_space<vmem>>) offsets(%dma_start3A_147 : memref<100xi32, #tpu.memory_space<vmem>>) semaphore(%arg11 : memref<!tpu.dma_semaphore, #tpu.memory_space<semaphore_mem>>)
        %mul3A_151 = arith.constant 2 : i32
        %mul3A_152 = arith.muli %mul3A_151, %add3A_142 : i32
        %add3A_153 = arith.constant 1 : i32
        %add3A_154 = arith.addi %mul3A_152, %add3A_153 : i32
        %dma_start3A_155 = arith.constant 0 : i32
        %dma_start3A_156 = tpu.memref_slice %arg5[%add3A_154, %dma_start3A_155] : memref<256x100xi32, #tpu.memory_space<vmem>> -> memref<1x100xi32, #tpu.memory_space<vmem>>
        %dma_start3A_157 = tpu.memref_squeeze %dma_start3A_156 : memref<1x100xi32, #tpu.memory_space<vmem>> -> memref<100xi32, #tpu.memory_space<vmem>>
        %dma_start3A_158 = arith.constant 0 : i32
        %dma_start3A_159 = arith.constant 0 : i32
        %dma_start3A_160 = tpu.memref_slice %arg3[%dma_start3A_158, %dma_start3A_159] : memref<1000000x16xi32, #tpu.memory_space<hbm>> -> memref<1000000x16xi32, #tpu.memory_space<hbm>>
        tpu.enqueue_indirect_dma source(%dma_start3A_160 : memref<1000000x16xi32, #tpu.memory_space<hbm>>) target(%arg7 : memref<100x16xi32, #tpu.memory_space<vmem>>) offsets(%dma_start3A_157 : memref<100xi32, #tpu.memory_space<vmem>>) semaphore(%arg11 : memref<!tpu.dma_semaphore, #tpu.memory_space<semaphore_mem>>)
      } else {
      }
      %add3A_94 = arith.constant 1 : i32
      %add3A_95 = arith.addi %mul3A_28, %add3A_94 : i32
      %mul3A_96 = arith.constant 2 : i32
      %mul3A_97 = arith.muli %mul3A_96, %add3A_95 : i32
      %dma_wait3A_98 = arith.constant 0 : i32
      %dma_wait3A_99 = tpu.memref_slice %arg5[%mul3A_97, %dma_wait3A_98] : memref<256x100xi32, #tpu.memory_space<vmem>> -> memref<1x100xi32, #tpu.memory_space<vmem>>
      %dma_wait3A_100 = tpu.memref_squeeze %dma_wait3A_99 : memref<1x100xi32, #tpu.memory_space<vmem>> -> memref<100xi32, #tpu.memory_space<vmem>>
      %dma_wait3A_101 = arith.constant 0 : i32
      %dma_wait3A_102 = arith.constant 0 : i32
      %dma_wait3A_103 = tpu.memref_slice %arg3[%dma_wait3A_101, %dma_wait3A_102] : memref<1000000x16xi32, #tpu.memory_space<hbm>> -> memref<1000000x16xi32, #tpu.memory_space<hbm>>
      tpu.wait_indirect_dma semaphore(%arg12 : memref<!tpu.dma_semaphore, #tpu.memory_space<semaphore_mem>>) src(%dma_wait3A_103 : memref<1000000x16xi32, #tpu.memory_space<hbm>>) dst(%arg8 : memref<100x16xi32, #tpu.memory_space<vmem>>)
      %mul3A_104 = arith.constant 2 : i32
      %mul3A_105 = arith.muli %mul3A_104, %add3A_95 : i32
      %add3A_106 = arith.constant 1 : i32
      %add3A_107 = arith.addi %mul3A_105, %add3A_106 : i32
      %dma_wait3A_108 = arith.constant 0 : i32
      %dma_wait3A_109 = tpu.memref_slice %arg5[%add3A_107, %dma_wait3A_108] : memref<256x100xi32, #tpu.memory_space<vmem>> -> memref<1x100xi32, #tpu.memory_space<vmem>>
      %dma_wait3A_110 = tpu.memref_squeeze %dma_wait3A_109 : memref<1x100xi32, #tpu.memory_space<vmem>> -> memref<100xi32, #tpu.memory_space<vmem>>
      %dma_wait3A_111 = arith.constant 0 : i32
      %dma_wait3A_112 = arith.constant 0 : i32
      %dma_wait3A_113 = tpu.memref_slice %arg3[%dma_wait3A_111, %dma_wait3A_112] : memref<1000000x16xi32, #tpu.memory_space<hbm>> -> memref<1000000x16xi32, #tpu.memory_space<hbm>>
      tpu.wait_indirect_dma semaphore(%arg12 : memref<!tpu.dma_semaphore, #tpu.memory_space<semaphore_mem>>) src(%dma_wait3A_113 : memref<1000000x16xi32, #tpu.memory_space<hbm>>) dst(%arg9 : memref<100x16xi32, #tpu.memory_space<vmem>>)
      %broadcast_in_dim3A_114 = arith.constant 0.000000e+00 : f32
      %broadcast_in_dim3A_115 = vector.broadcast %broadcast_in_dim3A_114 : f32 to vector<16xf32>
      %scan3A_116 = arith.constant 0 : i32
      %scan3A_117 = arith.constant 5 : i32
      %scan3A_118 = arith.addi %scan3A_116, %scan3A_117 : i32
      %scan3A_119 = arith.constant 1 : i32
      %scan3A_120:4 = scf.for %scan3A_141 = %scan3A_116 to %scan3A_118 step %scan3A_119 iter_args(%scan3A_142 = %broadcast_in_dim3A_115, %scan3A_143 = %broadcast_in_dim3A_115, %scan3A_144 = %broadcast_in_dim3A_115, %scan3A_145 = %broadcast_in_dim3A_115) -> (vector<16xf32>, vector<16xf32>, vector<16xf32>, vector<16xf32>)  : i32 {
        %mul3A_146 = arith.constant 20 : i32
        %mul3A_147 = arith.muli %scan3A_141, %mul3A_146 : i32
        %add3A_148 = arith.constant 0 : i32
        %add3A_149 = arith.addi %mul3A_147, %add3A_148 : i32
        %get3A = arith.index_cast %add3A_149 : i32 to index
        %get3A_150 = arith.constant 0 : index
        %get3A_151 = tpu.vector_load %arg8[%get3A, %get3A_150] {strides = array<i32>} : memref<100x16xi32, #tpu.memory_space<vmem>>, vector<1x16xi32>,
        %get3A_152 = vector.shape_cast %get3A_151 : vector<1x16xi32> to vector<16xi32>
        %shift_left3A = arith.constant 16 : i32
        %shift_left3A_153 = vector.broadcast %shift_left3A : i32 to vector<16xi32>
        %shift_left3A_154 = arith.shli %get3A_152, %shift_left3A_153 : vector<16xi32>
        %bitcast_convert_type3A = tpu.bitcast %shift_left3A_154 : vector<16xi32> -> vector<16xf32>
        %and3A = vector.broadcast %scan3A : i32 to vector<16xi32>
        %and3A_155 = arith.andi %get3A_152, %and3A : vector<16xi32>
        %bitcast_convert_type3A_156 = tpu.bitcast %and3A_155 : vector<16xi32> -> vector<16xf32>
        %add3A_157 = arith.constant 1 : i32
        %add3A_158 = arith.addi %add3A_149, %add3A_157 : i32
        %get3A_159 = arith.index_cast %add3A_158 : i32 to index
        %get3A_160 = arith.constant 0 : index
        %get3A_161 = tpu.vector_load %arg8[%get3A_159, %get3A_160] {strides = array<i32>} : memref<100x16xi32, #tpu.memory_space<vmem>>, vector<1x16xi32>,
        %get3A_162 = vector.shape_cast %get3A_161 : vector<1x16xi32> to vector<16xi32>
        %shift_left3A_163 = arith.constant 16 : i32
        %shift_left3A_164 = vector.broadcast %shift_left3A_163 : i32 to vector<16xi32>
        %shift_left3A_165 = arith.shli %get3A_162, %shift_left3A_164 : vector<16xi32>
        %bitcast_convert_type3A_166 = tpu.bitcast %shift_left3A_165 : vector<16xi32> -> vector<16xf32>
        %and3A_167 = vector.broadcast %scan3A : i32 to vector<16xi32>
        %and3A_168 = arith.andi %get3A_162, %and3A_167 : vector<16xi32>
        %bitcast_convert_type3A_169 = tpu.bitcast %and3A_168 : vector<16xi32> -> vector<16xf32>
        %add3A_170 = arith.addf %scan3A_142, %bitcast_convert_type3A : vector<16xf32>
        %add3A_171 = arith.addf %scan3A_143, %bitcast_convert_type3A_156 : vector<16xf32>
        %add3A_172 = arith.addf %scan3A_144, %bitcast_convert_type3A_166 : vector<16xf32>
        %add3A_173 = arith.addf %scan3A_145, %bitcast_convert_type3A_169 : vector<16xf32>
        %mul3A_174 = arith.constant 20 : i32
        %mul3A_175 = arith.muli %scan3A_141, %mul3A_174 : i32
        %add3A_176 = arith.constant 2 : i32
        %add3A_177 = arith.addi %mul3A_175, %add3A_176 : i32
        %get3A_178 = arith.index_cast %add3A_177 : i32 to index
        %get3A_179 = arith.constant 0 : index
        %get3A_180 = tpu.vector_load %arg8[%get3A_178, %get3A_179] {strides = array<i32>} : memref<100x16xi32, #tpu.memory_space<vmem>>, vector<1x16xi32>,
        %get3A_181 = vector.shape_cast %get3A_180 : vector<1x16xi32> to vector<16xi32>
        %shift_left3A_182 = arith.constant 16 : i32
        %shift_left3A_183 = vector.broadcast %shift_left3A_182 : i32 to vector<16xi32>
        %shift_left3A_184 = arith.shli %get3A_181, %shift_left3A_183 : vector<16xi32>
        %bitcast_convert_type3A_185 = tpu.bitcast %shift_left3A_184 : vector<16xi32> -> vector<16xf32>
        %and3A_186 = vector.broadcast %scan3A : i32 to vector<16xi32>
        %and3A_187 = arith.andi %get3A_181, %and3A_186 : vector<16xi32>
        %bitcast_convert_type3A_188 = tpu.bitcast %and3A_187 : vector<16xi32> -> vector<16xf32>
        %add3A_189 = arith.constant 1 : i32
        %add3A_190 = arith.addi %add3A_177, %add3A_189 : i32
        %get3A_191 = arith.index_cast %add3A_190 : i32 to index
        %get3A_192 = arith.constant 0 : index
        %get3A_193 = tpu.vector_load %arg8[%get3A_191, %get3A_192] {strides = array<i32>} : memref<100x16xi32, #tpu.memory_space<vmem>>, vector<1x16xi32>,
        %get3A_194 = vector.shape_cast %get3A_193 : vector<1x16xi32> to vector<16xi32>
        %shift_left3A_195 = arith.constant 16 : i32
        %shift_left3A_196 = vector.broadcast %shift_left3A_195 : i32 to vector<16xi32>
        %shift_left3A_197 = arith.shli %get3A_194, %shift_left3A_196 : vector<16xi32>
        %bitcast_convert_type3A_198 = tpu.bitcast %shift_left3A_197 : vector<16xi32> -> vector<16xf32>
        %and3A_199 = vector.broadcast %scan3A : i32 to vector<16xi32>
        %and3A_200 = arith.andi %get3A_194, %and3A_199 : vector<16xi32>
        %bitcast_convert_type3A_201 = tpu.bitcast %and3A_200 : vector<16xi32> -> vector<16xf32>
        %add3A_202 = arith.addf %add3A_170, %bitcast_convert_type3A_185 : vector<16xf32>
        %add3A_203 = arith.addf %add3A_171, %bitcast_convert_type3A_188 : vector<16xf32>
        %add3A_204 = arith.addf %add3A_172, %bitcast_convert_type3A_198 : vector<16xf32>
        %add3A_205 = arith.addf %add3A_173, %bitcast_convert_type3A_201 : vector<16xf32>
        %mul3A_206 = arith.constant 20 : i32
        %mul3A_207 = arith.muli %scan3A_141, %mul3A_206 : i32
        %add3A_208 = arith.constant 4 : i32
        %add3A_209 = arith.addi %mul3A_207, %add3A_208 : i32
        %get3A_210 = arith.index_cast %add3A_209 : i32 to index
        %get3A_211 = arith.constant 0 : index
        %get3A_212 = tpu.vector_load %arg8[%get3A_210, %get3A_211] {strides = array<i32>} : memref<100x16xi32, #tpu.memory_space<vmem>>, vector<1x16xi32>,
        %get3A_213 = vector.shape_cast %get3A_212 : vector<1x16xi32> to vector<16xi32>
        %shift_left3A_214 = arith.constant 16 : i32
        %shift_left3A_215 = vector.broadcast %shift_left3A_214 : i32 to vector<16xi32>
        %shift_left3A_216 = arith.shli %get3A_213, %shift_left3A_215 : vector<16xi32>
        %bitcast_convert_type3A_217 = tpu.bitcast %shift_left3A_216 : vector<16xi32> -> vector<16xf32>
        %and3A_218 = vector.broadcast %scan3A : i32 to vector<16xi32>
        %and3A_219 = arith.andi %get3A_213, %and3A_218 : vector<16xi32>
        %bitcast_convert_type3A_220 = tpu.bitcast %and3A_219 : vector<16xi32> -> vector<16xf32>
        %add3A_221 = arith.constant 1 : i32
        %add3A_222 = arith.addi %add3A_209, %add3A_221 : i32
        %get3A_223 = arith.index_cast %add3A_222 : i32 to index
        %get3A_224 = arith.constant 0 : index
        %get3A_225 = tpu.vector_load %arg8[%get3A_223, %get3A_224] {strides = array<i32>} : memref<100x16xi32, #tpu.memory_space<vmem>>, vector<1x16xi32>,
        %get3A_226 = vector.shape_cast %get3A_225 : vector<1x16xi32> to vector<16xi32>
        %shift_left3A_227 = arith.constant 16 : i32
        %shift_left3A_228 = vector.broadcast %shift_left3A_227 : i32 to vector<16xi32>
        %shift_left3A_229 = arith.shli %get3A_226, %shift_left3A_228 : vector<16xi32>
        %bitcast_convert_type3A_230 = tpu.bitcast %shift_left3A_229 : vector<16xi32> -> vector<16xf32>
        %and3A_231 = vector.broadcast %scan3A : i32 to vector<16xi32>
        %and3A_232 = arith.andi %get3A_226, %and3A_231 : vector<16xi32>
        %bitcast_convert_type3A_233 = tpu.bitcast %and3A_232 : vector<16xi32> -> vector<16xf32>
        %add3A_234 = arith.addf %add3A_202, %bitcast_convert_type3A_217 : vector<16xf32>
        %add3A_235 = arith.addf %add3A_203, %bitcast_convert_type3A_220 : vector<16xf32>
        %add3A_236 = arith.addf %add3A_204, %bitcast_convert_type3A_230 : vector<16xf32>
        %add3A_237 = arith.addf %add3A_205, %bitcast_convert_type3A_233 : vector<16xf32>
        %mul3A_238 = arith.constant 20 : i32
        %mul3A_239 = arith.muli %scan3A_141, %mul3A_238 : i32
        %add3A_240 = arith.constant 6 : i32
        %add3A_241 = arith.addi %mul3A_239, %add3A_240 : i32
        %get3A_242 = arith.index_cast %add3A_241 : i32 to index
        %get3A_243 = arith.constant 0 : index
        %get3A_244 = tpu.vector_load %arg8[%get3A_242, %get3A_243] {strides = array<i32>} : memref<100x16xi32, #tpu.memory_space<vmem>>, vector<1x16xi32>,
        %get3A_245 = vector.shape_cast %get3A_244 : vector<1x16xi32> to vector<16xi32>
        %shift_left3A_246 = arith.constant 16 : i32
        %shift_left3A_247 = vector.broadcast %shift_left3A_246 : i32 to vector<16xi32>
        %shift_left3A_248 = arith.shli %get3A_245, %shift_left3A_247 : vector<16xi32>
        %bitcast_convert_type3A_249 = tpu.bitcast %shift_left3A_248 : vector<16xi32> -> vector<16xf32>
        %and3A_250 = vector.broadcast %scan3A : i32 to vector<16xi32>
        %and3A_251 = arith.andi %get3A_245, %and3A_250 : vector<16xi32>
        %bitcast_convert_type3A_252 = tpu.bitcast %and3A_251 : vector<16xi32> -> vector<16xf32>
        %add3A_253 = arith.constant 1 : i32
        %add3A_254 = arith.addi %add3A_241, %add3A_253 : i32
        %get3A_255 = arith.index_cast %add3A_254 : i32 to index
        %get3A_256 = arith.constant 0 : index
        %get3A_257 = tpu.vector_load %arg8[%get3A_255, %get3A_256] {strides = array<i32>} : memref<100x16xi32, #tpu.memory_space<vmem>>, vector<1x16xi32>,
        %get3A_258 = vector.shape_cast %get3A_257 : vector<1x16xi32> to vector<16xi32>
        %shift_left3A_259 = arith.constant 16 : i32
        %shift_left3A_260 = vector.broadcast %shift_left3A_259 : i32 to vector<16xi32>
        %shift_left3A_261 = arith.shli %get3A_258, %shift_left3A_260 : vector<16xi32>
        %bitcast_convert_type3A_262 = tpu.bitcast %shift_left3A_261 : vector<16xi32> -> vector<16xf32>
        %and3A_263 = vector.broadcast %scan3A : i32 to vector<16xi32>
        %and3A_264 = arith.andi %get3A_258, %and3A_263 : vector<16xi32>
        %bitcast_convert_type3A_265 = tpu.bitcast %and3A_264 : vector<16xi32> -> vector<16xf32>
        %add3A_266 = arith.addf %add3A_234, %bitcast_convert_type3A_249 : vector<16xf32>
        %add3A_267 = arith.addf %add3A_235, %bitcast_convert_type3A_252 : vector<16xf32>
        %add3A_268 = arith.addf %add3A_236, %bitcast_convert_type3A_262 : vector<16xf32>
        %add3A_269 = arith.addf %add3A_237, %bitcast_convert_type3A_265 : vector<16xf32>
        %mul3A_270 = arith.constant 20 : i32
        %mul3A_271 = arith.muli %scan3A_141, %mul3A_270 : i32
        %add3A_272 = arith.constant 8 : i32
        %add3A_273 = arith.addi %mul3A_271, %add3A_272 : i32
        %get3A_274 = arith.index_cast %add3A_273 : i32 to index
        %get3A_275 = arith.constant 0 : index
        %get3A_276 = tpu.vector_load %arg8[%get3A_274, %get3A_275] {strides = array<i32>} : memref<100x16xi32, #tpu.memory_space<vmem>>, vector<1x16xi32>,
        %get3A_277 = vector.shape_cast %get3A_276 : vector<1x16xi32> to vector<16xi32>
        %shift_left3A_278 = arith.constant 16 : i32
        %shift_left3A_279 = vector.broadcast %shift_left3A_278 : i32 to vector<16xi32>
        %shift_left3A_280 = arith.shli %get3A_277, %shift_left3A_279 : vector<16xi32>
        %bitcast_convert_type3A_281 = tpu.bitcast %shift_left3A_280 : vector<16xi32> -> vector<16xf32>
        %and3A_282 = vector.broadcast %scan3A : i32 to vector<16xi32>
        %and3A_283 = arith.andi %get3A_277, %and3A_282 : vector<16xi32>
        %bitcast_convert_type3A_284 = tpu.bitcast %and3A_283 : vector<16xi32> -> vector<16xf32>
        %add3A_285 = arith.constant 1 : i32
        %add3A_286 = arith.addi %add3A_273, %add3A_285 : i32
        %get3A_287 = arith.index_cast %add3A_286 : i32 to index
        %get3A_288 = arith.constant 0 : index
        %get3A_289 = tpu.vector_load %arg8[%get3A_287, %get3A_288] {strides = array<i32>} : memref<100x16xi32, #tpu.memory_space<vmem>>, vector<1x16xi32>,
        %get3A_290 = vector.shape_cast %get3A_289 : vector<1x16xi32> to vector<16xi32>
        %shift_left3A_291 = arith.constant 16 : i32
        %shift_left3A_292 = vector.broadcast %shift_left3A_291 : i32 to vector<16xi32>
        %shift_left3A_293 = arith.shli %get3A_290, %shift_left3A_292 : vector<16xi32>
        %bitcast_convert_type3A_294 = tpu.bitcast %shift_left3A_293 : vector<16xi32> -> vector<16xf32>
        %and3A_295 = vector.broadcast %scan3A : i32 to vector<16xi32>
        %and3A_296 = arith.andi %get3A_290, %and3A_295 : vector<16xi32>
        %bitcast_convert_type3A_297 = tpu.bitcast %and3A_296 : vector<16xi32> -> vector<16xf32>
        %add3A_298 = arith.addf %add3A_266, %bitcast_convert_type3A_281 : vector<16xf32>
        %add3A_299 = arith.addf %add3A_267, %bitcast_convert_type3A_284 : vector<16xf32>
        %add3A_300 = arith.addf %add3A_268, %bitcast_convert_type3A_294 : vector<16xf32>
        %add3A_301 = arith.addf %add3A_269, %bitcast_convert_type3A_297 : vector<16xf32>
        %mul3A_302 = arith.constant 20 : i32
        %mul3A_303 = arith.muli %scan3A_141, %mul3A_302 : i32
        %add3A_304 = arith.constant 10 : i32
        %add3A_305 = arith.addi %mul3A_303, %add3A_304 : i32
        %get3A_306 = arith.index_cast %add3A_305 : i32 to index
        %get3A_307 = arith.constant 0 : index
        %get3A_308 = tpu.vector_load %arg8[%get3A_306, %get3A_307] {strides = array<i32>} : memref<100x16xi32, #tpu.memory_space<vmem>>, vector<1x16xi32>,
        %get3A_309 = vector.shape_cast %get3A_308 : vector<1x16xi32> to vector<16xi32>
        %shift_left3A_310 = arith.constant 16 : i32
        %shift_left3A_311 = vector.broadcast %shift_left3A_310 : i32 to vector<16xi32>
        %shift_left3A_312 = arith.shli %get3A_309, %shift_left3A_311 : vector<16xi32>
        %bitcast_convert_type3A_313 = tpu.bitcast %shift_left3A_312 : vector<16xi32> -> vector<16xf32>
        %and3A_314 = vector.broadcast %scan3A : i32 to vector<16xi32>
        %and3A_315 = arith.andi %get3A_309, %and3A_314 : vector<16xi32>
        %bitcast_convert_type3A_316 = tpu.bitcast %and3A_315 : vector<16xi32> -> vector<16xf32>
        %add3A_317 = arith.constant 1 : i32
        %add3A_318 = arith.addi %add3A_305, %add3A_317 : i32
        %get3A_319 = arith.index_cast %add3A_318 : i32 to index
        %get3A_320 = arith.constant 0 : index
        %get3A_321 = tpu.vector_load %arg8[%get3A_319, %get3A_320] {strides = array<i32>} : memref<100x16xi32, #tpu.memory_space<vmem>>, vector<1x16xi32>,
        %get3A_322 = vector.shape_cast %get3A_321 : vector<1x16xi32> to vector<16xi32>
        %shift_left3A_323 = arith.constant 16 : i32
        %shift_left3A_324 = vector.broadcast %shift_left3A_323 : i32 to vector<16xi32>
        %shift_left3A_325 = arith.shli %get3A_322, %shift_left3A_324 : vector<16xi32>
        %bitcast_convert_type3A_326 = tpu.bitcast %shift_left3A_325 : vector<16xi32> -> vector<16xf32>
        %and3A_327 = vector.broadcast %scan3A : i32 to vector<16xi32>
        %and3A_328 = arith.andi %get3A_322, %and3A_327 : vector<16xi32>
        %bitcast_convert_type3A_329 = tpu.bitcast %and3A_328 : vector<16xi32> -> vector<16xf32>
        %add3A_330 = arith.addf %add3A_298, %bitcast_convert_type3A_313 : vector<16xf32>
        %add3A_331 = arith.addf %add3A_299, %bitcast_convert_type3A_316 : vector<16xf32>
        %add3A_332 = arith.addf %add3A_300, %bitcast_convert_type3A_326 : vector<16xf32>
        %add3A_333 = arith.addf %add3A_301, %bitcast_convert_type3A_329 : vector<16xf32>
        %mul3A_334 = arith.constant 20 : i32
        %mul3A_335 = arith.muli %scan3A_141, %mul3A_334 : i32
        %add3A_336 = arith.constant 12 : i32
        %add3A_337 = arith.addi %mul3A_335, %add3A_336 : i32
        %get3A_338 = arith.index_cast %add3A_337 : i32 to index
        %get3A_339 = arith.constant 0 : index
        %get3A_340 = tpu.vector_load %arg8[%get3A_338, %get3A_339] {strides = array<i32>} : memref<100x16xi32, #tpu.memory_space<vmem>>, vector<1x16xi32>,
        %get3A_341 = vector.shape_cast %get3A_340 : vector<1x16xi32> to vector<16xi32>
        %shift_left3A_342 = arith.constant 16 : i32
        %shift_left3A_343 = vector.broadcast %shift_left3A_342 : i32 to vector<16xi32>
        %shift_left3A_344 = arith.shli %get3A_341, %shift_left3A_343 : vector<16xi32>
        %bitcast_convert_type3A_345 = tpu.bitcast %shift_left3A_344 : vector<16xi32> -> vector<16xf32>
        %and3A_346 = vector.broadcast %scan3A : i32 to vector<16xi32>
        %and3A_347 = arith.andi %get3A_341, %and3A_346 : vector<16xi32>
        %bitcast_convert_type3A_348 = tpu.bitcast %and3A_347 : vector<16xi32> -> vector<16xf32>
        %add3A_349 = arith.constant 1 : i32
        %add3A_350 = arith.addi %add3A_337, %add3A_349 : i32
        %get3A_351 = arith.index_cast %add3A_350 : i32 to index
        %get3A_352 = arith.constant 0 : index
        %get3A_353 = tpu.vector_load %arg8[%get3A_351, %get3A_352] {strides = array<i32>} : memref<100x16xi32, #tpu.memory_space<vmem>>, vector<1x16xi32>,
        %get3A_354 = vector.shape_cast %get3A_353 : vector<1x16xi32> to vector<16xi32>
        %shift_left3A_355 = arith.constant 16 : i32
        %shift_left3A_356 = vector.broadcast %shift_left3A_355 : i32 to vector<16xi32>
        %shift_left3A_357 = arith.shli %get3A_354, %shift_left3A_356 : vector<16xi32>
        %bitcast_convert_type3A_358 = tpu.bitcast %shift_left3A_357 : vector<16xi32> -> vector<16xf32>
        %and3A_359 = vector.broadcast %scan3A : i32 to vector<16xi32>
        %and3A_360 = arith.andi %get3A_354, %and3A_359 : vector<16xi32>
        %bitcast_convert_type3A_361 = tpu.bitcast %and3A_360 : vector<16xi32> -> vector<16xf32>
        %add3A_362 = arith.addf %add3A_330, %bitcast_convert_type3A_345 : vector<16xf32>
        %add3A_363 = arith.addf %add3A_331, %bitcast_convert_type3A_348 : vector<16xf32>
        %add3A_364 = arith.addf %add3A_332, %bitcast_convert_type3A_358 : vector<16xf32>
        %add3A_365 = arith.addf %add3A_333, %bitcast_convert_type3A_361 : vector<16xf32>
        %mul3A_366 = arith.constant 20 : i32
        %mul3A_367 = arith.muli %scan3A_141, %mul3A_366 : i32
        %add3A_368 = arith.constant 14 : i32
        %add3A_369 = arith.addi %mul3A_367, %add3A_368 : i32
        %get3A_370 = arith.index_cast %add3A_369 : i32 to index
        %get3A_371 = arith.constant 0 : index
        %get3A_372 = tpu.vector_load %arg8[%get3A_370, %get3A_371] {strides = array<i32>} : memref<100x16xi32, #tpu.memory_space<vmem>>, vector<1x16xi32>,
        %get3A_373 = vector.shape_cast %get3A_372 : vector<1x16xi32> to vector<16xi32>
        %shift_left3A_374 = arith.constant 16 : i32
        %shift_left3A_375 = vector.broadcast %shift_left3A_374 : i32 to vector<16xi32>
        %shift_left3A_376 = arith.shli %get3A_373, %shift_left3A_375 : vector<16xi32>
        %bitcast_convert_type3A_377 = tpu.bitcast %shift_left3A_376 : vector<16xi32> -> vector<16xf32>
        %and3A_378 = vector.broadcast %scan3A : i32 to vector<16xi32>
        %and3A_379 = arith.andi %get3A_373, %and3A_378 : vector<16xi32>
        %bitcast_convert_type3A_380 = tpu.bitcast %and3A_379 : vector<16xi32> -> vector<16xf32>
        %add3A_381 = arith.constant 1 : i32
        %add3A_382 = arith.addi %add3A_369, %add3A_381 : i32
        %get3A_383 = arith.index_cast %add3A_382 : i32 to index
        %get3A_384 = arith.constant 0 : index
        %get3A_385 = tpu.vector_load %arg8[%get3A_383, %get3A_384] {strides = array<i32>} : memref<100x16xi32, #tpu.memory_space<vmem>>, vector<1x16xi32>,
        %get3A_386 = vector.shape_cast %get3A_385 : vector<1x16xi32> to vector<16xi32>
        %shift_left3A_387 = arith.constant 16 : i32
        %shift_left3A_388 = vector.broadcast %shift_left3A_387 : i32 to vector<16xi32>
        %shift_left3A_389 = arith.shli %get3A_386, %shift_left3A_388 : vector<16xi32>
        %bitcast_convert_type3A_390 = tpu.bitcast %shift_left3A_389 : vector<16xi32> -> vector<16xf32>
        %and3A_391 = vector.broadcast %scan3A : i32 to vector<16xi32>
        %and3A_392 = arith.andi %get3A_386, %and3A_391 : vector<16xi32>
        %bitcast_convert_type3A_393 = tpu.bitcast %and3A_392 : vector<16xi32> -> vector<16xf32>
        %add3A_394 = arith.addf %add3A_362, %bitcast_convert_type3A_377 : vector<16xf32>
        %add3A_395 = arith.addf %add3A_363, %bitcast_convert_type3A_380 : vector<16xf32>
        %add3A_396 = arith.addf %add3A_364, %bitcast_convert_type3A_390 : vector<16xf32>
        %add3A_397 = arith.addf %add3A_365, %bitcast_convert_type3A_393 : vector<16xf32>
        %mul3A_398 = arith.constant 20 : i32
        %mul3A_399 = arith.muli %scan3A_141, %mul3A_398 : i32
        %add3A_400 = arith.constant 16 : i32
        %add3A_401 = arith.addi %mul3A_399, %add3A_400 : i32
        %get3A_402 = arith.index_cast %add3A_401 : i32 to index
        %get3A_403 = arith.constant 0 : index
        %get3A_404 = tpu.vector_load %arg8[%get3A_402, %get3A_403] {strides = array<i32>} : memref<100x16xi32, #tpu.memory_space<vmem>>, vector<1x16xi32>,
        %get3A_405 = vector.shape_cast %get3A_404 : vector<1x16xi32> to vector<16xi32>
        %shift_left3A_406 = arith.constant 16 : i32
        %shift_left3A_407 = vector.broadcast %shift_left3A_406 : i32 to vector<16xi32>
        %shift_left3A_408 = arith.shli %get3A_405, %shift_left3A_407 : vector<16xi32>
        %bitcast_convert_type3A_409 = tpu.bitcast %shift_left3A_408 : vector<16xi32> -> vector<16xf32>
        %and3A_410 = vector.broadcast %scan3A : i32 to vector<16xi32>
        %and3A_411 = arith.andi %get3A_405, %and3A_410 : vector<16xi32>
        %bitcast_convert_type3A_412 = tpu.bitcast %and3A_411 : vector<16xi32> -> vector<16xf32>
        %add3A_413 = arith.constant 1 : i32
        %add3A_414 = arith.addi %add3A_401, %add3A_413 : i32
        %get3A_415 = arith.index_cast %add3A_414 : i32 to index
        %get3A_416 = arith.constant 0 : index
        %get3A_417 = tpu.vector_load %arg8[%get3A_415, %get3A_416] {strides = array<i32>} : memref<100x16xi32, #tpu.memory_space<vmem>>, vector<1x16xi32>,
        %get3A_418 = vector.shape_cast %get3A_417 : vector<1x16xi32> to vector<16xi32>
        %shift_left3A_419 = arith.constant 16 : i32
        %shift_left3A_420 = vector.broadcast %shift_left3A_419 : i32 to vector<16xi32>
        %shift_left3A_421 = arith.shli %get3A_418, %shift_left3A_420 : vector<16xi32>
        %bitcast_convert_type3A_422 = tpu.bitcast %shift_left3A_421 : vector<16xi32> -> vector<16xf32>
        %and3A_423 = vector.broadcast %scan3A : i32 to vector<16xi32>
        %and3A_424 = arith.andi %get3A_418, %and3A_423 : vector<16xi32>
        %bitcast_convert_type3A_425 = tpu.bitcast %and3A_424 : vector<16xi32> -> vector<16xf32>
        %add3A_426 = arith.addf %add3A_394, %bitcast_convert_type3A_409 : vector<16xf32>
        %add3A_427 = arith.addf %add3A_395, %bitcast_convert_type3A_412 : vector<16xf32>
        %add3A_428 = arith.addf %add3A_396, %bitcast_convert_type3A_422 : vector<16xf32>
        %add3A_429 = arith.addf %add3A_397, %bitcast_convert_type3A_425 : vector<16xf32>
        %mul3A_430 = arith.constant 20 : i32
        %mul3A_431 = arith.muli %scan3A_141, %mul3A_430 : i32
        %add3A_432 = arith.constant 18 : i32
        %add3A_433 = arith.addi %mul3A_431, %add3A_432 : i32
        %get3A_434 = arith.index_cast %add3A_433 : i32 to index
        %get3A_435 = arith.constant 0 : index
        %get3A_436 = tpu.vector_load %arg8[%get3A_434, %get3A_435] {strides = array<i32>} : memref<100x16xi32, #tpu.memory_space<vmem>>, vector<1x16xi32>,
        %get3A_437 = vector.shape_cast %get3A_436 : vector<1x16xi32> to vector<16xi32>
        %shift_left3A_438 = arith.constant 16 : i32
        %shift_left3A_439 = vector.broadcast %shift_left3A_438 : i32 to vector<16xi32>
        %shift_left3A_440 = arith.shli %get3A_437, %shift_left3A_439 : vector<16xi32>
        %bitcast_convert_type3A_441 = tpu.bitcast %shift_left3A_440 : vector<16xi32> -> vector<16xf32>
        %and3A_442 = vector.broadcast %scan3A : i32 to vector<16xi32>
        %and3A_443 = arith.andi %get3A_437, %and3A_442 : vector<16xi32>
        %bitcast_convert_type3A_444 = tpu.bitcast %and3A_443 : vector<16xi32> -> vector<16xf32>
        %add3A_445 = arith.constant 1 : i32
        %add3A_446 = arith.addi %add3A_433, %add3A_445 : i32
        %get3A_447 = arith.index_cast %add3A_446 : i32 to index
        %get3A_448 = arith.constant 0 : index
        %get3A_449 = tpu.vector_load %arg8[%get3A_447, %get3A_448] {strides = array<i32>} : memref<100x16xi32, #tpu.memory_space<vmem>>, vector<1x16xi32>,
        %get3A_450 = vector.shape_cast %get3A_449 : vector<1x16xi32> to vector<16xi32>
        %shift_left3A_451 = arith.constant 16 : i32
        %shift_left3A_452 = vector.broadcast %shift_left3A_451 : i32 to vector<16xi32>
        %shift_left3A_453 = arith.shli %get3A_450, %shift_left3A_452 : vector<16xi32>
        %bitcast_convert_type3A_454 = tpu.bitcast %shift_left3A_453 : vector<16xi32> -> vector<16xf32>
        %and3A_455 = vector.broadcast %scan3A : i32 to vector<16xi32>
        %and3A_456 = arith.andi %get3A_450, %and3A_455 : vector<16xi32>
        %bitcast_convert_type3A_457 = tpu.bitcast %and3A_456 : vector<16xi32> -> vector<16xf32>
        %add3A_458 = arith.addf %add3A_426, %bitcast_convert_type3A_441 : vector<16xf32>
        %add3A_459 = arith.addf %add3A_427, %bitcast_convert_type3A_444 : vector<16xf32>
        %add3A_460 = arith.addf %add3A_428, %bitcast_convert_type3A_454 : vector<16xf32>
        %add3A_461 = arith.addf %add3A_429, %bitcast_convert_type3A_457 : vector<16xf32>
        scf.yield %add3A_458, %add3A_459, %add3A_460, %add3A_461 : vector<16xf32>, vector<16xf32>, vector<16xf32>, vector<16xf32>
      }
      %scan3A_121 = arith.constant 5 : i32
      %scan3A_122 = arith.constant 0 : i32
      %scan3A_123 = arith.constant 5 : i32
      %scan3A_124 = arith.addi %scan3A_122, %scan3A_123 : i32
      %scan3A_125 = arith.constant 1 : i32
      %scan3A_126:4 = scf.for %scan3A_141 = %scan3A_122 to %scan3A_124 step %scan3A_125 iter_args(%scan3A_142 = %scan3A_120#0, %scan3A_143 = %scan3A_120#1, %scan3A_144 = %scan3A_120#2, %scan3A_145 = %scan3A_120#3) -> (vector<16xf32>, vector<16xf32>, vector<16xf32>, vector<16xf32>)  : i32 {
        %mul3A_146 = arith.constant 20 : i32
        %mul3A_147 = arith.muli %scan3A_141, %mul3A_146 : i32
        %add3A_148 = arith.constant 0 : i32
        %add3A_149 = arith.addi %mul3A_147, %add3A_148 : i32
        %get3A = arith.index_cast %add3A_149 : i32 to index
        %get3A_150 = arith.constant 0 : index
        %get3A_151 = tpu.vector_load %arg9[%get3A, %get3A_150] {strides = array<i32>} : memref<100x16xi32, #tpu.memory_space<vmem>>, vector<1x16xi32>,
        %get3A_152 = vector.shape_cast %get3A_151 : vector<1x16xi32> to vector<16xi32>
        %shift_left3A = arith.constant 16 : i32
        %shift_left3A_153 = vector.broadcast %shift_left3A : i32 to vector<16xi32>
        %shift_left3A_154 = arith.shli %get3A_152, %shift_left3A_153 : vector<16xi32>
        %bitcast_convert_type3A = tpu.bitcast %shift_left3A_154 : vector<16xi32> -> vector<16xf32>
        %and3A = vector.broadcast %scan3A : i32 to vector<16xi32>
        %and3A_155 = arith.andi %get3A_152, %and3A : vector<16xi32>
        %bitcast_convert_type3A_156 = tpu.bitcast %and3A_155 : vector<16xi32> -> vector<16xf32>
        %add3A_157 = arith.constant 1 : i32
        %add3A_158 = arith.addi %add3A_149, %add3A_157 : i32
        %get3A_159 = arith.index_cast %add3A_158 : i32 to index
        %get3A_160 = arith.constant 0 : index
        %get3A_161 = tpu.vector_load %arg9[%get3A_159, %get3A_160] {strides = array<i32>} : memref<100x16xi32, #tpu.memory_space<vmem>>, vector<1x16xi32>,
        %get3A_162 = vector.shape_cast %get3A_161 : vector<1x16xi32> to vector<16xi32>
        %shift_left3A_163 = arith.constant 16 : i32
        %shift_left3A_164 = vector.broadcast %shift_left3A_163 : i32 to vector<16xi32>
        %shift_left3A_165 = arith.shli %get3A_162, %shift_left3A_164 : vector<16xi32>
        %bitcast_convert_type3A_166 = tpu.bitcast %shift_left3A_165 : vector<16xi32> -> vector<16xf32>
        %and3A_167 = vector.broadcast %scan3A : i32 to vector<16xi32>
        %and3A_168 = arith.andi %get3A_162, %and3A_167 : vector<16xi32>
        %bitcast_convert_type3A_169 = tpu.bitcast %and3A_168 : vector<16xi32> -> vector<16xf32>
        %add3A_170 = arith.addf %scan3A_142, %bitcast_convert_type3A : vector<16xf32>
        %add3A_171 = arith.addf %scan3A_143, %bitcast_convert_type3A_156 : vector<16xf32>
        %add3A_172 = arith.addf %scan3A_144, %bitcast_convert_type3A_166 : vector<16xf32>
        %add3A_173 = arith.addf %scan3A_145, %bitcast_convert_type3A_169 : vector<16xf32>
        %mul3A_174 = arith.constant 20 : i32
        %mul3A_175 = arith.muli %scan3A_141, %mul3A_174 : i32
        %add3A_176 = arith.constant 2 : i32
        %add3A_177 = arith.addi %mul3A_175, %add3A_176 : i32
        %get3A_178 = arith.index_cast %add3A_177 : i32 to index
        %get3A_179 = arith.constant 0 : index
        %get3A_180 = tpu.vector_load %arg9[%get3A_178, %get3A_179] {strides = array<i32>} : memref<100x16xi32, #tpu.memory_space<vmem>>, vector<1x16xi32>,
        %get3A_181 = vector.shape_cast %get3A_180 : vector<1x16xi32> to vector<16xi32>
        %shift_left3A_182 = arith.constant 16 : i32
        %shift_left3A_183 = vector.broadcast %shift_left3A_182 : i32 to vector<16xi32>
        %shift_left3A_184 = arith.shli %get3A_181, %shift_left3A_183 : vector<16xi32>
        %bitcast_convert_type3A_185 = tpu.bitcast %shift_left3A_184 : vector<16xi32> -> vector<16xf32>
        %and3A_186 = vector.broadcast %scan3A : i32 to vector<16xi32>
        %and3A_187 = arith.andi %get3A_181, %and3A_186 : vector<16xi32>
        %bitcast_convert_type3A_188 = tpu.bitcast %and3A_187 : vector<16xi32> -> vector<16xf32>
        %add3A_189 = arith.constant 1 : i32
        %add3A_190 = arith.addi %add3A_177, %add3A_189 : i32
        %get3A_191 = arith.index_cast %add3A_190 : i32 to index
        %get3A_192 = arith.constant 0 : index
        %get3A_193 = tpu.vector_load %arg9[%get3A_191, %get3A_192] {strides = array<i32>} : memref<100x16xi32, #tpu.memory_space<vmem>>, vector<1x16xi32>,
        %get3A_194 = vector.shape_cast %get3A_193 : vector<1x16xi32> to vector<16xi32>
        %shift_left3A_195 = arith.constant 16 : i32
        %shift_left3A_196 = vector.broadcast %shift_left3A_195 : i32 to vector<16xi32>
        %shift_left3A_197 = arith.shli %get3A_194, %shift_left3A_196 : vector<16xi32>
        %bitcast_convert_type3A_198 = tpu.bitcast %shift_left3A_197 : vector<16xi32> -> vector<16xf32>
        %and3A_199 = vector.broadcast %scan3A : i32 to vector<16xi32>
        %and3A_200 = arith.andi %get3A_194, %and3A_199 : vector<16xi32>
        %bitcast_convert_type3A_201 = tpu.bitcast %and3A_200 : vector<16xi32> -> vector<16xf32>
        %add3A_202 = arith.addf %add3A_170, %bitcast_convert_type3A_185 : vector<16xf32>
        %add3A_203 = arith.addf %add3A_171, %bitcast_convert_type3A_188 : vector<16xf32>
        %add3A_204 = arith.addf %add3A_172, %bitcast_convert_type3A_198 : vector<16xf32>
        %add3A_205 = arith.addf %add3A_173, %bitcast_convert_type3A_201 : vector<16xf32>
        %mul3A_206 = arith.constant 20 : i32
        %mul3A_207 = arith.muli %scan3A_141, %mul3A_206 : i32
        %add3A_208 = arith.constant 4 : i32
        %add3A_209 = arith.addi %mul3A_207, %add3A_208 : i32
        %get3A_210 = arith.index_cast %add3A_209 : i32 to index
        %get3A_211 = arith.constant 0 : index
        %get3A_212 = tpu.vector_load %arg9[%get3A_210, %get3A_211] {strides = array<i32>} : memref<100x16xi32, #tpu.memory_space<vmem>>, vector<1x16xi32>,
        %get3A_213 = vector.shape_cast %get3A_212 : vector<1x16xi32> to vector<16xi32>
        %shift_left3A_214 = arith.constant 16 : i32
        %shift_left3A_215 = vector.broadcast %shift_left3A_214 : i32 to vector<16xi32>
        %shift_left3A_216 = arith.shli %get3A_213, %shift_left3A_215 : vector<16xi32>
        %bitcast_convert_type3A_217 = tpu.bitcast %shift_left3A_216 : vector<16xi32> -> vector<16xf32>
        %and3A_218 = vector.broadcast %scan3A : i32 to vector<16xi32>
        %and3A_219 = arith.andi %get3A_213, %and3A_218 : vector<16xi32>
        %bitcast_convert_type3A_220 = tpu.bitcast %and3A_219 : vector<16xi32> -> vector<16xf32>
        %add3A_221 = arith.constant 1 : i32
        %add3A_222 = arith.addi %add3A_209, %add3A_221 : i32
        %get3A_223 = arith.index_cast %add3A_222 : i32 to index
        %get3A_224 = arith.constant 0 : index
        %get3A_225 = tpu.vector_load %arg9[%get3A_223, %get3A_224] {strides = array<i32>} : memref<100x16xi32, #tpu.memory_space<vmem>>, vector<1x16xi32>,
        %get3A_226 = vector.shape_cast %get3A_225 : vector<1x16xi32> to vector<16xi32>
        %shift_left3A_227 = arith.constant 16 : i32
        %shift_left3A_228 = vector.broadcast %shift_left3A_227 : i32 to vector<16xi32>
        %shift_left3A_229 = arith.shli %get3A_226, %shift_left3A_228 : vector<16xi32>
        %bitcast_convert_type3A_230 = tpu.bitcast %shift_left3A_229 : vector<16xi32> -> vector<16xf32>
        %and3A_231 = vector.broadcast %scan3A : i32 to vector<16xi32>
        %and3A_232 = arith.andi %get3A_226, %and3A_231 : vector<16xi32>
        %bitcast_convert_type3A_233 = tpu.bitcast %and3A_232 : vector<16xi32> -> vector<16xf32>
        %add3A_234 = arith.addf %add3A_202, %bitcast_convert_type3A_217 : vector<16xf32>
        %add3A_235 = arith.addf %add3A_203, %bitcast_convert_type3A_220 : vector<16xf32>
        %add3A_236 = arith.addf %add3A_204, %bitcast_convert_type3A_230 : vector<16xf32>
        %add3A_237 = arith.addf %add3A_205, %bitcast_convert_type3A_233 : vector<16xf32>
        %mul3A_238 = arith.constant 20 : i32
        %mul3A_239 = arith.muli %scan3A_141, %mul3A_238 : i32
        %add3A_240 = arith.constant 6 : i32
        %add3A_241 = arith.addi %mul3A_239, %add3A_240 : i32
        %get3A_242 = arith.index_cast %add3A_241 : i32 to index
        %get3A_243 = arith.constant 0 : index
        %get3A_244 = tpu.vector_load %arg9[%get3A_242, %get3A_243] {strides = array<i32>} : memref<100x16xi32, #tpu.memory_space<vmem>>, vector<1x16xi32>,
        %get3A_245 = vector.shape_cast %get3A_244 : vector<1x16xi32> to vector<16xi32>
        %shift_left3A_246 = arith.constant 16 : i32
        %shift_left3A_247 = vector.broadcast %shift_left3A_246 : i32 to vector<16xi32>
        %shift_left3A_248 = arith.shli %get3A_245, %shift_left3A_247 : vector<16xi32>
        %bitcast_convert_type3A_249 = tpu.bitcast %shift_left3A_248 : vector<16xi32> -> vector<16xf32>
        %and3A_250 = vector.broadcast %scan3A : i32 to vector<16xi32>
        %and3A_251 = arith.andi %get3A_245, %and3A_250 : vector<16xi32>
        %bitcast_convert_type3A_252 = tpu.bitcast %and3A_251 : vector<16xi32> -> vector<16xf32>
        %add3A_253 = arith.constant 1 : i32
        %add3A_254 = arith.addi %add3A_241, %add3A_253 : i32
        %get3A_255 = arith.index_cast %add3A_254 : i32 to index
        %get3A_256 = arith.constant 0 : index
        %get3A_257 = tpu.vector_load %arg9[%get3A_255, %get3A_256] {strides = array<i32>} : memref<100x16xi32, #tpu.memory_space<vmem>>, vector<1x16xi32>,
        %get3A_258 = vector.shape_cast %get3A_257 : vector<1x16xi32> to vector<16xi32>
        %shift_left3A_259 = arith.constant 16 : i32
        %shift_left3A_260 = vector.broadcast %shift_left3A_259 : i32 to vector<16xi32>
        %shift_left3A_261 = arith.shli %get3A_258, %shift_left3A_260 : vector<16xi32>
        %bitcast_convert_type3A_262 = tpu.bitcast %shift_left3A_261 : vector<16xi32> -> vector<16xf32>
        %and3A_263 = vector.broadcast %scan3A : i32 to vector<16xi32>
        %and3A_264 = arith.andi %get3A_258, %and3A_263 : vector<16xi32>
        %bitcast_convert_type3A_265 = tpu.bitcast %and3A_264 : vector<16xi32> -> vector<16xf32>
        %add3A_266 = arith.addf %add3A_234, %bitcast_convert_type3A_249 : vector<16xf32>
        %add3A_267 = arith.addf %add3A_235, %bitcast_convert_type3A_252 : vector<16xf32>
        %add3A_268 = arith.addf %add3A_236, %bitcast_convert_type3A_262 : vector<16xf32>
        %add3A_269 = arith.addf %add3A_237, %bitcast_convert_type3A_265 : vector<16xf32>
        %mul3A_270 = arith.constant 20 : i32
        %mul3A_271 = arith.muli %scan3A_141, %mul3A_270 : i32
        %add3A_272 = arith.constant 8 : i32
        %add3A_273 = arith.addi %mul3A_271, %add3A_272 : i32
        %get3A_274 = arith.index_cast %add3A_273 : i32 to index
        %get3A_275 = arith.constant 0 : index
        %get3A_276 = tpu.vector_load %arg9[%get3A_274, %get3A_275] {strides = array<i32>} : memref<100x16xi32, #tpu.memory_space<vmem>>, vector<1x16xi32>,
        %get3A_277 = vector.shape_cast %get3A_276 : vector<1x16xi32> to vector<16xi32>
        %shift_left3A_278 = arith.constant 16 : i32
        %shift_left3A_279 = vector.broadcast %shift_left3A_278 : i32 to vector<16xi32>
        %shift_left3A_280 = arith.shli %get3A_277, %shift_left3A_279 : vector<16xi32>
        %bitcast_convert_type3A_281 = tpu.bitcast %shift_left3A_280 : vector<16xi32> -> vector<16xf32>
        %and3A_282 = vector.broadcast %scan3A : i32 to vector<16xi32>
        %and3A_283 = arith.andi %get3A_277, %and3A_282 : vector<16xi32>
        %bitcast_convert_type3A_284 = tpu.bitcast %and3A_283 : vector<16xi32> -> vector<16xf32>
        %add3A_285 = arith.constant 1 : i32
        %add3A_286 = arith.addi %add3A_273, %add3A_285 : i32
        %get3A_287 = arith.index_cast %add3A_286 : i32 to index
        %get3A_288 = arith.constant 0 : index
        %get3A_289 = tpu.vector_load %arg9[%get3A_287, %get3A_288] {strides = array<i32>} : memref<100x16xi32, #tpu.memory_space<vmem>>, vector<1x16xi32>,
        %get3A_290 = vector.shape_cast %get3A_289 : vector<1x16xi32> to vector<16xi32>
        %shift_left3A_291 = arith.constant 16 : i32
        %shift_left3A_292 = vector.broadcast %shift_left3A_291 : i32 to vector<16xi32>
        %shift_left3A_293 = arith.shli %get3A_290, %shift_left3A_292 : vector<16xi32>
        %bitcast_convert_type3A_294 = tpu.bitcast %shift_left3A_293 : vector<16xi32> -> vector<16xf32>
        %and3A_295 = vector.broadcast %scan3A : i32 to vector<16xi32>
        %and3A_296 = arith.andi %get3A_290, %and3A_295 : vector<16xi32>
        %bitcast_convert_type3A_297 = tpu.bitcast %and3A_296 : vector<16xi32> -> vector<16xf32>
        %add3A_298 = arith.addf %add3A_266, %bitcast_convert_type3A_281 : vector<16xf32>
        %add3A_299 = arith.addf %add3A_267, %bitcast_convert_type3A_284 : vector<16xf32>
        %add3A_300 = arith.addf %add3A_268, %bitcast_convert_type3A_294 : vector<16xf32>
        %add3A_301 = arith.addf %add3A_269, %bitcast_convert_type3A_297 : vector<16xf32>
        %mul3A_302 = arith.constant 20 : i32
        %mul3A_303 = arith.muli %scan3A_141, %mul3A_302 : i32
        %add3A_304 = arith.constant 10 : i32
        %add3A_305 = arith.addi %mul3A_303, %add3A_304 : i32
        %get3A_306 = arith.index_cast %add3A_305 : i32 to index
        %get3A_307 = arith.constant 0 : index
        %get3A_308 = tpu.vector_load %arg9[%get3A_306, %get3A_307] {strides = array<i32>} : memref<100x16xi32, #tpu.memory_space<vmem>>, vector<1x16xi32>,
        %get3A_309 = vector.shape_cast %get3A_308 : vector<1x16xi32> to vector<16xi32>
        %shift_left3A_310 = arith.constant 16 : i32
        %shift_left3A_311 = vector.broadcast %shift_left3A_310 : i32 to vector<16xi32>
        %shift_left3A_312 = arith.shli %get3A_309, %shift_left3A_311 : vector<16xi32>
        %bitcast_convert_type3A_313 = tpu.bitcast %shift_left3A_312 : vector<16xi32> -> vector<16xf32>
        %and3A_314 = vector.broadcast %scan3A : i32 to vector<16xi32>
        %and3A_315 = arith.andi %get3A_309, %and3A_314 : vector<16xi32>
        %bitcast_convert_type3A_316 = tpu.bitcast %and3A_315 : vector<16xi32> -> vector<16xf32>
        %add3A_317 = arith.constant 1 : i32
        %add3A_318 = arith.addi %add3A_305, %add3A_317 : i32
        %get3A_319 = arith.index_cast %add3A_318 : i32 to index
        %get3A_320 = arith.constant 0 : index
        %get3A_321 = tpu.vector_load %arg9[%get3A_319, %get3A_320] {strides = array<i32>} : memref<100x16xi32, #tpu.memory_space<vmem>>, vector<1x16xi32>,
        %get3A_322 = vector.shape_cast %get3A_321 : vector<1x16xi32> to vector<16xi32>
        %shift_left3A_323 = arith.constant 16 : i32
        %shift_left3A_324 = vector.broadcast %shift_left3A_323 : i32 to vector<16xi32>
        %shift_left3A_325 = arith.shli %get3A_322, %shift_left3A_324 : vector<16xi32>
        %bitcast_convert_type3A_326 = tpu.bitcast %shift_left3A_325 : vector<16xi32> -> vector<16xf32>
        %and3A_327 = vector.broadcast %scan3A : i32 to vector<16xi32>
        %and3A_328 = arith.andi %get3A_322, %and3A_327 : vector<16xi32>
        %bitcast_convert_type3A_329 = tpu.bitcast %and3A_328 : vector<16xi32> -> vector<16xf32>
        %add3A_330 = arith.addf %add3A_298, %bitcast_convert_type3A_313 : vector<16xf32>
        %add3A_331 = arith.addf %add3A_299, %bitcast_convert_type3A_316 : vector<16xf32>
        %add3A_332 = arith.addf %add3A_300, %bitcast_convert_type3A_326 : vector<16xf32>
        %add3A_333 = arith.addf %add3A_301, %bitcast_convert_type3A_329 : vector<16xf32>
        %mul3A_334 = arith.constant 20 : i32
        %mul3A_335 = arith.muli %scan3A_141, %mul3A_334 : i32
        %add3A_336 = arith.constant 12 : i32
        %add3A_337 = arith.addi %mul3A_335, %add3A_336 : i32
        %get3A_338 = arith.index_cast %add3A_337 : i32 to index
        %get3A_339 = arith.constant 0 : index
        %get3A_340 = tpu.vector_load %arg9[%get3A_338, %get3A_339] {strides = array<i32>} : memref<100x16xi32, #tpu.memory_space<vmem>>, vector<1x16xi32>,
        %get3A_341 = vector.shape_cast %get3A_340 : vector<1x16xi32> to vector<16xi32>
        %shift_left3A_342 = arith.constant 16 : i32
        %shift_left3A_343 = vector.broadcast %shift_left3A_342 : i32 to vector<16xi32>
        %shift_left3A_344 = arith.shli %get3A_341, %shift_left3A_343 : vector<16xi32>
        %bitcast_convert_type3A_345 = tpu.bitcast %shift_left3A_344 : vector<16xi32> -> vector<16xf32>
        %and3A_346 = vector.broadcast %scan3A : i32 to vector<16xi32>
        %and3A_347 = arith.andi %get3A_341, %and3A_346 : vector<16xi32>
        %bitcast_convert_type3A_348 = tpu.bitcast %and3A_347 : vector<16xi32> -> vector<16xf32>
        %add3A_349 = arith.constant 1 : i32
        %add3A_350 = arith.addi %add3A_337, %add3A_349 : i32
        %get3A_351 = arith.index_cast %add3A_350 : i32 to index
        %get3A_352 = arith.constant 0 : index
        %get3A_353 = tpu.vector_load %arg9[%get3A_351, %get3A_352] {strides = array<i32>} : memref<100x16xi32, #tpu.memory_space<vmem>>, vector<1x16xi32>,
        %get3A_354 = vector.shape_cast %get3A_353 : vector<1x16xi32> to vector<16xi32>
        %shift_left3A_355 = arith.constant 16 : i32
        %shift_left3A_356 = vector.broadcast %shift_left3A_355 : i32 to vector<16xi32>
        %shift_left3A_357 = arith.shli %get3A_354, %shift_left3A_356 : vector<16xi32>
        %bitcast_convert_type3A_358 = tpu.bitcast %shift_left3A_357 : vector<16xi32> -> vector<16xf32>
        %and3A_359 = vector.broadcast %scan3A : i32 to vector<16xi32>
        %and3A_360 = arith.andi %get3A_354, %and3A_359 : vector<16xi32>
        %bitcast_convert_type3A_361 = tpu.bitcast %and3A_360 : vector<16xi32> -> vector<16xf32>
        %add3A_362 = arith.addf %add3A_330, %bitcast_convert_type3A_345 : vector<16xf32>
        %add3A_363 = arith.addf %add3A_331, %bitcast_convert_type3A_348 : vector<16xf32>
        %add3A_364 = arith.addf %add3A_332, %bitcast_convert_type3A_358 : vector<16xf32>
        %add3A_365 = arith.addf %add3A_333, %bitcast_convert_type3A_361 : vector<16xf32>
        %mul3A_366 = arith.constant 20 : i32
        %mul3A_367 = arith.muli %scan3A_141, %mul3A_366 : i32
        %add3A_368 = arith.constant 14 : i32
        %add3A_369 = arith.addi %mul3A_367, %add3A_368 : i32
        %get3A_370 = arith.index_cast %add3A_369 : i32 to index
        %get3A_371 = arith.constant 0 : index
        %get3A_372 = tpu.vector_load %arg9[%get3A_370, %get3A_371] {strides = array<i32>} : memref<100x16xi32, #tpu.memory_space<vmem>>, vector<1x16xi32>,
        %get3A_373 = vector.shape_cast %get3A_372 : vector<1x16xi32> to vector<16xi32>
        %shift_left3A_374 = arith.constant 16 : i32
        %shift_left3A_375 = vector.broadcast %shift_left3A_374 : i32 to vector<16xi32>
        %shift_left3A_376 = arith.shli %get3A_373, %shift_left3A_375 : vector<16xi32>
        %bitcast_convert_type3A_377 = tpu.bitcast %shift_left3A_376 : vector<16xi32> -> vector<16xf32>
        %and3A_378 = vector.broadcast %scan3A : i32 to vector<16xi32>
        %and3A_379 = arith.andi %get3A_373, %and3A_378 : vector<16xi32>
        %bitcast_convert_type3A_380 = tpu.bitcast %and3A_379 : vector<16xi32> -> vector<16xf32>
        %add3A_381 = arith.constant 1 : i32
        %add3A_382 = arith.addi %add3A_369, %add3A_381 : i32
        %get3A_383 = arith.index_cast %add3A_382 : i32 to index
        %get3A_384 = arith.constant 0 : index
        %get3A_385 = tpu.vector_load %arg9[%get3A_383, %get3A_384] {strides = array<i32>} : memref<100x16xi32, #tpu.memory_space<vmem>>, vector<1x16xi32>,
        %get3A_386 = vector.shape_cast %get3A_385 : vector<1x16xi32> to vector<16xi32>
        %shift_left3A_387 = arith.constant 16 : i32
        %shift_left3A_388 = vector.broadcast %shift_left3A_387 : i32 to vector<16xi32>
        %shift_left3A_389 = arith.shli %get3A_386, %shift_left3A_388 : vector<16xi32>
        %bitcast_convert_type3A_390 = tpu.bitcast %shift_left3A_389 : vector<16xi32> -> vector<16xf32>
        %and3A_391 = vector.broadcast %scan3A : i32 to vector<16xi32>
        %and3A_392 = arith.andi %get3A_386, %and3A_391 : vector<16xi32>
        %bitcast_convert_type3A_393 = tpu.bitcast %and3A_392 : vector<16xi32> -> vector<16xf32>
        %add3A_394 = arith.addf %add3A_362, %bitcast_convert_type3A_377 : vector<16xf32>
        %add3A_395 = arith.addf %add3A_363, %bitcast_convert_type3A_380 : vector<16xf32>
        %add3A_396 = arith.addf %add3A_364, %bitcast_convert_type3A_390 : vector<16xf32>
        %add3A_397 = arith.addf %add3A_365, %bitcast_convert_type3A_393 : vector<16xf32>
        %mul3A_398 = arith.constant 20 : i32
        %mul3A_399 = arith.muli %scan3A_141, %mul3A_398 : i32
        %add3A_400 = arith.constant 16 : i32
        %add3A_401 = arith.addi %mul3A_399, %add3A_400 : i32
        %get3A_402 = arith.index_cast %add3A_401 : i32 to index
        %get3A_403 = arith.constant 0 : index
        %get3A_404 = tpu.vector_load %arg9[%get3A_402, %get3A_403] {strides = array<i32>} : memref<100x16xi32, #tpu.memory_space<vmem>>, vector<1x16xi32>,
        %get3A_405 = vector.shape_cast %get3A_404 : vector<1x16xi32> to vector<16xi32>
        %shift_left3A_406 = arith.constant 16 : i32
        %shift_left3A_407 = vector.broadcast %shift_left3A_406 : i32 to vector<16xi32>
        %shift_left3A_408 = arith.shli %get3A_405, %shift_left3A_407 : vector<16xi32>
        %bitcast_convert_type3A_409 = tpu.bitcast %shift_left3A_408 : vector<16xi32> -> vector<16xf32>
        %and3A_410 = vector.broadcast %scan3A : i32 to vector<16xi32>
        %and3A_411 = arith.andi %get3A_405, %and3A_410 : vector<16xi32>
        %bitcast_convert_type3A_412 = tpu.bitcast %and3A_411 : vector<16xi32> -> vector<16xf32>
        %add3A_413 = arith.constant 1 : i32
        %add3A_414 = arith.addi %add3A_401, %add3A_413 : i32
        %get3A_415 = arith.index_cast %add3A_414 : i32 to index
        %get3A_416 = arith.constant 0 : index
        %get3A_417 = tpu.vector_load %arg9[%get3A_415, %get3A_416] {strides = array<i32>} : memref<100x16xi32, #tpu.memory_space<vmem>>, vector<1x16xi32>,
        %get3A_418 = vector.shape_cast %get3A_417 : vector<1x16xi32> to vector<16xi32>
        %shift_left3A_419 = arith.constant 16 : i32
        %shift_left3A_420 = vector.broadcast %shift_left3A_419 : i32 to vector<16xi32>
        %shift_left3A_421 = arith.shli %get3A_418, %shift_left3A_420 : vector<16xi32>
        %bitcast_convert_type3A_422 = tpu.bitcast %shift_left3A_421 : vector<16xi32> -> vector<16xf32>
        %and3A_423 = vector.broadcast %scan3A : i32 to vector<16xi32>
        %and3A_424 = arith.andi %get3A_418, %and3A_423 : vector<16xi32>
        %bitcast_convert_type3A_425 = tpu.bitcast %and3A_424 : vector<16xi32> -> vector<16xf32>
        %add3A_426 = arith.addf %add3A_394, %bitcast_convert_type3A_409 : vector<16xf32>
        %add3A_427 = arith.addf %add3A_395, %bitcast_convert_type3A_412 : vector<16xf32>
        %add3A_428 = arith.addf %add3A_396, %bitcast_convert_type3A_422 : vector<16xf32>
        %add3A_429 = arith.addf %add3A_397, %bitcast_convert_type3A_425 : vector<16xf32>
        %mul3A_430 = arith.constant 20 : i32
        %mul3A_431 = arith.muli %scan3A_141, %mul3A_430 : i32
        %add3A_432 = arith.constant 18 : i32
        %add3A_433 = arith.addi %mul3A_431, %add3A_432 : i32
        %get3A_434 = arith.index_cast %add3A_433 : i32 to index
        %get3A_435 = arith.constant 0 : index
        %get3A_436 = tpu.vector_load %arg9[%get3A_434, %get3A_435] {strides = array<i32>} : memref<100x16xi32, #tpu.memory_space<vmem>>, vector<1x16xi32>,
        %get3A_437 = vector.shape_cast %get3A_436 : vector<1x16xi32> to vector<16xi32>
        %shift_left3A_438 = arith.constant 16 : i32
        %shift_left3A_439 = vector.broadcast %shift_left3A_438 : i32 to vector<16xi32>
        %shift_left3A_440 = arith.shli %get3A_437, %shift_left3A_439 : vector<16xi32>
        %bitcast_convert_type3A_441 = tpu.bitcast %shift_left3A_440 : vector<16xi32> -> vector<16xf32>
        %and3A_442 = vector.broadcast %scan3A : i32 to vector<16xi32>
        %and3A_443 = arith.andi %get3A_437, %and3A_442 : vector<16xi32>
        %bitcast_convert_type3A_444 = tpu.bitcast %and3A_443 : vector<16xi32> -> vector<16xf32>
        %add3A_445 = arith.constant 1 : i32
        %add3A_446 = arith.addi %add3A_433, %add3A_445 : i32
        %get3A_447 = arith.index_cast %add3A_446 : i32 to index
        %get3A_448 = arith.constant 0 : index
        %get3A_449 = tpu.vector_load %arg9[%get3A_447, %get3A_448] {strides = array<i32>} : memref<100x16xi32, #tpu.memory_space<vmem>>, vector<1x16xi32>,
        %get3A_450 = vector.shape_cast %get3A_449 : vector<1x16xi32> to vector<16xi32>
        %shift_left3A_451 = arith.constant 16 : i32
        %shift_left3A_452 = vector.broadcast %shift_left3A_451 : i32 to vector<16xi32>
        %shift_left3A_453 = arith.shli %get3A_450, %shift_left3A_452 : vector<16xi32>
        %bitcast_convert_type3A_454 = tpu.bitcast %shift_left3A_453 : vector<16xi32> -> vector<16xf32>
        %and3A_455 = vector.broadcast %scan3A : i32 to vector<16xi32>
        %and3A_456 = arith.andi %get3A_450, %and3A_455 : vector<16xi32>
        %bitcast_convert_type3A_457 = tpu.bitcast %and3A_456 : vector<16xi32> -> vector<16xf32>
        %add3A_458 = arith.addf %add3A_426, %bitcast_convert_type3A_441 : vector<16xf32>
        %add3A_459 = arith.addf %add3A_427, %bitcast_convert_type3A_444 : vector<16xf32>
        %add3A_460 = arith.addf %add3A_428, %bitcast_convert_type3A_454 : vector<16xf32>
        %add3A_461 = arith.addf %add3A_429, %bitcast_convert_type3A_457 : vector<16xf32>
        scf.yield %add3A_458, %add3A_459, %add3A_460, %add3A_461 : vector<16xf32>, vector<16xf32>, vector<16xf32>, vector<16xf32>
      }
      %scan3A_127 = arith.constant 5 : i32
      %add3A_128 = arith.addf %scan3A_126#0, %scan3A_126#2 : vector<16xf32>
      %swap3A_129 = arith.index_cast %add3A_95 : i32 to index
      %swap3A_130 = arith.constant 0 : index
      %swap3A_131 = tpu.vector_load %arg10[%swap3A_129, %swap3A_130] {strides = array<i32>} : memref<128x32xf32, #tpu.memory_space<vmem>>, vector<1x16xf32>,
      %swap3A_132 = vector.shape_cast %swap3A_131 : vector<1x16xf32> to vector<16xf32>
      %swap3A_133 = vector.shape_cast %add3A_128 : vector<16xf32> to vector<1x16xf32>
      tpu.vector_store %arg10[%swap3A_129, %swap3A_130], %swap3A_133 {strides = array<i32>} : memref<128x32xf32, #tpu.memory_space<vmem>>, vector<1x16xf32>,
      %add3A_134 = arith.addf %scan3A_126#1, %scan3A_126#3 : vector<16xf32>
      %swap3A_135 = arith.index_cast %add3A_95 : i32 to index
      %swap3A_136 = arith.constant 16 : index
      %swap3A_137 = tpu.vector_load %arg10[%swap3A_135, %swap3A_136] {strides = array<i32>} : memref<128x32xf32, #tpu.memory_space<vmem>>, vector<1x16xf32>,
      %swap3A_138 = vector.shape_cast %swap3A_137 : vector<1x16xf32> to vector<16xf32>
      %swap3A_139 = vector.shape_cast %add3A_134 : vector<16xf32> to vector<1x16xf32>
      tpu.vector_store %arg10[%swap3A_135, %swap3A_136], %swap3A_139 {strides = array<i32>} : memref<128x32xf32, #tpu.memory_space<vmem>>, vector<1x16xf32>,
      %scan3A_140 = arith.constant 0 : i32
      scf.yield %scan3A_140 : i32
    }
    %scan3A_22 = arith.constant 64 : i32
    %mul3A_23 = arith.constant 128 : i32
    %mul3A_24 = arith.muli %add3A, %mul3A_23 : i32
    "tpu.region"() ({
      %run_scoped3A = tpu.sem_alloc : memref<!tpu.dma_semaphore, #tpu.memory_space<semaphore_mem>>
      %dma_start3A_25 = arith.constant 0 : i32
      %dma_start3A_26 = tpu.memref_slice %arg4[%mul3A_24, %dma_start3A_25] : memref<4096x32xf32, #tpu.memory_space<hbm>> -> memref<128x32xf32, #tpu.memory_space<hbm>>
      %dma_start3A_27 = arith.constant 0 : i32
      %dma_start3A_28 = tpu.memref_slice %arg4[%mul3A_24, %dma_start3A_27] : memref<4096x32xf32, #tpu.memory_space<hbm>> -> memref<128x32xf32, #tpu.memory_space<hbm>>
      tpu.enqueue_dma source(%arg10 : memref<128x32xf32, #tpu.memory_space<vmem>>) target(%dma_start3A_28 : memref<128x32xf32, #tpu.memory_space<hbm>>) target_semaphore(%run_scoped3A : memref<!tpu.dma_semaphore, #tpu.memory_space<semaphore_mem>>)
      %dma_wait3A = arith.constant 0 : i32
      %dma_wait3A_29 = tpu.memref_slice %arg4[%mul3A_24, %dma_wait3A] : memref<4096x32xf32, #tpu.memory_space<hbm>> -> memref<128x32xf32, #tpu.memory_space<hbm>>
      %dma_wait3A_30 = arith.constant 0 : i32
      %dma_wait3A_31 = tpu.memref_slice %arg4[%mul3A_24, %dma_wait3A_30] : memref<4096x32xf32, #tpu.memory_space<hbm>> -> memref<128x32xf32, #tpu.memory_space<hbm>>
      tpu.wait_dma2 semaphore(%run_scoped3A : memref<!tpu.dma_semaphore, #tpu.memory_space<semaphore_mem>>) src(%arg10 : memref<128x32xf32, #tpu.memory_space<vmem>>) dst(%dma_wait3A_31 : memref<128x32xf32, #tpu.memory_space<hbm>>)
      tpu.yield
    }) : () -> ()
    return
  }
}

module attributes {stable_mosaic.version = 14 : i64} {
  func.func @body(%arg0: memref<4096x32xf32, #tpu.memory_space<vmem>>, %arg1: memref<4096x200xi32, #tpu.memory_space<vmem>>, %arg2: memref<2x32xf32, #tpu.memory_space<vmem>>, %arg3: memref<32x128xf32, #tpu.memory_space<vmem>>, %arg4: memref<1x128xf32, #tpu.memory_space<vmem>>, %arg5: memref<4096x128xf32, #tpu.memory_space<vmem>>) attributes {dimension_semantics = [], scalar_prefetch = 0 : i64, scratch_operands = 0 : i64, tpu.core_type = #tpu.core_type<tc>} {
    %get3A = arith.constant 0 : index
    %get3A_0 = arith.constant 0 : index
    %get3A_1 = vector.load %arg1[%get3A, %get3A_0] : memref<4096x200xi32, #tpu.memory_space<vmem>>, vector<4096x200xi32>
    %convert_element_type3A = arith.sitofp %get3A_1 : vector<4096x200xi32> to vector<4096x200xf32>
    %reduce_sum3A = arith.constant dense<0.000000e+00> : vector<4096xf32>
    %reduce_sum3A_2 = vector.multi_reduction <add>, %convert_element_type3A, %reduce_sum3A [1] : vector<4096x200xf32> to vector<4096xf32>
    %broadcast_in_dim3A = vector.shape_cast %reduce_sum3A_2 : vector<4096xf32> to vector<4096x1xf32>
    %get3A_3 = arith.constant 0 : index
    %get3A_4 = arith.constant 0 : index
    %get3A_5 = vector.load %arg2[%get3A_3, %get3A_4] : memref<2x32xf32, #tpu.memory_space<vmem>>, vector<1x32xf32>
    %get3A_6 = arith.constant 1 : index
    %get3A_7 = arith.constant 0 : index
    %get3A_8 = vector.load %arg2[%get3A_6, %get3A_7] : memref<2x32xf32, #tpu.memory_space<vmem>>, vector<1x32xf32>
    %get3A_9 = arith.constant 0 : index
    %get3A_10 = arith.constant 0 : index
    %get3A_11 = vector.load %arg0[%get3A_9, %get3A_10] : memref<4096x32xf32, #tpu.memory_space<vmem>>, vector<4096x32xf32>
    %sub3A = arith.constant 2.000000e+02 : f32
    %sub3A_12 = vector.broadcast %sub3A : f32 to vector<4096x1xf32>
    %sub3A_13 = arith.subf %sub3A_12, %broadcast_in_dim3A : vector<4096x1xf32>
    %mul3A = vector.broadcast %sub3A_13 : vector<4096x1xf32> to vector<4096x32xf32>
    %mul3A_14 = vector.broadcast %get3A_5 : vector<1x32xf32> to vector<4096x32xf32>
    %mul3A_15 = arith.mulf %mul3A, %mul3A_14 : vector<4096x32xf32>
    %add3A = arith.addf %get3A_11, %mul3A_15 : vector<4096x32xf32>
    %mul3A_16 = vector.broadcast %broadcast_in_dim3A : vector<4096x1xf32> to vector<4096x32xf32>
    %mul3A_17 = vector.broadcast %get3A_8 : vector<1x32xf32> to vector<4096x32xf32>
    %mul3A_18 = arith.mulf %mul3A_16, %mul3A_17 : vector<4096x32xf32>
    %add3A_19 = arith.addf %add3A, %mul3A_18 : vector<4096x32xf32>
    %mul3A_20 = arith.constant 5.000000e-03 : f32
    %mul3A_21 = vector.broadcast %mul3A_20 : f32 to vector<4096x32xf32>
    %mul3A_22 = arith.mulf %add3A_19, %mul3A_21 : vector<4096x32xf32>
    %get3A_23 = arith.constant 0 : index
    %get3A_24 = arith.constant 0 : index
    %get3A_25 = vector.load %arg3[%get3A_23, %get3A_24] : memref<32x128xf32, #tpu.memory_space<vmem>>, vector<32x128xf32>
    %dot_general3A = arith.constant dense<0.000000e+00> : vector<4096x128xf32>
    %dot_general3A_26 = tpu.matmul %mul3A_22, %get3A_25, %dot_general3A {dimension_numbers = #tpu.dot_dimension_numbers<[1], [0], [0], [1], [0, 0, 1, 1], [], []>, transpose_lhs_hint = false} : vector<4096x32xf32>, vector<32x128xf32>, vector<4096x128xf32> -> vector<4096x128xf32>
    %get3A_27 = arith.constant 0 : index
    %get3A_28 = arith.constant 0 : index
    %get3A_29 = vector.load %arg4[%get3A_27, %get3A_28] : memref<1x128xf32, #tpu.memory_space<vmem>>, vector<1x128xf32>
    %add3A_30 = vector.broadcast %get3A_29 : vector<1x128xf32> to vector<4096x128xf32>
    %add3A_31 = arith.addf %dot_general3A_26, %add3A_30 : vector<4096x128xf32>
    %swap3A = arith.constant 0 : index
    %swap3A_32 = arith.constant 0 : index
    %swap3A_33 = vector.load %arg5[%swap3A, %swap3A_32] : memref<4096x128xf32, #tpu.memory_space<vmem>>, vector<4096x128xf32>
    tpu.vector_store %arg5[%swap3A, %swap3A_32], %add3A_31 {strides = array<i32>} : memref<4096x128xf32, #tpu.memory_space<vmem>>, vector<4096x128xf32>,
    return
  }
}

</mosaic_0001>

<sc_bundles>
// kernel: kernel.5.cloned.1.call-start
scs
__scs_entry_jumppad:
0x0: {  	(pc) =	sbr.rel $0x88, $3  }
0x1: {  	(tag) =	ssettag $0x0;
	lr =	simm.s32 $0x1  }
0x2: {  	[smem:$0x3F9B] =	sst lr;
	_ =	strace $0xD0000000  }
0x3: {  	_ = 	snop  }
0x4: {  	_ = 	snop  }
0x5: {  	_ = 	snop  }
0x6: {  	_ = 	snop  }
0x7: {  	_ = 	snop  }
__scs_overlays_trampoline_lowered:
0x8: {  	[smem:$0x3FAA] =	sst s0  }
0x9: {  	[smem:$0x3FAB] =	sst s1  }
0xa: {  	[smem:$0x3FAC] =	sst s2  }
0xb: {  	[smem:$0x3FAD] =	sst s3  }
0xc: {  	[smem:$0x3FAE] =	sst s4  }
0xd: {  	[smem:$0x3FAF] =	sst s5  }
0xe: {  	[smem:$0x3FB0] =	sst s6  }
0xf: {  	[smem:$0x3FB1] =	sst s7  }
0x10: {  	[smem:$0x3FB2] =	sst s8  }
0x11: {  	[smem:$0x3FB3] =	sst s9;
	s0 =	simm.s32 @!p0 $0x0  }
0x12: {  	s1 =	sld [smem:$0x3F99];
	s0 =	simm.s32 @p0 $0x1  }
0x13: {  	[smem:$0x3FB4] =	sst s0;
	s0 =	simm.s32 @!p1 $0x0  }
0x14: {  	s2 =	sld [smem:$0x3F98];
	s0 =	simm.s32 @p1 $0x1  }
0x15: {  	[smem:$0x3FB5] =	sst s0;
	s0 =	simm.s32 @!p2 $0x0  }
0x16: {  	s3 =	sld [smem:$0x3FDB];
	s0 =	simm.s32 @p2 $0x1  }
0x17: {  	s4 =	simm.s32 $0x1BF5;
	[smem:$0x3FB7] =	sst s0  }
0x18: {  	s0 =	sld [smem:$0x3F9A];
	_ =	swait.ge [sflag:s4], $0x0  }
0x19: {  	s7 =	sld [smem:$0x3F9B]  }
0x1a: {  	s8 =	sadd.s32 $0xFFFFE003, lr  }
0x1b: {  	s9 =	sadd.s32 $0xFFFFFEF7, lr;
	s5 =	simm.s32 $0xFFFFFFFF;
	p2 =	slt.u32 s8, $0xFFFFF086  }
0x1c: {  	p1 =	slt.u32 s9, $0xF7A;
	s5 =	simm.s32 @!p2 $0x0  }
0x1d: {  	s5 =	simm.s32 @p1 $0x1;
	p0 =	seq.s32 s7, s2  }
0x1e: {  	s7 =	smul.u32 @!p0 $0xF7A, s2;
	p2 =	seq.s32 @!p0 s5, $0x0  }
0x1f: {  	s9 =	smul.u32 $0xF7A, s1;
	s8 =	simm.s32 @!p0 $0x1BF5;
	p2 =	por !p2, p0  }
0x20: {  	[sflag:s8] =	ssyncset.s32 @!p0 $0xFFFFF086;
	s6 =	sadd.s32 @!p0 s3, s7;
	s7 =	simm.s32 @!p0 $0x108  }
0x21: {  	s3 =	sadd.s32 s3, s9;
	s6 =	sadd.s32 @!p0 $0x88, s6;
	s7 =	simm.s32 @p2 $0x1082  }
0x22: {  	[simem:s7], [sflag:s8] =	dma.local @!p0 [hbm:s6], $0xF7A  }
0x23: {  	s9 =	sor.u32 $0xD0000000, s2;
	s6 =	simm.s32 $0x108;
	_ =	swait.ge @!p0 [sflag:s8], $0x0  }
0x24: {  	s3 =	sadd.s32 $0x88, s3;
	s6 =	simm.s32 @!p1 $0x1082;
	[sflag:s4] =	ssyncset.s32 $0xFFFFF086  }
0x25: {  	[simem:s6], [sflag:s4] =	dma.local [hbm:s3], $0xF7A  }
0x26: {  	[smem:$0x3F9B] =	sst s1;
	(tag) =	ssettag s2;
	_ =	strace s9  }
0x27: {  	s1 =	sld [smem:$0x3FAB]  }
0x28: {  	s2 =	sld [smem:$0x3FAC]  }
0x29: {  	s4 =	sld [smem:$0x3FAE]  }
0x2a: {  	p0 =	seq.s32 s5, $0x0;
	s5 =	sld [smem:$0x3FAF]  }
0x2b: {  	s6 =	sld [smem:$0x3FB0]  }
0x2c: {  	s7 =	sld [smem:$0x3FB1]  }
0x2d: {  	s3 =	simm.s32 $0x108;
	s8 =	sld [smem:$0x3FB2]  }
0x2e: {  	s3 =	simm.s32 @!p0 $0x1082;
	s9 =	sld [smem:$0x3FB3]  }
0x2f: {  	lr =	sadd.s32 s0, s3;
	s0 =	sld [smem:$0x3FAA]  }
0x30: {  	s3 =	sld [smem:$0x3FAD]  }
0x31: {  	[smem:$0x3FB6] =	sst s10  }
0x32: {  	s10 =	sld [smem:$0x3FB4];
	_ =	sdelay $0x3  }
0x33: {  	p0 =	seq.s32 s10, $0x1;
	s10 =	sld [smem:$0x3FB6];
	_ =	sdelay $0x3  }
0x34: {  	[smem:$0x3FB6] =	sst s10  }
0x35: {  	s10 =	sld [smem:$0x3FB5];
	_ =	sdelay $0x3  }
0x36: {  	p1 =	seq.s32 s10, $0x1;
	s10 =	sld [smem:$0x3FB6];
	_ =	sdelay $0x3  }
0x37: {  	[smem:$0x3FB6] =	sst s10  }
0x38: {  	s10 =	sld [smem:$0x3FB7]  }
0x39: {  	_ = 	snop;
	(pc) =	sbr.ind lr, $3  }
0x3a: {  	_ = 	snop  }
0x3b: {  	_ = 	snop  }
0x3c: {  	p2 =	seq.s32 s10, $0x1;
	s10 =	sld [smem:$0x3FB6]  }
0x3d: {  	_ =	shalt  }
0x3e: {  	_ =	shalt  }
0x3f: {  	_ =	shalt  }
0x40: {  	_ =	shalt  }
0x41: {  	_ =	shalt  }
0x42: {  	_ =	shalt  }
0x43: {  	_ =	shalt  }
0x44: {  	_ =	shalt  }
0x45: {  	_ =	shalt  }
0x46: {  	_ =	shalt  }
0x47: {  	_ =	shalt  }
0x48: {  	_ =	shalt  }
0x49: {  	_ =	shalt  }
0x4a: {  	_ =	shalt  }
0x4b: {  	_ =	shalt  }
0x4c: {  	_ =	shalt  }
0x4d: {  	_ =	shalt  }
0x4e: {  	_ =	shalt  }
0x4f: {  	_ =	shalt  }
0x50: {  	_ =	shalt  }
0x51: {  	_ =	shalt  }
0x52: {  	_ =	shalt  }
0x53: {  	_ =	shalt  }
0x54: {  	_ =	shalt  }
0x55: {  	_ =	shalt  }
0x56: {  	_ =	shalt  }
0x57: {  	_ =	shalt  }
0x58: {  	_ =	shalt  }
0x59: {  	_ =	shalt  }
0x5a: {  	_ =	shalt  }
0x5b: {  	_ =	shalt  }
0x5c: {  	_ =	shalt  }
0x5d: {  	_ =	shalt  }
0x5e: {  	_ =	shalt  }
0x5f: {  	_ =	shalt  }
0x60: {  	_ =	shalt  }
0x61: {  	_ =	shalt  }
0x62: {  	_ =	shalt  }
0x63: {  	_ =	shalt  }
0x64: {  	_ =	shalt  }
0x65: {  	_ =	shalt  }
0x66: {  	_ =	shalt  }
0x67: {  	_ =	shalt  }
0x68: {  	_ =	shalt  }
0x69: {  	_ =	shalt  }
0x6a: {  	_ =	shalt  }
0x6b: {  	_ =	shalt  }
0x6c: {  	_ =	shalt  }
0x6d: {  	_ =	shalt  }
0x6e: {  	_ =	shalt  }
0x6f: {  	_ =	shalt  }
0x70: {  	_ =	shalt  }
0x71: {  	_ =	shalt  }
0x72: {  	_ =	shalt  }
0x73: {  	_ =	shalt  }
0x74: {  	_ =	shalt  }
0x75: {  	_ =	shalt  }
0x76: {  	_ =	shalt  }
0x77: {  	_ =	shalt  }
0x78: {  	_ =	shalt  }
0x79: {  	_ =	shalt  }
0x7a: {  	_ =	shalt  }
0x7b: {  	_ =	shalt  }
0x7c: {  	_ =	shalt  }
0x7d: {  	_ =	shalt  }
0x7e: {  	_ =	shalt  }
0x7f: {  	_ =	shalt  }
0x80: {  	_ =	shalt  }
0x81: {  	_ =	shalt  }
0x82: {  	_ =	shalt  }
0x83: {  	_ =	shalt  }
0x84: {  	_ =	shalt  }
0x85: {  	_ =	shalt  }
0x86: {  	_ =	shalt  }
0x87: {  	_ =	shalt  }
.Lfunc_end0:
.L_simem_size_0:
called_computation_lowered:
.L_overlay_start_0:
0x88: {  	s2 =	sld [smem:$0x3FD9]  }
0x89: {  	s3 =	sld [smem:$0x3FFE];
	_ =	sdelay $0x1  }
0x8a: {  	s1 =	srdreg.scid  }
0x8b: {  	s0 =	sand.u32 $0x1, s1  }
0x8c: {  	s17 =	sshll.u32 s0, $0xA;
	s2 =	sadd.s32 s3, s2  }
0x8d: {  	s2 =	sadd.s32 s2, s17  }
0x8e: {  	[smem:$0x3FC2] =	sst s2  }
0x8f: {  	_ = 	snop  }
0x90: {  	s2 =	sld [smem:$0x3FC7];
	(tm) =	ssettm $0x1  }
0x91: {  	s18 =	sld [smem:$0x3FFB];
	_ =	sdelay $0x3  }
0x92: {  	_ =	strace s18  }
0x93: {  	s3 =	sld [smem:$0x3FFC];
	_ =	sdelay $0x3  }
0x94: {  	_ =	strace s3  }
0x95: {  	s3 =	sld [smem:$0x3FFD];
	_ =	sdelay $0x3  }
0x96: {  	_ =	strace s3  }
0x97: {  	_ =	strace $0x8FFFFFFF  }
0x98: {  	s19 =	sld [smem:$0x3FDB];
	_ =	sdelay $0x1  }
0x99: {  	s4 =	simm.s32 $_scs_section_size  }
0x9a: {  	s5 =	simm.s32 $_size__tile_overlayer_lowered;
	s6 =	simm.s32 $_tile_overlayer_lowered  }
0x9b: {  	s22 =	simm.s32 $0x1BFF;
	s21 =	sshll.u32 s6, $0x1;
	s3 =	sadd.s32 s4, s19  }
0x9c: {  	s7 =	simm.s32 $0x0;
	s20 =	sshll.u32 s5, $0x1;
	s5 =	sadd.s32 s21, s3  }
0x9d: {  	[timem:s7], [sflag:s22] =	dma.local [hbm:s5], s20  }
0x9e: {  	_ =	swait.ge [sflag:s22], s20  }
0x9f: {  	s4 =	ssub.s32 $0x0, s20;
	[sflag:s22] =	ssyncset.done $0x0  }
0xa0: {  	[sflag:s22] =	ssyncadd.s32 s4;
	_ =	sdelay $0x1  }
0xa1: {  	s23 =	simm.s32 $0x1B8B  }
0xa2: {  	_ =	swait.ge [sflag:s23], $0x1  }
0xa3: {  	[sflag:s23] =	ssyncset.done $0x0  }
0xa4: {  	s25 =	simm.s32 $0x1B8E;
	s24 =	sld [smem:$0x3FFE];
	[sflag:s23] =	ssyncadd.s32 $0xFFFFFFFF  }
0xa5: {  	s26 =	simm.s32 $execute0_lowered;
	[smem:$0x3FD2] =	sst s25  }
0xa6: {  	s5 =	sshll.u32 s26, $0x1;
	_ =	strace $0x80000046;
	[dreg:$0x1] =	wrdreg $0xFFFFFFFF  }
0xa7: {  	s28 =	simm.s32 $_size_execute0_lowered;
	s3 =	sadd.s32 s3, s5;
	[dreg:$0x0] =	wrdreg $0x0  }
0xa8: {  	s5 =	sshll.u32 s28, $0x1;
	[dreg:$0x2] =	wrdreg s3  }
0xa9: {  	[dreg:$0x3] =	wrdreg s5  }
0xaa: {  	[dreg:$0x4] =	wrdreg $0xC0  }
0xab: {  	_ =	task [dreg:s7], $0x5FFFF  }
0xac: {  	[dreg:$0x1] =	wrdreg $0xFFFFFFFF  }
0xad: {  	[dreg:$0x0] =	wrdreg $0x60  }
0xae: {  	[dreg:$0x2] =	wrdreg s2  }
0xaf: {  	[dreg:$0x3] =	wrdreg s24  }
0xb0: {  	[dreg:$0x4] =	wrdreg $0x9  }
0xb1: {  	_ =	task.clear_ibuf [dreg:s7], $0x5FFFF;
	_ =	strace $0x90000046  }
0xb2: {  	s29 =	simm.s32 $0x9;
	_ =	strace $0x80000048  }
0xb3: {  	_ =	swait.ge [sflag:s29], $0x1  }
0xb4: {  	[sflag:s29] =	ssyncadd.s32 $0xFFFFFFFF  }
0xb5: {  	_ =	strace $0x90000048  }
0xb6: {  	_ =	sfence  }
0xb7: {  	s30 =	sld [smem:$0x0];
	_ =	sdelay $0x2  }
0xb8: {  	s31 =	sshll.u32 s1, $0xD;
	s1 =	sshrl.u32 s1, $0x2  }
0xb9: {  	s3 =	sand.u32 $0x4000, s31;
	s1 =	sadd.s32 s1, s30  }
0xba: {  	s0 =	sor.u32 s3, s0;
	s1 =	sshll.u32 s1, $0x11  }
0xbb: {  	s0 =	sor.u32 s1, s0  }
0xbc: {  	s0 =	sadd.s32 $0x8F2B, s0  }
0xbd: {  	[sflag:s0] =	ssyncadd.remote.s32 $0x1  }
0xbe: {  	_ =	sfence.sel $0xFFFF  }
0xbf: {  	[dreg:$0x0] =	wrdreg $0xFFFFFFFF;
	(pc) =	sbr.abs _section_cstart, $3  }
0xc0: {  	[dreg:$0x1] =	wrdreg $0xFFFFFFFF  }
0xc1: {  	_ =	task.clear_ibuf [dreg:s7], $0x2FFFF;
	_ =	strace $0x9FFFFFFF  }
0xc2: {  	(tm) =	ssettm $0x7FFFFFFF  }
0xc3: {  	_ =	shalt  }
tec
execute0_lowered:
.L_overlay_start_1:
0x0: {  	(tag) =	ssettag $0x1  }
0x1: {  	v0 =	vimm.s32 $0x1780;
	vm0 =	vcmask $0x300  }
0x2: {  	vm14 =	vcmask $0x704;
	v0 =	vsel vm0, $0x0, v0  }
0x3: {  	vm15 =	vcmask $0xB08;
	v0 =	vsel vm14, $0x80, v0  }
0x4: {  	s1 =	rddreg [dreg:$0x0];
	vm4 =	vcmask $0xF0C;
	v0 =	vsel vm15, $0x100, v0  }
0x5: {  	s0 =	rddreg [dreg:$0x1];
	vm5 =	vcmask $0x1310;
	v0 =	vsel vm4, $0x180, v0  }
0x6: {  	s2 =	srdreg.scid;
	s4 =	stileid.u32;
	s3 =	simm.s32 $0x0;
	vm6 =	vcmask $0x1714;
	v0 =	vsel vm5, $0x200, v0  }
0x7: {  	vm7 =	vcmask $0x1B18;
	s14 =	simm.s32 $0x1400;
	s15 =	simm.s32 $0x2800;
	s16 =	simm.s32 $0x3C00;
	v0 =	vsel vm6, $0x280, v0  }
0x8: {  	vm8 =	vcmask $0x1F1C;
	s17 =	simm.s32 $0x1;
	s18 =	simm.s32 $0xA000;
	s19 =	simm.s32 $0xC800;
	v0 =	vsel vm7, $0x300, v0  }
0x9: {  	vm9 =	vcmask $0x2320;
	s20 =	simm.s32 $0xE800;
	s21 =	simm.s32 $0x2;
	s25 =	simm.s32 $0x3;
	v0 =	vsel vm8, $0x380, v0  }
0xa: {  	vm10 =	vcmask $0x2724;
	s26 =	simm.s32 $0x0;
	s2 =	sand.u32 $0x1, s2;
	s4 =	sshll.u32 s4, $0x1;
	v0 =	vsel vm9, $0x1400, v0  }
0xb: {  	vm11 =	vcmask $0x2B28;
	[smem:$0x7FF] =	sst s3;
	s5 =	sadd.s32 $0x1200, s0;
	s8 =	sadd.s32 $0xF4200, s1;
	v0 =	vsel vm10, $0x1480, v0  }
.Ltmp0:
0xc: {  	vm12 =	vcmask $0x2F2C;
	s6 =	ssub.s32 $0x2, s2;
	s4 =	sor.u32 s2, s4;
	v0 =	vsel vm11, $0x1500, v0;
	(pc) =	sbr.rel .LBB2_1-.Ltmp0, $4  }
0xd: {  	vm13 =	vcmask $0x3330;
	s9 =	sadd.s32 $0x1E9600, s0;
	s31 =	sshrl.u32 s6, $0x1;
	s7 =	sshll.u32 s4, $0x9;
	v0 =	vsel vm12, $0x1580, v0  }
0xe: {  	_ =	strace $0x80000047;
	vm14 =	vcmask $0x3734;
	s2 =	ssub.s32 s6, s31;
	s6 =	sadd.s32 s1, s7;
	v0 =	vsel vm13, $0x1600, v0  }
0xf: {  	p0 =	sne.s32 s4, $0x4;
	vm15 =	vcmask $0x3B38;
	s7 =	sadd.s32 $0x8000, s1;
	s11 =	sadd.s32 $0xF4280, s6;
	v0 =	vsel vm14, $0x1680, v0  }
0x10: {  	s10 =	smax.u32 s2, $0x1;
	s12 =	sadd.s32 $0x1E8500, s6;
	s13 =	sadd.s32 $0x2DC780, s6;
	v0 =	vsel vm15, $0x1700, v0  }
.LBB2_19:
0x11: {  	s26 =	sadd.s32 $0x1, s26  }
0x12: {  	p1 =	sne.s32 s26, s10  }
.Ltmp1:
0x13: {  	_ = 	snop;
	(pc) =	sbr.rel @!p1 .LBB2_20-.Ltmp1, $1  }
0x14: {  	_ =	sdelay $0x3  }
.LBB2_1:
0x15: {  	[tilespmem:s3], [sflag:$0x1] =	stream.linear.gather [hbm4b:s6+s3], $0x1000, $0x38;
	[tilespmem:$0x11800] =	vst v63  }
0x16: {  	_ = 	snop  }
0x17: {  	[tilespmem:s14], [sflag:$0x1] =	stream.linear.gather [hbm4b:s11+s3], $0x1000, $0x38;
	[tilespmem:$0x11800] =	vst v63  }
.Ltmp2:
0x18: {  	_ = 	snop;
	(pc) =	sbr.rel .LBB2_2-.Ltmp2, $4  }
0x19: {  	_ = 	snop  }
0x1a: {  	[tilespmem:s15], [sflag:$0x1] =	stream.linear.gather [hbm4b:s12+s3], $0x1000, $0x38;
	[tilespmem:$0x11800] =	vst v63  }
0x1b: {  	s28 =	simm.s32 $0x0  }
0x1c: {  	[tilespmem:s16], [sflag:$0x1] =	stream.linear.gather [hbm4b:s13+s3], $0x1000, $0x38;
	[tilespmem:$0x11800] =	vst v63  }
.LBB2_12:
0x1d: {  	s28 =	sadd.s32 $0x1, s28  }
0x1e: {  	p1 =	sne.s32 s28, $0x1F  }
.Ltmp3:
0x1f: {  	_ = 	snop;
	(pc) =	sbr.rel @!p1 .LBB2_13-.Ltmp3, $1  }
0x20: {  	_ =	sdelay $0x3  }
.LBB2_2:
0x21: {  	s0 =	sshll.u32 s28, $0x6  }
0x22: {  	s30 =	sor.u32 s4, s0  }
0x23: {  	s29 =	sor.u32 $0x20, s30  }
0x24: {  	p2 =	sgt.u32 s29, $0x7A0  }
0x25: {  	s0 =	sshll.u32 @!p2 s29, $0x9  }
0x26: {  	s2 =	simm.s32 @!p2 $0x0;
	s22 =	simm.s32 @!p2 $0x5000;
	s0 =	sadd.s32 @!p2 s1, s0  }
0x27: {  	[tilespmem:s22], [sflag:$0x1] =	stream.linear.gather @!p2 [hbm4b:s0+s2], $0x1000, $0x38;
	[tilespmem:$0x11800] =	vst v63  }
0x28: {  	s23 =	simm.s32 @!p2 $0x6400;
	s22 =	sadd.s32 @!p2 $0xF4280, s0  }
0x29: {  	[tilespmem:s23], [sflag:$0x1] =	stream.linear.gather @!p2 [hbm4b:s22+s2], $0x1000, $0x38;
	[tilespmem:$0x11800] =	vst v63  }
0x2a: {  	s22 =	sadd.s32 @!p2 $0x1E8500, s0;
	s23 =	simm.s32 @!p2 $0x7800  }
0x2b: {  	[tilespmem:s23], [sflag:$0x1] =	stream.linear.gather @!p2 [hbm4b:s22+s2], $0x1000, $0x38;
	[tilespmem:$0x11800] =	vst v63  }
0x2c: {  	s0 =	sadd.s32 @!p2 $0x2DC780, s0;
	s22 =	simm.s32 @!p2 $0x8C00  }
0x2d: {  	[tilespmem:s22], [sflag:$0x1] =	stream.linear.gather @!p2 [hbm4b:s0+s2], $0x1000, $0x38;
	[tilespmem:$0x11800] =	vst v63  }
0x2e: {  	_ =	swait.ge [sflag:s17], $0x4000  }
0x2f: {  	p1 =	seq.s32 s28, $0x0;
	[sflag:s17] =	ssyncset.done $0x0  }
0x30: {  	s0 =	simm.s32 @!p1 $0x2;
	s22 =	simm.s32 $0x0;
	[sflag:s17] =	ssyncadd.s32 $0xFFFFC000  }
0x31: {  	s31 =	simm.s32 $0x0;
	s2 =	smul.u32 $0x1400, s22;
	_ =	swait.ge @!p1 [sflag:s0], $0x2000  }
0x32: {  	s23 =	sand.u32 $0x380, s31;
	[sflag:s0] =	ssyncset.done @!p1 $0x0  }
0x33: {  	[sflag:s0] =	ssyncadd.s32 @!p1 $0xFFFFE000;
	s0 =	sor.u32 s23, s2  }
0x34: {  	v1 =	vld [tilespmem:s0+$0xC70]  }
0x35: {  	v2 =	vld [tilespmem:s0+$0x3470]  }
0x36: {  	v3 =	vld [tilespmem:s0+$0x0]  }
0x37: {  	v7 =	vld [tilespmem:s0+$0x2800]  }
0x38: {  	v4 =	vld [tilespmem:s0+$0x10]  }
0x39: {  	v8 =	vld [tilespmem:s0+$0x2810];
	_ =	sdelay $0x1  }
0x3a: {  	v5 =	vld [tilespmem:s0+$0x20];
	v1 =	vadd.s32 $0x8000, v1  }
0x3b: {  	v9 =	vld [tilespmem:s0+$0x2820];
	v2 =	vadd.s32 $0x8000, v2;
	v3 =	vadd.s32 $0x8000, v3;
	v7 =	vadd.s32 $0x8000, v7  }
0x3c: {  	v6 =	vld [tilespmem:s0+$0x30];
	v4 =	vadd.s32 $0x8000, v4;
	v1 =	vshrl.u32 v1, $0x10;
	v2 =	vand.u32 $0xFFFF0000, v2  }
0x3d: {  	v8 =	vadd.s32 $0x8000, v8;
	v3 =	vshrl.u32 v3, $0x10;
	v1 =	vor.u32 v1, v2;
	v2 =	vld [tilespmem:s0+$0x2830]  }
0x3e: {  	v10 =	vld [tilespmem:s0+$0x50];
	v7 =	vand.u32 $0xFFFF0000, v7;
	v4 =	vshrl.u32 v4, $0x10;
	v8 =	vand.u32 $0xFFFF0000, v8  }
0x3f: {  	v3 =	vor.u32 v3, v7;
	v4 =	vor.u32 v4, v8;
	v8 =	vld [tilespmem:s0+$0x2840];
	[tilespmem:s0+$0xAC70] =	vst v1  }
0x40: {  	v1 =	vld [tilespmem:s0+$0x40];
	[tilespmem:s0+$0xA000] =	vst v3;
	v3 =	vadd.s32 $0x8000, v5;
	v5 =	vadd.s32 $0x8000, v9  }
0x41: {  	v11 =	vld [tilespmem:s0+$0x60];
	v3 =	vshrl.u32 v3, $0x10;
	v5 =	vand.u32 $0xFFFF0000, v5  }
0x42: {  	[tilespmem:s0+$0xA010] =	vst v4;
	v4 =	vadd.s32 $0x8000, v6;
	v3 =	vor.u32 v3, v5;
	v5 =	vld [tilespmem:s0+$0x2850];
	v2 =	vadd.s32 $0x8000, v2  }
0x43: {  	v4 =	vshrl.u32 v4, $0x10;
	[tilespmem:s0+$0xA020] =	vst v3;
	v3 =	vld [tilespmem:s0+$0x2860];
	v2 =	vand.u32 $0xFFFF0000, v2  }
0x44: {  	v7 =	vld [tilespmem:s0+$0x70];
	v2 =	vor.u32 v4, v2  }
0x45: {  	v6 =	vadd.s32 $0x8000, v8;
	v1 =	vadd.s32 $0x8000, v1;
	[tilespmem:s0+$0xA030] =	vst v2;
	v2 =	vld [tilespmem:s0+$0x2870]  }
0x46: {  	v10 =	vadd.s32 $0x8000, v10;
	v6 =	vand.u32 $0xFFFF0000, v6;
	v1 =	vshrl.u32 v1, $0x10  }
0x47: {  	v10 =	vshrl.u32 v10, $0x10;
	v8 =	vld [tilespmem:s0+$0x410];
	v5 =	vadd.s32 $0x8000, v5;
	v1 =	vor.u32 v1, v6  }
0x48: {  	v4 =	vld [tilespmem:s0+$0x400];
	v5 =	vand.u32 $0xFFFF0000, v5;
	[tilespmem:s0+$0xA040] =	vst v1;
	v1 =	vadd.s32 $0x8000, v11;
	v3 =	vadd.s32 $0x8000, v3  }
0x49: {  	v5 =	vor.u32 v10, v5;
	v10 =	vld [tilespmem:s0+$0x2C00];
	v1 =	vshrl.u32 v1, $0x10;
	v3 =	vand.u32 $0xFFFF0000, v3  }
0x4a: {  	[tilespmem:s0+$0xA050] =	vst v5;
	v5 =	vadd.s32 $0x8000, v7;
	v1 =	vor.u32 v1, v3;
	v3 =	vld [tilespmem:s0+$0x2C10];
	v2 =	vadd.s32 $0x8000, v2  }
0x4b: {  	v9 =	vld [tilespmem:s0+$0x420];
	v5 =	vshrl.u32 v5, $0x10;
	v2 =	vand.u32 $0xFFFF0000, v2  }
0x4c: {  	[tilespmem:s0+$0xA060] =	vst v1;
	v1 =	vor.u32 v5, v2;
	v2 =	vld [tilespmem:s0+$0x2C20]  }
0x4d: {  	v6 =	vld [tilespmem:s0+$0x430]  }
0x4e: {  	v11 =	vld [tilespmem:s0+$0x460];
	v8 =	vadd.s32 $0x8000, v8;
	v4 =	vadd.s32 $0x8000, v4;
	v7 =	vadd.s32 $0x8000, v10  }
0x4f: {  	v4 =	vshrl.u32 v4, $0x10;
	[tilespmem:s0+$0xA070] =	vst v1;
	v1 =	vld [tilespmem:s0+$0x2C30];
	v7 =	vand.u32 $0xFFFF0000, v7;
	v3 =	vadd.s32 $0x8000, v3  }
0x50: {  	v8 =	vshrl.u32 v8, $0x10;
	v5 =	vld [tilespmem:s0+$0x440];
	v4 =	vor.u32 v4, v7;
	v3 =	vand.u32 $0xFFFF0000, v3  }
0x51: {  	[tilespmem:s0+$0xA400] =	vst v4;
	v4 =	vadd.s32 $0x8000, v9;
	v3 =	vor.u32 v8, v3;
	v8 =	vld [tilespmem:s0+$0x2C40];
	v2 =	vadd.s32 $0x8000, v2  }
0x52: {  	v10 =	vld [tilespmem:s0+$0x450];
	v4 =	vshrl.u32 v4, $0x10;
	v2 =	vand.u32 $0xFFFF0000, v2  }
0x53: {  	[tilespmem:s0+$0xA410] =	vst v3;
	v2 =	vor.u32 v4, v2;
	v4 =	vld [tilespmem:s0+$0x2C50]  }
0x54: {  	v3 =	vadd.s32 $0x8000, v6;
	v1 =	vadd.s32 $0x8000, v1;
	[tilespmem:s0+$0xA420] =	vst v2;
	v2 =	vld [tilespmem:s0+$0x2C60]  }
0x55: {  	v3 =	vshrl.u32 v3, $0x10;
	v1 =	vand.u32 $0xFFFF0000, v1  }
0x56: {  	v7 =	vld [tilespmem:s0+$0x470];
	v5 =	vadd.s32 $0x8000, v5;
	v1 =	vor.u32 v3, v1;
	v6 =	vadd.s32 $0x8000, v8  }
0x57: {  	v10 =	vadd.s32 $0x8000, v10;
	v5 =	vshrl.u32 v5, $0x10;
	[tilespmem:s0+$0xA430] =	vst v1;
	v1 =	vld [tilespmem:s0+$0x2C70];
	v6 =	vand.u32 $0xFFFF0000, v6  }
0x58: {  	v10 =	vshrl.u32 v10, $0x10;
	v3 =	vld [tilespmem:s0+$0x800];
	v5 =	vor.u32 v5, v6;
	v4 =	vadd.s32 $0x8000, v4  }
0x59: {  	v8 =	vld [tilespmem:s0+$0x810];
	[tilespmem:s0+$0xA440] =	vst v5;
	v5 =	vadd.s32 $0x8000, v11;
	v4 =	vand.u32 $0xFFFF0000, v4;
	v2 =	vadd.s32 $0x8000, v2  }
0x5a: {  	v5 =	vshrl.u32 v5, $0x10;
	v4 =	vor.u32 v10, v4;
	v10 =	vld [tilespmem:s0+$0x3000];
	v2 =	vand.u32 $0xFFFF0000, v2  }
0x5b: {  	v2 =	vor.u32 v5, v2;
	v5 =	vld [tilespmem:s0+$0x3010]  }
0x5c: {  	v9 =	vld [tilespmem:s0+$0x820];
	v1 =	vadd.s32 $0x8000, v1;
	[tilespmem:s0+$0xA450] =	vst v4;
	v4 =	vadd.s32 $0x8000, v7  }
0x5d: {  	v1 =	vand.u32 $0xFFFF0000, v1;
	v4 =	vshrl.u32 v4, $0x10;
	[tilespmem:s0+$0xA460] =	vst v2;
	v2 =	vld [tilespmem:s0+$0x3020]  }
0x5e: {  	v6 =	vld [tilespmem:s0+$0x830];
	v1 =	vor.u32 v4, v1  }
0x5f: {  	v3 =	vadd.s32 $0x8000, v3;
	v8 =	vadd.s32 $0x8000, v8;
	[tilespmem:s0+$0xA470] =	vst v1;
	v1 =	vld [tilespmem:s0+$0x3030];
	v7 =	vadd.s32 $0x8000, v10  }
0x60: {  	v11 =	vld [tilespmem:s0+$0x860];
	v3 =	vshrl.u32 v3, $0x10;
	v7 =	vand.u32 $0xFFFF0000, v7;
	v5 =	vadd.s32 $0x8000, v5  }
0x61: {  	v8 =	vshrl.u32 v8, $0x10;
	v4 =	vld [tilespmem:s0+$0x840];
	v3 =	vor.u32 v3, v7;
	v5 =	vand.u32 $0xFFFF0000, v5  }
0x62: {  	v2 =	vadd.s32 $0x8000, v2;
	[tilespmem:s0+$0xA800] =	vst v3;
	v3 =	vadd.s32 $0x8000, v9;
	v5 =	vor.u32 v8, v5;
	v8 =	vld [tilespmem:s0+$0x3040]  }
0x63: {  	v10 =	vld [tilespmem:s0+$0x850];
	v2 =	vand.u32 $0xFFFF0000, v2;
	v3 =	vshrl.u32 v3, $0x10  }
0x64: {  	[tilespmem:s0+$0xA810] =	vst v5;
	v5 =	vadd.s32 $0x8000, v6;
	v1 =	vadd.s32 $0x8000, v1;
	v2 =	vor.u32 v3, v2;
	v3 =	vld [tilespmem:s0+$0x3050]  }
0x65: {  	v7 =	vld [tilespmem:s0+$0x870];
	v5 =	vshrl.u32 v5, $0x10;
	v1 =	vand.u32 $0xFFFF0000, v1  }
0x66: {  	[tilespmem:s0+$0xA820] =	vst v2;
	v1 =	vor.u32 v5, v1;
	v2 =	vld [tilespmem:s0+$0x3060]  }
0x67: {  	v4 =	vadd.s32 $0x8000, v4;
	[tilespmem:s0+$0xA830] =	vst v1;
	v1 =	vld [tilespmem:s0+$0x3070];
	v6 =	vadd.s32 $0x8000, v8  }
0x68: {  	v12 =	vld [tilespmem:s0+$0xC30];
	v4 =	vshrl.u32 v4, $0x10;
	v6 =	vand.u32 $0xFFFF0000, v6  }
0x69: {  	v10 =	vadd.s32 $0x8000, v10;
	v5 =	vld [tilespmem:s0+$0xC00];
	v3 =	vadd.s32 $0x8000, v3;
	v4 =	vor.u32 v4, v6  }
0x6a: {  	v8 =	vld [tilespmem:s0+$0xC10];
	v6 =	vshrl.u32 v10, $0x10;
	v3 =	vand.u32 $0xFFFF0000, v3;
	[tilespmem:s0+$0xA840] =	vst v4;
	v4 =	vadd.s32 $0x8000, v11  }
0x6b: {  	v9 =	vld [tilespmem:s0+$0xC20];
	v2 =	vadd.s32 $0x8000, v2;
	v3 =	vor.u32 v6, v3;
	v4 =	vshrl.u32 v4, $0x10  }
0x6c: {  	v10 =	vld [tilespmem:s0+$0x3400];
	v2 =	vand.u32 $0xFFFF0000, v2;
	v1 =	vadd.s32 $0x8000, v1;
	[tilespmem:s0+$0xA850] =	vst v3;
	v3 =	vadd.s32 $0x8000, v7  }
0x6d: {  	v2 =	vor.u32 v4, v2;
	v7 =	vld [tilespmem:s0+$0x3410];
	v1 =	vand.u32 $0xFFFF0000, v1;
	v3 =	vshrl.u32 v3, $0x10  }
0x6e: {  	v13 =	vld [tilespmem:s0+$0x3420];
	[tilespmem:s0+$0xA860] =	vst v2;
	v1 =	vor.u32 v3, v1  }
0x6f: {  	v4 =	vld [tilespmem:s0+$0x3430];
	v2 =	vadd.s32 $0x8000, v8;
	[tilespmem:s0+$0xA870] =	vst v1;
	v1 =	vadd.s32 $0x8000, v5  }
0x70: {  	v8 =	vshrl.u32 v2, $0x10;
	v3 =	vld [tilespmem:s0+$0xC40];
	v11 =	vshrl.u32 v1, $0x10;
	v1 =	vadd.s32 $0x8000, v9  }
0x71: {  	v2 =	vld [tilespmem:s0+$0xC50];
	v9 =	vadd.s32 $0x8000, v10;
	v6 =	vshrl.u32 v1, $0x10;
	v1 =	vadd.s32 $0x8000, v12  }
0x72: {  	s24 =	simm.s32 $0x0;
	v9 =	vand.u32 $0xFFFF0000, v9;
	v7 =	vadd.s32 $0x8000, v7;
	v5 =	vshrl.u32 v1, $0x10;
	v1 =	vld [tilespmem:s0+$0xC60]  }
0x73: {  	s22 =	simm.s32 $0x80;
	s23 =	smul.u32 $0x1400, s24;
	s2 =	simm.s32 $0x2;
	v10 =	vor.u32 v11, v9;
	v11 =	vand.u32 $0xFFFF0000, v7;
	v9 =	vadd.s32 $0x8000, v13;
	v7 =	vld [tilespmem:s0+$0x3440]  }
.LBB2_3:
0x74: {  	p3 =	sne.s32 s2, $0xF;
	s24 =	sand.u32 $0x380, s22;
	[tilespmem:s0+$0xAC00] =	vst v10;
	v8 =	vor.u32 v8, v11;
	v9 =	vand.u32 $0xFFFF0000, v9;
	v4 =	vadd.s32 $0x8000, v4;
	v10 =	vld [tilespmem:s0+$0x3450]  }
0x75: {  	s23 =	sor.u32 s24, s23;
	[tilespmem:s0+$0xAC10] =	vst v8;
	v6 =	vor.u32 v6, v9;
	v4 =	vand.u32 $0xFFFF0000, v4;
	v8 =	vld [tilespmem:s0+$0x3460];
	v3 =	vadd.s32 $0x8000, v3  }
0x76: {  	v9 =	vld [tilespmem:s23+$0xC70];
	[tilespmem:s0+$0xAC20] =	vst v6;
	v4 =	vor.u32 v5, v4;
	v3 =	vshrl.u32 v3, $0x10;
	v2 =	vadd.s32 $0x8000, v2  }
0x77: {  	v5 =	vld [tilespmem:s23+$0x3470];
	[tilespmem:s0+$0xAC30] =	vst v4;
	v2 =	vshrl.u32 v2, $0x10;
	v1 =	vadd.s32 $0x8000, v1  }
0x78: {  	v4 =	vld [tilespmem:s23+$0x0];
	v6 =	vadd.s32 $0x8000, v7;
	v1 =	vshrl.u32 v1, $0x10  }
0x79: {  	v7 =	vld [tilespmem:s23+$0x10];
	v6 =	vand.u32 $0xFFFF0000, v6;
	v10 =	vadd.s32 $0x8000, v10  }
0x7a: {  	v11 =	vld [tilespmem:s23+$0x20];
	v3 =	vor.u32 v3, v6;
	v6 =	vand.u32 $0xFFFF0000, v10;
	v8 =	vadd.s32 $0x8000, v8  }
0x7b: {  	v10 =	vld [tilespmem:s23+$0x30];
	[tilespmem:s0+$0xAC40] =	vst v3;
	v2 =	vor.u32 v2, v6;
	v3 =	vand.u32 $0xFFFF0000, v8  }
0x7c: {  	v8 =	vadd.s32 $0x8000, v9;
	v6 =	vld [tilespmem:s23+$0x2800];
	v5 =	vadd.s32 $0x8000, v5;
	[tilespmem:s0+$0xAC50] =	vst v2;
	v1 =	vor.u32 v1, v3  }
0x7d: {  	v2 =	vld [tilespmem:s23+$0x2810];
	v3 =	vadd.s32 $0x8000, v4;
	v4 =	vshrl.u32 v8, $0x10;
	v5 =	vand.u32 $0xFFFF0000, v5;
	[tilespmem:s0+$0xAC60] =	vst v1;
	s0 =	smov.u32 s23  }
0x7e: {  	v1 =	vld [tilespmem:s0+$0x2820];
	v3 =	vshrl.u32 v3, $0x10;
	v7 =	vadd.s32 $0x8000, v7;
	v4 =	vor.u32 v4, v5  }
0x7f: {  	v5 =	vld [tilespmem:s0+$0x2830];
	v7 =	vshrl.u32 v7, $0x10;
	v8 =	vadd.s32 $0x8000, v11;
	[tilespmem:s0+$0xAC70] =	vst v4  }
0x80: {  	v4 =	vshrl.u32 v8, $0x10;
	v8 =	vadd.s32 $0x8000, v10;
	v9 =	vld [tilespmem:s0+$0x40]  }
0x81: {  	v6 =	vadd.s32 $0x8000, v6;
	v8 =	vshrl.u32 v8, $0x10;
	v10 =	vld [tilespmem:s0+$0x50]  }
0x82: {  	v6 =	vand.u32 $0xFFFF0000, v6;
	v2 =	vadd.s32 $0x8000, v2;
	v11 =	vld [tilespmem:s0+$0x60]  }
0x83: {  	v3 =	vor.u32 v3, v6;
	v2 =	vand.u32 $0xFFFF0000, v2;
	v1 =	vadd.s32 $0x8000, v1;
	v6 =	vld [tilespmem:s0+$0x70]  }
0x84: {  	[tilespmem:s0+$0xA000] =	vst v3;
	v2 =	vor.u32 v7, v2;
	v1 =	vand.u32 $0xFFFF0000, v1;
	v3 =	vadd.s32 $0x8000, v5;
	v5 =	vld [tilespmem:s0+$0x2840]  }
0x85: {  	[tilespmem:s0+$0xA010] =	vst v2;
	v1 =	vor.u32 v4, v1;
	v2 =	vand.u32 $0xFFFF0000, v3;
	v3 =	vld [tilespmem:s0+$0x2850];
	v4 =	vadd.s32 $0x8000, v9  }
0x86: {  	[tilespmem:s0+$0xA020] =	vst v1;
	v1 =	vor.u32 v8, v2;
	v2 =	vld [tilespmem:s0+$0x2860];
	v4 =	vshrl.u32 v4, $0x10;
	v7 =	vadd.s32 $0x8000, v10  }
0x87: {  	[tilespmem:s0+$0xA030] =	vst v1;
	v1 =	vld [tilespmem:s0+$0x2870];
	v7 =	vshrl.u32 v7, $0x10;
	v8 =	vadd.s32 $0x8000, v11  }
0x88: {  	v8 =	vshrl.u32 v8, $0x10;
	v6 =	vadd.s32 $0x8000, v6;
	v9 =	vld [tilespmem:s0+$0x400]  }
0x89: {  	v5 =	vadd.s32 $0x8000, v5;
	v6 =	vshrl.u32 v6, $0x10;
	v10 =	vld [tilespmem:s0+$0x410]  }
0x8a: {  	v5 =	vand.u32 $0xFFFF0000, v5;
	v3 =	vadd.s32 $0x8000, v3;
	v11 =	vld [tilespmem:s0+$0x420]  }
0x8b: {  	v4 =	vor.u32 v4, v5;
	v3 =	vand.u32 $0xFFFF0000, v3;
	v2 =	vadd.s32 $0x8000, v2;
	v5 =	vld [tilespmem:s0+$0x430]  }
0x8c: {  	[tilespmem:s0+$0xA040] =	vst v4;
	v3 =	vor.u32 v7, v3;
	v2 =	vand.u32 $0xFFFF0000, v2;
	v1 =	vadd.s32 $0x8000, v1;
	v4 =	vld [tilespmem:s0+$0x2C00]  }
0x8d: {  	[tilespmem:s0+$0xA050] =	vst v3;
	v2 =	vor.u32 v8, v2;
	v1 =	vand.u32 $0xFFFF0000, v1;
	v3 =	vld [tilespmem:s0+$0x2C10];
	v7 =	vadd.s32 $0x8000, v9  }
0x8e: {  	[tilespmem:s0+$0xA060] =	vst v2;
	v1 =	vor.u32 v6, v1;
	v2 =	vld [tilespmem:s0+$0x2C20];
	v6 =	vshrl.u32 v7, $0x10;
	v7 =	vadd.s32 $0x8000, v10  }
0x8f: {  	[tilespmem:s0+$0xA070] =	vst v1;
	v1 =	vld [tilespmem:s0+$0x2C30];
	v7 =	vshrl.u32 v7, $0x10;
	v8 =	vadd.s32 $0x8000, v11  }
0x90: {  	v8 =	vshrl.u32 v8, $0x10;
	v5 =	vadd.s32 $0x8000, v5;
	v9 =	vld [tilespmem:s0+$0x440]  }
0x91: {  	v4 =	vadd.s32 $0x8000, v4;
	v5 =	vshrl.u32 v5, $0x10;
	v10 =	vld [tilespmem:s0+$0x450]  }
0x92: {  	v4 =	vand.u32 $0xFFFF0000, v4;
	v3 =	vadd.s32 $0x8000, v3;
	v11 =	vld [tilespmem:s0+$0x460]  }
0x93: {  	v4 =	vor.u32 v6, v4;
	v3 =	vand.u32 $0xFFFF0000, v3;
	v2 =	vadd.s32 $0x8000, v2;
	v6 =	vld [tilespmem:s0+$0x470]  }
0x94: {  	[tilespmem:s0+$0xA400] =	vst v4;
	v3 =	vor.u32 v7, v3;
	v2 =	vand.u32 $0xFFFF0000, v2;
	v1 =	vadd.s32 $0x8000, v1;
	v4 =	vld [tilespmem:s0+$0x2C40]  }
0x95: {  	[tilespmem:s0+$0xA410] =	vst v3;
	v2 =	vor.u32 v8, v2;
	v1 =	vand.u32 $0xFFFF0000, v1;
	v3 =	vld [tilespmem:s0+$0x2C50];
	v7 =	vadd.s32 $0x8000, v9  }
0x96: {  	[tilespmem:s0+$0xA420] =	vst v2;
	v1 =	vor.u32 v5, v1;
	v2 =	vld [tilespmem:s0+$0x2C60];
	v5 =	vshrl.u32 v7, $0x10;
	v7 =	vadd.s32 $0x8000, v10  }
0x97: {  	[tilespmem:s0+$0xA430] =	vst v1;
	v1 =	vld [tilespmem:s0+$0x2C70];
	v7 =	vshrl.u32 v7, $0x10;
	v8 =	vadd.s32 $0x8000, v11  }
0x98: {  	v8 =	vshrl.u32 v8, $0x10;
	v6 =	vadd.s32 $0x8000, v6;
	v9 =	vld [tilespmem:s0+$0x800]  }
0x99: {  	v4 =	vadd.s32 $0x8000, v4;
	v6 =	vshrl.u32 v6, $0x10;
	v10 =	vld [tilespmem:s0+$0x810]  }
0x9a: {  	v4 =	vand.u32 $0xFFFF0000, v4;
	v3 =	vadd.s32 $0x8000, v3;
	v11 =	vld [tilespmem:s0+$0x820]  }
0x9b: {  	v4 =	vor.u32 v5, v4;
	v3 =	vand.u32 $0xFFFF0000, v3;
	v2 =	vadd.s32 $0x8000, v2;
	v5 =	vld [tilespmem:s0+$0x830]  }
0x9c: {  	[tilespmem:s0+$0xA440] =	vst v4;
	v3 =	vor.u32 v7, v3;
	v2 =	vand.u32 $0xFFFF0000, v2;
	v1 =	vadd.s32 $0x8000, v1;
	v4 =	vld [tilespmem:s0+$0x3000]  }
0x9d: {  	[tilespmem:s0+$0xA450] =	vst v3;
	v2 =	vor.u32 v8, v2;
	v1 =	vand.u32 $0xFFFF0000, v1;
	v3 =	vld [tilespmem:s0+$0x3010];
	v7 =	vadd.s32 $0x8000, v9  }
0x9e: {  	[tilespmem:s0+$0xA460] =	vst v2;
	v1 =	vor.u32 v6, v1;
	v2 =	vld [tilespmem:s0+$0x3020];
	v6 =	vshrl.u32 v7, $0x10;
	v7 =	vadd.s32 $0x8000, v10  }
0x9f: {  	[tilespmem:s0+$0xA470] =	vst v1;
	v1 =	vld [tilespmem:s0+$0x3030];
	v7 =	vshrl.u32 v7, $0x10;
	v8 =	vadd.s32 $0x8000, v11  }
0xa0: {  	v8 =	vshrl.u32 v8, $0x10;
	v5 =	vadd.s32 $0x8000, v5;
	v9 =	vld [tilespmem:s0+$0x840]  }
0xa1: {  	v4 =	vadd.s32 $0x8000, v4;
	v5 =	vshrl.u32 v5, $0x10;
	v10 =	vld [tilespmem:s0+$0x850]  }
0xa2: {  	v4 =	vand.u32 $0xFFFF0000, v4;
	v3 =	vadd.s32 $0x8000, v3;
	v11 =	vld [tilespmem:s0+$0x860]  }
0xa3: {  	v4 =	vor.u32 v6, v4;
	v3 =	vand.u32 $0xFFFF0000, v3;
	v2 =	vadd.s32 $0x8000, v2;
	v6 =	vld [tilespmem:s0+$0x870]  }
0xa4: {  	[tilespmem:s0+$0xA800] =	vst v4;
	v3 =	vor.u32 v7, v3;
	v2 =	vand.u32 $0xFFFF0000, v2;
	v1 =	vadd.s32 $0x8000, v1;
	v4 =	vld [tilespmem:s0+$0x3040]  }
0xa5: {  	[tilespmem:s0+$0xA810] =	vst v3;
	v2 =	vor.u32 v8, v2;
	v1 =	vand.u32 $0xFFFF0000, v1;
	v3 =	vld [tilespmem:s0+$0x3050];
	v7 =	vadd.s32 $0x8000, v9  }
0xa6: {  	[tilespmem:s0+$0xA820] =	vst v2;
	v1 =	vor.u32 v5, v1;
	v2 =	vld [tilespmem:s0+$0x3060];
	v5 =	vshrl.u32 v7, $0x10;
	v7 =	vadd.s32 $0x8000, v10  }
0xa7: {  	[tilespmem:s0+$0xA830] =	vst v1;
	v1 =	vld [tilespmem:s0+$0x3070];
	v7 =	vshrl.u32 v7, $0x10;
	v8 =	vadd.s32 $0x8000, v11  }
0xa8: {  	v8 =	vshrl.u32 v8, $0x10;
	v6 =	vadd.s32 $0x8000, v6;
	v9 =	vld [tilespmem:s0+$0xC00]  }
0xa9: {  	v4 =	vadd.s32 $0x8000, v4;
	v6 =	vshrl.u32 v6, $0x10;
	v10 =	vld [tilespmem:s0+$0xC10]  }
0xaa: {  	v4 =	vand.u32 $0xFFFF0000, v4;
	v3 =	vadd.s32 $0x8000, v3;
	v11 =	vld [tilespmem:s0+$0xC20]  }
0xab: {  	v4 =	vor.u32 v5, v4;
	v3 =	vand.u32 $0xFFFF0000, v3;
	v2 =	vadd.s32 $0x8000, v2;
	v5 =	vld [tilespmem:s0+$0xC30]  }
0xac: {  	[tilespmem:s0+$0xA840] =	vst v4;
	v3 =	vor.u32 v7, v3;
	v2 =	vand.u32 $0xFFFF0000, v2;
	v1 =	vadd.s32 $0x8000, v1;
	v7 =	vld [tilespmem:s0+$0x3400]  }
0xad: {  	[tilespmem:s0+$0xA850] =	vst v3;
	v2 =	vor.u32 v8, v2;
	v1 =	vand.u32 $0xFFFF0000, v1;
	v12 =	vld [tilespmem:s0+$0x3410];
	v3 =	vadd.s32 $0x8000, v9  }
0xae: {  	[tilespmem:s0+$0xA860] =	vst v2;
	v1 =	vor.u32 v6, v1;
	v9 =	vld [tilespmem:s0+$0x3420];
	v13 =	vshrl.u32 v3, $0x10;
	v2 =	vadd.s32 $0x8000, v10  }
.Ltmp4:
0xaf: {  	[tilespmem:s0+$0xA870] =	vst v1;
	v4 =	vld [tilespmem:s0+$0x3430];
	v8 =	vshrl.u32 v2, $0x10;
	v1 =	vadd.s32 $0x8000, v11;
	(pc) =	sbr.rel @p3 .LBB2_3-.Ltmp4, $4  }
0xb0: {  	v6 =	vshrl.u32 v1, $0x10;
	v1 =	vadd.s32 $0x8000, v5;
	v3 =	vld [tilespmem:s0+$0xC40]  }
0xb1: {  	v7 =	vadd.s32 $0x8000, v7;
	v5 =	vshrl.u32 v1, $0x10;
	v2 =	vld [tilespmem:s0+$0xC50]  }
0xb2: {  	s23 =	sshrl.u32 s2, $0x3;
	v7 =	vand.u32 $0xFFFF0000, v7;
	v11 =	vadd.s32 $0x8000, v12;
	v1 =	vld [tilespmem:s0+$0xC60]  }
0xb3: {  	s22 =	sadd.s32 $0x80, s22;
	s2 =	sadd.s32 $0x1, s2;
	s23 =	smul.u32 $0x1400, s23;
	v10 =	vor.u32 v13, v7;
	v11 =	vand.u32 $0xFFFF0000, v11;
	v9 =	vadd.s32 $0x8000, v9;
	v7 =	vld [tilespmem:s0+$0x3440]  }
0xb4: {  	[tilespmem:s0+$0xAC00] =	vst v10;
	v8 =	vor.u32 v8, v11  }
0xb5: {  	v10 =	vld [tilespmem:s0+$0x3450];
	s2 =	sand.u32 $0x380, s22;
	v4 =	vadd.s32 $0x8000, v4;
	[tilespmem:s0+$0xAC10] =	vst v8;
	v8 =	vand.u32 $0xFFFF0000, v9  }
0xb6: {  	s2 =	sor.u32 s2, s23;
	v9 =	vld [tilespmem:s0+$0x3460];
	v4 =	vand.u32 $0xFFFF0000, v4;
	v6 =	vor.u32 v6, v8  }
0xb7: {  	v8 =	vld [tilespmem:s2+$0xC70];
	v4 =	vor.u32 v5, v4;
	[tilespmem:s0+$0xAC20] =	vst v6  }
0xb8: {  	v5 =	vld [tilespmem:s2+$0x3470];
	[tilespmem:s0+$0xAC30] =	vst v4  }
0xb9: {  	v3 =	vadd.s32 $0x8000, v3;
	v6 =	vadd.s32 $0x8000, v7;
	v4 =	vld [tilespmem:s2+$0x0]  }
0xba: {  	v3 =	vshrl.u32 v3, $0x10;
	v2 =	vadd.s32 $0x8000, v2;
	v7 =	vld [tilespmem:s2+$0x10];
	v6 =	vand.u32 $0xFFFF0000, v6  }
0xbb: {  	v2 =	vshrl.u32 v2, $0x10;
	v11 =	vld [tilespmem:s2+$0x20];
	v10 =	vadd.s32 $0x8000, v10;
	v3 =	vor.u32 v3, v6  }
0xbc: {  	v1 =	vadd.s32 $0x8000, v1;
	v6 =	vld [tilespmem:s2+$0x30];
	v10 =	vand.u32 $0xFFFF0000, v10;
	[tilespmem:s0+$0xAC40] =	vst v3;
	v3 =	vadd.s32 $0x8000, v9  }
0xbd: {  	v1 =	vshrl.u32 v1, $0x10;
	v2 =	vor.u32 v2, v10;
	v3 =	vand.u32 $0xFFFF0000, v3  }
0xbe: {  	v9 =	vld [tilespmem:s2+$0x2800];
	[tilespmem:s0+$0xAC50] =	vst v2;
	v1 =	vor.u32 v1, v3  }
0xbf: {  	v2 =	vld [tilespmem:s2+$0x2810];
	[tilespmem:s0+$0xAC60] =	vst v1  }
0xc0: {  	v1 =	vld [tilespmem:s2+$0x2820]  }
0xc1: {  	v3 =	vld [tilespmem:s2+$0x2830]  }
0xc2: {  	v13 =	vld [tilespmem:s2+$0x60]  }
0xc3: {  	v14 =	vld [tilespmem:s2+$0x70]  }
0xc4: {  	v15 =	vld [tilespmem:s2+$0x2840]  }
0xc5: {  	v16 =	vld [tilespmem:s2+$0x2850]  }
0xc6: {  	v17 =	vld [tilespmem:s2+$0x2860]  }
0xc7: {  	v8 =	vadd.s32 $0x8000, v8;
	v5 =	vadd.s32 $0x8000, v5;
	v18 =	vld [tilespmem:s2+$0x2870]  }
0xc8: {  	v8 =	vshrl.u32 v8, $0x10;
	v5 =	vand.u32 $0xFFFF0000, v5;
	v19 =	vld [tilespmem:s2+$0x400]  }
0xc9: {  	v5 =	vor.u32 v8, v5;
	v8 =	vadd.s32 $0x8000, v11;
	v11 =	vld [tilespmem:s2+$0x410]  }
0xca: {  	v20 =	vld [tilespmem:s2+$0x420]  }
0xcb: {  	v21 =	vld [tilespmem:s2+$0x430]  }
0xcc: {  	v22 =	vld [tilespmem:s2+$0x440]  }
0xcd: {  	v23 =	vld [tilespmem:s2+$0x450]  }
0xce: {  	v24 =	vld [tilespmem:s2+$0x460]  }
0xcf: {  	v46 =	vld [tilespmem:s2+$0x2C50]  }
0xd0: {  	v48 =	vld [tilespmem:s2+$0x2C60]  }
0xd1: {  	v4 =	vadd.s32 $0x8000, v4;
	v7 =	vadd.s32 $0x8000, v7;
	v25 =	vld [tilespmem:s2+$0x2C70]  }
0xd2: {  	v4 =	vshrl.u32 v4, $0x10;
	v7 =	vshrl.u32 v7, $0x10;
	v26 =	vld [tilespmem:s2+$0x800]  }
0xd3: {  	v6 =	vadd.s32 $0x8000, v6;
	v27 =	vld [tilespmem:s2+$0x820];
	v8 =	vshrl.u32 v8, $0x10;
	v9 =	vadd.s32 $0x8000, v9  }
0xd4: {  	v53 =	vld [tilespmem:s2+$0x3000];
	v6 =	vshrl.u32 v6, $0x10;
	v9 =	vand.u32 $0xFFFF0000, v9;
	v2 =	vadd.s32 $0x8000, v2  }
0xd5: {  	v55 =	vld [tilespmem:s2+$0x3010];
	v4 =	vor.u32 v4, v9;
	v2 =	vand.u32 $0xFFFF0000, v2;
	v1 =	vadd.s32 $0x8000, v1  }
0xd6: {  	v28 =	vld [tilespmem:s2+$0x3020];
	v2 =	vor.u32 v7, v2;
	v3 =	vadd.s32 $0x8000, v3;
	v13 =	vadd.s32 $0x8000, v13  }
0xd7: {  	v29 =	vld [tilespmem:s2+$0x3030];
	v14 =	vadd.s32 $0x8000, v14;
	v15 =	vadd.s32 $0x8000, v15;
	v16 =	vadd.s32 $0x8000, v16  }
0xd8: {  	v60 =	vld [tilespmem:s2+$0x860];
	v17 =	vadd.s32 $0x8000, v17;
	v43 =	vadd.s32 $0x8000, v18;
	v45 =	vadd.s32 $0x8000, v19  }
0xd9: {  	v34 =	vld [tilespmem:s2+$0x3070];
	v11 =	vadd.s32 $0x8000, v11;
	v20 =	vadd.s32 $0x8000, v20;
	v21 =	vadd.s32 $0x8000, v21  }
0xda: {  	v51 =	vadd.s32 $0x8000, v22;
	v52 =	vadd.s32 $0x8000, v23;
	v54 =	vadd.s32 $0x8000, v24  }
0xdb: {  	v10 =	vld [tilespmem:s2+$0x40];
	v19 =	vadd.s32 $0x8000, v46;
	v18 =	vadd.s32 $0x8000, v48;
	v57 =	vadd.s32 $0x8000, v25  }
0xdc: {  	v12 =	vld [tilespmem:s2+$0x50];
	v59 =	vadd.s32 $0x8000, v26;
	v27 =	vadd.s32 $0x8000, v27;
	v22 =	vadd.s32 $0x8000, v53  }
0xdd: {  	v42 =	vld [tilespmem:s2+$0x470];
	v24 =	vadd.s32 $0x8000, v55;
	v32 =	vadd.s32 $0x8000, v28;
	v33 =	vadd.s32 $0x8000, v29  }
0xde: {  	v44 =	vld [tilespmem:s2+$0x2C40];
	v38 =	vadd.s32 $0x8000, v60;
	v46 =	vadd.s32 $0x8000, v34;
	v1 =	vand.u32 $0xFFFF0000, v1  }
0xdf: {  	v39 =	vld [tilespmem:s2+$0x2C30];
	v3 =	vand.u32 $0xFFFF0000, v3;
	v13 =	vshrl.u32 v13, $0x10;
	v14 =	vshrl.u32 v14, $0x10  }
0xe0: {  	v31 =	vld [tilespmem:s2+$0x3050];
	v15 =	vand.u32 $0xFFFF0000, v15;
	v40 =	vand.u32 $0xFFFF0000, v16;
	v41 =	vand.u32 $0xFFFF0000, v17  }
0xe1: {  	v63 =	vld [tilespmem:s2+$0x3060];
	v47 =	vshrl.u32 v45, $0x10;
	v11 =	vshrl.u32 v11, $0x10;
	v20 =	vshrl.u32 v20, $0x10  }
0xe2: {  	v49 =	vld [tilespmem:s2+$0x810];
	v21 =	vshrl.u32 v21, $0x10;
	v23 =	vshrl.u32 v54, $0x10;
	v17 =	vadd.s32 $0x8000, v42  }
0xe3: {  	v62 =	vld [tilespmem:s2+$0x870];
	v16 =	vadd.s32 $0x8000, v44;
	v19 =	vand.u32 $0xFFFF0000, v19;
	v18 =	vand.u32 $0xFFFF0000, v18  }
0xe4: {  	v30 =	vld [tilespmem:s2+$0x3040];
	v61 =	vshrl.u32 v59, $0x10;
	v27 =	vshrl.u32 v27, $0x10;
	v22 =	vand.u32 $0xFFFF0000, v22  }
0xe5: {  	[tilespmem:s2+$0xAC70] =	vst v5;
	v9 =	vld [tilespmem:s2+$0x2C00];
	v5 =	vand.u32 $0xFFFF0000, v24;
	v35 =	vand.u32 $0xFFFF0000, v33;
	v42 =	vadd.s32 $0x8000, v31  }
0xe6: {  	v7 =	vld [tilespmem:s2+$0x2C10];
	v44 =	vadd.s32 $0x8000, v63;
	v1 =	vor.u32 v8, v1;
	v8 =	vadd.s32 $0x8000, v10  }
0xe7: {  	v48 =	vld [tilespmem:s2+$0x3430];
	v3 =	vor.u32 v6, v3;
	v13 =	vor.u32 v13, v41;
	v17 =	vshrl.u32 v17, $0x10  }
0xe8: {  	v55 =	vld [tilespmem:s2+$0x3450];
	v16 =	vand.u32 $0xFFFF0000, v16;
	v6 =	vshrl.u32 v8, $0x10;
	v8 =	vadd.s32 $0x8000, v12  }
0xe9: {  	v18 =	vor.u32 v23, v18;
	v12 =	vadd.s32 $0x8000, v39;
	v8 =	vshrl.u32 v8, $0x10  }
0xea: {  	v6 =	vor.u32 v6, v15;
	v15 =	vand.u32 $0xFFFF0000, v43;
	v9 =	vadd.s32 $0x8000, v9  }
0xeb: {  	v10 =	vld [tilespmem:s2+$0x2C20];
	v8 =	vor.u32 v8, v40;
	v14 =	vor.u32 v14, v15;
	v9 =	vand.u32 $0xFFFF0000, v9  }
0xec: {  	v50 =	vld [tilespmem:s2+$0x830];
	[tilespmem:s2+$0xA060] =	vst v13;
	v7 =	vadd.s32 $0x8000, v7;
	v15 =	vadd.s32 $0x8000, v49;
	v40 =	vadd.s32 $0x8000, v30  }
0xed: {  	s24 =	simm.s32 $0x2;
	v36 =	vld [tilespmem:s2+$0xC00];
	[tilespmem:s2+$0xA040] =	vst v6;
	v6 =	vadd.s32 $0x8000, v62;
	v13 =	vadd.s32 $0x8000, v48;
	v59 =	vadd.s32 $0x8000, v55  }
0xee: {  	v62 =	vmov s24;
	v9 =	vor.u32 v47, v9;
	v7 =	vand.u32 $0xFFFF0000, v7  }
0xef: {  	v56 =	vld [tilespmem:s2+$0x840];
	v15 =	vshrl.u32 v15, $0x10;
	[tilespmem:s2+$0xA050] =	vst v8;
	v8 =	vand.u32 $0xFFFF0000, v42;
	v6 =	vshrl.u32 v6, $0x10  }
0xf0: {  	v39 =	vld [tilespmem:s2+$0xC20];
	v13 =	vand.u32 $0xFFFF0000, v13;
	v60 =	vand.u32 $0xFFFF0000, v59;
	v10 =	vadd.s32 $0x8000, v10  }
0xf1: {  	v58 =	vld [tilespmem:s2+$0x850];
	[tilespmem:s2+$0xA000] =	vst v4;
	v7 =	vor.u32 v11, v7;
	v11 =	vand.u32 $0xFFFF0000, v12;
	v12 =	vadd.s32 $0x8000, v50  }
0xf2: {  	v53 =	vld [tilespmem:s2+$0xC60];
	v4 =	vor.u32 v15, v5;
	v5 =	vand.u32 $0xFFFF0000, v32;
	[tilespmem:s2+$0xA400] =	vst v9;
	v9 =	vadd.s32 $0x8000, v36  }
0xf3: {  	v43 =	vld [tilespmem:s2+$0x3400];
	v10 =	vand.u32 $0xFFFF0000, v10;
	v11 =	vor.u32 v21, v11;
	v21 =	vshrl.u32 v52, $0x10  }
0xf4: {  	[tilespmem:s2+$0xA010] =	vst v2;
	v12 =	vshrl.u32 v12, $0x10;
	v2 =	vor.u32 v27, v5;
	v5 =	vadd.s32 $0x8000, v56  }
0xf5: {  	[tilespmem:s2+$0xA410] =	vst v7;
	v7 =	vshrl.u32 v9, $0x10;
	v9 =	vadd.s32 $0x8000, v39;
	v10 =	vor.u32 v20, v10  }
0xf6: {  	v41 =	vld [tilespmem:s2+$0xC30];
	v20 =	vshrl.u32 v51, $0x10;
	v19 =	vor.u32 v21, v19;
	v21 =	vand.u32 $0xFFFF0000, v57  }
0xf7: {  	v37 =	vld [tilespmem:s2+$0xC10];
	[tilespmem:s2+$0xA020] =	vst v1;
	v12 =	vor.u32 v12, v35;
	v1 =	vshrl.u32 v5, $0x10;
	v5 =	vadd.s32 $0x8000, v58  }
0xf8: {  	v45 =	vld [tilespmem:s2+$0x3410];
	v9 =	vshrl.u32 v9, $0x10;
	v51 =	vadd.s32 $0x8000, v43;
	v58 =	vadd.s32 $0x8000, v53  }
0xf9: {  	[tilespmem:s2+$0xA030] =	vst v3;
	v16 =	vor.u32 v20, v16;
	v17 =	vor.u32 v17, v21;
	v21 =	vor.u32 v61, v22  }
0xfa: {  	[tilespmem:s2+$0xA460] =	vst v18;
	v49 =	vld [tilespmem:s2+$0xC40];
	v3 =	vshrl.u32 v5, $0x10;
	v5 =	vshrl.u32 v38, $0x10;
	v20 =	vand.u32 $0xFFFF0000, v40  }
0xfb: {  	v47 =	vld [tilespmem:s2+$0x3420];
	[tilespmem:s2+$0xA420] =	vst v10;
	v10 =	vadd.s32 $0x8000, v41;
	v3 =	vor.u32 v3, v8;
	v8 =	vand.u32 $0xFFFF0000, v44  }
0xfc: {  	[tilespmem:s2+$0xA430] =	vst v11;
	v11 =	vand.u32 $0xFFFF0000, v51;
	v5 =	vor.u32 v5, v8;
	v8 =	vand.u32 $0xFFFF0000, v46  }
0xfd: {  	[tilespmem:s2+$0xA070] =	vst v14;
	v50 =	vld [tilespmem:s2+$0x3440];
	v22 =	vadd.s32 $0x8000, v45;
	v6 =	vor.u32 v6, v8;
	v8 =	vadd.s32 $0x8000, v37  }
0xfe: {  	v52 =	vld [tilespmem:s2+$0xC50];
	[tilespmem:s2+$0xA810] =	vst v4;
	v7 =	vor.u32 v7, v11;
	v11 =	vand.u32 $0xFFFF0000, v22;
	v8 =	vshrl.u32 v8, $0x10  }
0xff: {  	s23 =	simm.s32 $0x3;
	[tilespmem:s2+$0xA820] =	vst v2;
	v14 =	vadd.s32 $0x8000, v49;
	v2 =	vshrl.u32 v58, $0x10;
	v8 =	vor.u32 v8, v11;
	v11 =	vld [tilespmem:s2+$0x3460]  }
0x100: {  	[tilespmem:s2+$0xA450] =	vst v19;
	v61 =	vmov s23;
	v1 =	vor.u32 v1, v20;
	v20 =	vadd.s32 $0x8000, v47  }
0x101: {  	[tilespmem:s2+$0xA830] =	vst v12;
	v10 =	vshrl.u32 v10, $0x10;
	v14 =	vshrl.u32 v14, $0x10;
	v54 =	vand.u32 $0xFFFF0000, v20  }
0x102: {  	v15 =	vadd.s32 $0x8000, v50;
	v10 =	vor.u32 v10, v13;
	[tilespmem:s2+$0xA850] =	vst v3;
	v3 =	vmov s31  }
0x103: {  	s31 =	simm.s32 $0x1;
	[tilespmem:s2+$0xAC00] =	vst v7;
	v9 =	vor.u32 v9, v54;
	v15 =	vand.u32 $0xFFFF0000, v15;
	v57 =	vadd.s32 $0x8000, v52  }
0x104: {  	[tilespmem:s2+$0xA860] =	vst v5;
	v5 =	vmov s31;
	v7 =	vshll.u32 v3, $0x3;
	v11 =	vadd.s32 $0x8000, v11  }
0x105: {  	[tilespmem:s2+$0xA440] =	vst v16;
	v3 =	vand.u32 $0x7C, v3;
	v56 =	vor.u32 v14, v15;
	v11 =	vand.u32 $0xFFFF0000, v11  }
0x106: {  	[tilespmem:s2+$0xA840] =	vst v1;
	v4 =	vshrl.u32 v57, $0x10;
	v1 =	vor.u32 v2, v11;
	v2 =	vshll.u32 v61, $0x3  }
0x107: {  	[tilespmem:s2+$0xA870] =	vst v6;
	v6 =	vand.u32 $0x7E, v62;
	v11 =	vand.u32 $0x7F, v61;
	v2 =	vand.u32 $0xC00, v2  }
0x108: {  	[tilespmem:s2+$0xA470] =	vst v17;
	v7 =	vand.u32 $0xC00, v7;
	v2 =	vor.u32 v11, v2;
	v11 =	vshll.u32 v62, $0x3  }
0x109: {  	[tilespmem:s2+$0xA800] =	vst v21;
	s31 =	simm.s32 $0x6;
	v4 =	vor.u32 v4, v60;
	v3 =	vor.u32 v3, v7;
	v11 =	vand.u32 $0xC00, v11  }
0x10a: {  	[tilespmem:s2+$0xAC50] =	vst v4;
	v4 =	vmov s31;
	v6 =	vor.u32 v6, v11;
	v11 =	vshll.u32 v5, $0x3  }
0x10b: {  	s22 =	simm.s32 $0x7;
	[tilespmem:s2+$0xAC10] =	vst v8;
	v2 =	vadd.s32 v0, v2;
	v5 =	vand.u32 $0x7D, v5;
	v8 =	vand.u32 $0xC00, v11  }
0x10c: {  	[tilespmem:s2+$0xAC30] =	vst v10;
	v6 =	vadd.s32 v0, v6;
	v5 =	vor.u32 v5, v8;
	v8 =	vmov s22  }
0x10d: {  	[tilespmem:s2+$0xAC20] =	vst v9;
	v9 =	vadd.s32 v0, v3;
	v63 =	vshll.u32 v4, $0x3;
	v7 =	vshll.u32 v8, $0x3  }
0x10e: {  	s23 =	simm.s32 $0x4;
	[tilespmem:s2+$0xAC40] =	vst v56;
	v3 =	vand.u32 $0x7F, v8;
	v5 =	vadd.s32 v0, v5;
	v7 =	vand.u32 $0xC00, v7  }
0x10f: {  	s24 =	simm.s32 $0x5;
	v10 =	vmov s23;
	v12 =	vand.u32 $0xC00, v63;
	[tilespmem:s2+$0xAC60] =	vst v1;
	v3 =	vor.u32 v3, v7  }
0x110: {  	v8 =	vshll.u32 v10, $0x3;
	v7 =	vmov s24;
	v1 =	vadd.s32 v0, v3;
	v3 =	vld.idx.msk [tilespmem:v2+s18+$0x0], $0xffff  }
0x111: {  	v8 =	vand.u32 $0xC00, v8;
	v11 =	vshll.u32 v7, $0x3;
	v2 =	vld.idx.msk [tilespmem:v6+s18+$0x0], $0xffff;
	v6 =	vand.u32 $0x7E, v4  }
0x112: {  	v4 =	vld.idx.msk [tilespmem:v9+s18+$0x0], $0xffff;
	v7 =	vand.u32 $0x7D, v7;
	v11 =	vand.u32 $0xC00, v11;
	v12 =	vor.u32 v6, v12  }
0x113: {  	s0 =	simm.s32 $0xC820;
	s2 =	simm.s32 $0xC820;
	s22 =	simm.s32 $0x8;
	v9 =	vand.u32 $0x7C, v10;
	v6 =	vld.idx.msk [tilespmem:v5+s18+$0x0], $0xffff;
	v7 =	vor.u32 v7, v11;
	v5 =	vadd.s32 v0, v12  }
.LBB2_5:
0x114: {  	s23 =	sadd.s32 $0x3, s22  }
0x115: {  	v8 =	vor.u32 v9, v8;
	[tilespmem:s0+$0x10] =	vst v3;
	s2 =	sadd.s32 $0x40, s2;
	s24 =	smov.u32 s22;
	s31 =	sadd.s32 $0x4, s22  }
0x116: {  	p3 =	sne.s32 s22, $0x1FC;
	v7 =	vadd.s32 v0, v7;
	v3 =	vmov s23;
	v8 =	vadd.s32 v0, v8;
	[tilespmem:s0+$0x0] =	vst v2  }
0x117: {  	v2 =	vshll.u32 v3, $0x3;
	[tilespmem:s0+$0xFFFFFFE0] =	vst v4  }
0x118: {  	v3 =	vand.u32 $0x7F, v3;
	v2 =	vand.u32 $0xC00, v2;
	[tilespmem:s0+$0xFFFFFFF0] =	vst v6;
	s0 =	smov.u32 s2  }
0x119: {  	v9 =	vmov s24;
	s22 =	sadd.s32 $0x1, s24;
	s23 =	sadd.s32 $0x2, s24;
	v2 =	vor.u32 v3, v2;
	v3 =	vld.idx.msk [tilespmem:v1+s18+$0x0], $0xffff  }
.Ltmp5:
0x11a: {  	v10 =	vmov s22;
	v6 =	vmov s23;
	v1 =	vadd.s32 v0, v2;
	v2 =	vld.idx.msk [tilespmem:v5+s18+$0x0], $0xffff;
	(pc) =	sbr.rel @p3 .LBB2_5-.Ltmp5, $4  }
0x11b: {  	v11 =	vshll.u32 v10, $0x3;
	v12 =	vshll.u32 v6, $0x3;
	v5 =	vshll.u32 v9, $0x3;
	v4 =	vld.idx.msk [tilespmem:v8+s18+$0x0], $0xffff  }
0x11c: {  	v11 =	vand.u32 $0xC00, v11;
	v13 =	vand.u32 $0x7E, v6;
	v12 =	vand.u32 $0xC00, v12;
	v6 =	vld.idx.msk [tilespmem:v7+s18+$0x0], $0xffff  }
0x11d: {  	v8 =	vand.u32 $0xC00, v5;
	v5 =	vand.u32 $0x7D, v10;
	v10 =	vor.u32 v13, v12  }
0x11e: {  	s22 =	smov.u32 s31;
	v9 =	vand.u32 $0x7C, v9;
	v7 =	vor.u32 v5, v11;
	v5 =	vadd.s32 v0, v10  }
0x11f: {  	[tilespmem:s0+$0x10] =	vst v3  }
0x120: {  	v8 =	vor.u32 v9, v8;
	[tilespmem:s0+$0x0] =	vst v2;
	v2 =	vadd.s32 v0, v7  }
0x121: {  	v3 =	vadd.s32 v0, v8;
	[tilespmem:s0+$0xFFFFFFE0] =	vst v4  }
0x122: {  	[tilespmem:s0+$0xFFFFFFF0] =	vst v6  }
0x123: {  	v1 =	vld.idx.msk [tilespmem:v1+s18+$0x0], $0xffff  }
0x124: {  	v4 =	vld.idx.msk [tilespmem:v5+s18+$0x0], $0xffff  }
0x125: {  	v2 =	vld.idx.msk [tilespmem:v2+s18+$0x0], $0xffff  }
0x126: {  	v3 =	vld.idx.msk [tilespmem:v3+s18+$0x0], $0xffff  }
0x127: {  	s23 =	sadd.s32 $0x40, s2  }
.Ltmp6:
0x128: {  	[tilespmem:s23+$0x10] =	vst v1;
	(pc) =	sbr.rel @p2 .LBB2_12-.Ltmp6, $4  }
0x129: {  	[tilespmem:s23+$0x0] =	vst v4  }
0x12a: {  	s24 =	sshll.u32 s30, $0xA;
	[tilespmem:s23+$0xFFFFFFF0] =	vst v2  }
0x12b: {  	s31 =	sadd.s32 s5, s24;
	[tilespmem:s23+$0xFFFFFFE0] =	vst v3  }
0x12c: {  	[hbm4b:s31+s3] =	stream.linear.scatter [tilespmem:s19], [sflag:$0x2], $0x2000, $0x38;
	[tilespmem:$0x11800] =	vst v63  }
0x12d: {  	p2 =	sgt.u32 s30, $0x760  }
0x12e: {  	s0 =	sshll.u32 @!p2 s30, $0x9  }
0x12f: {  	s2 =	simm.s32 @!p2 $0x0;
	s0 =	sadd.s32 @!p2 s0, s7  }
0x130: {  	[tilespmem:s2], [sflag:$0x1] =	stream.linear.gather @!p2 [hbm4b:s0+s2], $0x1000, $0x38;
	[tilespmem:$0x11800] =	vst v63  }
0x131: {  	s23 =	simm.s32 @!p2 $0x1400;
	s22 =	sadd.s32 @!p2 $0xF4280, s0  }
0x132: {  	[tilespmem:s23], [sflag:$0x1] =	stream.linear.gather @!p2 [hbm4b:s22+s2], $0x1000, $0x38;
	[tilespmem:$0x11800] =	vst v63  }
0x133: {  	s22 =	sadd.s32 @!p2 $0x1E8500, s0;
	s23 =	simm.s32 @!p2 $0x2800  }
0x134: {  	[tilespmem:s23], [sflag:$0x1] =	stream.linear.gather @!p2 [hbm4b:s22+s2], $0x1000, $0x38;
	[tilespmem:$0x11800] =	vst v63  }
0x135: {  	s0 =	sadd.s32 @!p2 $0x2DC780, s0;
	s22 =	simm.s32 @!p2 $0x3C00  }
0x136: {  	[tilespmem:s22], [sflag:$0x1] =	stream.linear.gather @!p2 [hbm4b:s0+s2], $0x1000, $0x38;
	[tilespmem:$0x11800] =	vst v63  }
0x137: {  	_ =	swait.ge [sflag:s17], $0x4000  }
0x138: {  	[sflag:s17] =	ssyncset.done $0x0  }
0x139: {  	s23 =	simm.s32 $0x0;
	s0 =	simm.s32 @!p1 $0x2;
	[sflag:s17] =	ssyncadd.s32 $0xFFFFC000  }
0x13a: {  	s30 =	simm.s32 $0x0;
	s2 =	smul.u32 $0x1400, s23;
	_ =	swait.ge @!p1 [sflag:s0], $0x2000  }
0x13b: {  	s24 =	sand.u32 $0x380, s30;
	[sflag:s0] =	ssyncset.done @!p1 $0x0  }
0x13c: {  	[sflag:s0] =	ssyncadd.s32 @!p1 $0xFFFFE000;
	s0 =	sor.u32 s24, s2  }
0x13d: {  	v1 =	vld [tilespmem:s0+$0x5C70]  }
0x13e: {  	v2 =	vld [tilespmem:s0+$0x8470]  }
0x13f: {  	v3 =	vld [tilespmem:s0+$0x5000]  }
0x140: {  	v7 =	vld [tilespmem:s0+$0x7800]  }
0x141: {  	v4 =	vld [tilespmem:s0+$0x5010]  }
0x142: {  	v8 =	vld [tilespmem:s0+$0x7810];
	_ =	sdelay $0x1  }
0x143: {  	v5 =	vld [tilespmem:s0+$0x5020];
	v1 =	vadd.s32 $0x8000, v1  }
0x144: {  	v9 =	vld [tilespmem:s0+$0x7820];
	v2 =	vadd.s32 $0x8000, v2;
	v3 =	vadd.s32 $0x8000, v3;
	v7 =	vadd.s32 $0x8000, v7  }
0x145: {  	v6 =	vld [tilespmem:s0+$0x5030];
	v4 =	vadd.s32 $0x8000, v4;
	v1 =	vshrl.u32 v1, $0x10;
	v2 =	vand.u32 $0xFFFF0000, v2  }
0x146: {  	v8 =	vadd.s32 $0x8000, v8;
	v3 =	vshrl.u32 v3, $0x10;
	v1 =	vor.u32 v1, v2;
	v2 =	vld [tilespmem:s0+$0x7830]  }
0x147: {  	v10 =	vld [tilespmem:s0+$0x5050];
	v7 =	vand.u32 $0xFFFF0000, v7;
	v4 =	vshrl.u32 v4, $0x10;
	v8 =	vand.u32 $0xFFFF0000, v8  }
0x148: {  	v3 =	vor.u32 v3, v7;
	v4 =	vor.u32 v4, v8;
	v8 =	vld [tilespmem:s0+$0x7840];
	[tilespmem:s0+$0xAC70] =	vst v1  }
0x149: {  	v1 =	vld [tilespmem:s0+$0x5040];
	[tilespmem:s0+$0xA000] =	vst v3;
	v3 =	vadd.s32 $0x8000, v5;
	v5 =	vadd.s32 $0x8000, v9  }
0x14a: {  	v11 =	vld [tilespmem:s0+$0x5060];
	v3 =	vshrl.u32 v3, $0x10;
	v5 =	vand.u32 $0xFFFF0000, v5  }
0x14b: {  	[tilespmem:s0+$0xA010] =	vst v4;
	v4 =	vadd.s32 $0x8000, v6;
	v3 =	vor.u32 v3, v5;
	v5 =	vld [tilespmem:s0+$0x7850];
	v2 =	vadd.s32 $0x8000, v2  }
0x14c: {  	v4 =	vshrl.u32 v4, $0x10;
	[tilespmem:s0+$0xA020] =	vst v3;
	v3 =	vld [tilespmem:s0+$0x7860];
	v2 =	vand.u32 $0xFFFF0000, v2  }
0x14d: {  	v7 =	vld [tilespmem:s0+$0x5070];
	v2 =	vor.u32 v4, v2  }
0x14e: {  	v6 =	vadd.s32 $0x8000, v8;
	v1 =	vadd.s32 $0x8000, v1;
	[tilespmem:s0+$0xA030] =	vst v2;
	v2 =	vld [tilespmem:s0+$0x7870]  }
0x14f: {  	v10 =	vadd.s32 $0x8000, v10;
	v6 =	vand.u32 $0xFFFF0000, v6;
	v1 =	vshrl.u32 v1, $0x10  }
0x150: {  	v10 =	vshrl.u32 v10, $0x10;
	v8 =	vld [tilespmem:s0+$0x5410];
	v5 =	vadd.s32 $0x8000, v5;
	v1 =	vor.u32 v1, v6  }
0x151: {  	v4 =	vld [tilespmem:s0+$0x5400];
	v5 =	vand.u32 $0xFFFF0000, v5;
	[tilespmem:s0+$0xA040] =	vst v1;
	v1 =	vadd.s32 $0x8000, v11;
	v3 =	vadd.s32 $0x8000, v3  }
0x152: {  	v5 =	vor.u32 v10, v5;
	v10 =	vld [tilespmem:s0+$0x7C00];
	v1 =	vshrl.u32 v1, $0x10;
	v3 =	vand.u32 $0xFFFF0000, v3  }
0x153: {  	[tilespmem:s0+$0xA050] =	vst v5;
	v5 =	vadd.s32 $0x8000, v7;
	v1 =	vor.u32 v1, v3;
	v3 =	vld [tilespmem:s0+$0x7C10];
	v2 =	vadd.s32 $0x8000, v2  }
0x154: {  	v9 =	vld [tilespmem:s0+$0x5420];
	v5 =	vshrl.u32 v5, $0x10;
	v2 =	vand.u32 $0xFFFF0000, v2  }
0x155: {  	[tilespmem:s0+$0xA060] =	vst v1;
	v1 =	vor.u32 v5, v2;
	v2 =	vld [tilespmem:s0+$0x7C20]  }
0x156: {  	v6 =	vld [tilespmem:s0+$0x5430]  }
0x157: {  	v11 =	vld [tilespmem:s0+$0x5460];
	v8 =	vadd.s32 $0x8000, v8;
	v4 =	vadd.s32 $0x8000, v4;
	v7 =	vadd.s32 $0x8000, v10  }
0x158: {  	v4 =	vshrl.u32 v4, $0x10;
	[tilespmem:s0+$0xA070] =	vst v1;
	v1 =	vld [tilespmem:s0+$0x7C30];
	v7 =	vand.u32 $0xFFFF0000, v7;
	v3 =	vadd.s32 $0x8000, v3  }
0x159: {  	v8 =	vshrl.u32 v8, $0x10;
	v5 =	vld [tilespmem:s0+$0x5440];
	v4 =	vor.u32 v4, v7;
	v3 =	vand.u32 $0xFFFF0000, v3  }
0x15a: {  	[tilespmem:s0+$0xA400] =	vst v4;
	v4 =	vadd.s32 $0x8000, v9;
	v3 =	vor.u32 v8, v3;
	v8 =	vld [tilespmem:s0+$0x7C40];
	v2 =	vadd.s32 $0x8000, v2  }
0x15b: {  	v10 =	vld [tilespmem:s0+$0x5450];
	v4 =	vshrl.u32 v4, $0x10;
	v2 =	vand.u32 $0xFFFF0000, v2  }
0x15c: {  	[tilespmem:s0+$0xA410] =	vst v3;
	v2 =	vor.u32 v4, v2;
	v4 =	vld [tilespmem:s0+$0x7C50]  }
0x15d: {  	v3 =	vadd.s32 $0x8000, v6;
	v1 =	vadd.s32 $0x8000, v1;
	[tilespmem:s0+$0xA420] =	vst v2;
	v2 =	vld [tilespmem:s0+$0x7C60]  }
0x15e: {  	v3 =	vshrl.u32 v3, $0x10;
	v1 =	vand.u32 $0xFFFF0000, v1  }
0x15f: {  	v7 =	vld [tilespmem:s0+$0x5470];
	v5 =	vadd.s32 $0x8000, v5;
	v1 =	vor.u32 v3, v1;
	v6 =	vadd.s32 $0x8000, v8  }
0x160: {  	v10 =	vadd.s32 $0x8000, v10;
	v5 =	vshrl.u32 v5, $0x10;
	[tilespmem:s0+$0xA430] =	vst v1;
	v1 =	vld [tilespmem:s0+$0x7C70];
	v6 =	vand.u32 $0xFFFF0000, v6  }
0x161: {  	v10 =	vshrl.u32 v10, $0x10;
	v3 =	vld [tilespmem:s0+$0x5800];
	v5 =	vor.u32 v5, v6;
	v4 =	vadd.s32 $0x8000, v4  }
0x162: {  	v8 =	vld [tilespmem:s0+$0x5810];
	[tilespmem:s0+$0xA440] =	vst v5;
	v5 =	vadd.s32 $0x8000, v11;
	v4 =	vand.u32 $0xFFFF0000, v4;
	v2 =	vadd.s32 $0x8000, v2  }
0x163: {  	v5 =	vshrl.u32 v5, $0x10;
	v4 =	vor.u32 v10, v4;
	v10 =	vld [tilespmem:s0+$0x8000];
	v2 =	vand.u32 $0xFFFF0000, v2  }
0x164: {  	v2 =	vor.u32 v5, v2;
	v5 =	vld [tilespmem:s0+$0x8010]  }
0x165: {  	v9 =	vld [tilespmem:s0+$0x5820];
	v1 =	vadd.s32 $0x8000, v1;
	[tilespmem:s0+$0xA450] =	vst v4;
	v4 =	vadd.s32 $0x8000, v7  }
0x166: {  	v1 =	vand.u32 $0xFFFF0000, v1;
	v4 =	vshrl.u32 v4, $0x10;
	[tilespmem:s0+$0xA460] =	vst v2;
	v2 =	vld [tilespmem:s0+$0x8020]  }
0x167: {  	v6 =	vld [tilespmem:s0+$0x5830];
	v1 =	vor.u32 v4, v1  }
0x168: {  	v3 =	vadd.s32 $0x8000, v3;
	v8 =	vadd.s32 $0x8000, v8;
	[tilespmem:s0+$0xA470] =	vst v1;
	v1 =	vld [tilespmem:s0+$0x8030];
	v7 =	vadd.s32 $0x8000, v10  }
0x169: {  	v11 =	vld [tilespmem:s0+$0x5860];
	v3 =	vshrl.u32 v3, $0x10;
	v7 =	vand.u32 $0xFFFF0000, v7;
	v5 =	vadd.s32 $0x8000, v5  }
0x16a: {  	v8 =	vshrl.u32 v8, $0x10;
	v4 =	vld [tilespmem:s0+$0x5840];
	v3 =	vor.u32 v3, v7;
	v5 =	vand.u32 $0xFFFF0000, v5  }
0x16b: {  	v2 =	vadd.s32 $0x8000, v2;
	[tilespmem:s0+$0xA800] =	vst v3;
	v3 =	vadd.s32 $0x8000, v9;
	v5 =	vor.u32 v8, v5;
	v8 =	vld [tilespmem:s0+$0x8040]  }
0x16c: {  	v10 =	vld [tilespmem:s0+$0x5850];
	v2 =	vand.u32 $0xFFFF0000, v2;
	v3 =	vshrl.u32 v3, $0x10  }
0x16d: {  	[tilespmem:s0+$0xA810] =	vst v5;
	v5 =	vadd.s32 $0x8000, v6;
	v1 =	vadd.s32 $0x8000, v1;
	v2 =	vor.u32 v3, v2;
	v3 =	vld [tilespmem:s0+$0x8050]  }
0x16e: {  	v7 =	vld [tilespmem:s0+$0x5870];
	v5 =	vshrl.u32 v5, $0x10;
	v1 =	vand.u32 $0xFFFF0000, v1  }
0x16f: {  	[tilespmem:s0+$0xA820] =	vst v2;
	v1 =	vor.u32 v5, v1;
	v2 =	vld [tilespmem:s0+$0x8060]  }
0x170: {  	v4 =	vadd.s32 $0x8000, v4;
	[tilespmem:s0+$0xA830] =	vst v1;
	v1 =	vld [tilespmem:s0+$0x8070];
	v6 =	vadd.s32 $0x8000, v8  }
0x171: {  	v12 =	vld [tilespmem:s0+$0x5C30];
	v4 =	vshrl.u32 v4, $0x10;
	v6 =	vand.u32 $0xFFFF0000, v6  }
0x172: {  	v10 =	vadd.s32 $0x8000, v10;
	v5 =	vld [tilespmem:s0+$0x5C00];
	v3 =	vadd.s32 $0x8000, v3;
	v4 =	vor.u32 v4, v6  }
0x173: {  	v8 =	vld [tilespmem:s0+$0x5C10];
	v6 =	vshrl.u32 v10, $0x10;
	v3 =	vand.u32 $0xFFFF0000, v3;
	[tilespmem:s0+$0xA840] =	vst v4;
	v4 =	vadd.s32 $0x8000, v11  }
0x174: {  	v9 =	vld [tilespmem:s0+$0x5C20];
	v2 =	vadd.s32 $0x8000, v2;
	v3 =	vor.u32 v6, v3;
	v4 =	vshrl.u32 v4, $0x10  }
0x175: {  	v10 =	vld [tilespmem:s0+$0x8400];
	v2 =	vand.u32 $0xFFFF0000, v2;
	v1 =	vadd.s32 $0x8000, v1;
	[tilespmem:s0+$0xA850] =	vst v3;
	v3 =	vadd.s32 $0x8000, v7  }
0x176: {  	v2 =	vor.u32 v4, v2;
	v7 =	vld [tilespmem:s0+$0x8410];
	v1 =	vand.u32 $0xFFFF0000, v1;
	v3 =	vshrl.u32 v3, $0x10  }
0x177: {  	v13 =	vld [tilespmem:s0+$0x8420];
	[tilespmem:s0+$0xA860] =	vst v2;
	v1 =	vor.u32 v3, v1  }
0x178: {  	v4 =	vld [tilespmem:s0+$0x8430];
	v2 =	vadd.s32 $0x8000, v8;
	[tilespmem:s0+$0xA870] =	vst v1;
	v1 =	vadd.s32 $0x8000, v5  }
0x179: {  	v8 =	vshrl.u32 v2, $0x10;
	v3 =	vld [tilespmem:s0+$0x5C40];
	v11 =	vshrl.u32 v1, $0x10;
	v1 =	vadd.s32 $0x8000, v9  }
0x17a: {  	v2 =	vld [tilespmem:s0+$0x5C50];
	v9 =	vadd.s32 $0x8000, v10;
	v6 =	vshrl.u32 v1, $0x10;
	v1 =	vadd.s32 $0x8000, v12  }
0x17b: {  	s31 =	simm.s32 $0x0;
	v9 =	vand.u32 $0xFFFF0000, v9;
	v7 =	vadd.s32 $0x8000, v7;
	v5 =	vshrl.u32 v1, $0x10;
	v1 =	vld [tilespmem:s0+$0x5C60]  }
0x17c: {  	s23 =	smul.u32 $0x1400, s31;
	s22 =	simm.s32 $0x80;
	s2 =	simm.s32 $0x2;
	v10 =	vor.u32 v11, v9;
	v11 =	vand.u32 $0xFFFF0000, v7;
	v9 =	vadd.s32 $0x8000, v13;
	v7 =	vld [tilespmem:s0+$0x8440]  }
.LBB2_8:
0x17d: {  	p1 =	sne.s32 s2, $0xF;
	s24 =	sand.u32 $0x380, s22;
	[tilespmem:s0+$0xAC00] =	vst v10;
	v8 =	vor.u32 v8, v11;
	v9 =	vand.u32 $0xFFFF0000, v9;
	v4 =	vadd.s32 $0x8000, v4;
	v10 =	vld [tilespmem:s0+$0x8450]  }
0x17e: {  	s23 =	sor.u32 s24, s23;
	[tilespmem:s0+$0xAC10] =	vst v8;
	v6 =	vor.u32 v6, v9;
	v4 =	vand.u32 $0xFFFF0000, v4;
	v8 =	vld [tilespmem:s0+$0x8460];
	v3 =	vadd.s32 $0x8000, v3  }
0x17f: {  	v9 =	vld [tilespmem:s23+$0x5C70];
	[tilespmem:s0+$0xAC20] =	vst v6;
	v4 =	vor.u32 v5, v4;
	v3 =	vshrl.u32 v3, $0x10;
	v2 =	vadd.s32 $0x8000, v2  }
0x180: {  	v5 =	vld [tilespmem:s23+$0x8470];
	[tilespmem:s0+$0xAC30] =	vst v4;
	v2 =	vshrl.u32 v2, $0x10;
	v1 =	vadd.s32 $0x8000, v1  }
0x181: {  	v4 =	vld [tilespmem:s23+$0x5000];
	v6 =	vadd.s32 $0x8000, v7;
	v1 =	vshrl.u32 v1, $0x10  }
0x182: {  	v7 =	vld [tilespmem:s23+$0x5010];
	v6 =	vand.u32 $0xFFFF0000, v6;
	v10 =	vadd.s32 $0x8000, v10  }
0x183: {  	v11 =	vld [tilespmem:s23+$0x5020];
	v3 =	vor.u32 v3, v6;
	v6 =	vand.u32 $0xFFFF0000, v10;
	v8 =	vadd.s32 $0x8000, v8  }
0x184: {  	v10 =	vld [tilespmem:s23+$0x5030];
	[tilespmem:s0+$0xAC40] =	vst v3;
	v2 =	vor.u32 v2, v6;
	v3 =	vand.u32 $0xFFFF0000, v8  }
0x185: {  	v8 =	vadd.s32 $0x8000, v9;
	v6 =	vld [tilespmem:s23+$0x7800];
	v5 =	vadd.s32 $0x8000, v5;
	[tilespmem:s0+$0xAC50] =	vst v2;
	v1 =	vor.u32 v1, v3  }
0x186: {  	v2 =	vld [tilespmem:s23+$0x7810];
	v3 =	vadd.s32 $0x8000, v4;
	v4 =	vshrl.u32 v8, $0x10;
	v5 =	vand.u32 $0xFFFF0000, v5;
	[tilespmem:s0+$0xAC60] =	vst v1;
	s0 =	smov.u32 s23  }
0x187: {  	v1 =	vld [tilespmem:s0+$0x7820];
	v3 =	vshrl.u32 v3, $0x10;
	v7 =	vadd.s32 $0x8000, v7;
	v4 =	vor.u32 v4, v5  }
0x188: {  	v5 =	vld [tilespmem:s0+$0x7830];
	v7 =	vshrl.u32 v7, $0x10;
	v8 =	vadd.s32 $0x8000, v11;
	[tilespmem:s0+$0xAC70] =	vst v4  }
0x189: {  	v4 =	vshrl.u32 v8, $0x10;
	v8 =	vadd.s32 $0x8000, v10;
	v9 =	vld [tilespmem:s0+$0x5040]  }
0x18a: {  	v6 =	vadd.s32 $0x8000, v6;
	v8 =	vshrl.u32 v8, $0x10;
	v10 =	vld [tilespmem:s0+$0x5050]  }
0x18b: {  	v6 =	vand.u32 $0xFFFF0000, v6;
	v2 =	vadd.s32 $0x8000, v2;
	v11 =	vld [tilespmem:s0+$0x5060]  }
0x18c: {  	v3 =	vor.u32 v3, v6;
	v2 =	vand.u32 $0xFFFF0000, v2;
	v1 =	vadd.s32 $0x8000, v1;
	v6 =	vld [tilespmem:s0+$0x5070]  }
0x18d: {  	[tilespmem:s0+$0xA000] =	vst v3;
	v2 =	vor.u32 v7, v2;
	v1 =	vand.u32 $0xFFFF0000, v1;
	v3 =	vadd.s32 $0x8000, v5;
	v5 =	vld [tilespmem:s0+$0x7840]  }
0x18e: {  	[tilespmem:s0+$0xA010] =	vst v2;
	v1 =	vor.u32 v4, v1;
	v2 =	vand.u32 $0xFFFF0000, v3;
	v3 =	vld [tilespmem:s0+$0x7850];
	v4 =	vadd.s32 $0x8000, v9  }
0x18f: {  	[tilespmem:s0+$0xA020] =	vst v1;
	v1 =	vor.u32 v8, v2;
	v2 =	vld [tilespmem:s0+$0x7860];
	v4 =	vshrl.u32 v4, $0x10;
	v7 =	vadd.s32 $0x8000, v10  }
0x190: {  	[tilespmem:s0+$0xA030] =	vst v1;
	v1 =	vld [tilespmem:s0+$0x7870];
	v7 =	vshrl.u32 v7, $0x10;
	v8 =	vadd.s32 $0x8000, v11  }
0x191: {  	v8 =	vshrl.u32 v8, $0x10;
	v6 =	vadd.s32 $0x8000, v6;
	v9 =	vld [tilespmem:s0+$0x5400]  }
0x192: {  	v5 =	vadd.s32 $0x8000, v5;
	v6 =	vshrl.u32 v6, $0x10;
	v10 =	vld [tilespmem:s0+$0x5410]  }
0x193: {  	v5 =	vand.u32 $0xFFFF0000, v5;
	v3 =	vadd.s32 $0x8000, v3;
	v11 =	vld [tilespmem:s0+$0x5420]  }
0x194: {  	v4 =	vor.u32 v4, v5;
	v3 =	vand.u32 $0xFFFF0000, v3;
	v2 =	vadd.s32 $0x8000, v2;
	v5 =	vld [tilespmem:s0+$0x5430]  }
0x195: {  	[tilespmem:s0+$0xA040] =	vst v4;
	v3 =	vor.u32 v7, v3;
	v2 =	vand.u32 $0xFFFF0000, v2;
	v1 =	vadd.s32 $0x8000, v1;
	v4 =	vld [tilespmem:s0+$0x7C00]  }
0x196: {  	[tilespmem:s0+$0xA050] =	vst v3;
	v2 =	vor.u32 v8, v2;
	v1 =	vand.u32 $0xFFFF0000, v1;
	v3 =	vld [tilespmem:s0+$0x7C10];
	v7 =	vadd.s32 $0x8000, v9  }
0x197: {  	[tilespmem:s0+$0xA060] =	vst v2;
	v1 =	vor.u32 v6, v1;
	v2 =	vld [tilespmem:s0+$0x7C20];
	v6 =	vshrl.u32 v7, $0x10;
	v7 =	vadd.s32 $0x8000, v10  }
0x198: {  	[tilespmem:s0+$0xA070] =	vst v1;
	v1 =	vld [tilespmem:s0+$0x7C30];
	v7 =	vshrl.u32 v7, $0x10;
	v8 =	vadd.s32 $0x8000, v11  }
0x199: {  	v8 =	vshrl.u32 v8, $0x10;
	v5 =	vadd.s32 $0x8000, v5;
	v9 =	vld [tilespmem:s0+$0x5440]  }
0x19a: {  	v4 =	vadd.s32 $0x8000, v4;
	v5 =	vshrl.u32 v5, $0x10;
	v10 =	vld [tilespmem:s0+$0x5450]  }
0x19b: {  	v4 =	vand.u32 $0xFFFF0000, v4;
	v3 =	vadd.s32 $0x8000, v3;
	v11 =	vld [tilespmem:s0+$0x5460]  }
0x19c: {  	v4 =	vor.u32 v6, v4;
	v3 =	vand.u32 $0xFFFF0000, v3;
	v2 =	vadd.s32 $0x8000, v2;
	v6 =	vld [tilespmem:s0+$0x5470]  }
0x19d: {  	[tilespmem:s0+$0xA400] =	vst v4;
	v3 =	vor.u32 v7, v3;
	v2 =	vand.u32 $0xFFFF0000, v2;
	v1 =	vadd.s32 $0x8000, v1;
	v4 =	vld [tilespmem:s0+$0x7C40]  }
0x19e: {  	[tilespmem:s0+$0xA410] =	vst v3;
	v2 =	vor.u32 v8, v2;
	v1 =	vand.u32 $0xFFFF0000, v1;
	v3 =	vld [tilespmem:s0+$0x7C50];
	v7 =	vadd.s32 $0x8000, v9  }
0x19f: {  	[tilespmem:s0+$0xA420] =	vst v2;
	v1 =	vor.u32 v5, v1;
	v2 =	vld [tilespmem:s0+$0x7C60];
	v5 =	vshrl.u32 v7, $0x10;
	v7 =	vadd.s32 $0x8000, v10  }
0x1a0: {  	[tilespmem:s0+$0xA430] =	vst v1;
	v1 =	vld [tilespmem:s0+$0x7C70];
	v7 =	vshrl.u32 v7, $0x10;
	v8 =	vadd.s32 $0x8000, v11  }
0x1a1: {  	v8 =	vshrl.u32 v8, $0x10;
	v6 =	vadd.s32 $0x8000, v6;
	v9 =	vld [tilespmem:s0+$0x5800]  }
0x1a2: {  	v4 =	vadd.s32 $0x8000, v4;
	v6 =	vshrl.u32 v6, $0x10;
	v10 =	vld [tilespmem:s0+$0x5810]  }
0x1a3: {  	v4 =	vand.u32 $0xFFFF0000, v4;
	v3 =	vadd.s32 $0x8000, v3;
	v11 =	vld [tilespmem:s0+$0x5820]  }
0x1a4: {  	v4 =	vor.u32 v5, v4;
	v3 =	vand.u32 $0xFFFF0000, v3;
	v2 =	vadd.s32 $0x8000, v2;
	v5 =	vld [tilespmem:s0+$0x5830]  }
0x1a5: {  	[tilespmem:s0+$0xA440] =	vst v4;
	v3 =	vor.u32 v7, v3;
	v2 =	vand.u32 $0xFFFF0000, v2;
	v1 =	vadd.s32 $0x8000, v1;
	v4 =	vld [tilespmem:s0+$0x8000]  }
0x1a6: {  	[tilespmem:s0+$0xA450] =	vst v3;
	v2 =	vor.u32 v8, v2;
	v1 =	vand.u32 $0xFFFF0000, v1;
	v3 =	vld [tilespmem:s0+$0x8010];
	v7 =	vadd.s32 $0x8000, v9  }
0x1a7: {  	[tilespmem:s0+$0xA460] =	vst v2;
	v1 =	vor.u32 v6, v1;
	v2 =	vld [tilespmem:s0+$0x8020];
	v6 =	vshrl.u32 v7, $0x10;
	v7 =	vadd.s32 $0x8000, v10  }
0x1a8: {  	[tilespmem:s0+$0xA470] =	vst v1;
	v1 =	vld [tilespmem:s0+$0x8030];
	v7 =	vshrl.u32 v7, $0x10;
	v8 =	vadd.s32 $0x8000, v11  }
0x1a9: {  	v8 =	vshrl.u32 v8, $0x10;
	v5 =	vadd.s32 $0x8000, v5;
	v9 =	vld [tilespmem:s0+$0x5840]  }
0x1aa: {  	v4 =	vadd.s32 $0x8000, v4;
	v5 =	vshrl.u32 v5, $0x10;
	v10 =	vld [tilespmem:s0+$0x5850]  }
0x1ab: {  	v4 =	vand.u32 $0xFFFF0000, v4;
	v3 =	vadd.s32 $0x8000, v3;
	v11 =	vld [tilespmem:s0+$0x5860]  }
0x1ac: {  	v4 =	vor.u32 v6, v4;
	v3 =	vand.u32 $0xFFFF0000, v3;
	v2 =	vadd.s32 $0x8000, v2;
	v6 =	vld [tilespmem:s0+$0x5870]  }
0x1ad: {  	[tilespmem:s0+$0xA800] =	vst v4;
	v3 =	vor.u32 v7, v3;
	v2 =	vand.u32 $0xFFFF0000, v2;
	v1 =	vadd.s32 $0x8000, v1;
	v4 =	vld [tilespmem:s0+$0x8040]  }
0x1ae: {  	[tilespmem:s0+$0xA810] =	vst v3;
	v2 =	vor.u32 v8, v2;
	v1 =	vand.u32 $0xFFFF0000, v1;
	v3 =	vld [tilespmem:s0+$0x8050];
	v7 =	vadd.s32 $0x8000, v9  }
0x1af: {  	[tilespmem:s0+$0xA820] =	vst v2;
	v1 =	vor.u32 v5, v1;
	v2 =	vld [tilespmem:s0+$0x8060];
	v5 =	vshrl.u32 v7, $0x10;
	v7 =	vadd.s32 $0x8000, v10  }
0x1b0: {  	[tilespmem:s0+$0xA830] =	vst v1;
	v1 =	vld [tilespmem:s0+$0x8070];
	v7 =	vshrl.u32 v7, $0x10;
	v8 =	vadd.s32 $0x8000, v11  }
0x1b1: {  	v8 =	vshrl.u32 v8, $0x10;
	v6 =	vadd.s32 $0x8000, v6;
	v9 =	vld [tilespmem:s0+$0x5C00]  }
0x1b2: {  	v4 =	vadd.s32 $0x8000, v4;
	v6 =	vshrl.u32 v6, $0x10;
	v10 =	vld [tilespmem:s0+$0x5C10]  }
0x1b3: {  	v4 =	vand.u32 $0xFFFF0000, v4;
	v3 =	vadd.s32 $0x8000, v3;
	v11 =	vld [tilespmem:s0+$0x5C20]  }
0x1b4: {  	v4 =	vor.u32 v5, v4;
	v3 =	vand.u32 $0xFFFF0000, v3;
	v2 =	vadd.s32 $0x8000, v2;
	v5 =	vld [tilespmem:s0+$0x5C30]  }
0x1b5: {  	[tilespmem:s0+$0xA840] =	vst v4;
	v3 =	vor.u32 v7, v3;
	v2 =	vand.u32 $0xFFFF0000, v2;
	v1 =	vadd.s32 $0x8000, v1;
	v7 =	vld [tilespmem:s0+$0x8400]  }
0x1b6: {  	[tilespmem:s0+$0xA850] =	vst v3;
	v2 =	vor.u32 v8, v2;
	v1 =	vand.u32 $0xFFFF0000, v1;
	v12 =	vld [tilespmem:s0+$0x8410];
	v3 =	vadd.s32 $0x8000, v9  }
0x1b7: {  	[tilespmem:s0+$0xA860] =	vst v2;
	v1 =	vor.u32 v6, v1;
	v9 =	vld [tilespmem:s0+$0x8420];
	v13 =	vshrl.u32 v3, $0x10;
	v2 =	vadd.s32 $0x8000, v10  }
.Ltmp7:
0x1b8: {  	[tilespmem:s0+$0xA870] =	vst v1;
	v4 =	vld [tilespmem:s0+$0x8430];
	v8 =	vshrl.u32 v2, $0x10;
	v1 =	vadd.s32 $0x8000, v11;
	(pc) =	sbr.rel @p1 .LBB2_8-.Ltmp7, $4  }
0x1b9: {  	v6 =	vshrl.u32 v1, $0x10;
	v1 =	vadd.s32 $0x8000, v5;
	v3 =	vld [tilespmem:s0+$0x5C40]  }
0x1ba: {  	v7 =	vadd.s32 $0x8000, v7;
	v5 =	vshrl.u32 v1, $0x10;
	v2 =	vld [tilespmem:s0+$0x5C50]  }
0x1bb: {  	s23 =	sshrl.u32 s2, $0x3;
	v7 =	vand.u32 $0xFFFF0000, v7;
	v11 =	vadd.s32 $0x8000, v12;
	v1 =	vld [tilespmem:s0+$0x5C60]  }
0x1bc: {  	s22 =	sadd.s32 $0x80, s22;
	s2 =	sadd.s32 $0x1, s2;
	s23 =	smul.u32 $0x1400, s23;
	v10 =	vor.u32 v13, v7;
	v11 =	vand.u32 $0xFFFF0000, v11;
	v9 =	vadd.s32 $0x8000, v9;
	v7 =	vld [tilespmem:s0+$0x8440]  }
0x1bd: {  	[tilespmem:s0+$0xAC00] =	vst v10;
	v8 =	vor.u32 v8, v11  }
0x1be: {  	v10 =	vld [tilespmem:s0+$0x8450];
	s2 =	sand.u32 $0x380, s22;
	v4 =	vadd.s32 $0x8000, v4;
	[tilespmem:s0+$0xAC10] =	vst v8;
	v8 =	vand.u32 $0xFFFF0000, v9  }
0x1bf: {  	s2 =	sor.u32 s2, s23;
	v9 =	vld [tilespmem:s0+$0x8460];
	v4 =	vand.u32 $0xFFFF0000, v4;
	v6 =	vor.u32 v6, v8  }
0x1c0: {  	v8 =	vld [tilespmem:s2+$0x5C70];
	v4 =	vor.u32 v5, v4;
	[tilespmem:s0+$0xAC20] =	vst v6  }
0x1c1: {  	v5 =	vld [tilespmem:s2+$0x8470];
	[tilespmem:s0+$0xAC30] =	vst v4  }
0x1c2: {  	v3 =	vadd.s32 $0x8000, v3;
	v6 =	vadd.s32 $0x8000, v7;
	v4 =	vld [tilespmem:s2+$0x5000]  }
0x1c3: {  	v3 =	vshrl.u32 v3, $0x10;
	v2 =	vadd.s32 $0x8000, v2;
	v7 =	vld [tilespmem:s2+$0x5010];
	v6 =	vand.u32 $0xFFFF0000, v6  }
0x1c4: {  	v2 =	vshrl.u32 v2, $0x10;
	v11 =	vld [tilespmem:s2+$0x5020];
	v10 =	vadd.s32 $0x8000, v10;
	v3 =	vor.u32 v3, v6  }
0x1c5: {  	v1 =	vadd.s32 $0x8000, v1;
	v6 =	vld [tilespmem:s2+$0x5030];
	v10 =	vand.u32 $0xFFFF0000, v10;
	[tilespmem:s0+$0xAC40] =	vst v3;
	v3 =	vadd.s32 $0x8000, v9  }
0x1c6: {  	v1 =	vshrl.u32 v1, $0x10;
	v2 =	vor.u32 v2, v10;
	v3 =	vand.u32 $0xFFFF0000, v3  }
0x1c7: {  	v9 =	vld [tilespmem:s2+$0x7800];
	[tilespmem:s0+$0xAC50] =	vst v2;
	v1 =	vor.u32 v1, v3  }
0x1c8: {  	v2 =	vld [tilespmem:s2+$0x7810];
	[tilespmem:s0+$0xAC60] =	vst v1  }
0x1c9: {  	v1 =	vld [tilespmem:s2+$0x7820]  }
0x1ca: {  	v3 =	vld [tilespmem:s2+$0x7830]  }
0x1cb: {  	v13 =	vld [tilespmem:s2+$0x5060]  }
0x1cc: {  	v14 =	vld [tilespmem:s2+$0x5070]  }
0x1cd: {  	v15 =	vld [tilespmem:s2+$0x7840]  }
0x1ce: {  	v16 =	vld [tilespmem:s2+$0x7850]  }
0x1cf: {  	v17 =	vld [tilespmem:s2+$0x7860]  }
0x1d0: {  	v8 =	vadd.s32 $0x8000, v8;
	v5 =	vadd.s32 $0x8000, v5;
	v18 =	vld [tilespmem:s2+$0x7870]  }
0x1d1: {  	v8 =	vshrl.u32 v8, $0x10;
	v5 =	vand.u32 $0xFFFF0000, v5;
	v19 =	vld [tilespmem:s2+$0x5400]  }
0x1d2: {  	v5 =	vor.u32 v8, v5;
	v8 =	vadd.s32 $0x8000, v11;
	v11 =	vld [tilespmem:s2+$0x5410]  }
0x1d3: {  	v20 =	vld [tilespmem:s2+$0x5420]  }
0x1d4: {  	v21 =	vld [tilespmem:s2+$0x5430]  }
0x1d5: {  	v22 =	vld [tilespmem:s2+$0x5440]  }
0x1d6: {  	v23 =	vld [tilespmem:s2+$0x5450]  }
0x1d7: {  	v24 =	vld [tilespmem:s2+$0x5460]  }
0x1d8: {  	v46 =	vld [tilespmem:s2+$0x7C50]  }
0x1d9: {  	v48 =	vld [tilespmem:s2+$0x7C60]  }
0x1da: {  	v4 =	vadd.s32 $0x8000, v4;
	v7 =	vadd.s32 $0x8000, v7;
	v25 =	vld [tilespmem:s2+$0x7C70]  }
0x1db: {  	v4 =	vshrl.u32 v4, $0x10;
	v7 =	vshrl.u32 v7, $0x10;
	v26 =	vld [tilespmem:s2+$0x5800]  }
0x1dc: {  	v6 =	vadd.s32 $0x8000, v6;
	v27 =	vld [tilespmem:s2+$0x5820];
	v8 =	vshrl.u32 v8, $0x10;
	v9 =	vadd.s32 $0x8000, v9  }
0x1dd: {  	v53 =	vld [tilespmem:s2+$0x8000];
	v6 =	vshrl.u32 v6, $0x10;
	v9 =	vand.u32 $0xFFFF0000, v9;
	v2 =	vadd.s32 $0x8000, v2  }
0x1de: {  	v55 =	vld [tilespmem:s2+$0x8010];
	v4 =	vor.u32 v4, v9;
	v2 =	vand.u32 $0xFFFF0000, v2;
	v1 =	vadd.s32 $0x8000, v1  }
0x1df: {  	v28 =	vld [tilespmem:s2+$0x8020];
	v2 =	vor.u32 v7, v2;
	v3 =	vadd.s32 $0x8000, v3;
	v13 =	vadd.s32 $0x8000, v13  }
0x1e0: {  	v29 =	vld [tilespmem:s2+$0x8030];
	v14 =	vadd.s32 $0x8000, v14;
	v15 =	vadd.s32 $0x8000, v15;
	v16 =	vadd.s32 $0x8000, v16  }
0x1e1: {  	v60 =	vld [tilespmem:s2+$0x5860];
	v17 =	vadd.s32 $0x8000, v17;
	v43 =	vadd.s32 $0x8000, v18;
	v45 =	vadd.s32 $0x8000, v19  }
0x1e2: {  	v34 =	vld [tilespmem:s2+$0x8070];
	v11 =	vadd.s32 $0x8000, v11;
	v20 =	vadd.s32 $0x8000, v20;
	v21 =	vadd.s32 $0x8000, v21  }
0x1e3: {  	v51 =	vadd.s32 $0x8000, v22;
	v52 =	vadd.s32 $0x8000, v23;
	v54 =	vadd.s32 $0x8000, v24  }
0x1e4: {  	v10 =	vld [tilespmem:s2+$0x5040];
	v19 =	vadd.s32 $0x8000, v46;
	v18 =	vadd.s32 $0x8000, v48;
	v57 =	vadd.s32 $0x8000, v25  }
0x1e5: {  	v12 =	vld [tilespmem:s2+$0x5050];
	v59 =	vadd.s32 $0x8000, v26;
	v27 =	vadd.s32 $0x8000, v27;
	v22 =	vadd.s32 $0x8000, v53  }
0x1e6: {  	v42 =	vld [tilespmem:s2+$0x5470];
	v24 =	vadd.s32 $0x8000, v55;
	v32 =	vadd.s32 $0x8000, v28;
	v33 =	vadd.s32 $0x8000, v29  }
0x1e7: {  	v44 =	vld [tilespmem:s2+$0x7C40];
	v38 =	vadd.s32 $0x8000, v60;
	v46 =	vadd.s32 $0x8000, v34;
	v1 =	vand.u32 $0xFFFF0000, v1  }
0x1e8: {  	v39 =	vld [tilespmem:s2+$0x7C30];
	v3 =	vand.u32 $0xFFFF0000, v3;
	v13 =	vshrl.u32 v13, $0x10;
	v14 =	vshrl.u32 v14, $0x10  }
0x1e9: {  	v31 =	vld [tilespmem:s2+$0x8050];
	v15 =	vand.u32 $0xFFFF0000, v15;
	v40 =	vand.u32 $0xFFFF0000, v16;
	v41 =	vand.u32 $0xFFFF0000, v17  }
0x1ea: {  	v63 =	vld [tilespmem:s2+$0x8060];
	v47 =	vshrl.u32 v45, $0x10;
	v11 =	vshrl.u32 v11, $0x10;
	v20 =	vshrl.u32 v20, $0x10  }
0x1eb: {  	v49 =	vld [tilespmem:s2+$0x5810];
	v21 =	vshrl.u32 v21, $0x10;
	v23 =	vshrl.u32 v54, $0x10;
	v17 =	vadd.s32 $0x8000, v42  }
0x1ec: {  	v62 =	vld [tilespmem:s2+$0x5870];
	v16 =	vadd.s32 $0x8000, v44;
	v19 =	vand.u32 $0xFFFF0000, v19;
	v18 =	vand.u32 $0xFFFF0000, v18  }
0x1ed: {  	v30 =	vld [tilespmem:s2+$0x8040];
	v61 =	vshrl.u32 v59, $0x10;
	v27 =	vshrl.u32 v27, $0x10;
	v22 =	vand.u32 $0xFFFF0000, v22  }
0x1ee: {  	[tilespmem:s2+$0xAC70] =	vst v5;
	v9 =	vld [tilespmem:s2+$0x7C00];
	v5 =	vand.u32 $0xFFFF0000, v24;
	v35 =	vand.u32 $0xFFFF0000, v33;
	v42 =	vadd.s32 $0x8000, v31  }
0x1ef: {  	v7 =	vld [tilespmem:s2+$0x7C10];
	v44 =	vadd.s32 $0x8000, v63;
	v1 =	vor.u32 v8, v1;
	v8 =	vadd.s32 $0x8000, v10  }
0x1f0: {  	v48 =	vld [tilespmem:s2+$0x8430];
	v3 =	vor.u32 v6, v3;
	v13 =	vor.u32 v13, v41;
	v17 =	vshrl.u32 v17, $0x10  }
0x1f1: {  	v55 =	vld [tilespmem:s2+$0x8450];
	v16 =	vand.u32 $0xFFFF0000, v16;
	v6 =	vshrl.u32 v8, $0x10;
	v8 =	vadd.s32 $0x8000, v12  }
0x1f2: {  	v18 =	vor.u32 v23, v18;
	v12 =	vadd.s32 $0x8000, v39;
	v8 =	vshrl.u32 v8, $0x10  }
0x1f3: {  	v6 =	vor.u32 v6, v15;
	v15 =	vand.u32 $0xFFFF0000, v43;
	v9 =	vadd.s32 $0x8000, v9  }
0x1f4: {  	v10 =	vld [tilespmem:s2+$0x7C20];
	v8 =	vor.u32 v8, v40;
	v14 =	vor.u32 v14, v15;
	v9 =	vand.u32 $0xFFFF0000, v9  }
0x1f5: {  	v50 =	vld [tilespmem:s2+$0x5830];
	[tilespmem:s2+$0xA060] =	vst v13;
	v7 =	vadd.s32 $0x8000, v7;
	v15 =	vadd.s32 $0x8000, v49;
	v40 =	vadd.s32 $0x8000, v30  }
0x1f6: {  	s24 =	simm.s32 $0x2;
	v36 =	vld [tilespmem:s2+$0x5C00];
	[tilespmem:s2+$0xA040] =	vst v6;
	v6 =	vadd.s32 $0x8000, v62;
	v13 =	vadd.s32 $0x8000, v48;
	v59 =	vadd.s32 $0x8000, v55  }
0x1f7: {  	v62 =	vmov s24;
	v9 =	vor.u32 v47, v9;
	v7 =	vand.u32 $0xFFFF0000, v7  }
0x1f8: {  	v56 =	vld [tilespmem:s2+$0x5840];
	v15 =	vshrl.u32 v15, $0x10;
	[tilespmem:s2+$0xA050] =	vst v8;
	v8 =	vand.u32 $0xFFFF0000, v42;
	v6 =	vshrl.u32 v6, $0x10  }
0x1f9: {  	v39 =	vld [tilespmem:s2+$0x5C20];
	v13 =	vand.u32 $0xFFFF0000, v13;
	v60 =	vand.u32 $0xFFFF0000, v59;
	v10 =	vadd.s32 $0x8000, v10  }
0x1fa: {  	v58 =	vld [tilespmem:s2+$0x5850];
	[tilespmem:s2+$0xA000] =	vst v4;
	v7 =	vor.u32 v11, v7;
	v11 =	vand.u32 $0xFFFF0000, v12;
	v12 =	vadd.s32 $0x8000, v50  }
0x1fb: {  	v53 =	vld [tilespmem:s2+$0x5C60];
	v4 =	vor.u32 v15, v5;
	v5 =	vand.u32 $0xFFFF0000, v32;
	[tilespmem:s2+$0xA400] =	vst v9;
	v9 =	vadd.s32 $0x8000, v36  }
0x1fc: {  	v43 =	vld [tilespmem:s2+$0x8400];
	v10 =	vand.u32 $0xFFFF0000, v10;
	v11 =	vor.u32 v21, v11;
	v21 =	vshrl.u32 v52, $0x10  }
0x1fd: {  	[tilespmem:s2+$0xA010] =	vst v2;
	v12 =	vshrl.u32 v12, $0x10;
	v2 =	vor.u32 v27, v5;
	v5 =	vadd.s32 $0x8000, v56  }
0x1fe: {  	[tilespmem:s2+$0xA410] =	vst v7;
	v7 =	vshrl.u32 v9, $0x10;
	v9 =	vadd.s32 $0x8000, v39;
	v10 =	vor.u32 v20, v10  }
0x1ff: {  	v41 =	vld [tilespmem:s2+$0x5C30];
	v20 =	vshrl.u32 v51, $0x10;
	v19 =	vor.u32 v21, v19;
	v21 =	vand.u32 $0xFFFF0000, v57  }
0x200: {  	v37 =	vld [tilespmem:s2+$0x5C10];
	[tilespmem:s2+$0xA020] =	vst v1;
	v12 =	vor.u32 v12, v35;
	v1 =	vshrl.u32 v5, $0x10;
	v5 =	vadd.s32 $0x8000, v58  }
0x201: {  	v45 =	vld [tilespmem:s2+$0x8410];
	v9 =	vshrl.u32 v9, $0x10;
	v51 =	vadd.s32 $0x8000, v43;
	v58 =	vadd.s32 $0x8000, v53  }
0x202: {  	[tilespmem:s2+$0xA030] =	vst v3;
	v16 =	vor.u32 v20, v16;
	v17 =	vor.u32 v17, v21;
	v21 =	vor.u32 v61, v22  }
0x203: {  	[tilespmem:s2+$0xA460] =	vst v18;
	v49 =	vld [tilespmem:s2+$0x5C40];
	v3 =	vshrl.u32 v5, $0x10;
	v5 =	vshrl.u32 v38, $0x10;
	v20 =	vand.u32 $0xFFFF0000, v40  }
0x204: {  	v47 =	vld [tilespmem:s2+$0x8420];
	[tilespmem:s2+$0xA420] =	vst v10;
	v10 =	vadd.s32 $0x8000, v41;
	v3 =	vor.u32 v3, v8;
	v8 =	vand.u32 $0xFFFF0000, v44  }
0x205: {  	[tilespmem:s2+$0xA430] =	vst v11;
	v11 =	vand.u32 $0xFFFF0000, v51;
	v5 =	vor.u32 v5, v8;
	v8 =	vand.u32 $0xFFFF0000, v46  }
0x206: {  	[tilespmem:s2+$0xA070] =	vst v14;
	v50 =	vld [tilespmem:s2+$0x8440];
	v22 =	vadd.s32 $0x8000, v45;
	v6 =	vor.u32 v6, v8;
	v8 =	vadd.s32 $0x8000, v37  }
0x207: {  	v52 =	vld [tilespmem:s2+$0x5C50];
	[tilespmem:s2+$0xA810] =	vst v4;
	v7 =	vor.u32 v7, v11;
	v11 =	vand.u32 $0xFFFF0000, v22;
	v8 =	vshrl.u32 v8, $0x10  }
0x208: {  	s23 =	simm.s32 $0x3;
	[tilespmem:s2+$0xA820] =	vst v2;
	v14 =	vadd.s32 $0x8000, v49;
	v2 =	vshrl.u32 v58, $0x10;
	v8 =	vor.u32 v8, v11;
	v11 =	vld [tilespmem:s2+$0x8460]  }
0x209: {  	[tilespmem:s2+$0xA450] =	vst v19;
	v61 =	vmov s23;
	v1 =	vor.u32 v1, v20;
	v20 =	vadd.s32 $0x8000, v47  }
0x20a: {  	[tilespmem:s2+$0xA830] =	vst v12;
	v10 =	vshrl.u32 v10, $0x10;
	v14 =	vshrl.u32 v14, $0x10;
	v54 =	vand.u32 $0xFFFF0000, v20  }
0x20b: {  	v15 =	vadd.s32 $0x8000, v50;
	v10 =	vor.u32 v10, v13;
	[tilespmem:s2+$0xA850] =	vst v3;
	v3 =	vmov s30  }
0x20c: {  	s31 =	simm.s32 $0x1;
	[tilespmem:s2+$0xAC00] =	vst v7;
	v9 =	vor.u32 v9, v54;
	v15 =	vand.u32 $0xFFFF0000, v15;
	v57 =	vadd.s32 $0x8000, v52  }
0x20d: {  	[tilespmem:s2+$0xA860] =	vst v5;
	v5 =	vmov s31;
	v7 =	vshll.u32 v3, $0x3;
	v11 =	vadd.s32 $0x8000, v11  }
0x20e: {  	[tilespmem:s2+$0xA440] =	vst v16;
	v3 =	vand.u32 $0x7C, v3;
	v56 =	vor.u32 v14, v15;
	v11 =	vand.u32 $0xFFFF0000, v11  }
0x20f: {  	[tilespmem:s2+$0xA840] =	vst v1;
	v4 =	vshrl.u32 v57, $0x10;
	v1 =	vor.u32 v2, v11;
	v2 =	vshll.u32 v61, $0x3  }
0x210: {  	[tilespmem:s2+$0xA870] =	vst v6;
	v6 =	vand.u32 $0x7E, v62;
	v11 =	vand.u32 $0x7F, v61;
	v2 =	vand.u32 $0xC00, v2  }
0x211: {  	[tilespmem:s2+$0xA470] =	vst v17;
	v7 =	vand.u32 $0xC00, v7;
	v2 =	vor.u32 v11, v2;
	v11 =	vshll.u32 v62, $0x3  }
0x212: {  	[tilespmem:s2+$0xA800] =	vst v21;
	s31 =	simm.s32 $0x6;
	v4 =	vor.u32 v4, v60;
	v3 =	vor.u32 v3, v7;
	v11 =	vand.u32 $0xC00, v11  }
0x213: {  	[tilespmem:s2+$0xAC50] =	vst v4;
	v4 =	vmov s31;
	v6 =	vor.u32 v6, v11;
	v11 =	vshll.u32 v5, $0x3  }
0x214: {  	s23 =	simm.s32 $0x7;
	[tilespmem:s2+$0xAC10] =	vst v8;
	v2 =	vadd.s32 v0, v2;
	v5 =	vand.u32 $0x7D, v5;
	v8 =	vand.u32 $0xC00, v11  }
0x215: {  	[tilespmem:s2+$0xAC30] =	vst v10;
	v6 =	vadd.s32 v0, v6;
	v5 =	vor.u32 v5, v8;
	v8 =	vmov s23  }
0x216: {  	[tilespmem:s2+$0xAC20] =	vst v9;
	v9 =	vadd.s32 v0, v3;
	v63 =	vshll.u32 v4, $0x3;
	v7 =	vshll.u32 v8, $0x3  }
0x217: {  	s24 =	simm.s32 $0x4;
	[tilespmem:s2+$0xAC40] =	vst v56;
	v3 =	vand.u32 $0x7F, v8;
	v5 =	vadd.s32 v0, v5;
	v7 =	vand.u32 $0xC00, v7  }
0x218: {  	s30 =	simm.s32 $0x5;
	v10 =	vmov s24;
	v12 =	vand.u32 $0xC00, v63;
	[tilespmem:s2+$0xAC60] =	vst v1;
	v3 =	vor.u32 v3, v7  }
0x219: {  	v8 =	vshll.u32 v10, $0x3;
	v7 =	vmov s30;
	v1 =	vadd.s32 v0, v3;
	v3 =	vld.idx.msk [tilespmem:v2+s18+$0x0], $0xffff  }
0x21a: {  	v8 =	vand.u32 $0xC00, v8;
	v11 =	vshll.u32 v7, $0x3;
	v2 =	vld.idx.msk [tilespmem:v6+s18+$0x0], $0xffff;
	v6 =	vand.u32 $0x7E, v4  }
0x21b: {  	v4 =	vld.idx.msk [tilespmem:v9+s18+$0x0], $0xffff;
	v7 =	vand.u32 $0x7D, v7;
	v11 =	vand.u32 $0xC00, v11;
	v12 =	vor.u32 v6, v12  }
0x21c: {  	s22 =	simm.s32 $0x8;
	s0 =	simm.s32 $0xE820;
	s2 =	simm.s32 $0xE820;
	v9 =	vand.u32 $0x7C, v10;
	v6 =	vld.idx.msk [tilespmem:v5+s18+$0x0], $0xffff;
	v7 =	vor.u32 v7, v11;
	v5 =	vadd.s32 v0, v12  }
.LBB2_10:
0x21d: {  	s23 =	sadd.s32 $0x3, s22  }
0x21e: {  	v8 =	vor.u32 v9, v8;
	[tilespmem:s0+$0x10] =	vst v3;
	s2 =	sadd.s32 $0x40, s2;
	s24 =	smov.u32 s22;
	s30 =	sadd.s32 $0x4, s22  }
0x21f: {  	p1 =	sne.s32 s22, $0x1FC;
	v7 =	vadd.s32 v0, v7;
	v3 =	vmov s23;
	v8 =	vadd.s32 v0, v8;
	[tilespmem:s0+$0x0] =	vst v2  }
0x220: {  	v2 =	vshll.u32 v3, $0x3;
	[tilespmem:s0+$0xFFFFFFE0] =	vst v4  }
0x221: {  	v3 =	vand.u32 $0x7F, v3;
	v2 =	vand.u32 $0xC00, v2;
	[tilespmem:s0+$0xFFFFFFF0] =	vst v6;
	s0 =	smov.u32 s2  }
0x222: {  	v9 =	vmov s24;
	s22 =	sadd.s32 $0x1, s24;
	s23 =	sadd.s32 $0x2, s24;
	v2 =	vor.u32 v3, v2;
	v3 =	vld.idx.msk [tilespmem:v1+s18+$0x0], $0xffff  }
.Ltmp8:
0x223: {  	v10 =	vmov s22;
	v6 =	vmov s23;
	v1 =	vadd.s32 v0, v2;
	v2 =	vld.idx.msk [tilespmem:v5+s18+$0x0], $0xffff;
	(pc) =	sbr.rel @p1 .LBB2_10-.Ltmp8, $4  }
0x224: {  	v11 =	vshll.u32 v10, $0x3;
	v12 =	vshll.u32 v6, $0x3;
	v5 =	vshll.u32 v9, $0x3;
	v4 =	vld.idx.msk [tilespmem:v8+s18+$0x0], $0xffff  }
0x225: {  	v11 =	vand.u32 $0xC00, v11;
	v13 =	vand.u32 $0x7E, v6;
	v12 =	vand.u32 $0xC00, v12;
	v6 =	vld.idx.msk [tilespmem:v7+s18+$0x0], $0xffff  }
0x226: {  	v8 =	vand.u32 $0xC00, v5;
	v5 =	vand.u32 $0x7D, v10;
	v10 =	vor.u32 v13, v12  }
0x227: {  	s22 =	smov.u32 s30;
	v9 =	vand.u32 $0x7C, v9;
	v7 =	vor.u32 v5, v11;
	v5 =	vadd.s32 v0, v10  }
0x228: {  	[tilespmem:s0+$0x10] =	vst v3  }
0x229: {  	v8 =	vor.u32 v9, v8;
	[tilespmem:s0+$0x0] =	vst v2;
	v2 =	vadd.s32 v0, v7  }
0x22a: {  	v3 =	vadd.s32 v0, v8;
	[tilespmem:s0+$0xFFFFFFE0] =	vst v4  }
0x22b: {  	[tilespmem:s0+$0xFFFFFFF0] =	vst v6  }
0x22c: {  	v1 =	vld.idx.msk [tilespmem:v1+s18+$0x0], $0xffff  }
0x22d: {  	v4 =	vld.idx.msk [tilespmem:v5+s18+$0x0], $0xffff  }
0x22e: {  	v2 =	vld.idx.msk [tilespmem:v2+s18+$0x0], $0xffff  }
0x22f: {  	v3 =	vld.idx.msk [tilespmem:v3+s18+$0x0], $0xffff  }
0x230: {  	s24 =	sadd.s32 $0x40, s2  }
.Ltmp9:
0x231: {  	[tilespmem:s24+$0x10] =	vst v1;
	(pc) =	sbr.rel .LBB2_12-.Ltmp9, $4  }
0x232: {  	[tilespmem:s24+$0x0] =	vst v4  }
0x233: {  	s30 =	sshll.u32 s29, $0xA;
	[tilespmem:s24+$0xFFFFFFF0] =	vst v2  }
0x234: {  	s31 =	sadd.s32 s5, s30;
	[tilespmem:s24+$0xFFFFFFE0] =	vst v3  }
0x235: {  	[hbm4b:s31+s3] =	stream.linear.scatter [tilespmem:s20], [sflag:$0x2], $0x2000, $0x38;
	[tilespmem:$0x11800] =	vst v63  }
.LBB2_13:
0x236: {  	_ =	swait.ge [sflag:s21], $0x2000  }
.Ltmp10:
0x237: {  	[sflag:s21] =	ssyncset.done $0x0;
	(pc) =	sbr.rel @p0 .LBB2_19-.Ltmp10, $4  }
0x238: {  	[sflag:s21] =	ssyncadd.s32 $0xFFFFE000  }
0x239: {  	_ =	swait.ge [sflag:s21], $0x2000  }
0x23a: {  	[sflag:s21] =	ssyncset.done $0x0  }
0x23b: {  	[sflag:s21] =	ssyncadd.s32 $0xFFFFE000  }
0x23c: {  	s0 =	simm.s32 $0x400;
	s2 =	simm.s32 $0x7A1400;
	s22 =	simm.s32 $0x10800  }
0x23d: {  	[tilespmem:s22], [sflag:$0x3] =	stream.strided.gather [hbm4b:s8+s0], $0x1000, s2, s0, $0x38;
	[tilespmem:$0x11800] =	vst v63  }
0x23e: {  	_ =	swait.ge [sflag:s25], $0x1000  }
0x23f: {  	[sflag:s25] =	ssyncset.done $0x0  }
0x240: {  	s0 =	simm.s32 $0x11000;
	[sflag:s25] =	ssyncadd.s32 $0xFFFFF000  }
0x241: {  	v1 =	vld [tilespmem:s0+$0xFFFFF820]  }
0x242: {  	v2 =	vld [tilespmem:s0+$0x0]  }
0x243: {  	v3 =	vld [tilespmem:s0+$0x30]  }
0x244: {  	v4 =	vld [tilespmem:s0+$0xFFFFF800]  }
0x245: {  	v5 =	vld [tilespmem:s0+$0x20]  }
0x246: {  	v6 =	vld [tilespmem:s0+$0xFFFFF830]  }
0x247: {  	v8 =	vld [tilespmem:s0+$0xFFFFF810]  }
0x248: {  	v7 =	vld [tilespmem:s0+$0x10];
	_ =	sdelay $0x1  }
0x249: {  	s30 =	simm.s32 $0x0;
	v2 =	vadd.s32 $0x8000, v2  }
0x24a: {  	s31 =	smul.u32 $0x5000, s30;
	v3 =	vadd.s32 $0x8000, v3;
	v4 =	vadd.s32 $0x8000, v4;
	v1 =	vadd.s32 $0x8000, v1  }
0x24b: {  	s2 =	simm.s32 $0x0;
	v5 =	vadd.s32 $0x8000, v5;
	v6 =	vadd.s32 $0x8000, v6;
	v62 =	vadd.s32 $0x8000, v8  }
0x24c: {  	s23 =	sand.u32 $0x380, s2;
	s22 =	sshra.s32 s31, $0x2;
	v7 =	vadd.s32 $0x8000, v7;
	v1 =	vshrl.u32 v1, $0x10;
	v5 =	vand.u32 $0xFFFF0000, v5  }
0x24d: {  	s29 =	sor.u32 s23, s22;
	v2 =	vand.u32 $0xFFFF0000, v2;
	v4 =	vshrl.u32 v4, $0x10;
	v1 =	vor.u32 v1, v5  }
0x24e: {  	v3 =	vand.u32 $0xFFFF0000, v3;
	v61 =	vshrl.u32 v6, $0x10;
	v2 =	vor.u32 v4, v2;
	[tilespmem:s29+$0xA020] =	vst v1  }
0x24f: {  	v63 =	vand.u32 $0xFFFF0000, v7;
	v1 =	vor.u32 v61, v3;
	v3 =	vshrl.u32 v62, $0x10;
	[tilespmem:s29+$0xA000] =	vst v2  }
0x250: {  	s28 =	simm.s32 $0x0;
	s22 =	simm.s32 $0x1;
	[tilespmem:s29+$0xA030] =	vst v1;
	v1 =	vor.u32 v3, v63  }
.LBB2_15:
0x251: {  	p1 =	sne.s32 s22, $0xF;
	[tilespmem:s29+$0xA010] =	vst v1;
	s28 =	sadd.s32 $0x80, s28;
	s0 =	sadd.s32 $0x80, s0  }
0x252: {  	s23 =	smov.u32 s22;
	s22 =	sadd.s32 $0x1, s22;
	v1 =	vld [tilespmem:s0+$0xFFFFF820]  }
0x253: {  	v2 =	vld [tilespmem:s0+$0x0]  }
0x254: {  	v3 =	vld [tilespmem:s0+$0x30]  }
0x255: {  	v4 =	vld [tilespmem:s0+$0xFFFFF800]  }
0x256: {  	s23 =	sshrl.u32 s23, $0x3;
	v5 =	vld [tilespmem:s0+$0x20]  }
0x257: {  	s23 =	smul.u32 $0x5000, s23;
	v6 =	vld [tilespmem:s0+$0xFFFFF830]  }
0x258: {  	v7 =	vld [tilespmem:s0+$0x10]  }
0x259: {  	s24 =	sand.u32 $0x380, s28;
	s23 =	sshra.s32 s23, $0x2;
	v2 =	vadd.s32 $0x8000, v2;
	v8 =	vld [tilespmem:s0+$0xFFFFF810];
	v3 =	vadd.s32 $0x8000, v3  }
0x25a: {  	s29 =	sor.u32 s24, s23;
	v1 =	vadd.s32 $0x8000, v1;
	v2 =	vand.u32 $0xFFFF0000, v2;
	v4 =	vadd.s32 $0x8000, v4  }
0x25b: {  	v1 =	vshrl.u32 v1, $0x10;
	v4 =	vshrl.u32 v4, $0x10;
	v5 =	vadd.s32 $0x8000, v5  }
.Ltmp11:
0x25c: {  	v3 =	vand.u32 $0xFFFF0000, v3;
	v5 =	vand.u32 $0xFFFF0000, v5;
	v6 =	vadd.s32 $0x8000, v6;
	(pc) =	sbr.rel @p1 .LBB2_15-.Ltmp11, $4  }
0x25d: {  	v2 =	vor.u32 v4, v2;
	v1 =	vor.u32 v1, v5;
	v4 =	vshrl.u32 v6, $0x10  }
0x25e: {  	v6 =	vadd.s32 $0x8000, v7;
	v5 =	vadd.s32 $0x8000, v8;
	[tilespmem:s29+$0xA020] =	vst v1;
	v1 =	vor.u32 v4, v3  }
0x25f: {  	v4 =	vand.u32 $0xFFFF0000, v6;
	v3 =	vshrl.u32 v5, $0x10;
	[tilespmem:s29+$0xA030] =	vst v1  }
0x260: {  	[tilespmem:s29+$0xA000] =	vst v2;
	v1 =	vor.u32 v3, v4  }
0x261: {  	s0 =	simm.s32 $0x1;
	v3 =	vor.u32 s2, v0  }
0x262: {  	v2 =	vor.u32 s0, v0  }
0x263: {  	s24 =	simm.s32 $0x2  }
0x264: {  	s28 =	simm.s32 $0x3;
	v4 =	vor.u32 s24, v0  }
0x265: {  	[tilespmem:s29+$0xA010] =	vst v1;
	v1 =	vor.u32 s28, v0  }
0x266: {  	v7 =	vld.idx.msk [tilespmem:v3+s18+$0x0], $0xffff  }
0x267: {  	v5 =	vld.idx.msk [tilespmem:v2+s18+$0x0], $0xffff;
	_ =	sdelay $0x1  }
0x268: {  	v2 =	vld.idx.msk [tilespmem:v4+s18+$0x0], $0xffff  }
0x269: {  	s30 =	simm.s32 $0x5;
	s0 =	simm.s32 $0xC820;
	v1 =	vld.idx.msk [tilespmem:v1+s18+$0x0], $0xffff  }
0x26a: {  	s23 =	simm.s32 $0x4;
	s31 =	simm.s32 $0x6;
	s24 =	simm.s32 $0x7;
	v3 =	vor.u32 s30, v0;
	[tilespmem:s0+$0xFFFFFFE0] =	vst v7  }
0x26b: {  	s22 =	simm.s32 $0x8;
	s2 =	simm.s32 $0xC820;
	v6 =	vor.u32 s31, v0;
	v4 =	vor.u32 s23, v0;
	[tilespmem:s0+$0xFFFFFFF0] =	vst v5;
	v5 =	vor.u32 s24, v0  }
.LBB2_17:
0x26c: {  	p1 =	sne.s32 s22, $0x3C  }
0x26d: {  	[tilespmem:s0+$0x0] =	vst v2;
	s2 =	sadd.s32 $0x40, s2;
	s23 =	smov.u32 s22;
	s22 =	sadd.s32 $0x4, s22  }
0x26e: {  	[tilespmem:s0+$0x10] =	vst v1;
	s0 =	smov.u32 s2  }
0x26f: {  	v7 =	vld.idx.msk [tilespmem:v3+s18+$0x0], $0xffff  }
0x270: {  	v8 =	vld.idx.msk [tilespmem:v4+s18+$0x0], $0xffff  }
0x271: {  	v2 =	vld.idx.msk [tilespmem:v6+s18+$0x0], $0xffff  }
.Ltmp12:
0x272: {  	v1 =	vld.idx.msk [tilespmem:v5+s18+$0x0], $0xffff;
	(pc) =	sbr.rel @p1 .LBB2_17-.Ltmp12, $4  }
0x273: {  	s24 =	sadd.s32 $0x1, s23  }
0x274: {  	v3 =	vor.u32 s24, v0  }
0x275: {  	s28 =	sadd.s32 $0x3, s23;
	s24 =	sadd.s32 $0x2, s23;
	v4 =	vor.u32 s23, v0;
	[tilespmem:s2+$0xFFFFFFF0] =	vst v7  }
0x276: {  	v6 =	vor.u32 s24, v0;
	v5 =	vor.u32 s28, v0;
	[tilespmem:s2+$0xFFFFFFE0] =	vst v8  }
0x277: {  	_ =	sdelay $0x1  }
0x278: {  	[tilespmem:s0+$0x0] =	vst v2  }
0x279: {  	[tilespmem:s0+$0x10] =	vst v1  }
0x27a: {  	v1 =	vld.idx.msk [tilespmem:v3+s18+$0x0], $0xffff  }
0x27b: {  	v2 =	vld.idx.msk [tilespmem:v4+s18+$0x0], $0xffff  }
0x27c: {  	v3 =	vld.idx.msk [tilespmem:v6+s18+$0x0], $0xffff  }
0x27d: {  	v63 =	vld.idx.msk [tilespmem:v5+s18+$0x0], $0xffff  }
0x27e: {  	s31 =	sadd.s32 $0x40, s2  }
0x27f: {  	[tilespmem:s31+$0xFFFFFFF0] =	vst v1  }
0x280: {  	[tilespmem:s31+$0xFFFFFFE0] =	vst v2  }
0x281: {  	[tilespmem:s31+$0x0] =	vst v3  }
.Ltmp13:
0x282: {  	[tilespmem:s31+$0x10] =	vst v63;
	(pc) =	sbr.rel .LBB2_19-.Ltmp13, $4  }
0x283: {  	[hbm4b:s9+s3] =	stream.linear.scatter [tilespmem:s19], [sflag:$0x3], $0x400, $0x38;
	[tilespmem:$0x11800] =	vst v63  }
0x284: {  	_ =	swait.ge [sflag:s25], $0x400  }
0x285: {  	[sflag:s25] =	ssyncset.done $0x0  }
0x286: {  	[sflag:s25] =	ssyncadd.s32 $0xFFFFFC00  }
.LBB2_20:
0x287: {  	_ =	sfence.sel $0x180000  }
0x288: {  	[bflag:$0x0] =	sbarrier.arrive $0xFFFF  }
0x289: {  	_ =	strace $0x90000047  }
0x28a: {  	s0 =	stileid.u32;
	[bflag:$0x2] =	sbarrier.arrive $0xFFFF  }
0x28b: {  	p0 =	sne.s32 s0, $0x0;
	s0 =	rddreg [dreg:$0x2]  }
0x28c: {  	s0 =	sadd.s32 @!p0 $0x100000, s0  }
0x28d: {  	[sflag:s0] =	ssyncadd.tile.s32 @!p0 $0x1;
	_ =	shalt  }
.Lfunc_end2:
_tile_overlayer_lowered:
.L_overlay_start_2:
0x28e: {  	(tag) =	ssettag $0x2  }
0x28f: {  	s0 =	rddreg [dreg:$0x0];
	s2 =	stileid.u32  }
0x290: {  	s1 =	rddreg [dreg:$0x1];
	p0 =	sne.s32 s2, $0x0  }
0x291: {  	s3 =	rddreg [dreg:$0x2];
	[bflag:$0x3] =	sbarrier.arrive $0xFFFF;
	s2 =	simm.s32 @!p0 $0x1C03  }
0x292: {  	[timem:s3], [sflag:s2] =	dma.local @!p0 [hbm:s0], s1  }
0x293: {  	s0 =	simm.s32 @!p0 $0x3  }
0x294: {  	_ =	swait.ge @!p0 [sflag:s0], s1  }
0x295: {  	s1 =	ssub.s32 @!p0 $0x0, s1;
	[sflag:s0] =	ssyncset.done @!p0 $0x0  }
0x296: {  	[sflag:s0] =	ssyncadd.s32 @!p0 s1  }
0x297: {  	[bflag:$0x3] =	sbarrier.arrive $0xFFFF  }
0x298: {  	_ =	shalt  }

// kernel: kernel.8.cloned.1.call-start
scs
__scs_entry_jumppad:
0x0: {  	(pc) =	sbr.rel $0x88, $3  }
0x1: {  	(tag) =	ssettag $0x0;
	lr =	simm.s32 $0x1  }
0x2: {  	[smem:$0x3F9B] =	sst lr;
	_ =	strace $0xD0000000  }
0x3: {  	_ = 	snop  }
0x4: {  	_ = 	snop  }
0x5: {  	_ = 	snop  }
0x6: {  	_ = 	snop  }
0x7: {  	_ = 	snop  }
__scs_overlays_trampoline_lowered:
0x8: {  	[smem:$0x3FAA] =	sst s0  }
0x9: {  	[smem:$0x3FAB] =	sst s1  }
0xa: {  	[smem:$0x3FAC] =	sst s2  }
0xb: {  	[smem:$0x3FAD] =	sst s3  }
0xc: {  	[smem:$0x3FAE] =	sst s4  }
0xd: {  	[smem:$0x3FAF] =	sst s5  }
0xe: {  	[smem:$0x3FB0] =	sst s6  }
0xf: {  	[smem:$0x3FB1] =	sst s7  }
0x10: {  	[smem:$0x3FB2] =	sst s8  }
0x11: {  	[smem:$0x3FB3] =	sst s9;
	s0 =	simm.s32 @!p0 $0x0  }
0x12: {  	s1 =	sld [smem:$0x3F99];
	s0 =	simm.s32 @p0 $0x1  }
0x13: {  	[smem:$0x3FB4] =	sst s0;
	s0 =	simm.s32 @!p1 $0x0  }
0x14: {  	s2 =	sld [smem:$0x3F98];
	s0 =	simm.s32 @p1 $0x1  }
0x15: {  	[smem:$0x3FB5] =	sst s0;
	s0 =	simm.s32 @!p2 $0x0  }
0x16: {  	s3 =	sld [smem:$0x3FDB];
	s0 =	simm.s32 @p2 $0x1  }
0x17: {  	s4 =	simm.s32 $0x1BF5;
	[smem:$0x3FB7] =	sst s0  }
0x18: {  	s0 =	sld [smem:$0x3F9A];
	_ =	swait.ge [sflag:s4], $0x0  }
0x19: {  	s7 =	sld [smem:$0x3F9B]  }
0x1a: {  	s8 =	sadd.s32 $0xFFFFE003, lr  }
0x1b: {  	s9 =	sadd.s32 $0xFFFFFEF7, lr;
	s5 =	simm.s32 $0xFFFFFFFF;
	p2 =	slt.u32 s8, $0xFFFFF086  }
0x1c: {  	p1 =	slt.u32 s9, $0xF7A;
	s5 =	simm.s32 @!p2 $0x0  }
0x1d: {  	s5 =	simm.s32 @p1 $0x1;
	p0 =	seq.s32 s7, s2  }
0x1e: {  	s7 =	smul.u32 @!p0 $0xF7A, s2;
	p2 =	seq.s32 @!p0 s5, $0x0  }
0x1f: {  	s9 =	smul.u32 $0xF7A, s1;
	s8 =	simm.s32 @!p0 $0x1BF5;
	p2 =	por !p2, p0  }
0x20: {  	[sflag:s8] =	ssyncset.s32 @!p0 $0xFFFFF086;
	s6 =	sadd.s32 @!p0 s3, s7;
	s7 =	simm.s32 @!p0 $0x108  }
0x21: {  	s3 =	sadd.s32 s3, s9;
	s6 =	sadd.s32 @!p0 $0x88, s6;
	s7 =	simm.s32 @p2 $0x1082  }
0x22: {  	[simem:s7], [sflag:s8] =	dma.local @!p0 [hbm:s6], $0xF7A  }
0x23: {  	s9 =	sor.u32 $0xD0000000, s2;
	s6 =	simm.s32 $0x108;
	_ =	swait.ge @!p0 [sflag:s8], $0x0  }
0x24: {  	s3 =	sadd.s32 $0x88, s3;
	s6 =	simm.s32 @!p1 $0x1082;
	[sflag:s4] =	ssyncset.s32 $0xFFFFF086  }
0x25: {  	[simem:s6], [sflag:s4] =	dma.local [hbm:s3], $0xF7A  }
0x26: {  	[smem:$0x3F9B] =	sst s1;
	(tag) =	ssettag s2;
	_ =	strace s9  }
0x27: {  	s1 =	sld [smem:$0x3FAB]  }
0x28: {  	s2 =	sld [smem:$0x3FAC]  }
0x29: {  	s4 =	sld [smem:$0x3FAE]  }
0x2a: {  	p0 =	seq.s32 s5, $0x0;
	s5 =	sld [smem:$0x3FAF]  }
0x2b: {  	s6 =	sld [smem:$0x3FB0]  }
0x2c: {  	s7 =	sld [smem:$0x3FB1]  }
0x2d: {  	s3 =	simm.s32 $0x108;
	s8 =	sld [smem:$0x3FB2]  }
0x2e: {  	s3 =	simm.s32 @!p0 $0x1082;
	s9 =	sld [smem:$0x3FB3]  }
0x2f: {  	lr =	sadd.s32 s0, s3;
	s0 =	sld [smem:$0x3FAA]  }
0x30: {  	s3 =	sld [smem:$0x3FAD]  }
0x31: {  	[smem:$0x3FB6] =	sst s10  }
0x32: {  	s10 =	sld [smem:$0x3FB4];
	_ =	sdelay $0x3  }
0x33: {  	p0 =	seq.s32 s10, $0x1;
	s10 =	sld [smem:$0x3FB6];
	_ =	sdelay $0x3  }
0x34: {  	[smem:$0x3FB6] =	sst s10  }
0x35: {  	s10 =	sld [smem:$0x3FB5];
	_ =	sdelay $0x3  }
0x36: {  	p1 =	seq.s32 s10, $0x1;
	s10 =	sld [smem:$0x3FB6];
	_ =	sdelay $0x3  }
0x37: {  	[smem:$0x3FB6] =	sst s10  }
0x38: {  	s10 =	sld [smem:$0x3FB7]  }
0x39: {  	_ = 	snop;
	(pc) =	sbr.ind lr, $3  }
0x3a: {  	_ = 	snop  }
0x3b: {  	_ = 	snop  }
0x3c: {  	p2 =	seq.s32 s10, $0x1;
	s10 =	sld [smem:$0x3FB6]  }
0x3d: {  	_ =	shalt  }
0x3e: {  	_ =	shalt  }
0x3f: {  	_ =	shalt  }
0x40: {  	_ =	shalt  }
0x41: {  	_ =	shalt  }
0x42: {  	_ =	shalt  }
0x43: {  	_ =	shalt  }
0x44: {  	_ =	shalt  }
0x45: {  	_ =	shalt  }
0x46: {  	_ =	shalt  }
0x47: {  	_ =	shalt  }
0x48: {  	_ =	shalt  }
0x49: {  	_ =	shalt  }
0x4a: {  	_ =	shalt  }
0x4b: {  	_ =	shalt  }
0x4c: {  	_ =	shalt  }
0x4d: {  	_ =	shalt  }
0x4e: {  	_ =	shalt  }
0x4f: {  	_ =	shalt  }
0x50: {  	_ =	shalt  }
0x51: {  	_ =	shalt  }
0x52: {  	_ =	shalt  }
0x53: {  	_ =	shalt  }
0x54: {  	_ =	shalt  }
0x55: {  	_ =	shalt  }
0x56: {  	_ =	shalt  }
0x57: {  	_ =	shalt  }
0x58: {  	_ =	shalt  }
0x59: {  	_ =	shalt  }
0x5a: {  	_ =	shalt  }
0x5b: {  	_ =	shalt  }
0x5c: {  	_ =	shalt  }
0x5d: {  	_ =	shalt  }
0x5e: {  	_ =	shalt  }
0x5f: {  	_ =	shalt  }
0x60: {  	_ =	shalt  }
0x61: {  	_ =	shalt  }
0x62: {  	_ =	shalt  }
0x63: {  	_ =	shalt  }
0x64: {  	_ =	shalt  }
0x65: {  	_ =	shalt  }
0x66: {  	_ =	shalt  }
0x67: {  	_ =	shalt  }
0x68: {  	_ =	shalt  }
0x69: {  	_ =	shalt  }
0x6a: {  	_ =	shalt  }
0x6b: {  	_ =	shalt  }
0x6c: {  	_ =	shalt  }
0x6d: {  	_ =	shalt  }
0x6e: {  	_ =	shalt  }
0x6f: {  	_ =	shalt  }
0x70: {  	_ =	shalt  }
0x71: {  	_ =	shalt  }
0x72: {  	_ =	shalt  }
0x73: {  	_ =	shalt  }
0x74: {  	_ =	shalt  }
0x75: {  	_ =	shalt  }
0x76: {  	_ =	shalt  }
0x77: {  	_ =	shalt  }
0x78: {  	_ =	shalt  }
0x79: {  	_ =	shalt  }
0x7a: {  	_ =	shalt  }
0x7b: {  	_ =	shalt  }
0x7c: {  	_ =	shalt  }
0x7d: {  	_ =	shalt  }
0x7e: {  	_ =	shalt  }
0x7f: {  	_ =	shalt  }
0x80: {  	_ =	shalt  }
0x81: {  	_ =	shalt  }
0x82: {  	_ =	shalt  }
0x83: {  	_ =	shalt  }
0x84: {  	_ =	shalt  }
0x85: {  	_ =	shalt  }
0x86: {  	_ =	shalt  }
0x87: {  	_ =	shalt  }
.Lfunc_end0:
.L_simem_size_0:
called_computation.1_lowered:
.L_overlay_start_0:
0x88: {  	s2 =	sld [smem:$0x3FD9]  }
0x89: {  	s3 =	sld [smem:$0x3FFE];
	_ =	sdelay $0x1  }
0x8a: {  	s1 =	srdreg.scid  }
0x8b: {  	s0 =	sand.u32 $0x1, s1  }
0x8c: {  	s16 =	sshll.u32 s0, $0xA;
	s2 =	sadd.s32 s3, s2  }
0x8d: {  	s2 =	sadd.s32 s2, s16  }
0x8e: {  	[smem:$0x3FC2] =	sst s2  }
0x8f: {  	_ = 	snop  }
0x90: {  	(tm) =	ssettm $0x1  }
0x91: {  	s17 =	sld [smem:$0x3FFB];
	_ =	sdelay $0x3  }
0x92: {  	_ =	strace s17  }
0x93: {  	s2 =	sld [smem:$0x3FFC];
	_ =	sdelay $0x3  }
0x94: {  	_ =	strace s2  }
0x95: {  	s2 =	sld [smem:$0x3FFD];
	_ =	sdelay $0x3  }
0x96: {  	_ =	strace s2  }
0x97: {  	_ =	strace $0x8FFFFFFF  }
0x98: {  	s18 =	sld [smem:$0x3FDB];
	_ =	sdelay $0x1  }
0x99: {  	s19 =	simm.s32 $_scs_section_size  }
0x9a: {  	s4 =	simm.s32 $_size__tile_overlayer_lowered;
	s5 =	simm.s32 $_tile_overlayer_lowered  }
0x9b: {  	s22 =	simm.s32 $0x1BFF;
	s21 =	sshll.u32 s5, $0x1;
	s2 =	sadd.s32 s19, s18  }
0x9c: {  	s6 =	simm.s32 $0x0;
	s20 =	sshll.u32 s4, $0x1;
	s4 =	sadd.s32 s21, s2  }
0x9d: {  	[timem:s6], [sflag:s22] =	dma.local [hbm:s4], s20  }
0x9e: {  	_ =	swait.ge [sflag:s22], s20  }
0x9f: {  	s3 =	ssub.s32 $0x0, s20;
	[sflag:s22] =	ssyncset.done $0x0  }
0xa0: {  	[sflag:s22] =	ssyncadd.s32 s3;
	_ =	sdelay $0x1  }
0xa1: {  	s23 =	simm.s32 $0x1B8B  }
0xa2: {  	_ =	swait.ge [sflag:s23], $0x1  }
0xa3: {  	[sflag:s23] =	ssyncset.done $0x0  }
0xa4: {  	s25 =	simm.s32 $0x1B8E;
	s24 =	sld [smem:$0x3FFE];
	[sflag:s23] =	ssyncadd.s32 $0xFFFFFFFF  }
0xa5: {  	s26 =	simm.s32 $execute0_lowered;
	[smem:$0x3FD2] =	sst s25  }
0xa6: {  	s4 =	sshll.u32 s26, $0x1;
	_ =	strace $0x80000049;
	[dreg:$0x1] =	wrdreg $0xFFFFFFFF  }
0xa7: {  	s28 =	simm.s32 $_size_execute0_lowered;
	s2 =	sadd.s32 s2, s4;
	[dreg:$0x0] =	wrdreg $0x0  }
0xa8: {  	s4 =	sshll.u32 s28, $0x1;
	[dreg:$0x2] =	wrdreg s2  }
0xa9: {  	[dreg:$0x3] =	wrdreg s4  }
0xaa: {  	[dreg:$0x4] =	wrdreg $0xC0  }
0xab: {  	_ =	task [dreg:s6], $0x5FFFF  }
0xac: {  	[dreg:$0x1] =	wrdreg $0xFFFFFFFF  }
0xad: {  	[dreg:$0x0] =	wrdreg $0x60  }
0xae: {  	[dreg:$0x2] =	wrdreg s24  }
0xaf: {  	[dreg:$0x3] =	wrdreg $0x9  }
0xb0: {  	_ =	task.clear_ibuf [dreg:s6], $0x4FFFF;
	_ =	strace $0x90000049  }
0xb1: {  	s29 =	simm.s32 $0x9;
	_ =	strace $0x8000004B  }
0xb2: {  	_ =	swait.ge [sflag:s29], $0x1  }
0xb3: {  	[sflag:s29] =	ssyncadd.s32 $0xFFFFFFFF  }
0xb4: {  	_ =	strace $0x9000004B  }
0xb5: {  	_ =	sfence  }
0xb6: {  	s30 =	sld [smem:$0x0];
	_ =	sdelay $0x2  }
0xb7: {  	s31 =	sshll.u32 s1, $0xD;
	s1 =	sshrl.u32 s1, $0x2  }
0xb8: {  	s3 =	sand.u32 $0x4000, s31;
	s1 =	sadd.s32 s1, s30  }
0xb9: {  	s0 =	sor.u32 s3, s0;
	s1 =	sshll.u32 s1, $0x11  }
0xba: {  	s0 =	sor.u32 s1, s0  }
0xbb: {  	s0 =	sadd.s32 $0x8F2B, s0  }
0xbc: {  	[sflag:s0] =	ssyncadd.remote.s32 $0x1  }
0xbd: {  	_ =	sfence.sel $0xFFFF  }
0xbe: {  	[dreg:$0x0] =	wrdreg $0xFFFFFFFF;
	(pc) =	sbr.abs _section_cstart, $3  }
0xbf: {  	[dreg:$0x1] =	wrdreg $0xFFFFFFFF  }
0xc0: {  	_ =	task.clear_ibuf [dreg:s6], $0x2FFFF;
	_ =	strace $0x9FFFFFFF  }
0xc1: {  	(tm) =	ssettm $0x7FFFFFFF  }
tec
execute0_lowered:
.L_overlay_start_1:
0x0: {  	(tag) =	ssettag $0x1  }
0x1: {  	s1 =	srdreg.scid;
	s0 =	stileid.u32  }
0x2: {  	s4 =	rddreg [dreg:$0x0];
	s2 =	simm.s32 $0x0;
	s8 =	simm.s32 $0x64  }
0x3: {  	s9 =	simm.s32 $0x6800;
	s10 =	simm.s32 $0x68;
	s11 =	simm.s32 $0x6E40  }
0x4: {  	s12 =	simm.s32 $0x7480;
	s13 =	simm.s32 $0x7AC0;
	s14 =	simm.s32 $0x1  }
0x5: {  	s15 =	simm.s32 $0x2;
	s16 =	simm.s32 $0x8100;
	s17 =	simm.s32 $0x0  }
0x6: {  	s3 =	sand.u32 $0x1, s1;
	s5 =	sshll.u32 s0, $0x1;
	[smem:$0x7FF] =	sst s2  }
0x7: {  	s1 =	rddreg [dreg:$0x1];
	s5 =	sor.u32 s3, s5;
	_ =	strace $0x8000004A  }
0x8: {  	s7 =	ssub.s32 $0x2, s3;
	s6 =	smul.u32 $0xD00, s5;
	s5 =	sshll.u32 s5, $0x9  }
0x9: {  	s3 =	sadd.s32 $0x1200, s4;
	s31 =	sshrl.u32 s7, $0x1;
	s5 =	sadd.s32 s5, s4  }
0xa: {  	s7 =	ssub.s32 s7, s31;
	s6 =	sadd.s32 s6, s4;
	s5 =	sadd.s32 $0x203800, s5  }
0xb: {  	s4 =	sadd.s32 $0x1E9800, s6;
	s6 =	smax.u32 s7, $0x1;
	s7 =	simm.s32 $0x3  }
.LBB2_1:
0xc: {  	[tilespmem:s2], [sflag:$0x3] =	stream.linear.gather [hbm4b:s4+s2], $0x6800, $0x38;
	[tilespmem:$0x9100] =	vst v63  }
0xd: {  	_ =	swait.ge [sflag:s7], $0x6800  }
0xe: {  	[sflag:s7] =	ssyncset.done $0x0  }
0xf: {  	[sflag:s7] =	ssyncadd.s32 $0xFFFF9800  }
0x10: {  	[tilespmem:s9], [sflag:$0x1] =	stream.indirect.gather [hbm4b:s3+s8], $0x10, s2, s8, $0xb8;
	[tilespmem:$0x9100] =	vst v63  }
0x11: {  	s18 =	simm.s32 $0x0  }
0x12: {  	[tilespmem:s11], [sflag:$0x1] =	stream.indirect.gather [hbm4b:s3+s8], $0x10, s10, s8, $0xb8;
	[tilespmem:$0x9100] =	vst v63  }
.LBB2_2:
0x13: {  	s19 =	sshllo.u32 s18, $0x1  }
0x14: {  	s20 =	smul.u32 $0x340, s19;
	_ =	sdelay $0x1  }
0x15: {  	s20 =	sshra.s32 s20, $0x2  }
0x16: {  	[tilespmem:s12], [sflag:$0x2] =	stream.indirect.gather [hbm4b:s3+s8], $0x10, s20, s8, $0xb8;
	[tilespmem:$0x9100] =	vst v63  }
0x17: {  	s20 =	sadd.s32 $0x68, s20  }
0x18: {  	[tilespmem:s13], [sflag:$0x2] =	stream.indirect.gather [hbm4b:s3+s8], $0x10, s20, s8, $0xb8;
	[tilespmem:$0x9100] =	vst v63  }
0x19: {  	_ =	swait.ge [sflag:s14], $0x640  }
0x1a: {  	[sflag:s14] =	ssyncset.done $0x0  }
0x1b: {  	[sflag:s14] =	ssyncadd.s32 $0xFFFFF9C0  }
0x1c: {  	_ =	swait.ge [sflag:s14], $0x640  }
0x1d: {  	[sflag:s14] =	ssyncset.done $0x0  }
0x1e: {  	s20 =	simm.s32 $0x0;
	[sflag:s14] =	ssyncadd.s32 $0xFFFFF9C0  }
0x1f: {  	v1 =	vld [tilespmem:s20+$0x6920]  }
0x20: {  	v3 =	vld [tilespmem:s20+$0x6900]  }
0x21: {  	v5 =	vld [tilespmem:s20+$0x68E0]  }
0x22: {  	v8 =	vld [tilespmem:s20+$0x68C0]  }
0x23: {  	v7 =	vld [tilespmem:s20+$0x68A0]  }
0x24: {  	v14 =	vld [tilespmem:s20+$0x6880]  }
0x25: {  	v13 =	vld [tilespmem:s20+$0x6860]  }
0x26: {  	v6 =	vimm.f32 $0.0e+00;
	v12 =	vld [tilespmem:s20+$0x6840]  }
0x27: {  	v11 =	vimm.f32 $0.0e+00;
	v9 =	vimm.f32 $0.0e+00;
	v10 =	vimm.f32 $0.0e+00;
	v16 =	vld [tilespmem:s20+$0x6820]  }
0x28: {  	v15 =	vld [tilespmem:s20+$0x6800];
	v2 =	vshll.u32 v3, $0x10;
	v0 =	vshll.u32 v1, $0x10;
	v1 =	vand.u32 $0xFFFF0000, v1  }
0x29: {  	s22 =	simm.s32 $0x500;
	s21 =	simm.s32 $0x0;
	v17 =	vld [tilespmem:s20+$0x6810];
	v4 =	vshll.u32 v5, $0x10;
	v5 =	vand.u32 $0xFFFF0000, v5;
	v3 =	vand.u32 $0xFFFF0000, v3  }
.LBB2_3:
0x2a: {  	p0 =	sne.s32 s22, $0x1400;
	v18 =	vshll.u32 v7, $0x10;
	v19 =	vshll.u32 v8, $0x10;
	v8 =	vand.u32 $0xFFFF0000, v8  }
0x2b: {  	v21 =	vshll.u32 v14, $0x10;
	v14 =	vand.u32 $0xFFFF0000, v14;
	v7 =	vand.u32 $0xFFFF0000, v7;
	v20 =	vld [tilespmem:s21+$0x6830]  }
0x2c: {  	v23 =	vshll.u32 v13, $0x10;
	v13 =	vand.u32 $0xFFFF0000, v13;
	v22 =	vshll.u32 v12, $0x10  }
0x2d: {  	v12 =	vand.u32 $0xFFFF0000, v12;
	v24 =	vshll.u32 v16, $0x10;
	v16 =	vand.u32 $0xFFFF0000, v16;
	v25 =	vld [tilespmem:s21+$0x6850]  }
0x2e: {  	v26 =	vshll.u32 v15, $0x10;
	v15 =	vand.u32 $0xFFFF0000, v15;
	v27 =	vshll.u32 v17, $0x10  }
0x2f: {  	v17 =	vand.u32 $0xFFFF0000, v17;
	v6 =	vadd.f32 v26, v6;
	v11 =	vadd.f32 v15, v11;
	v15 =	vld [tilespmem:s21+$0x6870]  }
0x30: {  	v9 =	vadd.f32 v27, v9;
	v10 =	vadd.f32 v17, v10;
	v17 =	vshll.u32 v20, $0x10  }
0x31: {  	v20 =	vand.u32 $0xFFFF0000, v20;
	v6 =	vadd.f32 v24, v6;
	v11 =	vadd.f32 v16, v11;
	v16 =	vld [tilespmem:s21+$0x6890]  }
0x32: {  	v9 =	vadd.f32 v17, v9;
	v10 =	vadd.f32 v20, v10;
	v17 =	vshll.u32 v25, $0x10  }
0x33: {  	v20 =	vand.u32 $0xFFFF0000, v25;
	v6 =	vadd.f32 v22, v6;
	v11 =	vadd.f32 v12, v11;
	v12 =	vld [tilespmem:s21+$0x68B0]  }
0x34: {  	v9 =	vadd.f32 v17, v9;
	v10 =	vadd.f32 v20, v10;
	v17 =	vshll.u32 v15, $0x10  }
0x35: {  	v15 =	vand.u32 $0xFFFF0000, v15;
	v6 =	vadd.f32 v23, v6;
	v11 =	vadd.f32 v13, v11;
	v13 =	vld [tilespmem:s21+$0x68D0]  }
0x36: {  	v9 =	vadd.f32 v17, v9;
	v10 =	vadd.f32 v15, v10;
	v15 =	vshll.u32 v16, $0x10  }
0x37: {  	s23 =	sshra.s32 s22, $0x2;
	v16 =	vand.u32 $0xFFFF0000, v16;
	v6 =	vadd.f32 v21, v6;
	v11 =	vadd.f32 v14, v11;
	v14 =	vld [tilespmem:s21+$0x68F0]  }
0x38: {  	v9 =	vadd.f32 v15, v9;
	v10 =	vadd.f32 v16, v10;
	v17 =	vld [tilespmem:s23+$0x6920];
	v15 =	vshll.u32 v12, $0x10  }
0x39: {  	v12 =	vand.u32 $0xFFFF0000, v12;
	v6 =	vadd.f32 v18, v6;
	v7 =	vadd.f32 v7, v11;
	v11 =	vld [tilespmem:s21+$0x6910]  }
0x3a: {  	v9 =	vadd.f32 v15, v9;
	v10 =	vadd.f32 v12, v10;
	v12 =	vshll.u32 v13, $0x10;
	v15 =	vld [tilespmem:s21+$0x6930];
	s21 =	smov.u32 s23  }
0x3b: {  	v13 =	vand.u32 $0xFFFF0000, v13;
	v6 =	vadd.f32 v19, v6;
	v7 =	vadd.f32 v8, v7;
	v18 =	vld [tilespmem:s21+$0x6900]  }
0x3c: {  	v9 =	vadd.f32 v12, v9;
	v10 =	vadd.f32 v13, v10;
	v19 =	vld [tilespmem:s21+$0x68E0];
	v12 =	vshll.u32 v14, $0x10  }
0x3d: {  	v13 =	vand.u32 $0xFFFF0000, v14;
	v4 =	vadd.f32 v4, v6;
	v5 =	vadd.f32 v5, v7;
	v8 =	vld [tilespmem:s21+$0x68C0]  }
0x3e: {  	v6 =	vadd.f32 v12, v9;
	v9 =	vadd.f32 v13, v10;
	v7 =	vld [tilespmem:s21+$0x68A0];
	v10 =	vshll.u32 v11, $0x10  }
0x3f: {  	v11 =	vand.u32 $0xFFFF0000, v11;
	v2 =	vadd.f32 v2, v4;
	v3 =	vadd.f32 v3, v5;
	v14 =	vld [tilespmem:s21+$0x6880]  }
.Ltmp0:
0x40: {  	v4 =	vadd.f32 v10, v6;
	v5 =	vadd.f32 v11, v9;
	v9 =	vshll.u32 v15, $0x10;
	v13 =	vld [tilespmem:s21+$0x6860];
	(pc) =	sbr.rel @p0 .LBB2_3-.Ltmp0, $4  }
0x41: {  	v10 =	vand.u32 $0xFFFF0000, v15;
	v6 =	vadd.f32 v0, v2;
	v11 =	vadd.f32 v1, v3;
	v12 =	vld [tilespmem:s21+$0x6840]  }
0x42: {  	v9 =	vadd.f32 v9, v4;
	v10 =	vadd.f32 v10, v5;
	v16 =	vld [tilespmem:s21+$0x6820]  }
0x43: {  	v2 =	vshll.u32 v18, $0x10;
	v0 =	vshll.u32 v17, $0x10;
	v1 =	vand.u32 $0xFFFF0000, v17;
	v15 =	vld [tilespmem:s21+$0x6800]  }
0x44: {  	s22 =	sadd.s32 $0x500, s22;
	v3 =	vand.u32 $0xFFFF0000, v18;
	v4 =	vshll.u32 v19, $0x10;
	v5 =	vand.u32 $0xFFFF0000, v19;
	v17 =	vld [tilespmem:s21+$0x6810]  }
0x45: {  	v18 =	vshll.u32 v7, $0x10;
	v19 =	vshll.u32 v8, $0x10;
	v8 =	vand.u32 $0xFFFF0000, v8  }
0x46: {  	v20 =	vld [tilespmem:s21+$0x6830];
	v21 =	vshll.u32 v14, $0x10;
	v14 =	vand.u32 $0xFFFF0000, v14;
	v7 =	vand.u32 $0xFFFF0000, v7  }
0x47: {  	v23 =	vshll.u32 v13, $0x10;
	v13 =	vand.u32 $0xFFFF0000, v13;
	v22 =	vshll.u32 v12, $0x10  }
0x48: {  	v25 =	vld [tilespmem:s21+$0x6850];
	v12 =	vand.u32 $0xFFFF0000, v12;
	v24 =	vshll.u32 v16, $0x10;
	v16 =	vand.u32 $0xFFFF0000, v16  }
0x49: {  	v26 =	vshll.u32 v15, $0x10;
	v15 =	vand.u32 $0xFFFF0000, v15;
	v27 =	vshll.u32 v17, $0x10  }
0x4a: {  	v17 =	vand.u32 $0xFFFF0000, v17;
	v6 =	vadd.f32 v26, v6;
	v11 =	vadd.f32 v15, v11;
	v15 =	vld [tilespmem:s21+$0x6870]  }
0x4b: {  	v9 =	vadd.f32 v27, v9;
	v10 =	vadd.f32 v17, v10;
	v17 =	vshll.u32 v20, $0x10  }
0x4c: {  	v20 =	vand.u32 $0xFFFF0000, v20;
	v6 =	vadd.f32 v24, v6;
	v11 =	vadd.f32 v16, v11;
	v16 =	vld [tilespmem:s21+$0x6890]  }
0x4d: {  	v63 =	vand.u32 $0xFFFF0000, v25;
	v9 =	vadd.f32 v17, v9;
	v10 =	vadd.f32 v20, v10  }
0x4e: {  	v17 =	vshll.u32 v25, $0x10;
	v6 =	vadd.f32 v22, v6;
	v11 =	vadd.f32 v12, v11;
	v12 =	vld [tilespmem:s21+$0x68B0]  }
0x4f: {  	v9 =	vadd.f32 v17, v9;
	v10 =	vadd.f32 v63, v10;
	v17 =	vshll.u32 v15, $0x10  }
0x50: {  	v15 =	vand.u32 $0xFFFF0000, v15;
	v6 =	vadd.f32 v23, v6;
	v11 =	vadd.f32 v13, v11;
	v13 =	vld [tilespmem:s21+$0x68D0]  }
0x51: {  	v9 =	vadd.f32 v17, v9;
	v10 =	vadd.f32 v15, v10;
	v15 =	vshll.u32 v16, $0x10  }
0x52: {  	v16 =	vand.u32 $0xFFFF0000, v16;
	v6 =	vadd.f32 v21, v6;
	v11 =	vadd.f32 v14, v11;
	v14 =	vld [tilespmem:s21+$0x68F0]  }
0x53: {  	v17 =	vld [tilespmem:s20+$0x6F60];
	v9 =	vadd.f32 v15, v9;
	v10 =	vadd.f32 v16, v10;
	v15 =	vshll.u32 v12, $0x10  }
0x54: {  	v16 =	vld [tilespmem:s21+$0x6910];
	v12 =	vand.u32 $0xFFFF0000, v12;
	v6 =	vadd.f32 v18, v6;
	v7 =	vadd.f32 v7, v11  }
0x55: {  	v11 =	vld [tilespmem:s21+$0x6930];
	v9 =	vadd.f32 v15, v9;
	v10 =	vadd.f32 v12, v10;
	v12 =	vshll.u32 v13, $0x10  }
0x56: {  	v18 =	vld [tilespmem:s20+$0x6F40];
	v13 =	vand.u32 $0xFFFF0000, v13;
	v6 =	vadd.f32 v19, v6;
	v7 =	vadd.f32 v8, v7  }
0x57: {  	v19 =	vld [tilespmem:s20+$0x6F20];
	v8 =	vadd.f32 v12, v9;
	v9 =	vadd.f32 v13, v10;
	v12 =	vshll.u32 v14, $0x10  }
0x58: {  	v13 =	vand.u32 $0xFFFF0000, v14;
	v10 =	vld [tilespmem:s20+$0x6F00];
	v4 =	vadd.f32 v4, v6;
	v5 =	vadd.f32 v5, v7  }
0x59: {  	v14 =	vld [tilespmem:s20+$0x6E80];
	v6 =	vadd.f32 v12, v8;
	v7 =	vadd.f32 v13, v9  }
0x5a: {  	v8 =	vshll.u32 v16, $0x10;
	v9 =	vld [tilespmem:s20+$0x6EE0];
	v13 =	vand.u32 $0xFFFF0000, v16;
	v2 =	vadd.f32 v2, v4  }
0x5b: {  	v12 =	vld [tilespmem:s20+$0x6EC0];
	v15 =	vand.u32 $0xFFFF0000, v11;
	v3 =	vadd.f32 v3, v5;
	v4 =	vadd.f32 v8, v6  }
0x5c: {  	v16 =	vld [tilespmem:s20+$0x6E60];
	v5 =	vadd.f32 v13, v7;
	v8 =	vshll.u32 v11, $0x10;
	v7 =	vadd.f32 v0, v2  }
0x5d: {  	v13 =	vld [tilespmem:s20+$0x6EA0];
	v6 =	vadd.f32 v1, v3;
	v2 =	vshll.u32 v18, $0x10;
	v1 =	vshll.u32 v17, $0x10  }
0x5e: {  	v0 =	vand.u32 $0xFFFF0000, v17;
	v17 =	vld [tilespmem:s20+$0x6E50];
	v3 =	vand.u32 $0xFFFF0000, v18;
	v11 =	vadd.f32 v8, v4  }
0x5f: {  	s21 =	simm.s32 $0x500;
	v8 =	vadd.f32 v15, v5;
	v15 =	vld [tilespmem:s20+$0x6E40];
	v5 =	vshll.u32 v19, $0x10;
	v4 =	vand.u32 $0xFFFF0000, v19  }
.LBB2_5:
0x60: {  	p0 =	sne.s32 s21, $0x1400;
	v18 =	vshll.u32 v9, $0x10;
	v19 =	vshll.u32 v10, $0x10;
	v10 =	vand.u32 $0xFFFF0000, v10  }
0x61: {  	v21 =	vshll.u32 v12, $0x10;
	v12 =	vand.u32 $0xFFFF0000, v12;
	v9 =	vand.u32 $0xFFFF0000, v9;
	v20 =	vld [tilespmem:s20+$0x6E70]  }
0x62: {  	v23 =	vshll.u32 v13, $0x10;
	v13 =	vand.u32 $0xFFFF0000, v13;
	v22 =	vshll.u32 v14, $0x10  }
0x63: {  	v14 =	vand.u32 $0xFFFF0000, v14;
	v24 =	vshll.u32 v16, $0x10;
	v16 =	vand.u32 $0xFFFF0000, v16;
	v25 =	vld [tilespmem:s20+$0x6E90]  }
0x64: {  	v26 =	vshll.u32 v15, $0x10;
	v15 =	vand.u32 $0xFFFF0000, v15;
	v27 =	vshll.u32 v17, $0x10  }
0x65: {  	v17 =	vand.u32 $0xFFFF0000, v17;
	v7 =	vadd.f32 v26, v7;
	v6 =	vadd.f32 v15, v6;
	v15 =	vld [tilespmem:s20+$0x6EB0]  }
0x66: {  	v11 =	vadd.f32 v27, v11;
	v8 =	vadd.f32 v17, v8;
	v17 =	vshll.u32 v20, $0x10  }
0x67: {  	v20 =	vand.u32 $0xFFFF0000, v20;
	v7 =	vadd.f32 v24, v7;
	v6 =	vadd.f32 v16, v6;
	v16 =	vld [tilespmem:s20+$0x6ED0]  }
0x68: {  	v11 =	vadd.f32 v17, v11;
	v8 =	vadd.f32 v20, v8;
	v17 =	vshll.u32 v25, $0x10  }
0x69: {  	v20 =	vand.u32 $0xFFFF0000, v25;
	v7 =	vadd.f32 v22, v7;
	v6 =	vadd.f32 v14, v6;
	v14 =	vld [tilespmem:s20+$0x6EF0]  }
0x6a: {  	v11 =	vadd.f32 v17, v11;
	v8 =	vadd.f32 v20, v8;
	v17 =	vshll.u32 v15, $0x10  }
0x6b: {  	v15 =	vand.u32 $0xFFFF0000, v15;
	v7 =	vadd.f32 v23, v7;
	v6 =	vadd.f32 v13, v6;
	v13 =	vld [tilespmem:s20+$0x6F10]  }
0x6c: {  	v11 =	vadd.f32 v17, v11;
	v8 =	vadd.f32 v15, v8;
	v15 =	vshll.u32 v16, $0x10  }
0x6d: {  	s22 =	sshra.s32 s21, $0x2;
	v16 =	vand.u32 $0xFFFF0000, v16;
	v7 =	vadd.f32 v21, v7;
	v6 =	vadd.f32 v12, v6;
	v12 =	vld [tilespmem:s20+$0x6F30]  }
0x6e: {  	v11 =	vadd.f32 v15, v11;
	v8 =	vadd.f32 v16, v8;
	v17 =	vld [tilespmem:s22+$0x6F60];
	v15 =	vshll.u32 v14, $0x10  }
0x6f: {  	v14 =	vand.u32 $0xFFFF0000, v14;
	v7 =	vadd.f32 v18, v7;
	v6 =	vadd.f32 v9, v6;
	v16 =	vld [tilespmem:s20+$0x6F50]  }
0x70: {  	v9 =	vadd.f32 v15, v11;
	v8 =	vadd.f32 v14, v8;
	v11 =	vshll.u32 v13, $0x10;
	v15 =	vld [tilespmem:s20+$0x6F70];
	s20 =	smov.u32 s22  }
0x71: {  	v13 =	vand.u32 $0xFFFF0000, v13;
	v7 =	vadd.f32 v19, v7;
	v6 =	vadd.f32 v10, v6;
	v18 =	vld [tilespmem:s20+$0x6F40]  }
0x72: {  	v11 =	vadd.f32 v11, v9;
	v8 =	vadd.f32 v13, v8;
	v19 =	vld [tilespmem:s20+$0x6F20];
	v13 =	vshll.u32 v12, $0x10  }
0x73: {  	v12 =	vand.u32 $0xFFFF0000, v12;
	v5 =	vadd.f32 v5, v7;
	v4 =	vadd.f32 v4, v6;
	v10 =	vld [tilespmem:s20+$0x6F00]  }
0x74: {  	v6 =	vadd.f32 v13, v11;
	v7 =	vadd.f32 v12, v8;
	v9 =	vld [tilespmem:s20+$0x6EE0];
	v8 =	vshll.u32 v16, $0x10  }
0x75: {  	v11 =	vand.u32 $0xFFFF0000, v16;
	v2 =	vadd.f32 v2, v5;
	v3 =	vadd.f32 v3, v4;
	v12 =	vld [tilespmem:s20+$0x6EC0]  }
.Ltmp1:
0x76: {  	v4 =	vadd.f32 v8, v6;
	v5 =	vadd.f32 v11, v7;
	v8 =	vshll.u32 v15, $0x10;
	v13 =	vld [tilespmem:s20+$0x6EA0];
	(pc) =	sbr.rel @p0 .LBB2_5-.Ltmp1, $4  }
0x77: {  	v15 =	vand.u32 $0xFFFF0000, v15;
	v7 =	vadd.f32 v1, v2;
	v6 =	vadd.f32 v0, v3;
	v14 =	vld [tilespmem:s20+$0x6E80]  }
0x78: {  	v11 =	vadd.f32 v8, v4;
	v8 =	vadd.f32 v15, v5;
	v16 =	vld [tilespmem:s20+$0x6E60]  }
0x79: {  	v2 =	vshll.u32 v18, $0x10;
	v1 =	vshll.u32 v17, $0x10;
	v0 =	vand.u32 $0xFFFF0000, v17;
	v15 =	vld [tilespmem:s20+$0x6E40]  }
0x7a: {  	s21 =	sadd.s32 $0x500, s21;
	v3 =	vand.u32 $0xFFFF0000, v18;
	v5 =	vshll.u32 v19, $0x10;
	v4 =	vand.u32 $0xFFFF0000, v19;
	v17 =	vld [tilespmem:s20+$0x6E50]  }
0x7b: {  	v18 =	vshll.u32 v9, $0x10;
	v19 =	vshll.u32 v10, $0x10;
	v10 =	vand.u32 $0xFFFF0000, v10  }
0x7c: {  	v20 =	vld [tilespmem:s20+$0x6E70];
	v21 =	vshll.u32 v12, $0x10;
	v12 =	vand.u32 $0xFFFF0000, v12;
	v9 =	vand.u32 $0xFFFF0000, v9  }
0x7d: {  	v23 =	vshll.u32 v13, $0x10;
	v13 =	vand.u32 $0xFFFF0000, v13;
	v22 =	vshll.u32 v14, $0x10  }
0x7e: {  	v25 =	vld [tilespmem:s20+$0x6E90];
	v14 =	vand.u32 $0xFFFF0000, v14;
	v24 =	vshll.u32 v16, $0x10;
	v16 =	vand.u32 $0xFFFF0000, v16  }
0x7f: {  	v26 =	vshll.u32 v15, $0x10;
	v15 =	vand.u32 $0xFFFF0000, v15;
	v27 =	vshll.u32 v17, $0x10  }
0x80: {  	v62 =	vld [tilespmem:s20+$0x6EB0];
	v17 =	vand.u32 $0xFFFF0000, v17;
	v7 =	vadd.f32 v26, v7;
	v11 =	vadd.f32 v27, v11  }
0x81: {  	v6 =	vadd.f32 v15, v6;
	v8 =	vadd.f32 v17, v8;
	v15 =	vshll.u32 v20, $0x10  }
0x82: {  	v63 =	vld [tilespmem:s20+$0x6ED0];
	v17 =	vand.u32 $0xFFFF0000, v20;
	v7 =	vadd.f32 v24, v7;
	v11 =	vadd.f32 v15, v11  }
0x83: {  	v6 =	vadd.f32 v16, v6;
	v8 =	vadd.f32 v17, v8;
	v15 =	vshll.u32 v25, $0x10  }
0x84: {  	v16 =	vand.u32 $0xFFFF0000, v25;
	v17 =	vld [tilespmem:s20+$0x6EF0];
	v7 =	vadd.f32 v22, v7;
	v11 =	vadd.f32 v15, v11  }
0x85: {  	v6 =	vadd.f32 v14, v6;
	v14 =	vshll.u32 v62, $0x10;
	v8 =	vadd.f32 v16, v8  }
0x86: {  	v15 =	vand.u32 $0xFFFF0000, v62;
	v16 =	vld [tilespmem:s20+$0x6F10];
	v7 =	vadd.f32 v23, v7;
	v11 =	vadd.f32 v14, v11  }
0x87: {  	v6 =	vadd.f32 v13, v6;
	v13 =	vshll.u32 v63, $0x10;
	v8 =	vadd.f32 v15, v8  }
0x88: {  	v14 =	vand.u32 $0xFFFF0000, v63;
	v15 =	vld [tilespmem:s20+$0x6F30];
	v7 =	vadd.f32 v21, v7;
	v11 =	vadd.f32 v13, v11  }
0x89: {  	v6 =	vadd.f32 v12, v6;
	v12 =	vshll.u32 v17, $0x10;
	v8 =	vadd.f32 v14, v8  }
0x8a: {  	v13 =	vand.u32 $0xFFFF0000, v17;
	v14 =	vld [tilespmem:s20+$0x6F50];
	v7 =	vadd.f32 v18, v7;
	v11 =	vadd.f32 v12, v11  }
0x8b: {  	v6 =	vadd.f32 v9, v6;
	v9 =	vshll.u32 v16, $0x10;
	v8 =	vadd.f32 v13, v8  }
0x8c: {  	v12 =	vld [tilespmem:s20+$0x6F70];
	v13 =	vand.u32 $0xFFFF0000, v16;
	v7 =	vadd.f32 v19, v7;
	v9 =	vadd.f32 v9, v11  }
0x8d: {  	v6 =	vadd.f32 v10, v6;
	v10 =	vshll.u32 v15, $0x10;
	v8 =	vadd.f32 v13, v8  }
0x8e: {  	v11 =	vand.u32 $0xFFFF0000, v15;
	v5 =	vadd.f32 v5, v7;
	v7 =	vadd.f32 v10, v9  }
0x8f: {  	v4 =	vadd.f32 v4, v6;
	v6 =	vadd.f32 v11, v8;
	v8 =	vshll.u32 v14, $0x10  }
0x90: {  	v9 =	vand.u32 $0xFFFF0000, v14;
	v2 =	vadd.f32 v2, v5;
	v5 =	vadd.f32 v8, v7  }
0x91: {  	v3 =	vadd.f32 v3, v4;
	v4 =	vadd.f32 v9, v6;
	v6 =	vshll.u32 v12, $0x10  }
0x92: {  	v7 =	vand.u32 $0xFFFF0000, v12;
	v1 =	vadd.f32 v1, v2;
	v2 =	vadd.f32 v6, v5  }
0x93: {  	p0 =	seq.s32 s18, $0x3F;
	v0 =	vadd.f32 v0, v3;
	v3 =	vadd.f32 v7, v4  }
0x94: {  	s31 =	sshll.u32 s18, $0x6;
	s21 =	smul.u32 @!p0 $0x680, s18;
	v1 =	vadd.f32 v2, v1  }
0x95: {  	s20 =	sand.u32 $0x3FFFFFC0, s31;
	v0 =	vadd.f32 v3, v0  }
0x96: {  	s21 =	sshra.s32 @!p0 s21, $0x2;
	[tilespmem:s20+$0x8100] =	vst v1  }
0x97: {  	s22 =	simm.s32 @!p0 $0x64;
	s23 =	simm.s32 @!p0 $0x6800;
	[tilespmem:s20+$0x8110] =	vst v0;
	s20 =	sadd.s32 @!p0 $0x1A0, s21  }
0x98: {  	[tilespmem:s23], [sflag:$0x1] =	stream.indirect.gather @!p0 [hbm4b:s3+s22], $0x10, s20, s22, $0xb8;
	[tilespmem:$0x9100] =	vst v63  }
0x99: {  	s20 =	sadd.s32 @!p0 $0x208, s21;
	s21 =	simm.s32 @!p0 $0x6E40  }
0x9a: {  	[tilespmem:s21], [sflag:$0x1] =	stream.indirect.gather @!p0 [hbm4b:s3+s22], $0x10, s20, s22, $0xb8;
	[tilespmem:$0x9100] =	vst v63  }
0x9b: {  	_ =	swait.ge [sflag:s15], $0x640  }
0x9c: {  	[sflag:s15] =	ssyncset.done $0x0  }
0x9d: {  	[sflag:s15] =	ssyncadd.s32 $0xFFFFF9C0  }
0x9e: {  	_ =	swait.ge [sflag:s15], $0x640  }
0x9f: {  	[sflag:s15] =	ssyncset.done $0x0  }
0xa0: {  	s20 =	simm.s32 $0x0;
	[sflag:s15] =	ssyncadd.s32 $0xFFFFF9C0  }
0xa1: {  	v1 =	vld [tilespmem:s20+$0x75A0]  }
0xa2: {  	v3 =	vld [tilespmem:s20+$0x7580]  }
0xa3: {  	v5 =	vld [tilespmem:s20+$0x7560]  }
0xa4: {  	v8 =	vld [tilespmem:s20+$0x7540]  }
0xa5: {  	v7 =	vld [tilespmem:s20+$0x7520]  }
0xa6: {  	v14 =	vld [tilespmem:s20+$0x7500]  }
0xa7: {  	v13 =	vld [tilespmem:s20+$0x74E0]  }
0xa8: {  	v11 =	vimm.f32 $0.0e+00;
	v12 =	vld [tilespmem:s20+$0x74C0]  }
0xa9: {  	v10 =	vimm.f32 $0.0e+00;
	v9 =	vimm.f32 $0.0e+00;
	v6 =	vimm.f32 $0.0e+00;
	v16 =	vld [tilespmem:s20+$0x74A0]  }
0xaa: {  	v15 =	vld [tilespmem:s20+$0x7480];
	v2 =	vshll.u32 v3, $0x10;
	v0 =	vshll.u32 v1, $0x10;
	v1 =	vand.u32 $0xFFFF0000, v1  }
0xab: {  	s22 =	simm.s32 $0x500;
	s21 =	simm.s32 $0x0;
	v17 =	vld [tilespmem:s20+$0x7490];
	v4 =	vshll.u32 v5, $0x10;
	v5 =	vand.u32 $0xFFFF0000, v5;
	v3 =	vand.u32 $0xFFFF0000, v3  }
.LBB2_7:
0xac: {  	p0 =	sne.s32 s22, $0x1400;
	v18 =	vshll.u32 v7, $0x10;
	v19 =	vshll.u32 v8, $0x10;
	v8 =	vand.u32 $0xFFFF0000, v8  }
0xad: {  	v21 =	vshll.u32 v14, $0x10;
	v14 =	vand.u32 $0xFFFF0000, v14;
	v7 =	vand.u32 $0xFFFF0000, v7;
	v20 =	vld [tilespmem:s21+$0x74B0]  }
0xae: {  	v23 =	vshll.u32 v13, $0x10;
	v13 =	vand.u32 $0xFFFF0000, v13;
	v22 =	vshll.u32 v12, $0x10  }
0xaf: {  	v12 =	vand.u32 $0xFFFF0000, v12;
	v24 =	vshll.u32 v16, $0x10;
	v16 =	vand.u32 $0xFFFF0000, v16;
	v25 =	vld [tilespmem:s21+$0x74D0]  }
0xb0: {  	v26 =	vshll.u32 v15, $0x10;
	v15 =	vand.u32 $0xFFFF0000, v15;
	v27 =	vshll.u32 v17, $0x10  }
0xb1: {  	v17 =	vand.u32 $0xFFFF0000, v17;
	v6 =	vadd.f32 v26, v6;
	v11 =	vadd.f32 v15, v11;
	v15 =	vld [tilespmem:s21+$0x74F0]  }
0xb2: {  	v9 =	vadd.f32 v27, v9;
	v10 =	vadd.f32 v17, v10;
	v17 =	vshll.u32 v20, $0x10  }
0xb3: {  	v20 =	vand.u32 $0xFFFF0000, v20;
	v6 =	vadd.f32 v24, v6;
	v11 =	vadd.f32 v16, v11;
	v16 =	vld [tilespmem:s21+$0x7510]  }
0xb4: {  	v9 =	vadd.f32 v17, v9;
	v10 =	vadd.f32 v20, v10;
	v17 =	vshll.u32 v25, $0x10  }
0xb5: {  	v20 =	vand.u32 $0xFFFF0000, v25;
	v6 =	vadd.f32 v22, v6;
	v11 =	vadd.f32 v12, v11;
	v12 =	vld [tilespmem:s21+$0x7530]  }
0xb6: {  	v9 =	vadd.f32 v17, v9;
	v10 =	vadd.f32 v20, v10;
	v17 =	vshll.u32 v15, $0x10  }
0xb7: {  	v15 =	vand.u32 $0xFFFF0000, v15;
	v6 =	vadd.f32 v23, v6;
	v11 =	vadd.f32 v13, v11;
	v13 =	vld [tilespmem:s21+$0x7550]  }
0xb8: {  	v9 =	vadd.f32 v17, v9;
	v10 =	vadd.f32 v15, v10;
	v15 =	vshll.u32 v16, $0x10  }
0xb9: {  	s23 =	sshra.s32 s22, $0x2;
	v16 =	vand.u32 $0xFFFF0000, v16;
	v6 =	vadd.f32 v21, v6;
	v11 =	vadd.f32 v14, v11;
	v14 =	vld [tilespmem:s21+$0x7570]  }
0xba: {  	v9 =	vadd.f32 v15, v9;
	v10 =	vadd.f32 v16, v10;
	v17 =	vld [tilespmem:s23+$0x75A0];
	v15 =	vshll.u32 v12, $0x10  }
0xbb: {  	v12 =	vand.u32 $0xFFFF0000, v12;
	v6 =	vadd.f32 v18, v6;
	v7 =	vadd.f32 v7, v11;
	v11 =	vld [tilespmem:s21+$0x7590]  }
0xbc: {  	v9 =	vadd.f32 v15, v9;
	v10 =	vadd.f32 v12, v10;
	v12 =	vshll.u32 v13, $0x10;
	v15 =	vld [tilespmem:s21+$0x75B0];
	s21 =	smov.u32 s23  }
0xbd: {  	v13 =	vand.u32 $0xFFFF0000, v13;
	v6 =	vadd.f32 v19, v6;
	v7 =	vadd.f32 v8, v7;
	v18 =	vld [tilespmem:s21+$0x7580]  }
0xbe: {  	v9 =	vadd.f32 v12, v9;
	v10 =	vadd.f32 v13, v10;
	v19 =	vld [tilespmem:s21+$0x7560];
	v12 =	vshll.u32 v14, $0x10  }
0xbf: {  	v13 =	vand.u32 $0xFFFF0000, v14;
	v4 =	vadd.f32 v4, v6;
	v5 =	vadd.f32 v5, v7;
	v8 =	vld [tilespmem:s21+$0x7540]  }
0xc0: {  	v6 =	vadd.f32 v12, v9;
	v9 =	vadd.f32 v13, v10;
	v7 =	vld [tilespmem:s21+$0x7520];
	v10 =	vshll.u32 v11, $0x10  }
0xc1: {  	v11 =	vand.u32 $0xFFFF0000, v11;
	v2 =	vadd.f32 v2, v4;
	v3 =	vadd.f32 v3, v5;
	v14 =	vld [tilespmem:s21+$0x7500]  }
.Ltmp2:
0xc2: {  	v4 =	vadd.f32 v10, v6;
	v5 =	vadd.f32 v11, v9;
	v9 =	vshll.u32 v15, $0x10;
	v13 =	vld [tilespmem:s21+$0x74E0];
	(pc) =	sbr.rel @p0 .LBB2_7-.Ltmp2, $4  }
0xc3: {  	v10 =	vand.u32 $0xFFFF0000, v15;
	v6 =	vadd.f32 v0, v2;
	v11 =	vadd.f32 v1, v3;
	v12 =	vld [tilespmem:s21+$0x74C0]  }
0xc4: {  	v9 =	vadd.f32 v9, v4;
	v10 =	vadd.f32 v10, v5;
	v16 =	vld [tilespmem:s21+$0x74A0]  }
0xc5: {  	v2 =	vshll.u32 v18, $0x10;
	v0 =	vshll.u32 v17, $0x10;
	v1 =	vand.u32 $0xFFFF0000, v17;
	v15 =	vld [tilespmem:s21+$0x7480]  }
0xc6: {  	s22 =	sadd.s32 $0x500, s22;
	v3 =	vand.u32 $0xFFFF0000, v18;
	v4 =	vshll.u32 v19, $0x10;
	v5 =	vand.u32 $0xFFFF0000, v19;
	v17 =	vld [tilespmem:s21+$0x7490]  }
0xc7: {  	v18 =	vshll.u32 v7, $0x10;
	v19 =	vshll.u32 v8, $0x10;
	v8 =	vand.u32 $0xFFFF0000, v8  }
0xc8: {  	v20 =	vld [tilespmem:s21+$0x74B0];
	v21 =	vshll.u32 v14, $0x10;
	v14 =	vand.u32 $0xFFFF0000, v14;
	v7 =	vand.u32 $0xFFFF0000, v7  }
0xc9: {  	v23 =	vshll.u32 v13, $0x10;
	v13 =	vand.u32 $0xFFFF0000, v13;
	v22 =	vshll.u32 v12, $0x10  }
0xca: {  	v25 =	vld [tilespmem:s21+$0x74D0];
	v12 =	vand.u32 $0xFFFF0000, v12;
	v24 =	vshll.u32 v16, $0x10;
	v16 =	vand.u32 $0xFFFF0000, v16  }
0xcb: {  	v26 =	vshll.u32 v15, $0x10;
	v15 =	vand.u32 $0xFFFF0000, v15;
	v27 =	vshll.u32 v17, $0x10  }
0xcc: {  	v17 =	vand.u32 $0xFFFF0000, v17;
	v6 =	vadd.f32 v26, v6;
	v11 =	vadd.f32 v15, v11;
	v15 =	vld [tilespmem:s21+$0x74F0]  }
0xcd: {  	v9 =	vadd.f32 v27, v9;
	v10 =	vadd.f32 v17, v10;
	v17 =	vshll.u32 v20, $0x10  }
0xce: {  	v20 =	vand.u32 $0xFFFF0000, v20;
	v6 =	vadd.f32 v24, v6;
	v11 =	vadd.f32 v16, v11;
	v16 =	vld [tilespmem:s21+$0x7510]  }
0xcf: {  	v63 =	vand.u32 $0xFFFF0000, v25;
	v9 =	vadd.f32 v17, v9;
	v10 =	vadd.f32 v20, v10  }
0xd0: {  	v17 =	vshll.u32 v25, $0x10;
	v6 =	vadd.f32 v22, v6;
	v11 =	vadd.f32 v12, v11;
	v12 =	vld [tilespmem:s21+$0x7530]  }
0xd1: {  	v9 =	vadd.f32 v17, v9;
	v10 =	vadd.f32 v63, v10;
	v17 =	vshll.u32 v15, $0x10  }
0xd2: {  	v15 =	vand.u32 $0xFFFF0000, v15;
	v6 =	vadd.f32 v23, v6;
	v11 =	vadd.f32 v13, v11;
	v13 =	vld [tilespmem:s21+$0x7550]  }
0xd3: {  	v9 =	vadd.f32 v17, v9;
	v10 =	vadd.f32 v15, v10;
	v15 =	vshll.u32 v16, $0x10  }
0xd4: {  	v16 =	vand.u32 $0xFFFF0000, v16;
	v6 =	vadd.f32 v21, v6;
	v11 =	vadd.f32 v14, v11;
	v14 =	vld [tilespmem:s21+$0x7570]  }
0xd5: {  	v17 =	vld [tilespmem:s20+$0x7BE0];
	v9 =	vadd.f32 v15, v9;
	v10 =	vadd.f32 v16, v10;
	v15 =	vshll.u32 v12, $0x10  }
0xd6: {  	v16 =	vld [tilespmem:s21+$0x7590];
	v12 =	vand.u32 $0xFFFF0000, v12;
	v6 =	vadd.f32 v18, v6;
	v7 =	vadd.f32 v7, v11  }
0xd7: {  	v11 =	vld [tilespmem:s21+$0x75B0];
	v9 =	vadd.f32 v15, v9;
	v10 =	vadd.f32 v12, v10;
	v12 =	vshll.u32 v13, $0x10  }
0xd8: {  	v18 =	vld [tilespmem:s20+$0x7BC0];
	v13 =	vand.u32 $0xFFFF0000, v13;
	v6 =	vadd.f32 v19, v6;
	v7 =	vadd.f32 v8, v7  }
0xd9: {  	v19 =	vld [tilespmem:s20+$0x7BA0];
	v8 =	vadd.f32 v12, v9;
	v9 =	vadd.f32 v13, v10;
	v12 =	vshll.u32 v14, $0x10  }
0xda: {  	v13 =	vand.u32 $0xFFFF0000, v14;
	v10 =	vld [tilespmem:s20+$0x7B80];
	v4 =	vadd.f32 v4, v6;
	v5 =	vadd.f32 v5, v7  }
0xdb: {  	v14 =	vld [tilespmem:s20+$0x7B00];
	v6 =	vadd.f32 v12, v8;
	v7 =	vadd.f32 v13, v9  }
0xdc: {  	v8 =	vshll.u32 v16, $0x10;
	v9 =	vld [tilespmem:s20+$0x7B60];
	v13 =	vand.u32 $0xFFFF0000, v16;
	v2 =	vadd.f32 v2, v4  }
0xdd: {  	v12 =	vld [tilespmem:s20+$0x7B40];
	v15 =	vand.u32 $0xFFFF0000, v11;
	v3 =	vadd.f32 v3, v5;
	v4 =	vadd.f32 v8, v6  }
0xde: {  	v16 =	vld [tilespmem:s20+$0x7AE0];
	v5 =	vadd.f32 v13, v7;
	v8 =	vshll.u32 v11, $0x10;
	v7 =	vadd.f32 v0, v2  }
0xdf: {  	v13 =	vld [tilespmem:s20+$0x7B20];
	v6 =	vadd.f32 v1, v3;
	v2 =	vshll.u32 v18, $0x10;
	v1 =	vshll.u32 v17, $0x10  }
0xe0: {  	v0 =	vand.u32 $0xFFFF0000, v17;
	v17 =	vld [tilespmem:s20+$0x7AD0];
	v3 =	vand.u32 $0xFFFF0000, v18;
	v11 =	vadd.f32 v8, v4  }
0xe1: {  	s21 =	simm.s32 $0x500;
	v8 =	vadd.f32 v15, v5;
	v15 =	vld [tilespmem:s20+$0x7AC0];
	v5 =	vshll.u32 v19, $0x10;
	v4 =	vand.u32 $0xFFFF0000, v19  }
.LBB2_9:
0xe2: {  	p0 =	sne.s32 s21, $0x1400;
	v18 =	vshll.u32 v9, $0x10;
	v19 =	vshll.u32 v10, $0x10;
	v10 =	vand.u32 $0xFFFF0000, v10  }
0xe3: {  	v21 =	vshll.u32 v12, $0x10;
	v12 =	vand.u32 $0xFFFF0000, v12;
	v9 =	vand.u32 $0xFFFF0000, v9;
	v20 =	vld [tilespmem:s20+$0x7AF0]  }
0xe4: {  	v23 =	vshll.u32 v13, $0x10;
	v13 =	vand.u32 $0xFFFF0000, v13;
	v22 =	vshll.u32 v14, $0x10  }
0xe5: {  	v14 =	vand.u32 $0xFFFF0000, v14;
	v24 =	vshll.u32 v16, $0x10;
	v16 =	vand.u32 $0xFFFF0000, v16;
	v25 =	vld [tilespmem:s20+$0x7B10]  }
0xe6: {  	v26 =	vshll.u32 v15, $0x10;
	v15 =	vand.u32 $0xFFFF0000, v15;
	v27 =	vshll.u32 v17, $0x10  }
0xe7: {  	v17 =	vand.u32 $0xFFFF0000, v17;
	v7 =	vadd.f32 v26, v7;
	v6 =	vadd.f32 v15, v6;
	v15 =	vld [tilespmem:s20+$0x7B30]  }
0xe8: {  	v11 =	vadd.f32 v27, v11;
	v8 =	vadd.f32 v17, v8;
	v17 =	vshll.u32 v20, $0x10  }
0xe9: {  	v20 =	vand.u32 $0xFFFF0000, v20;
	v7 =	vadd.f32 v24, v7;
	v6 =	vadd.f32 v16, v6;
	v16 =	vld [tilespmem:s20+$0x7B50]  }
0xea: {  	v11 =	vadd.f32 v17, v11;
	v8 =	vadd.f32 v20, v8;
	v17 =	vshll.u32 v25, $0x10  }
0xeb: {  	v20 =	vand.u32 $0xFFFF0000, v25;
	v7 =	vadd.f32 v22, v7;
	v6 =	vadd.f32 v14, v6;
	v14 =	vld [tilespmem:s20+$0x7B70]  }
0xec: {  	v11 =	vadd.f32 v17, v11;
	v8 =	vadd.f32 v20, v8;
	v17 =	vshll.u32 v15, $0x10  }
0xed: {  	v15 =	vand.u32 $0xFFFF0000, v15;
	v7 =	vadd.f32 v23, v7;
	v6 =	vadd.f32 v13, v6;
	v13 =	vld [tilespmem:s20+$0x7B90]  }
0xee: {  	v11 =	vadd.f32 v17, v11;
	v8 =	vadd.f32 v15, v8;
	v15 =	vshll.u32 v16, $0x10  }
0xef: {  	s22 =	sshra.s32 s21, $0x2;
	v16 =	vand.u32 $0xFFFF0000, v16;
	v7 =	vadd.f32 v21, v7;
	v6 =	vadd.f32 v12, v6;
	v12 =	vld [tilespmem:s20+$0x7BB0]  }
0xf0: {  	v11 =	vadd.f32 v15, v11;
	v8 =	vadd.f32 v16, v8;
	v17 =	vld [tilespmem:s22+$0x7BE0];
	v15 =	vshll.u32 v14, $0x10  }
0xf1: {  	v14 =	vand.u32 $0xFFFF0000, v14;
	v7 =	vadd.f32 v18, v7;
	v6 =	vadd.f32 v9, v6;
	v16 =	vld [tilespmem:s20+$0x7BD0]  }
0xf2: {  	v9 =	vadd.f32 v15, v11;
	v8 =	vadd.f32 v14, v8;
	v11 =	vshll.u32 v13, $0x10;
	v15 =	vld [tilespmem:s20+$0x7BF0];
	s20 =	smov.u32 s22  }
0xf3: {  	v13 =	vand.u32 $0xFFFF0000, v13;
	v7 =	vadd.f32 v19, v7;
	v6 =	vadd.f32 v10, v6;
	v18 =	vld [tilespmem:s20+$0x7BC0]  }
0xf4: {  	v11 =	vadd.f32 v11, v9;
	v8 =	vadd.f32 v13, v8;
	v19 =	vld [tilespmem:s20+$0x7BA0];
	v13 =	vshll.u32 v12, $0x10  }
0xf5: {  	v12 =	vand.u32 $0xFFFF0000, v12;
	v5 =	vadd.f32 v5, v7;
	v4 =	vadd.f32 v4, v6;
	v10 =	vld [tilespmem:s20+$0x7B80]  }
0xf6: {  	v6 =	vadd.f32 v13, v11;
	v7 =	vadd.f32 v12, v8;
	v9 =	vld [tilespmem:s20+$0x7B60];
	v8 =	vshll.u32 v16, $0x10  }
0xf7: {  	v11 =	vand.u32 $0xFFFF0000, v16;
	v2 =	vadd.f32 v2, v5;
	v3 =	vadd.f32 v3, v4;
	v12 =	vld [tilespmem:s20+$0x7B40]  }
.Ltmp3:
0xf8: {  	v4 =	vadd.f32 v8, v6;
	v5 =	vadd.f32 v11, v7;
	v8 =	vshll.u32 v15, $0x10;
	v13 =	vld [tilespmem:s20+$0x7B20];
	(pc) =	sbr.rel @p0 .LBB2_9-.Ltmp3, $4  }
0xf9: {  	v15 =	vand.u32 $0xFFFF0000, v15;
	v7 =	vadd.f32 v1, v2;
	v6 =	vadd.f32 v0, v3;
	v14 =	vld [tilespmem:s20+$0x7B00]  }
0xfa: {  	v11 =	vadd.f32 v8, v4;
	v8 =	vadd.f32 v15, v5;
	v16 =	vld [tilespmem:s20+$0x7AE0]  }
0xfb: {  	v2 =	vshll.u32 v18, $0x10;
	v1 =	vshll.u32 v17, $0x10;
	v0 =	vand.u32 $0xFFFF0000, v17;
	v15 =	vld [tilespmem:s20+$0x7AC0]  }
0xfc: {  	s21 =	sadd.s32 $0x500, s21;
	v3 =	vand.u32 $0xFFFF0000, v18;
	v5 =	vshll.u32 v19, $0x10;
	v4 =	vand.u32 $0xFFFF0000, v19;
	v17 =	vld [tilespmem:s20+$0x7AD0]  }
0xfd: {  	v18 =	vshll.u32 v9, $0x10;
	v19 =	vshll.u32 v10, $0x10;
	v59 =	vand.u32 $0xFFFF0000, v10  }
0xfe: {  	v20 =	vld [tilespmem:s20+$0x7AF0];
	v21 =	vshll.u32 v12, $0x10;
	v60 =	vand.u32 $0xFFFF0000, v12;
	v61 =	vand.u32 $0xFFFF0000, v9  }
0xff: {  	v23 =	vshll.u32 v13, $0x10;
	v62 =	vand.u32 $0xFFFF0000, v13;
	v22 =	vshll.u32 v14, $0x10  }
0x100: {  	v25 =	vld [tilespmem:s20+$0x7B10];
	v30 =	vand.u32 $0xFFFF0000, v14;
	v24 =	vshll.u32 v16, $0x10;
	v63 =	vand.u32 $0xFFFF0000, v16  }
0x101: {  	v26 =	vshll.u32 v15, $0x10;
	v31 =	vand.u32 $0xFFFF0000, v15;
	v27 =	vshll.u32 v17, $0x10  }
0x102: {  	v33 =	vld [tilespmem:s20+$0x7B30];
	v32 =	vand.u32 $0xFFFF0000, v17;
	v7 =	vadd.f32 v26, v7;
	v11 =	vadd.f32 v27, v11  }
0x103: {  	v6 =	vadd.f32 v31, v6;
	v8 =	vadd.f32 v32, v8;
	v34 =	vshll.u32 v20, $0x10  }
0x104: {  	v36 =	vld [tilespmem:s20+$0x7B50];
	v35 =	vand.u32 $0xFFFF0000, v20;
	v7 =	vadd.f32 v24, v7;
	v11 =	vadd.f32 v34, v11  }
0x105: {  	v37 =	vshll.u32 v25, $0x10;
	v6 =	vadd.f32 v63, v6;
	v8 =	vadd.f32 v35, v8  }
0x106: {  	v39 =	vld [tilespmem:s20+$0x7B70];
	v38 =	vand.u32 $0xFFFF0000, v25;
	v7 =	vadd.f32 v22, v7;
	v11 =	vadd.f32 v37, v11  }
0x107: {  	v40 =	vshll.u32 v33, $0x10;
	v6 =	vadd.f32 v30, v6;
	v8 =	vadd.f32 v38, v8  }
0x108: {  	v42 =	vld [tilespmem:s20+$0x7B90];
	v41 =	vand.u32 $0xFFFF0000, v33;
	v7 =	vadd.f32 v23, v7;
	v11 =	vadd.f32 v40, v11  }
0x109: {  	v43 =	vshll.u32 v36, $0x10;
	v6 =	vadd.f32 v62, v6;
	v8 =	vadd.f32 v41, v8  }
0x10a: {  	v45 =	vld [tilespmem:s20+$0x7BB0];
	v44 =	vand.u32 $0xFFFF0000, v36;
	v7 =	vadd.f32 v21, v7;
	v11 =	vadd.f32 v43, v11  }
0x10b: {  	v46 =	vshll.u32 v39, $0x10;
	v6 =	vadd.f32 v60, v6;
	v8 =	vadd.f32 v44, v8  }
0x10c: {  	v48 =	vld [tilespmem:s20+$0x7BD0];
	v47 =	vand.u32 $0xFFFF0000, v39;
	v7 =	vadd.f32 v18, v7;
	v11 =	vadd.f32 v46, v11  }
0x10d: {  	v49 =	vshll.u32 v42, $0x10;
	v6 =	vadd.f32 v61, v6;
	v8 =	vadd.f32 v47, v8  }
0x10e: {  	v50 =	vld [tilespmem:s20+$0x7BF0];
	v51 =	vand.u32 $0xFFFF0000, v42;
	v7 =	vadd.f32 v19, v7;
	v9 =	vadd.f32 v49, v11  }
0x10f: {  	v52 =	vshll.u32 v45, $0x10;
	v6 =	vadd.f32 v59, v6;
	v8 =	vadd.f32 v51, v8  }
0x110: {  	v53 =	vand.u32 $0xFFFF0000, v45;
	v5 =	vadd.f32 v5, v7;
	v54 =	vadd.f32 v52, v9  }
0x111: {  	v56 =	vshll.u32 v48, $0x10;
	v4 =	vadd.f32 v4, v6;
	v55 =	vadd.f32 v53, v8  }
0x112: {  	v57 =	vand.u32 $0xFFFF0000, v48;
	v2 =	vadd.f32 v2, v5;
	v58 =	vadd.f32 v56, v54  }
0x113: {  	s18 =	sadd.s32 $0x1, s18;
	v60 =	vshll.u32 v50, $0x10;
	v3 =	vadd.f32 v3, v4;
	v59 =	vadd.f32 v57, v55  }
0x114: {  	p0 =	sne.s32 s18, $0x40;
	v61 =	vand.u32 $0xFFFF0000, v50;
	v1 =	vadd.f32 v1, v2;
	v62 =	vadd.f32 v60, v58  }
.Ltmp4:
0x115: {  	v0 =	vadd.f32 v0, v3;
	v63 =	vadd.f32 v61, v59;
	(pc) =	sbr.rel @p0 .LBB2_2-.Ltmp4, $4  }
0x116: {  	s19 =	sshll.u32 s19, $0x5;
	v1 =	vadd.f32 v62, v1  }
0x117: {  	s19 =	sand.u32 $0x3FFFFFE0, s19;
	v0 =	vadd.f32 v63, v0  }
0x118: {  	[tilespmem:s19+$0x8100] =	vst v1  }
0x119: {  	[tilespmem:s19+$0x8110] =	vst v0  }
0x11a: {  	s17 =	sadd.s32 $0x1, s17  }
0x11b: {  	p0 =	sne.s32 s17, s6  }
.Ltmp5:
0x11c: {  	_ = 	snop;
	(pc) =	sbr.rel @p0 .LBB2_1-.Ltmp5, $4  }
0x11d: {  	[hbm4b:s5+s2] =	stream.linear.scatter [tilespmem:s16], [sflag:$0x3], $0x1000, $0x38;
	[tilespmem:$0x9100] =	vst v63  }
0x11e: {  	_ =	swait.ge [sflag:s7], $0x1000  }
0x11f: {  	[sflag:s7] =	ssyncset.done $0x0  }
0x120: {  	[sflag:s7] =	ssyncadd.s32 $0xFFFFF000  }
0x121: {  	_ =	sfence.sel $0x180000  }
0x122: {  	[bflag:$0x0] =	sbarrier.arrive $0xFFFF  }
0x123: {  	p0 =	sne.s32 s0, $0x0;
	_ =	strace $0x9000004A  }
0x124: {  	s0 =	sadd.s32 @!p0 $0x100000, s1;
	[bflag:$0x2] =	sbarrier.arrive $0xFFFF  }
0x125: {  	[sflag:s0] =	ssyncadd.tile.s32 @!p0 $0x1;
	_ =	shalt  }
.Lfunc_end2:
_tile_overlayer_lowered:
.L_overlay_start_2:
0x126: {  	(tag) =	ssettag $0x2  }
0x127: {  	s0 =	rddreg [dreg:$0x0];
	s2 =	stileid.u32  }
0x128: {  	s1 =	rddreg [dreg:$0x1];
	p0 =	sne.s32 s2, $0x0  }
0x129: {  	s3 =	rddreg [dreg:$0x2];
	[bflag:$0x3] =	sbarrier.arrive $0xFFFF;
	s2 =	simm.s32 @!p0 $0x1C03  }
0x12a: {  	[timem:s3], [sflag:s2] =	dma.local @!p0 [hbm:s0], s1  }
0x12b: {  	s0 =	simm.s32 @!p0 $0x3  }
0x12c: {  	_ =	swait.ge @!p0 [sflag:s0], s1  }
0x12d: {  	s1 =	ssub.s32 @!p0 $0x0, s1;
	[sflag:s0] =	ssyncset.done @!p0 $0x0  }
0x12e: {  	[sflag:s0] =	ssyncadd.s32 @!p0 s1  }
0x12f: {  	[bflag:$0x3] =	sbarrier.arrive $0xFFFF  }
0x130: {  	_ =	shalt  }

</sc_bundles>
